<compile_context>
chip_gen: v7x
topology: tpu7x:2x2x1
jax: 0.10.2.dev20260603
libtpu: 0.0.44.dev20260713+nightly
codegen_flags: <defaults>
</compile_context>

<pallas_src>
import jax
import jax.numpy as jnp
from jax import lax
from jax.experimental import pallas as pl
from jax.experimental.pallas import tpu as pltpu
from jax.experimental.pallas import tpu_sc as plsc

N_NODES = 10000
D = 128
PW = D // 2
N_REL = 16
N_HOPS = 2

NC = 2
NS = 16
NW = NC * NS
C = 64
G = 8
NGRP = 20
QHALF = NGRP // 2
NCHUNK = NGRP * G
EPW_PAD = NCHUNK * C
ACC_ROWS = 10240
TRASH = N_NODES
ZPT = ACC_ROWS // NS


def _agg_body(entx_hbm, fused_hbm, heads_hbm, out_hbm,
              acc, prow0, prow1, rows0, rows1, f0, f1, h0, h1,
              gsem0, gsem1, ssem0, ssem1, isem0, isem1):
    cid = lax.axis_index("c")
    sid = lax.axis_index("s")
    wid = sid * NC + cid

    prow = (prow0, prow1)
    rows = (rows0, rows1)
    fgrp = (f0, f1)
    hgrp = (h0, h1)
    gsem = (gsem0, gsem1)
    ssem = (ssem0, ssem1)
    isem = (isem0, isem1)

    def _zrow(r, carry):
        for c8 in range(8):
            rows0[r, pl.ds(c8 * 16, 16)] = jnp.zeros((16,), jnp.float32)
        return carry
    lax.fori_loop(0, C, _zrow, 0)
    for j in range(ZPT // C):
        pltpu.sync_copy(rows0, acc.at[pl.ds(sid * ZPT + j * C, C)])

    plsc.subcore_barrier()

    def _start_idx(q, p):
        pltpu.async_copy(fused_hbm.at[wid, q], fgrp[p], isem[p])
        pltpu.async_copy(heads_hbm.at[wid, q], hgrp[p], isem[p])

    def _wait_idx(q, p):
        pltpu.make_async_copy(fused_hbm.at[wid, q], fgrp[p], isem[p]).wait()
        pltpu.make_async_copy(heads_hbm.at[wid, q], hgrp[p], isem[p]).wait()

    def _start_gather(idx_ref, b):
        pltpu.async_copy(entx_hbm.at[idx_ref], prow[b], gsem[b])

    def _wait_gather(idx_ref, b):
        pltpu.make_async_copy(entx_hbm.at[idx_ref], prow[b], gsem[b]).wait()

    def _wait_scatter(j, p, b):
        pltpu.make_async_copy(rows[b], acc.at[hgrp[p].at[j]], ssem[b]).wait()

    def _unpack(b):
        src = prow[b]
        dst = rows[b]

        def _row(r, carry):
            for k in range(PW // 16):
                v = src[r, pl.ds(16 * k, 16)]
                a = plsc.bitcast(lax.shift_left(v, 16), jnp.float32)
                bb = plsc.bitcast(
                    lax.bitwise_and(v, jnp.int32(-65536)), jnp.float32)
                dst[r, pl.ds(32 * k, 16)] = a
                dst[r, pl.ds(32 * k + 16, 16)] = bb
            return carry
        lax.fori_loop(0, C, _row, 0)

    _start_idx(0, 0)
    _wait_idx(0, 0)
    _start_gather(fgrp[0].at[0], 0)

    def _step(t, carry):
        for p in range(2):
            q = 2 * t + p
            for j in range(G):
                b = j % 2
                if j == 2:
                    if p == 0:
                        _start_idx(q + 1, 1)
                    else:
                        @pl.when(t < QHALF - 1)
                        def _():
                            _start_idx(q + 1, 0)
                if j < G - 1:
                    _start_gather(fgrp[p].at[j + 1], 1 - b)
                elif p == 0:
                    _wait_idx(q + 1, 1)
                    _start_gather(fgrp[1].at[0], 1 - b)
                else:
                    @pl.when(t < QHALF - 1)
                    def _():
                        _wait_idx(q + 1, 0)
                        _start_gather(fgrp[0].at[0], 1 - b)
                _wait_gather(fgrp[p].at[j], b)
                if p == 0 and j < 2:
                    @pl.when(t > 0)
                    def _():
                        _wait_scatter(G - 2 + j, 1, b)
                elif j < 2:
                    _wait_scatter(G - 2 + j, 0, b)
                else:
                    _wait_scatter(j - 2, p, b)
                _unpack(b)
                pltpu.async_copy(rows[b], acc.at[hgrp[p].at[j]], ssem[b],
                                 add=True)
        return carry

    lax.fori_loop(0, QHALF, _step, 0)
    _wait_scatter(G - 2, 1, 0)
    _wait_scatter(G - 1, 1, 1)

    plsc.subcore_barrier()

    for j in range(ZPT // C):
        base = sid * ZPT + j * C
        pltpu.sync_copy(acc.at[pl.ds(base, C)], rows0)
        pltpu.sync_copy(rows0, out_hbm.at[cid, pl.ds(base, C)])


@jax.jit
def _sc_aggregate(entx, fused, heads):
    mesh = plsc.VectorSubcoreMesh(core_axis_name="c", subcore_axis_name="s")
    f = pl.kernel(
        _agg_body,
        out_type=jax.ShapeDtypeStruct((NC, ACC_ROWS, D), jnp.float32),
        mesh=mesh,
        compiler_params=pltpu.CompilerParams(
            needs_layout_passes=False, use_tc_tiling_on_sc=False
        ),
        scratch_types=[
            pltpu.VMEM_SHARED((ACC_ROWS, D), jnp.float32),
            pltpu.VMEM((C, PW), jnp.int32),
            pltpu.VMEM((C, PW), jnp.int32),
            pltpu.VMEM((C, D), jnp.float32),
            pltpu.VMEM((C, D), jnp.float32),
            pltpu.VMEM((G, C), jnp.int32),
            pltpu.VMEM((G, C), jnp.int32),
            pltpu.VMEM((G, C), jnp.int32),
            pltpu.VMEM((G, C), jnp.int32),
        ]
        + [pltpu.SemaphoreType.DMA] * 6,
    )
    return f(entx, fused, heads)


_ROWS = 1000


def _pack_body(e_ref, rl_ref, o_ref):
    r = pl.program_id(1)
    o_ref[...] = _pack_words(e_ref[...] * rl_ref[r, :][None, :])


def _build_entx(ent, rel):
    return pl.pallas_call(
        _pack_body,
        grid=(N_NODES // _ROWS, N_REL),
        in_specs=[
            pl.BlockSpec((_ROWS, D), lambda i, r: (i, 0)),
            pl.BlockSpec((N_REL, D), lambda i, r: (0, 0)),
        ],
        out_specs=pl.BlockSpec(
            (_ROWS, PW), lambda i, r: (r * (N_NODES // _ROWS) + i, 0)),
        out_shape=jax.ShapeDtypeStruct((N_REL * N_NODES, PW), jnp.int32),
    )(ent, rel)


def _pack_words(x):
    lo = jnp.concatenate([x[:, 32 * k: 32 * k + 16] for k in range(4)], axis=1)
    hi = jnp.concatenate([x[:, 32 * k + 16: 32 * k + 32] for k in range(4)],
                         axis=1)
    lo_u = jax.lax.bitcast_convert_type(
        lo.astype(jnp.bfloat16), jnp.uint16).astype(jnp.uint32)
    hi_u = jax.lax.bitcast_convert_type(
        hi.astype(jnp.bfloat16), jnp.uint16).astype(jnp.uint32)
    return jax.lax.bitcast_convert_type((hi_u << 16) | lo_u, jnp.int32)


def _fuse_body(p_ref, r_ref, rl_ref, n_ref, o_ref, e_ref):
    r = pl.program_id(1)
    s = p_ref[0] + p_ref[1]
    norm = jnp.sqrt(jnp.sum(s * s, axis=1, keepdims=True))
    n = s / jnp.maximum(norm, 1e-12)
    n_ref[...] = n
    o_ref[...] = r_ref[...] + n
    e_ref[...] = _pack_words(n * rl_ref[r, :][None, :])


def _fuse_normalize_pack(parts, res, rel):
    nb = N_NODES // _ROWS
    return pl.pallas_call(
        _fuse_body,
        grid=(nb, N_REL),
        in_specs=[
            pl.BlockSpec((NC, _ROWS, D), lambda i, r: (0, i, 0)),
            pl.BlockSpec((_ROWS, D), lambda i, r: (i, 0)),
            pl.BlockSpec((N_REL, D), lambda i, r: (0, 0)),
        ],
        out_specs=[
            pl.BlockSpec((_ROWS, D), lambda i, r: (i, 0)),
            pl.BlockSpec((_ROWS, D), lambda i, r: (i, 0)),
            pl.BlockSpec((_ROWS, PW), lambda i, r: (r * nb + i, 0)),
        ],
        out_shape=[
            jax.ShapeDtypeStruct((N_NODES, D), jnp.float32),
            jax.ShapeDtypeStruct((N_NODES, D), jnp.float32),
            jax.ShapeDtypeStruct((N_REL * N_NODES, PW), jnp.int32),
        ],
    )(parts, res, rel)


def _comb_body(p_ref, r_ref, n_ref, o_ref):
    s = p_ref[0] + p_ref[1]
    norm = jnp.sqrt(jnp.sum(s * s, axis=1, keepdims=True))
    n = s / jnp.maximum(norm, 1e-12)
    n_ref[...] = n
    o_ref[...] = r_ref[...] + n


def _combine_normalize(parts, res):
    grid = (N_NODES // _ROWS,)
    return pl.pallas_call(
        _comb_body,
        grid=grid,
        in_specs=[
            pl.BlockSpec((NC, _ROWS, D), lambda i: (0, i, 0)),
            pl.BlockSpec((_ROWS, D), lambda i: (i, 0)),
        ],
        out_specs=[
            pl.BlockSpec((_ROWS, D), lambda i: (i, 0)),
            pl.BlockSpec((_ROWS, D), lambda i: (i, 0)),
        ],
        out_shape=[
            jax.ShapeDtypeStruct((N_NODES, D), jnp.float32),
            jax.ShapeDtypeStruct((N_NODES, D), jnp.float32),
        ],
    )(parts, res)


def kernel(ego_embed, edge_index, edge_type, relation_embed, dropout):
    n_edges = edge_index.shape[1]
    epw = n_edges // NW
    pad = EPW_PAD - epw

    def _prep(x, fill):
        x = x.astype(jnp.int32).reshape(NW, epw)
        x = jnp.pad(x, ((0, 0), (0, pad)), constant_values=fill)
        return x.reshape(NW, NGRP, G, C)

    heads = _prep(edge_index[0], TRASH)
    tails = edge_index[1].astype(jnp.int32)
    types = edge_type.astype(jnp.int32)
    fused = _prep(types * N_NODES + tails, 0)

    entx = _build_entx(ego_embed, relation_embed)
    parts = _sc_aggregate(entx, fused, heads)
    _, res1, entx2 = _fuse_normalize_pack(parts, ego_embed, relation_embed)
    parts2 = _sc_aggregate(entx2, fused, heads)
    _, res2 = _combine_normalize(parts2, res1)
    return res2

# --- scband reference (transcript-rebuilt; emitter-appended) ---
"""Pipeline reference for scband-graph-conv-309237645951 (READ-ONLY COPY).

The authoritative reference and input builder live on the scoring server;
editing this copy changes nothing except your own understanding.
"""

import jax, jax.numpy as jnp
import numpy as np

N_NODES = 10000
N_EDGES = 320000
D = 128
N_REL = 16
N_HOPS = 2

def setup_inputs(seed: int = 0) -> dict:
    key = jax.random.key(seed)
    k1, k2, k3, k4 = jax.random.split(key, 4)
    ego_embed = jax.random.normal(k1, (N_NODES, D), dtype=jnp.float32)
    edge_index = jax.random.randint(k2, (2, N_EDGES), 0, N_NODES, dtype=jnp.int64)
    edge_type = jax.random.randint(k3, (N_EDGES,), 0, N_REL, dtype=jnp.int64)
    relation_embed = jax.random.normal(k4, (N_REL, D), dtype=jnp.float32)
    return {"ego_embed": ego_embed, "edge_index": edge_index, "edge_type": edge_type, "relation_embed": relation_embed, "dropout": 0}

def _l2_normalize(x, eps=1e-12):
    # matches torch F.normalize(p=2, dim=1): x / max(||x||_2, eps)
    norm = jnp.sqrt(jnp.sum(x * x, axis=1, keepdims=True))
    return x / jnp.maximum(norm, eps)

def _aggregate(entity_emb, edge_index, edge_type, relation_embed):
    # KGIN-style Aggregator: neigh = e[tail] * r[edge_type]; scatter-mean into head
    head = edge_index[0]
    tail = edge_index[1]
    edge_rel = relation_embed[edge_type]            # gather [E, D]
    neigh = entity_emb[tail] * edge_rel             # gather + elemwise [E, D]
    agg = jax.ops.segment_sum(neigh, head, num_segments=N_NODES)
    cnt = jax.ops.segment_sum(jnp.ones((neigh.shape[0],), dtype=neigh.dtype), head, num_segments=N_NODES)
    agg = agg / jnp.maximum(cnt, 1.0)[:, None]      # scatter-mean
    return agg

def reference(ego_embed, edge_index, edge_type, relation_embed, dropout):
    # dropout=0 (eval path): no edge sampling, no feature dropout
    ego_res_embed = ego_embed
    ego = ego_embed
    for _ in range(N_HOPS):
        ego = _aggregate(ego, edge_index, edge_type, relation_embed)
        ego = _l2_normalize(ego)
        ego_res_embed = ego_res_embed + ego
    return ego_res_embed

if __name__ == "__main__":
    import jax
    _d = setup_inputs()
    print(jax.jit(kernel)(*tuple(_d.values())))

</pallas_src>

<mosaic_0001>
#map = affine_map<(d0, d1) -> (0, 0)>
#map1 = affine_map<(d0, d1) -> (0, 0, 0, 0)>
#map2 = affine_map<(d0, d1) -> (0, 0, 0)>
module attributes {stable_mosaic.version = 14 : i64} {
  func.func @_agg_body(%arg0: i32, %arg1: i32, %arg2: memref<160000x64xi32, #tpu.memory_space<hbm>>, %arg3: memref<32x20x8x64xi32, #tpu.memory_space<hbm>>, %arg4: memref<32x20x8x64xi32, #tpu.memory_space<hbm>>, %arg5: memref<2x10240x128xf32, #tpu.memory_space<hbm>>, %arg6: memref<10240x128xf32, #tpu.memory_space<vmem_shared>>, %arg7: memref<64x64xi32, #tpu.memory_space<vmem>>, %arg8: memref<64x64xi32, #tpu.memory_space<vmem>>, %arg9: memref<64x128xf32, #tpu.memory_space<vmem>>, %arg10: memref<64x128xf32, #tpu.memory_space<vmem>>, %arg11: memref<8x64xi32, #tpu.memory_space<vmem>>, %arg12: memref<8x64xi32, #tpu.memory_space<vmem>>, %arg13: memref<8x64xi32, #tpu.memory_space<vmem>>, %arg14: memref<8x64xi32, #tpu.memory_space<vmem>>, %arg15: memref<!tpu.dma_semaphore, #tpu.memory_space<semaphore_mem>>, %arg16: memref<!tpu.dma_semaphore, #tpu.memory_space<semaphore_mem>>, %arg17: memref<!tpu.dma_semaphore, #tpu.memory_space<semaphore_mem>>, %arg18: memref<!tpu.dma_semaphore, #tpu.memory_space<semaphore_mem>>, %arg19: memref<!tpu.dma_semaphore, #tpu.memory_space<semaphore_mem>>, %arg20: memref<!tpu.dma_semaphore, #tpu.memory_space<semaphore_mem>>) attributes {dimension_semantics = [#tpu.dimension_semantics<core_parallel>, #tpu.dimension_semantics<subcore_parallel>], iteration_bounds = array<i64: 2, 16>, scalar_prefetch = 0 : i64, scratch_operands = 15 : i64, tpu.core_type = #tpu.core_type<sc_vector_subcore>, window_params = [{transform_indices = #map}, {transform_indices = #map1}, {transform_indices = #map1}, {transform_indices = #map2}]} {
    %mul3A = arith.constant 2 : i32
    %mul3A_0 = arith.muli %arg1, %mul3A : i32
    %add3A = arith.addi %mul3A_0, %arg0 : i32
    %scan3A = arith.constant 0 : i32
    %scan3A_1 = arith.constant 0 : i32
    %scan3A_2 = arith.constant 64 : i32
    %scan3A_3 = arith.addi %scan3A_1, %scan3A_2 : i32
    %scan3A_4 = arith.constant 1 : i32
    scf.for %scan3A_148 = %scan3A_1 to %scan3A_3 step %scan3A_4  : i32 {
      %broadcast_in_dim3A = arith.constant 0.000000e+00 : f32
      %broadcast_in_dim3A_149 = vector.broadcast %broadcast_in_dim3A : f32 to vector<16xf32>
      %swap3A = arith.index_cast %scan3A_148 : i32 to index
      %swap3A_150 = arith.constant 0 : index
      %swap3A_151 = tpu.vector_load %arg9[%swap3A, %swap3A_150] {strides = array<i32>} : memref<64x128xf32, #tpu.memory_space<vmem>>, vector<16xf32>,
      tpu.vector_store %arg9[%swap3A, %swap3A_150], %broadcast_in_dim3A_149 {strides = array<i32>} : memref<64x128xf32, #tpu.memory_space<vmem>>, vector<16xf32>,
      %broadcast_in_dim3A_152 = arith.constant 0.000000e+00 : f32
      %broadcast_in_dim3A_153 = vector.broadcast %broadcast_in_dim3A_152 : f32 to vector<16xf32>
      %swap3A_154 = arith.index_cast %scan3A_148 : i32 to index
      %swap3A_155 = arith.constant 16 : index
      %swap3A_156 = tpu.vector_load %arg9[%swap3A_154, %swap3A_155] {strides = array<i32>} : memref<64x128xf32, #tpu.memory_space<vmem>>, vector<16xf32>,
      tpu.vector_store %arg9[%swap3A_154, %swap3A_155], %broadcast_in_dim3A_153 {strides = array<i32>} : memref<64x128xf32, #tpu.memory_space<vmem>>, vector<16xf32>,
      %broadcast_in_dim3A_157 = arith.constant 0.000000e+00 : f32
      %broadcast_in_dim3A_158 = vector.broadcast %broadcast_in_dim3A_157 : f32 to vector<16xf32>
      %swap3A_159 = arith.index_cast %scan3A_148 : i32 to index
      %swap3A_160 = arith.constant 32 : index
      %swap3A_161 = tpu.vector_load %arg9[%swap3A_159, %swap3A_160] {strides = array<i32>} : memref<64x128xf32, #tpu.memory_space<vmem>>, vector<16xf32>,
      tpu.vector_store %arg9[%swap3A_159, %swap3A_160], %broadcast_in_dim3A_158 {strides = array<i32>} : memref<64x128xf32, #tpu.memory_space<vmem>>, vector<16xf32>,
      %broadcast_in_dim3A_162 = arith.constant 0.000000e+00 : f32
      %broadcast_in_dim3A_163 = vector.broadcast %broadcast_in_dim3A_162 : f32 to vector<16xf32>
      %swap3A_164 = arith.index_cast %scan3A_148 : i32 to index
      %swap3A_165 = arith.constant 48 : index
      %swap3A_166 = tpu.vector_load %arg9[%swap3A_164, %swap3A_165] {strides = array<i32>} : memref<64x128xf32, #tpu.memory_space<vmem>>, vector<16xf32>,
      tpu.vector_store %arg9[%swap3A_164, %swap3A_165], %broadcast_in_dim3A_163 {strides = array<i32>} : memref<64x128xf32, #tpu.memory_space<vmem>>, vector<16xf32>,
      %broadcast_in_dim3A_167 = arith.constant 0.000000e+00 : f32
      %broadcast_in_dim3A_168 = vector.broadcast %broadcast_in_dim3A_167 : f32 to vector<16xf32>
      %swap3A_169 = arith.index_cast %scan3A_148 : i32 to index
      %swap3A_170 = arith.constant 64 : index
      %swap3A_171 = tpu.vector_load %arg9[%swap3A_169, %swap3A_170] {strides = array<i32>} : memref<64x128xf32, #tpu.memory_space<vmem>>, vector<16xf32>,
      tpu.vector_store %arg9[%swap3A_169, %swap3A_170], %broadcast_in_dim3A_168 {strides = array<i32>} : memref<64x128xf32, #tpu.memory_space<vmem>>, vector<16xf32>,
      %broadcast_in_dim3A_172 = arith.constant 0.000000e+00 : f32
      %broadcast_in_dim3A_173 = vector.broadcast %broadcast_in_dim3A_172 : f32 to vector<16xf32>
      %swap3A_174 = arith.index_cast %scan3A_148 : i32 to index
      %swap3A_175 = arith.constant 80 : index
      %swap3A_176 = tpu.vector_load %arg9[%swap3A_174, %swap3A_175] {strides = array<i32>} : memref<64x128xf32, #tpu.memory_space<vmem>>, vector<16xf32>,
      tpu.vector_store %arg9[%swap3A_174, %swap3A_175], %broadcast_in_dim3A_173 {strides = array<i32>} : memref<64x128xf32, #tpu.memory_space<vmem>>, vector<16xf32>,
      %broadcast_in_dim3A_177 = arith.constant 0.000000e+00 : f32
      %broadcast_in_dim3A_178 = vector.broadcast %broadcast_in_dim3A_177 : f32 to vector<16xf32>
      %swap3A_179 = arith.index_cast %scan3A_148 : i32 to index
      %swap3A_180 = arith.constant 96 : index
      %swap3A_181 = tpu.vector_load %arg9[%swap3A_179, %swap3A_180] {strides = array<i32>} : memref<64x128xf32, #tpu.memory_space<vmem>>, vector<16xf32>,
      tpu.vector_store %arg9[%swap3A_179, %swap3A_180], %broadcast_in_dim3A_178 {strides = array<i32>} : memref<64x128xf32, #tpu.memory_space<vmem>>, vector<16xf32>,
      %broadcast_in_dim3A_182 = arith.constant 0.000000e+00 : f32
      %broadcast_in_dim3A_183 = vector.broadcast %broadcast_in_dim3A_182 : f32 to vector<16xf32>
      %swap3A_184 = arith.index_cast %scan3A_148 : i32 to index
      %swap3A_185 = arith.constant 112 : index
      %swap3A_186 = tpu.vector_load %arg9[%swap3A_184, %swap3A_185] {strides = array<i32>} : memref<64x128xf32, #tpu.memory_space<vmem>>, vector<16xf32>,
      tpu.vector_store %arg9[%swap3A_184, %swap3A_185], %broadcast_in_dim3A_183 {strides = array<i32>} : memref<64x128xf32, #tpu.memory_space<vmem>>, vector<16xf32>,
    }
    %scan3A_5 = arith.constant 64 : i32
    %mul3A_6 = arith.constant 640 : i32
    %mul3A_7 = arith.muli %arg1, %mul3A_6 : i32
    %add3A_8 = arith.constant 0 : i32
    %add3A_9 = arith.addi %mul3A_7, %add3A_8 : i32
    "tpu.region"() ({
      %run_scoped3A = tpu.sem_alloc : memref<!tpu.dma_semaphore, #tpu.memory_space<semaphore_mem>>
      %dma_start3A_148 = arith.constant 0 : i32
      %dma_start3A_149 = tpu.memref_slice %arg6[%add3A_9, %dma_start3A_148] : memref<10240x128xf32, #tpu.memory_space<vmem_shared>> -> memref<64x128xf32, #tpu.memory_space<vmem_shared>>
      %dma_start3A_150 = arith.constant 0 : i32
      %dma_start3A_151 = tpu.memref_slice %arg6[%add3A_9, %dma_start3A_150] : memref<10240x128xf32, #tpu.memory_space<vmem_shared>> -> memref<64x128xf32, #tpu.memory_space<vmem_shared>>
      tpu.enqueue_dma source(%arg9 : memref<64x128xf32, #tpu.memory_space<vmem>>) target(%dma_start3A_151 : memref<64x128xf32, #tpu.memory_space<vmem_shared>>) target_semaphore(%run_scoped3A : memref<!tpu.dma_semaphore, #tpu.memory_space<semaphore_mem>>)
      %dma_wait3A_152 = arith.constant 0 : i32
      %dma_wait3A_153 = tpu.memref_slice %arg6[%add3A_9, %dma_wait3A_152] : memref<10240x128xf32, #tpu.memory_space<vmem_shared>> -> memref<64x128xf32, #tpu.memory_space<vmem_shared>>
      %dma_wait3A_154 = arith.constant 0 : i32
      %dma_wait3A_155 = tpu.memref_slice %arg6[%add3A_9, %dma_wait3A_154] : memref<10240x128xf32, #tpu.memory_space<vmem_shared>> -> memref<64x128xf32, #tpu.memory_space<vmem_shared>>
      tpu.wait_dma2 semaphore(%run_scoped3A : memref<!tpu.dma_semaphore, #tpu.memory_space<semaphore_mem>>) src(%arg9 : memref<64x128xf32, #tpu.memory_space<vmem>>) dst(%dma_wait3A_155 : memref<64x128xf32, #tpu.memory_space<vmem_shared>>)
      tpu.yield
    }) : () -> ()
    %mul3A_10 = arith.constant 640 : i32
    %mul3A_11 = arith.muli %arg1, %mul3A_10 : i32
    %add3A_12 = arith.constant 64 : i32
    %add3A_13 = arith.addi %mul3A_11, %add3A_12 : i32
    "tpu.region"() ({
      %run_scoped3A = tpu.sem_alloc : memref<!tpu.dma_semaphore, #tpu.memory_space<semaphore_mem>>
      %dma_start3A_148 = arith.constant 0 : i32
      %dma_start3A_149 = tpu.memref_slice %arg6[%add3A_13, %dma_start3A_148] : memref<10240x128xf32, #tpu.memory_space<vmem_shared>> -> memref<64x128xf32, #tpu.memory_space<vmem_shared>>
      %dma_start3A_150 = arith.constant 0 : i32
      %dma_start3A_151 = tpu.memref_slice %arg6[%add3A_13, %dma_start3A_150] : memref<10240x128xf32, #tpu.memory_space<vmem_shared>> -> memref<64x128xf32, #tpu.memory_space<vmem_shared>>
      tpu.enqueue_dma source(%arg9 : memref<64x128xf32, #tpu.memory_space<vmem>>) target(%dma_start3A_151 : memref<64x128xf32, #tpu.memory_space<vmem_shared>>) target_semaphore(%run_scoped3A : memref<!tpu.dma_semaphore, #tpu.memory_space<semaphore_mem>>)
      %dma_wait3A_152 = arith.constant 0 : i32
      %dma_wait3A_153 = tpu.memref_slice %arg6[%add3A_13, %dma_wait3A_152] : memref<10240x128xf32, #tpu.memory_space<vmem_shared>> -> memref<64x128xf32, #tpu.memory_space<vmem_shared>>
      %dma_wait3A_154 = arith.constant 0 : i32
      %dma_wait3A_155 = tpu.memref_slice %arg6[%add3A_13, %dma_wait3A_154] : memref<10240x128xf32, #tpu.memory_space<vmem_shared>> -> memref<64x128xf32, #tpu.memory_space<vmem_shared>>
      tpu.wait_dma2 semaphore(%run_scoped3A : memref<!tpu.dma_semaphore, #tpu.memory_space<semaphore_mem>>) src(%arg9 : memref<64x128xf32, #tpu.memory_space<vmem>>) dst(%dma_wait3A_155 : memref<64x128xf32, #tpu.memory_space<vmem_shared>>)
      tpu.yield
    }) : () -> ()
    %mul3A_14 = arith.constant 640 : i32
    %mul3A_15 = arith.muli %arg1, %mul3A_14 : i32
    %add3A_16 = arith.constant 128 : i32
    %add3A_17 = arith.addi %mul3A_15, %add3A_16 : i32
    "tpu.region"() ({
      %run_scoped3A = tpu.sem_alloc : memref<!tpu.dma_semaphore, #tpu.memory_space<semaphore_mem>>
      %dma_start3A_148 = arith.constant 0 : i32
      %dma_start3A_149 = tpu.memref_slice %arg6[%add3A_17, %dma_start3A_148] : memref<10240x128xf32, #tpu.memory_space<vmem_shared>> -> memref<64x128xf32, #tpu.memory_space<vmem_shared>>
      %dma_start3A_150 = arith.constant 0 : i32
      %dma_start3A_151 = tpu.memref_slice %arg6[%add3A_17, %dma_start3A_150] : memref<10240x128xf32, #tpu.memory_space<vmem_shared>> -> memref<64x128xf32, #tpu.memory_space<vmem_shared>>
      tpu.enqueue_dma source(%arg9 : memref<64x128xf32, #tpu.memory_space<vmem>>) target(%dma_start3A_151 : memref<64x128xf32, #tpu.memory_space<vmem_shared>>) target_semaphore(%run_scoped3A : memref<!tpu.dma_semaphore, #tpu.memory_space<semaphore_mem>>)
      %dma_wait3A_152 = arith.constant 0 : i32
      %dma_wait3A_153 = tpu.memref_slice %arg6[%add3A_17, %dma_wait3A_152] : memref<10240x128xf32, #tpu.memory_space<vmem_shared>> -> memref<64x128xf32, #tpu.memory_space<vmem_shared>>
      %dma_wait3A_154 = arith.constant 0 : i32
      %dma_wait3A_155 = tpu.memref_slice %arg6[%add3A_17, %dma_wait3A_154] : memref<10240x128xf32, #tpu.memory_space<vmem_shared>> -> memref<64x128xf32, #tpu.memory_space<vmem_shared>>
      tpu.wait_dma2 semaphore(%run_scoped3A : memref<!tpu.dma_semaphore, #tpu.memory_space<semaphore_mem>>) src(%arg9 : memref<64x128xf32, #tpu.memory_space<vmem>>) dst(%dma_wait3A_155 : memref<64x128xf32, #tpu.memory_space<vmem_shared>>)
      tpu.yield
    }) : () -> ()
    %mul3A_18 = arith.constant 640 : i32
    %mul3A_19 = arith.muli %arg1, %mul3A_18 : i32
    %add3A_20 = arith.constant 192 : i32
    %add3A_21 = arith.addi %mul3A_19, %add3A_20 : i32
    "tpu.region"() ({
      %run_scoped3A = tpu.sem_alloc : memref<!tpu.dma_semaphore, #tpu.memory_space<semaphore_mem>>
      %dma_start3A_148 = arith.constant 0 : i32
      %dma_start3A_149 = tpu.memref_slice %arg6[%add3A_21, %dma_start3A_148] : memref<10240x128xf32, #tpu.memory_space<vmem_shared>> -> memref<64x128xf32, #tpu.memory_space<vmem_shared>>
      %dma_start3A_150 = arith.constant 0 : i32
      %dma_start3A_151 = tpu.memref_slice %arg6[%add3A_21, %dma_start3A_150] : memref<10240x128xf32, #tpu.memory_space<vmem_shared>> -> memref<64x128xf32, #tpu.memory_space<vmem_shared>>
      tpu.enqueue_dma source(%arg9 : memref<64x128xf32, #tpu.memory_space<vmem>>) target(%dma_start3A_151 : memref<64x128xf32, #tpu.memory_space<vmem_shared>>) target_semaphore(%run_scoped3A : memref<!tpu.dma_semaphore, #tpu.memory_space<semaphore_mem>>)
      %dma_wait3A_152 = arith.constant 0 : i32
      %dma_wait3A_153 = tpu.memref_slice %arg6[%add3A_21, %dma_wait3A_152] : memref<10240x128xf32, #tpu.memory_space<vmem_shared>> -> memref<64x128xf32, #tpu.memory_space<vmem_shared>>
      %dma_wait3A_154 = arith.constant 0 : i32
      %dma_wait3A_155 = tpu.memref_slice %arg6[%add3A_21, %dma_wait3A_154] : memref<10240x128xf32, #tpu.memory_space<vmem_shared>> -> memref<64x128xf32, #tpu.memory_space<vmem_shared>>
      tpu.wait_dma2 semaphore(%run_scoped3A : memref<!tpu.dma_semaphore, #tpu.memory_space<semaphore_mem>>) src(%arg9 : memref<64x128xf32, #tpu.memory_space<vmem>>) dst(%dma_wait3A_155 : memref<64x128xf32, #tpu.memory_space<vmem_shared>>)
      tpu.yield
    }) : () -> ()
    %mul3A_22 = arith.constant 640 : i32
    %mul3A_23 = arith.muli %arg1, %mul3A_22 : i32
    %add3A_24 = arith.constant 256 : i32
    %add3A_25 = arith.addi %mul3A_23, %add3A_24 : i32
    "tpu.region"() ({
      %run_scoped3A = tpu.sem_alloc : memref<!tpu.dma_semaphore, #tpu.memory_space<semaphore_mem>>
      %dma_start3A_148 = arith.constant 0 : i32
      %dma_start3A_149 = tpu.memref_slice %arg6[%add3A_25, %dma_start3A_148] : memref<10240x128xf32, #tpu.memory_space<vmem_shared>> -> memref<64x128xf32, #tpu.memory_space<vmem_shared>>
      %dma_start3A_150 = arith.constant 0 : i32
      %dma_start3A_151 = tpu.memref_slice %arg6[%add3A_25, %dma_start3A_150] : memref<10240x128xf32, #tpu.memory_space<vmem_shared>> -> memref<64x128xf32, #tpu.memory_space<vmem_shared>>
      tpu.enqueue_dma source(%arg9 : memref<64x128xf32, #tpu.memory_space<vmem>>) target(%dma_start3A_151 : memref<64x128xf32, #tpu.memory_space<vmem_shared>>) target_semaphore(%run_scoped3A : memref<!tpu.dma_semaphore, #tpu.memory_space<semaphore_mem>>)
      %dma_wait3A_152 = arith.constant 0 : i32
      %dma_wait3A_153 = tpu.memref_slice %arg6[%add3A_25, %dma_wait3A_152] : memref<10240x128xf32, #tpu.memory_space<vmem_shared>> -> memref<64x128xf32, #tpu.memory_space<vmem_shared>>
      %dma_wait3A_154 = arith.constant 0 : i32
      %dma_wait3A_155 = tpu.memref_slice %arg6[%add3A_25, %dma_wait3A_154] : memref<10240x128xf32, #tpu.memory_space<vmem_shared>> -> memref<64x128xf32, #tpu.memory_space<vmem_shared>>
      tpu.wait_dma2 semaphore(%run_scoped3A : memref<!tpu.dma_semaphore, #tpu.memory_space<semaphore_mem>>) src(%arg9 : memref<64x128xf32, #tpu.memory_space<vmem>>) dst(%dma_wait3A_155 : memref<64x128xf32, #tpu.memory_space<vmem_shared>>)
      tpu.yield
    }) : () -> ()
    %mul3A_26 = arith.constant 640 : i32
    %mul3A_27 = arith.muli %arg1, %mul3A_26 : i32
    %add3A_28 = arith.constant 320 : i32
    %add3A_29 = arith.addi %mul3A_27, %add3A_28 : i32
    "tpu.region"() ({
      %run_scoped3A = tpu.sem_alloc : memref<!tpu.dma_semaphore, #tpu.memory_space<semaphore_mem>>
      %dma_start3A_148 = arith.constant 0 : i32
      %dma_start3A_149 = tpu.memref_slice %arg6[%add3A_29, %dma_start3A_148] : memref<10240x128xf32, #tpu.memory_space<vmem_shared>> -> memref<64x128xf32, #tpu.memory_space<vmem_shared>>
      %dma_start3A_150 = arith.constant 0 : i32
      %dma_start3A_151 = tpu.memref_slice %arg6[%add3A_29, %dma_start3A_150] : memref<10240x128xf32, #tpu.memory_space<vmem_shared>> -> memref<64x128xf32, #tpu.memory_space<vmem_shared>>
      tpu.enqueue_dma source(%arg9 : memref<64x128xf32, #tpu.memory_space<vmem>>) target(%dma_start3A_151 : memref<64x128xf32, #tpu.memory_space<vmem_shared>>) target_semaphore(%run_scoped3A : memref<!tpu.dma_semaphore, #tpu.memory_space<semaphore_mem>>)
      %dma_wait3A_152 = arith.constant 0 : i32
      %dma_wait3A_153 = tpu.memref_slice %arg6[%add3A_29, %dma_wait3A_152] : memref<10240x128xf32, #tpu.memory_space<vmem_shared>> -> memref<64x128xf32, #tpu.memory_space<vmem_shared>>
      %dma_wait3A_154 = arith.constant 0 : i32
      %dma_wait3A_155 = tpu.memref_slice %arg6[%add3A_29, %dma_wait3A_154] : memref<10240x128xf32, #tpu.memory_space<vmem_shared>> -> memref<64x128xf32, #tpu.memory_space<vmem_shared>>
      tpu.wait_dma2 semaphore(%run_scoped3A : memref<!tpu.dma_semaphore, #tpu.memory_space<semaphore_mem>>) src(%arg9 : memref<64x128xf32, #tpu.memory_space<vmem>>) dst(%dma_wait3A_155 : memref<64x128xf32, #tpu.memory_space<vmem_shared>>)
      tpu.yield
    }) : () -> ()
    %mul3A_30 = arith.constant 640 : i32
    %mul3A_31 = arith.muli %arg1, %mul3A_30 : i32
    %add3A_32 = arith.constant 384 : i32
    %add3A_33 = arith.addi %mul3A_31, %add3A_32 : i32
    "tpu.region"() ({
      %run_scoped3A = tpu.sem_alloc : memref<!tpu.dma_semaphore, #tpu.memory_space<semaphore_mem>>
      %dma_start3A_148 = arith.constant 0 : i32
      %dma_start3A_149 = tpu.memref_slice %arg6[%add3A_33, %dma_start3A_148] : memref<10240x128xf32, #tpu.memory_space<vmem_shared>> -> memref<64x128xf32, #tpu.memory_space<vmem_shared>>
      %dma_start3A_150 = arith.constant 0 : i32
      %dma_start3A_151 = tpu.memref_slice %arg6[%add3A_33, %dma_start3A_150] : memref<10240x128xf32, #tpu.memory_space<vmem_shared>> -> memref<64x128xf32, #tpu.memory_space<vmem_shared>>
      tpu.enqueue_dma source(%arg9 : memref<64x128xf32, #tpu.memory_space<vmem>>) target(%dma_start3A_151 : memref<64x128xf32, #tpu.memory_space<vmem_shared>>) target_semaphore(%run_scoped3A : memref<!tpu.dma_semaphore, #tpu.memory_space<semaphore_mem>>)
      %dma_wait3A_152 = arith.constant 0 : i32
      %dma_wait3A_153 = tpu.memref_slice %arg6[%add3A_33, %dma_wait3A_152] : memref<10240x128xf32, #tpu.memory_space<vmem_shared>> -> memref<64x128xf32, #tpu.memory_space<vmem_shared>>
      %dma_wait3A_154 = arith.constant 0 : i32
      %dma_wait3A_155 = tpu.memref_slice %arg6[%add3A_33, %dma_wait3A_154] : memref<10240x128xf32, #tpu.memory_space<vmem_shared>> -> memref<64x128xf32, #tpu.memory_space<vmem_shared>>
      tpu.wait_dma2 semaphore(%run_scoped3A : memref<!tpu.dma_semaphore, #tpu.memory_space<semaphore_mem>>) src(%arg9 : memref<64x128xf32, #tpu.memory_space<vmem>>) dst(%dma_wait3A_155 : memref<64x128xf32, #tpu.memory_space<vmem_shared>>)
      tpu.yield
    }) : () -> ()
    %mul3A_34 = arith.constant 640 : i32
    %mul3A_35 = arith.muli %arg1, %mul3A_34 : i32
    %add3A_36 = arith.constant 448 : i32
    %add3A_37 = arith.addi %mul3A_35, %add3A_36 : i32
    "tpu.region"() ({
      %run_scoped3A = tpu.sem_alloc : memref<!tpu.dma_semaphore, #tpu.memory_space<semaphore_mem>>
      %dma_start3A_148 = arith.constant 0 : i32
      %dma_start3A_149 = tpu.memref_slice %arg6[%add3A_37, %dma_start3A_148] : memref<10240x128xf32, #tpu.memory_space<vmem_shared>> -> memref<64x128xf32, #tpu.memory_space<vmem_shared>>
      %dma_start3A_150 = arith.constant 0 : i32
      %dma_start3A_151 = tpu.memref_slice %arg6[%add3A_37, %dma_start3A_150] : memref<10240x128xf32, #tpu.memory_space<vmem_shared>> -> memref<64x128xf32, #tpu.memory_space<vmem_shared>>
      tpu.enqueue_dma source(%arg9 : memref<64x128xf32, #tpu.memory_space<vmem>>) target(%dma_start3A_151 : memref<64x128xf32, #tpu.memory_space<vmem_shared>>) target_semaphore(%run_scoped3A : memref<!tpu.dma_semaphore, #tpu.memory_space<semaphore_mem>>)
      %dma_wait3A_152 = arith.constant 0 : i32
      %dma_wait3A_153 = tpu.memref_slice %arg6[%add3A_37, %dma_wait3A_152] : memref<10240x128xf32, #tpu.memory_space<vmem_shared>> -> memref<64x128xf32, #tpu.memory_space<vmem_shared>>
      %dma_wait3A_154 = arith.constant 0 : i32
      %dma_wait3A_155 = tpu.memref_slice %arg6[%add3A_37, %dma_wait3A_154] : memref<10240x128xf32, #tpu.memory_space<vmem_shared>> -> memref<64x128xf32, #tpu.memory_space<vmem_shared>>
      tpu.wait_dma2 semaphore(%run_scoped3A : memref<!tpu.dma_semaphore, #tpu.memory_space<semaphore_mem>>) src(%arg9 : memref<64x128xf32, #tpu.memory_space<vmem>>) dst(%dma_wait3A_155 : memref<64x128xf32, #tpu.memory_space<vmem_shared>>)
      tpu.yield
    }) : () -> ()
    %mul3A_38 = arith.constant 640 : i32
    %mul3A_39 = arith.muli %arg1, %mul3A_38 : i32
    %add3A_40 = arith.constant 512 : i32
    %add3A_41 = arith.addi %mul3A_39, %add3A_40 : i32
    "tpu.region"() ({
      %run_scoped3A = tpu.sem_alloc : memref<!tpu.dma_semaphore, #tpu.memory_space<semaphore_mem>>
      %dma_start3A_148 = arith.constant 0 : i32
      %dma_start3A_149 = tpu.memref_slice %arg6[%add3A_41, %dma_start3A_148] : memref<10240x128xf32, #tpu.memory_space<vmem_shared>> -> memref<64x128xf32, #tpu.memory_space<vmem_shared>>
      %dma_start3A_150 = arith.constant 0 : i32
      %dma_start3A_151 = tpu.memref_slice %arg6[%add3A_41, %dma_start3A_150] : memref<10240x128xf32, #tpu.memory_space<vmem_shared>> -> memref<64x128xf32, #tpu.memory_space<vmem_shared>>
      tpu.enqueue_dma source(%arg9 : memref<64x128xf32, #tpu.memory_space<vmem>>) target(%dma_start3A_151 : memref<64x128xf32, #tpu.memory_space<vmem_shared>>) target_semaphore(%run_scoped3A : memref<!tpu.dma_semaphore, #tpu.memory_space<semaphore_mem>>)
      %dma_wait3A_152 = arith.constant 0 : i32
      %dma_wait3A_153 = tpu.memref_slice %arg6[%add3A_41, %dma_wait3A_152] : memref<10240x128xf32, #tpu.memory_space<vmem_shared>> -> memref<64x128xf32, #tpu.memory_space<vmem_shared>>
      %dma_wait3A_154 = arith.constant 0 : i32
      %dma_wait3A_155 = tpu.memref_slice %arg6[%add3A_41, %dma_wait3A_154] : memref<10240x128xf32, #tpu.memory_space<vmem_shared>> -> memref<64x128xf32, #tpu.memory_space<vmem_shared>>
      tpu.wait_dma2 semaphore(%run_scoped3A : memref<!tpu.dma_semaphore, #tpu.memory_space<semaphore_mem>>) src(%arg9 : memref<64x128xf32, #tpu.memory_space<vmem>>) dst(%dma_wait3A_155 : memref<64x128xf32, #tpu.memory_space<vmem_shared>>)
      tpu.yield
    }) : () -> ()
    %mul3A_42 = arith.constant 640 : i32
    %mul3A_43 = arith.muli %arg1, %mul3A_42 : i32
    %add3A_44 = arith.constant 576 : i32
    %add3A_45 = arith.addi %mul3A_43, %add3A_44 : i32
    "tpu.region"() ({
      %run_scoped3A = tpu.sem_alloc : memref<!tpu.dma_semaphore, #tpu.memory_space<semaphore_mem>>
      %dma_start3A_148 = arith.constant 0 : i32
      %dma_start3A_149 = tpu.memref_slice %arg6[%add3A_45, %dma_start3A_148] : memref<10240x128xf32, #tpu.memory_space<vmem_shared>> -> memref<64x128xf32, #tpu.memory_space<vmem_shared>>
      %dma_start3A_150 = arith.constant 0 : i32
      %dma_start3A_151 = tpu.memref_slice %arg6[%add3A_45, %dma_start3A_150] : memref<10240x128xf32, #tpu.memory_space<vmem_shared>> -> memref<64x128xf32, #tpu.memory_space<vmem_shared>>
      tpu.enqueue_dma source(%arg9 : memref<64x128xf32, #tpu.memory_space<vmem>>) target(%dma_start3A_151 : memref<64x128xf32, #tpu.memory_space<vmem_shared>>) target_semaphore(%run_scoped3A : memref<!tpu.dma_semaphore, #tpu.memory_space<semaphore_mem>>)
      %dma_wait3A_152 = arith.constant 0 : i32
      %dma_wait3A_153 = tpu.memref_slice %arg6[%add3A_45, %dma_wait3A_152] : memref<10240x128xf32, #tpu.memory_space<vmem_shared>> -> memref<64x128xf32, #tpu.memory_space<vmem_shared>>
      %dma_wait3A_154 = arith.constant 0 : i32
      %dma_wait3A_155 = tpu.memref_slice %arg6[%add3A_45, %dma_wait3A_154] : memref<10240x128xf32, #tpu.memory_space<vmem_shared>> -> memref<64x128xf32, #tpu.memory_space<vmem_shared>>
      tpu.wait_dma2 semaphore(%run_scoped3A : memref<!tpu.dma_semaphore, #tpu.memory_space<semaphore_mem>>) src(%arg9 : memref<64x128xf32, #tpu.memory_space<vmem>>) dst(%dma_wait3A_155 : memref<64x128xf32, #tpu.memory_space<vmem_shared>>)
      tpu.yield
    }) : () -> ()
    %barrier3A = arith.constant 0 : index
    tpu.barrier barrier_id(%barrier3A)
    %dma_start3A = arith.constant 0 : i32
    %dma_start3A_46 = arith.constant 0 : i32
    %dma_start3A_47 = arith.constant 0 : i32
    %dma_start3A_48 = tpu.memref_slice %arg3[%add3A, %dma_start3A, %dma_start3A_46, %dma_start3A_47] : memref<32x20x8x64xi32, #tpu.memory_space<hbm>> -> memref<1x1x8x64xi32, #tpu.memory_space<hbm>>
    %dma_start3A_49 = tpu.memref_squeeze %dma_start3A_48 : memref<1x1x8x64xi32, #tpu.memory_space<hbm>> -> memref<8x64xi32, #tpu.memory_space<hbm>>
    %dma_start3A_50 = arith.constant 0 : i32
    %dma_start3A_51 = arith.constant 0 : i32
    %dma_start3A_52 = tpu.memref_slice %arg3[%add3A, %dma_start3A, %dma_start3A_50, %dma_start3A_51] : memref<32x20x8x64xi32, #tpu.memory_space<hbm>> -> memref<1x1x8x64xi32, #tpu.memory_space<hbm>>
    %dma_start3A_53 = tpu.memref_squeeze %dma_start3A_52 : memref<1x1x8x64xi32, #tpu.memory_space<hbm>> -> memref<8x64xi32, #tpu.memory_space<hbm>>
    tpu.enqueue_dma source(%dma_start3A_53 : memref<8x64xi32, #tpu.memory_space<hbm>>) target(%arg11 : memref<8x64xi32, #tpu.memory_space<vmem>>) target_semaphore(%arg19 : memref<!tpu.dma_semaphore, #tpu.memory_space<semaphore_mem>>)
    %dma_start3A_54 = arith.constant 0 : i32
    %dma_start3A_55 = arith.constant 0 : i32
    %dma_start3A_56 = arith.constant 0 : i32
    %dma_start3A_57 = tpu.memref_slice %arg4[%add3A, %dma_start3A_54, %dma_start3A_55, %dma_start3A_56] : memref<32x20x8x64xi32, #tpu.memory_space<hbm>> -> memref<1x1x8x64xi32, #tpu.memory_space<hbm>>
    %dma_start3A_58 = tpu.memref_squeeze %dma_start3A_57 : memref<1x1x8x64xi32, #tpu.memory_space<hbm>> -> memref<8x64xi32, #tpu.memory_space<hbm>>
    %dma_start3A_59 = arith.constant 0 : i32
    %dma_start3A_60 = arith.constant 0 : i32
    %dma_start3A_61 = tpu.memref_slice %arg4[%add3A, %dma_start3A_54, %dma_start3A_59, %dma_start3A_60] : memref<32x20x8x64xi32, #tpu.memory_space<hbm>> -> memref<1x1x8x64xi32, #tpu.memory_space<hbm>>
    %dma_start3A_62 = tpu.memref_squeeze %dma_start3A_61 : memref<1x1x8x64xi32, #tpu.memory_space<hbm>> -> memref<8x64xi32, #tpu.memory_space<hbm>>
    tpu.enqueue_dma source(%dma_start3A_62 : memref<8x64xi32, #tpu.memory_space<hbm>>) target(%arg13 : memref<8x64xi32, #tpu.memory_space<vmem>>) target_semaphore(%arg19 : memref<!tpu.dma_semaphore, #tpu.memory_space<semaphore_mem>>)
    %dma_wait3A = arith.constant 0 : i32
    %dma_wait3A_63 = arith.constant 0 : i32
    %dma_wait3A_64 = arith.constant 0 : i32
    %dma_wait3A_65 = tpu.memref_slice %arg3[%add3A, %dma_wait3A, %dma_wait3A_63, %dma_wait3A_64] : memref<32x20x8x64xi32, #tpu.memory_space<hbm>> -> memref<1x1x8x64xi32, #tpu.memory_space<hbm>>
    %dma_wait3A_66 = tpu.memref_squeeze %dma_wait3A_65 : memref<1x1x8x64xi32, #tpu.memory_space<hbm>> -> memref<8x64xi32, #tpu.memory_space<hbm>>
    %dma_wait3A_67 = arith.constant 0 : i32
    %dma_wait3A_68 = arith.constant 0 : i32
    %dma_wait3A_69 = tpu.memref_slice %arg3[%add3A, %dma_wait3A, %dma_wait3A_67, %dma_wait3A_68] : memref<32x20x8x64xi32, #tpu.memory_space<hbm>> -> memref<1x1x8x64xi32, #tpu.memory_space<hbm>>
    %dma_wait3A_70 = tpu.memref_squeeze %dma_wait3A_69 : memref<1x1x8x64xi32, #tpu.memory_space<hbm>> -> memref<8x64xi32, #tpu.memory_space<hbm>>
    tpu.wait_dma2 semaphore(%arg19 : memref<!tpu.dma_semaphore, #tpu.memory_space<semaphore_mem>>) src(%dma_wait3A_70 : memref<8x64xi32, #tpu.memory_space<hbm>>) dst(%arg11 : memref<8x64xi32, #tpu.memory_space<vmem>>)
    %dma_wait3A_71 = arith.constant 0 : i32
    %dma_wait3A_72 = arith.constant 0 : i32
    %dma_wait3A_73 = arith.constant 0 : i32
    %dma_wait3A_74 = tpu.memref_slice %arg4[%add3A, %dma_wait3A_71, %dma_wait3A_72, %dma_wait3A_73] : memref<32x20x8x64xi32, #tpu.memory_space<hbm>> -> memref<1x1x8x64xi32, #tpu.memory_space<hbm>>
    %dma_wait3A_75 = tpu.memref_squeeze %dma_wait3A_74 : memref<1x1x8x64xi32, #tpu.memory_space<hbm>> -> memref<8x64xi32, #tpu.memory_space<hbm>>
    %dma_wait3A_76 = arith.constant 0 : i32
    %dma_wait3A_77 = arith.constant 0 : i32
    %dma_wait3A_78 = tpu.memref_slice %arg4[%add3A, %dma_wait3A_71, %dma_wait3A_76, %dma_wait3A_77] : memref<32x20x8x64xi32, #tpu.memory_space<hbm>> -> memref<1x1x8x64xi32, #tpu.memory_space<hbm>>
    %dma_wait3A_79 = tpu.memref_squeeze %dma_wait3A_78 : memref<1x1x8x64xi32, #tpu.memory_space<hbm>> -> memref<8x64xi32, #tpu.memory_space<hbm>>
    tpu.wait_dma2 semaphore(%arg19 : memref<!tpu.dma_semaphore, #tpu.memory_space<semaphore_mem>>) src(%dma_wait3A_79 : memref<8x64xi32, #tpu.memory_space<hbm>>) dst(%arg13 : memref<8x64xi32, #tpu.memory_space<vmem>>)
    %dma_start3A_80 = arith.constant 0 : i32
    %dma_start3A_81 = arith.constant 0 : i32
    %dma_start3A_82 = tpu.memref_slice %arg11[%dma_start3A_80, %dma_start3A_81] : memref<8x64xi32, #tpu.memory_space<vmem>> -> memref<1x64xi32, #tpu.memory_space<vmem>>
    %dma_start3A_83 = tpu.memref_squeeze %dma_start3A_82 : memref<1x64xi32, #tpu.memory_space<vmem>> -> memref<64xi32, #tpu.memory_space<vmem>>
    %dma_start3A_84 = arith.constant 0 : i32
    %dma_start3A_85 = arith.constant 0 : i32
    %dma_start3A_86 = tpu.memref_slice %arg2[%dma_start3A_84, %dma_start3A_85] : memref<160000x64xi32, #tpu.memory_space<hbm>> -> memref<160000x64xi32, #tpu.memory_space<hbm>>
    tpu.enqueue_indirect_dma source(%dma_start3A_86 : memref<160000x64xi32, #tpu.memory_space<hbm>>) target(%arg7 : memref<64x64xi32, #tpu.memory_space<vmem>>) offsets(%dma_start3A_83 : memref<64xi32, #tpu.memory_space<vmem>>) semaphore(%arg15 : memref<!tpu.dma_semaphore, #tpu.memory_space<semaphore_mem>>)
    %scan3A_87 = arith.constant 0 : i32
    %scan3A_88 = arith.constant 0 : i32
    %scan3A_89 = arith.constant 10 : i32
    %scan3A_90 = arith.addi %scan3A_88, %scan3A_89 : i32
    %scan3A_91 = arith.constant 1 : i32
    scf.for %scan3A_148 = %scan3A_88 to %scan3A_90 step %scan3A_91  : i32 {
      %mul3A_149 = arith.constant 2 : i32
      %mul3A_150 = arith.muli %mul3A_149, %scan3A_148 : i32
      %add3A_151 = arith.constant 0 : i32
      %add3A_152 = arith.addi %mul3A_150, %add3A_151 : i32
      %dma_start3A_153 = arith.constant 1 : i32
      %dma_start3A_154 = arith.constant 0 : i32
      %dma_start3A_155 = tpu.memref_slice %arg11[%dma_start3A_153, %dma_start3A_154] : memref<8x64xi32, #tpu.memory_space<vmem>> -> memref<1x64xi32, #tpu.memory_space<vmem>>
      %dma_start3A_156 = tpu.memref_squeeze %dma_start3A_155 : memref<1x64xi32, #tpu.memory_space<vmem>> -> memref<64xi32, #tpu.memory_space<vmem>>
      %dma_start3A_157 = arith.constant 0 : i32
      %dma_start3A_158 = arith.constant 0 : i32
      %dma_start3A_159 = tpu.memref_slice %arg2[%dma_start3A_157, %dma_start3A_158] : memref<160000x64xi32, #tpu.memory_space<hbm>> -> memref<160000x64xi32, #tpu.memory_space<hbm>>
      tpu.enqueue_indirect_dma source(%dma_start3A_159 : memref<160000x64xi32, #tpu.memory_space<hbm>>) target(%arg8 : memref<64x64xi32, #tpu.memory_space<vmem>>) offsets(%dma_start3A_156 : memref<64xi32, #tpu.memory_space<vmem>>) semaphore(%arg16 : memref<!tpu.dma_semaphore, #tpu.memory_space<semaphore_mem>>)
      %dma_wait3A_160 = arith.constant 0 : i32
      %dma_wait3A_161 = arith.constant 0 : i32
      %dma_wait3A_162 = tpu.memref_slice %arg11[%dma_wait3A_160, %dma_wait3A_161] : memref<8x64xi32, #tpu.memory_space<vmem>> -> memref<1x64xi32, #tpu.memory_space<vmem>>
      %dma_wait3A_163 = tpu.memref_squeeze %dma_wait3A_162 : memref<1x64xi32, #tpu.memory_space<vmem>> -> memref<64xi32, #tpu.memory_space<vmem>>
      %dma_wait3A_164 = arith.constant 0 : i32
      %dma_wait3A_165 = arith.constant 0 : i32
      %dma_wait3A_166 = tpu.memref_slice %arg2[%dma_wait3A_164, %dma_wait3A_165] : memref<160000x64xi32, #tpu.memory_space<hbm>> -> memref<160000x64xi32, #tpu.memory_space<hbm>>
      tpu.wait_indirect_dma semaphore(%arg15 : memref<!tpu.dma_semaphore, #tpu.memory_space<semaphore_mem>>) src(%dma_wait3A_166 : memref<160000x64xi32, #tpu.memory_space<hbm>>) dst(%arg7 : memref<64x64xi32, #tpu.memory_space<vmem>>)
      %gt3A = arith.constant 0 : i32
      %gt3A_167 = arith.cmpi sgt, %scan3A_148, %gt3A : i32
      %convert_element_type3A = arith.extui %gt3A_167 : i1 to i32
      %cond3A = arith.constant 0 : i32
      %cond3A_168 = arith.cmpi ne, %convert_element_type3A, %cond3A : i32
      scf.if %cond3A_168 {
        %dma_wait3A_732 = arith.constant 6 : i32
        %dma_wait3A_733 = arith.constant 0 : i32
        %dma_wait3A_734 = tpu.memref_slice %arg14[%dma_wait3A_732, %dma_wait3A_733] : memref<8x64xi32, #tpu.memory_space<vmem>> -> memref<1x64xi32, #tpu.memory_space<vmem>>
        %dma_wait3A_735 = tpu.memref_squeeze %dma_wait3A_734 : memref<1x64xi32, #tpu.memory_space<vmem>> -> memref<64xi32, #tpu.memory_space<vmem>>
        %dma_wait3A_736 = arith.constant 0 : i32
        %dma_wait3A_737 = arith.constant 0 : i32
        %dma_wait3A_738 = tpu.memref_slice %arg6[%dma_wait3A_736, %dma_wait3A_737] : memref<10240x128xf32, #tpu.memory_space<vmem_shared>> -> memref<10240x128xf32, #tpu.memory_space<vmem_shared>>
        tpu.wait_indirect_dma semaphore(%arg17 : memref<!tpu.dma_semaphore, #tpu.memory_space<semaphore_mem>>) src(%arg9 : memref<64x128xf32, #tpu.memory_space<vmem>>) dst(%dma_wait3A_738 : memref<10240x128xf32, #tpu.memory_space<vmem_shared>>)
      } else {
      }
      %scan3A_169 = arith.constant 0 : i32
      %scan3A_170 = arith.constant 0 : i32
      %scan3A_171 = arith.constant 64 : i32
      %scan3A_172 = arith.addi %scan3A_170, %scan3A_171 : i32
      %scan3A_173 = arith.constant 1 : i32
      scf.for %scan3A_732 = %scan3A_170 to %scan3A_172 step %scan3A_173  : i32 {
        %get3A = arith.index_cast %scan3A_732 : i32 to index
        %get3A_733 = arith.constant 0 : index
        %get3A_734 = tpu.vector_load %arg7[%get3A, %get3A_733] {strides = array<i32>} : memref<64x64xi32, #tpu.memory_space<vmem>>, vector<16xi32>,
        %shift_left3A = arith.constant 16 : i32
        %shift_left3A_735 = vector.broadcast %shift_left3A : i32 to vector<16xi32>
        %shift_left3A_736 = arith.shli %get3A_734, %shift_left3A_735 : vector<16xi32>
        %bitcast3A = vector.bitcast %shift_left3A_736 : vector<16xi32> to vector<16xf32>
        %and3A = arith.constant -65536 : i32
        %and3A_737 = vector.broadcast %and3A : i32 to vector<16xi32>
        %and3A_738 = arith.andi %get3A_734, %and3A_737 : vector<16xi32>
        %bitcast3A_739 = vector.bitcast %and3A_738 : vector<16xi32> to vector<16xf32>
        %swap3A = arith.index_cast %scan3A_732 : i32 to index
        %swap3A_740 = arith.constant 0 : index
        %swap3A_741 = tpu.vector_load %arg9[%swap3A, %swap3A_740] {strides = array<i32>} : memref<64x128xf32, #tpu.memory_space<vmem>>, vector<16xf32>,
        tpu.vector_store %arg9[%swap3A, %swap3A_740], %bitcast3A {strides = array<i32>} : memref<64x128xf32, #tpu.memory_space<vmem>>, vector<16xf32>,
        %swap3A_742 = arith.index_cast %scan3A_732 : i32 to index
        %swap3A_743 = arith.constant 16 : index
        %swap3A_744 = tpu.vector_load %arg9[%swap3A_742, %swap3A_743] {strides = array<i32>} : memref<64x128xf32, #tpu.memory_space<vmem>>, vector<16xf32>,
        tpu.vector_store %arg9[%swap3A_742, %swap3A_743], %bitcast3A_739 {strides = array<i32>} : memref<64x128xf32, #tpu.memory_space<vmem>>, vector<16xf32>,
        %get3A_745 = arith.index_cast %scan3A_732 : i32 to index
        %get3A_746 = arith.constant 16 : index
        %get3A_747 = tpu.vector_load %arg7[%get3A_745, %get3A_746] {strides = array<i32>} : memref<64x64xi32, #tpu.memory_space<vmem>>, vector<16xi32>,
        %shift_left3A_748 = arith.constant 16 : i32
        %shift_left3A_749 = vector.broadcast %shift_left3A_748 : i32 to vector<16xi32>
        %shift_left3A_750 = arith.shli %get3A_747, %shift_left3A_749 : vector<16xi32>
        %bitcast3A_751 = vector.bitcast %shift_left3A_750 : vector<16xi32> to vector<16xf32>
        %and3A_752 = arith.constant -65536 : i32
        %and3A_753 = vector.broadcast %and3A_752 : i32 to vector<16xi32>
        %and3A_754 = arith.andi %get3A_747, %and3A_753 : vector<16xi32>
        %bitcast3A_755 = vector.bitcast %and3A_754 : vector<16xi32> to vector<16xf32>
        %swap3A_756 = arith.index_cast %scan3A_732 : i32 to index
        %swap3A_757 = arith.constant 32 : index
        %swap3A_758 = tpu.vector_load %arg9[%swap3A_756, %swap3A_757] {strides = array<i32>} : memref<64x128xf32, #tpu.memory_space<vmem>>, vector<16xf32>,
        tpu.vector_store %arg9[%swap3A_756, %swap3A_757], %bitcast3A_751 {strides = array<i32>} : memref<64x128xf32, #tpu.memory_space<vmem>>, vector<16xf32>,
        %swap3A_759 = arith.index_cast %scan3A_732 : i32 to index
        %swap3A_760 = arith.constant 48 : index
        %swap3A_761 = tpu.vector_load %arg9[%swap3A_759, %swap3A_760] {strides = array<i32>} : memref<64x128xf32, #tpu.memory_space<vmem>>, vector<16xf32>,
        tpu.vector_store %arg9[%swap3A_759, %swap3A_760], %bitcast3A_755 {strides = array<i32>} : memref<64x128xf32, #tpu.memory_space<vmem>>, vector<16xf32>,
        %get3A_762 = arith.index_cast %scan3A_732 : i32 to index
        %get3A_763 = arith.constant 32 : index
        %get3A_764 = tpu.vector_load %arg7[%get3A_762, %get3A_763] {strides = array<i32>} : memref<64x64xi32, #tpu.memory_space<vmem>>, vector<16xi32>,
        %shift_left3A_765 = arith.constant 16 : i32
        %shift_left3A_766 = vector.broadcast %shift_left3A_765 : i32 to vector<16xi32>
        %shift_left3A_767 = arith.shli %get3A_764, %shift_left3A_766 : vector<16xi32>
        %bitcast3A_768 = vector.bitcast %shift_left3A_767 : vector<16xi32> to vector<16xf32>
        %and3A_769 = arith.constant -65536 : i32
        %and3A_770 = vector.broadcast %and3A_769 : i32 to vector<16xi32>
        %and3A_771 = arith.andi %get3A_764, %and3A_770 : vector<16xi32>
        %bitcast3A_772 = vector.bitcast %and3A_771 : vector<16xi32> to vector<16xf32>
        %swap3A_773 = arith.index_cast %scan3A_732 : i32 to index
        %swap3A_774 = arith.constant 64 : index
        %swap3A_775 = tpu.vector_load %arg9[%swap3A_773, %swap3A_774] {strides = array<i32>} : memref<64x128xf32, #tpu.memory_space<vmem>>, vector<16xf32>,
        tpu.vector_store %arg9[%swap3A_773, %swap3A_774], %bitcast3A_768 {strides = array<i32>} : memref<64x128xf32, #tpu.memory_space<vmem>>, vector<16xf32>,
        %swap3A_776 = arith.index_cast %scan3A_732 : i32 to index
        %swap3A_777 = arith.constant 80 : index
        %swap3A_778 = tpu.vector_load %arg9[%swap3A_776, %swap3A_777] {strides = array<i32>} : memref<64x128xf32, #tpu.memory_space<vmem>>, vector<16xf32>,
        tpu.vector_store %arg9[%swap3A_776, %swap3A_777], %bitcast3A_772 {strides = array<i32>} : memref<64x128xf32, #tpu.memory_space<vmem>>, vector<16xf32>,
        %get3A_779 = arith.index_cast %scan3A_732 : i32 to index
        %get3A_780 = arith.constant 48 : index
        %get3A_781 = tpu.vector_load %arg7[%get3A_779, %get3A_780] {strides = array<i32>} : memref<64x64xi32, #tpu.memory_space<vmem>>, vector<16xi32>,
        %shift_left3A_782 = arith.constant 16 : i32
        %shift_left3A_783 = vector.broadcast %shift_left3A_782 : i32 to vector<16xi32>
        %shift_left3A_784 = arith.shli %get3A_781, %shift_left3A_783 : vector<16xi32>
        %bitcast3A_785 = vector.bitcast %shift_left3A_784 : vector<16xi32> to vector<16xf32>
        %and3A_786 = arith.constant -65536 : i32
        %and3A_787 = vector.broadcast %and3A_786 : i32 to vector<16xi32>
        %and3A_788 = arith.andi %get3A_781, %and3A_787 : vector<16xi32>
        %bitcast3A_789 = vector.bitcast %and3A_788 : vector<16xi32> to vector<16xf32>
        %swap3A_790 = arith.index_cast %scan3A_732 : i32 to index
        %swap3A_791 = arith.constant 96 : index
        %swap3A_792 = tpu.vector_load %arg9[%swap3A_790, %swap3A_791] {strides = array<i32>} : memref<64x128xf32, #tpu.memory_space<vmem>>, vector<16xf32>,
        tpu.vector_store %arg9[%swap3A_790, %swap3A_791], %bitcast3A_785 {strides = array<i32>} : memref<64x128xf32, #tpu.memory_space<vmem>>, vector<16xf32>,
        %swap3A_793 = arith.index_cast %scan3A_732 : i32 to index
        %swap3A_794 = arith.constant 112 : index
        %swap3A_795 = tpu.vector_load %arg9[%swap3A_793, %swap3A_794] {strides = array<i32>} : memref<64x128xf32, #tpu.memory_space<vmem>>, vector<16xf32>,
        tpu.vector_store %arg9[%swap3A_793, %swap3A_794], %bitcast3A_789 {strides = array<i32>} : memref<64x128xf32, #tpu.memory_space<vmem>>, vector<16xf32>,
      }
      %scan3A_174 = arith.constant 64 : i32
      %dma_start3A_175 = arith.constant 0 : i32
      %dma_start3A_176 = arith.constant 0 : i32
      %dma_start3A_177 = tpu.memref_slice %arg13[%dma_start3A_175, %dma_start3A_176] : memref<8x64xi32, #tpu.memory_space<vmem>> -> memref<1x64xi32, #tpu.memory_space<vmem>>
      %dma_start3A_178 = tpu.memref_squeeze %dma_start3A_177 : memref<1x64xi32, #tpu.memory_space<vmem>> -> memref<64xi32, #tpu.memory_space<vmem>>
      %dma_start3A_179 = arith.constant 0 : i32
      %dma_start3A_180 = arith.constant 0 : i32
      %dma_start3A_181 = tpu.memref_slice %arg6[%dma_start3A_179, %dma_start3A_180] : memref<10240x128xf32, #tpu.memory_space<vmem_shared>> -> memref<10240x128xf32, #tpu.memory_space<vmem_shared>>
      tpu.enqueue_indirect_dma source(%arg9 : memref<64x128xf32, #tpu.memory_space<vmem>>) target(%dma_start3A_181 : memref<10240x128xf32, #tpu.memory_space<vmem_shared>>) offsets(%dma_start3A_178 : memref<64xi32, #tpu.memory_space<vmem>>) semaphore(%arg17 : memref<!tpu.dma_semaphore, #tpu.memory_space<semaphore_mem>>) {add = true}
      %dma_start3A_182 = arith.constant 2 : i32
      %dma_start3A_183 = arith.constant 0 : i32
      %dma_start3A_184 = tpu.memref_slice %arg11[%dma_start3A_182, %dma_start3A_183] : memref<8x64xi32, #tpu.memory_space<vmem>> -> memref<1x64xi32, #tpu.memory_space<vmem>>
      %dma_start3A_185 = tpu.memref_squeeze %dma_start3A_184 : memref<1x64xi32, #tpu.memory_space<vmem>> -> memref<64xi32, #tpu.memory_space<vmem>>
      %dma_start3A_186 = arith.constant 0 : i32
      %dma_start3A_187 = arith.constant 0 : i32
      %dma_start3A_188 = tpu.memref_slice %arg2[%dma_start3A_186, %dma_start3A_187] : memref<160000x64xi32, #tpu.memory_space<hbm>> -> memref<160000x64xi32, #tpu.memory_space<hbm>>
      tpu.enqueue_indirect_dma source(%dma_start3A_188 : memref<160000x64xi32, #tpu.memory_space<hbm>>) target(%arg7 : memref<64x64xi32, #tpu.memory_space<vmem>>) offsets(%dma_start3A_185 : memref<64xi32, #tpu.memory_space<vmem>>) semaphore(%arg15 : memref<!tpu.dma_semaphore, #tpu.memory_space<semaphore_mem>>)
      %dma_wait3A_189 = arith.constant 1 : i32
      %dma_wait3A_190 = arith.constant 0 : i32
      %dma_wait3A_191 = tpu.memref_slice %arg11[%dma_wait3A_189, %dma_wait3A_190] : memref<8x64xi32, #tpu.memory_space<vmem>> -> memref<1x64xi32, #tpu.memory_space<vmem>>
      %dma_wait3A_192 = tpu.memref_squeeze %dma_wait3A_191 : memref<1x64xi32, #tpu.memory_space<vmem>> -> memref<64xi32, #tpu.memory_space<vmem>>
      %dma_wait3A_193 = arith.constant 0 : i32
      %dma_wait3A_194 = arith.constant 0 : i32
      %dma_wait3A_195 = tpu.memref_slice %arg2[%dma_wait3A_193, %dma_wait3A_194] : memref<160000x64xi32, #tpu.memory_space<hbm>> -> memref<160000x64xi32, #tpu.memory_space<hbm>>
      tpu.wait_indirect_dma semaphore(%arg16 : memref<!tpu.dma_semaphore, #tpu.memory_space<semaphore_mem>>) src(%dma_wait3A_195 : memref<160000x64xi32, #tpu.memory_space<hbm>>) dst(%arg8 : memref<64x64xi32, #tpu.memory_space<vmem>>)
      %gt3A_196 = arith.constant 0 : i32
      %gt3A_197 = arith.cmpi sgt, %scan3A_148, %gt3A_196 : i32
      %convert_element_type3A_198 = arith.extui %gt3A_197 : i1 to i32
      %cond3A_199 = arith.constant 0 : i32
      %cond3A_200 = arith.cmpi ne, %convert_element_type3A_198, %cond3A_199 : i32
      scf.if %cond3A_200 {
        %dma_wait3A_732 = arith.constant 7 : i32
        %dma_wait3A_733 = arith.constant 0 : i32
        %dma_wait3A_734 = tpu.memref_slice %arg14[%dma_wait3A_732, %dma_wait3A_733] : memref<8x64xi32, #tpu.memory_space<vmem>> -> memref<1x64xi32, #tpu.memory_space<vmem>>
        %dma_wait3A_735 = tpu.memref_squeeze %dma_wait3A_734 : memref<1x64xi32, #tpu.memory_space<vmem>> -> memref<64xi32, #tpu.memory_space<vmem>>
        %dma_wait3A_736 = arith.constant 0 : i32
        %dma_wait3A_737 = arith.constant 0 : i32
        %dma_wait3A_738 = tpu.memref_slice %arg6[%dma_wait3A_736, %dma_wait3A_737] : memref<10240x128xf32, #tpu.memory_space<vmem_shared>> -> memref<10240x128xf32, #tpu.memory_space<vmem_shared>>
        tpu.wait_indirect_dma semaphore(%arg18 : memref<!tpu.dma_semaphore, #tpu.memory_space<semaphore_mem>>) src(%arg10 : memref<64x128xf32, #tpu.memory_space<vmem>>) dst(%dma_wait3A_738 : memref<10240x128xf32, #tpu.memory_space<vmem_shared>>)
      } else {
      }
      %scan3A_201 = arith.constant 0 : i32
      %scan3A_202 = arith.constant 0 : i32
      %scan3A_203 = arith.constant 64 : i32
      %scan3A_204 = arith.addi %scan3A_202, %scan3A_203 : i32
      %scan3A_205 = arith.constant 1 : i32
      scf.for %scan3A_732 = %scan3A_202 to %scan3A_204 step %scan3A_205  : i32 {
        %get3A = arith.index_cast %scan3A_732 : i32 to index
        %get3A_733 = arith.constant 0 : index
        %get3A_734 = tpu.vector_load %arg8[%get3A, %get3A_733] {strides = array<i32>} : memref<64x64xi32, #tpu.memory_space<vmem>>, vector<16xi32>,
        %shift_left3A = arith.constant 16 : i32
        %shift_left3A_735 = vector.broadcast %shift_left3A : i32 to vector<16xi32>
        %shift_left3A_736 = arith.shli %get3A_734, %shift_left3A_735 : vector<16xi32>
        %bitcast3A = vector.bitcast %shift_left3A_736 : vector<16xi32> to vector<16xf32>
        %and3A = arith.constant -65536 : i32
        %and3A_737 = vector.broadcast %and3A : i32 to vector<16xi32>
        %and3A_738 = arith.andi %get3A_734, %and3A_737 : vector<16xi32>
        %bitcast3A_739 = vector.bitcast %and3A_738 : vector<16xi32> to vector<16xf32>
        %swap3A = arith.index_cast %scan3A_732 : i32 to index
        %swap3A_740 = arith.constant 0 : index
        %swap3A_741 = tpu.vector_load %arg10[%swap3A, %swap3A_740] {strides = array<i32>} : memref<64x128xf32, #tpu.memory_space<vmem>>, vector<16xf32>,
        tpu.vector_store %arg10[%swap3A, %swap3A_740], %bitcast3A {strides = array<i32>} : memref<64x128xf32, #tpu.memory_space<vmem>>, vector<16xf32>,
        %swap3A_742 = arith.index_cast %scan3A_732 : i32 to index
        %swap3A_743 = arith.constant 16 : index
        %swap3A_744 = tpu.vector_load %arg10[%swap3A_742, %swap3A_743] {strides = array<i32>} : memref<64x128xf32, #tpu.memory_space<vmem>>, vector<16xf32>,
        tpu.vector_store %arg10[%swap3A_742, %swap3A_743], %bitcast3A_739 {strides = array<i32>} : memref<64x128xf32, #tpu.memory_space<vmem>>, vector<16xf32>,
        %get3A_745 = arith.index_cast %scan3A_732 : i32 to index
        %get3A_746 = arith.constant 16 : index
        %get3A_747 = tpu.vector_load %arg8[%get3A_745, %get3A_746] {strides = array<i32>} : memref<64x64xi32, #tpu.memory_space<vmem>>, vector<16xi32>,
        %shift_left3A_748 = arith.constant 16 : i32
        %shift_left3A_749 = vector.broadcast %shift_left3A_748 : i32 to vector<16xi32>
        %shift_left3A_750 = arith.shli %get3A_747, %shift_left3A_749 : vector<16xi32>
        %bitcast3A_751 = vector.bitcast %shift_left3A_750 : vector<16xi32> to vector<16xf32>
        %and3A_752 = arith.constant -65536 : i32
        %and3A_753 = vector.broadcast %and3A_752 : i32 to vector<16xi32>
        %and3A_754 = arith.andi %get3A_747, %and3A_753 : vector<16xi32>
        %bitcast3A_755 = vector.bitcast %and3A_754 : vector<16xi32> to vector<16xf32>
        %swap3A_756 = arith.index_cast %scan3A_732 : i32 to index
        %swap3A_757 = arith.constant 32 : index
        %swap3A_758 = tpu.vector_load %arg10[%swap3A_756, %swap3A_757] {strides = array<i32>} : memref<64x128xf32, #tpu.memory_space<vmem>>, vector<16xf32>,
        tpu.vector_store %arg10[%swap3A_756, %swap3A_757], %bitcast3A_751 {strides = array<i32>} : memref<64x128xf32, #tpu.memory_space<vmem>>, vector<16xf32>,
        %swap3A_759 = arith.index_cast %scan3A_732 : i32 to index
        %swap3A_760 = arith.constant 48 : index
        %swap3A_761 = tpu.vector_load %arg10[%swap3A_759, %swap3A_760] {strides = array<i32>} : memref<64x128xf32, #tpu.memory_space<vmem>>, vector<16xf32>,
        tpu.vector_store %arg10[%swap3A_759, %swap3A_760], %bitcast3A_755 {strides = array<i32>} : memref<64x128xf32, #tpu.memory_space<vmem>>, vector<16xf32>,
        %get3A_762 = arith.index_cast %scan3A_732 : i32 to index
        %get3A_763 = arith.constant 32 : index
        %get3A_764 = tpu.vector_load %arg8[%get3A_762, %get3A_763] {strides = array<i32>} : memref<64x64xi32, #tpu.memory_space<vmem>>, vector<16xi32>,
        %shift_left3A_765 = arith.constant 16 : i32
        %shift_left3A_766 = vector.broadcast %shift_left3A_765 : i32 to vector<16xi32>
        %shift_left3A_767 = arith.shli %get3A_764, %shift_left3A_766 : vector<16xi32>
        %bitcast3A_768 = vector.bitcast %shift_left3A_767 : vector<16xi32> to vector<16xf32>
        %and3A_769 = arith.constant -65536 : i32
        %and3A_770 = vector.broadcast %and3A_769 : i32 to vector<16xi32>
        %and3A_771 = arith.andi %get3A_764, %and3A_770 : vector<16xi32>
        %bitcast3A_772 = vector.bitcast %and3A_771 : vector<16xi32> to vector<16xf32>
        %swap3A_773 = arith.index_cast %scan3A_732 : i32 to index
        %swap3A_774 = arith.constant 64 : index
        %swap3A_775 = tpu.vector_load %arg10[%swap3A_773, %swap3A_774] {strides = array<i32>} : memref<64x128xf32, #tpu.memory_space<vmem>>, vector<16xf32>,
        tpu.vector_store %arg10[%swap3A_773, %swap3A_774], %bitcast3A_768 {strides = array<i32>} : memref<64x128xf32, #tpu.memory_space<vmem>>, vector<16xf32>,
        %swap3A_776 = arith.index_cast %scan3A_732 : i32 to index
        %swap3A_777 = arith.constant 80 : index
        %swap3A_778 = tpu.vector_load %arg10[%swap3A_776, %swap3A_777] {strides = array<i32>} : memref<64x128xf32, #tpu.memory_space<vmem>>, vector<16xf32>,
        tpu.vector_store %arg10[%swap3A_776, %swap3A_777], %bitcast3A_772 {strides = array<i32>} : memref<64x128xf32, #tpu.memory_space<vmem>>, vector<16xf32>,
        %get3A_779 = arith.index_cast %scan3A_732 : i32 to index
        %get3A_780 = arith.constant 48 : index
        %get3A_781 = tpu.vector_load %arg8[%get3A_779, %get3A_780] {strides = array<i32>} : memref<64x64xi32, #tpu.memory_space<vmem>>, vector<16xi32>,
        %shift_left3A_782 = arith.constant 16 : i32
        %shift_left3A_783 = vector.broadcast %shift_left3A_782 : i32 to vector<16xi32>
        %shift_left3A_784 = arith.shli %get3A_781, %shift_left3A_783 : vector<16xi32>
        %bitcast3A_785 = vector.bitcast %shift_left3A_784 : vector<16xi32> to vector<16xf32>
        %and3A_786 = arith.constant -65536 : i32
        %and3A_787 = vector.broadcast %and3A_786 : i32 to vector<16xi32>
        %and3A_788 = arith.andi %get3A_781, %and3A_787 : vector<16xi32>
        %bitcast3A_789 = vector.bitcast %and3A_788 : vector<16xi32> to vector<16xf32>
        %swap3A_790 = arith.index_cast %scan3A_732 : i32 to index
        %swap3A_791 = arith.constant 96 : index
        %swap3A_792 = tpu.vector_load %arg10[%swap3A_790, %swap3A_791] {strides = array<i32>} : memref<64x128xf32, #tpu.memory_space<vmem>>, vector<16xf32>,
        tpu.vector_store %arg10[%swap3A_790, %swap3A_791], %bitcast3A_785 {strides = array<i32>} : memref<64x128xf32, #tpu.memory_space<vmem>>, vector<16xf32>,
        %swap3A_793 = arith.index_cast %scan3A_732 : i32 to index
        %swap3A_794 = arith.constant 112 : index
        %swap3A_795 = tpu.vector_load %arg10[%swap3A_793, %swap3A_794] {strides = array<i32>} : memref<64x128xf32, #tpu.memory_space<vmem>>, vector<16xf32>,
        tpu.vector_store %arg10[%swap3A_793, %swap3A_794], %bitcast3A_789 {strides = array<i32>} : memref<64x128xf32, #tpu.memory_space<vmem>>, vector<16xf32>,
      }
      %scan3A_206 = arith.constant 64 : i32
      %dma_start3A_207 = arith.constant 1 : i32
      %dma_start3A_208 = arith.constant 0 : i32
      %dma_start3A_209 = tpu.memref_slice %arg13[%dma_start3A_207, %dma_start3A_208] : memref<8x64xi32, #tpu.memory_space<vmem>> -> memref<1x64xi32, #tpu.memory_space<vmem>>
      %dma_start3A_210 = tpu.memref_squeeze %dma_start3A_209 : memref<1x64xi32, #tpu.memory_space<vmem>> -> memref<64xi32, #tpu.memory_space<vmem>>
      %dma_start3A_211 = arith.constant 0 : i32
      %dma_start3A_212 = arith.constant 0 : i32
      %dma_start3A_213 = tpu.memref_slice %arg6[%dma_start3A_211, %dma_start3A_212] : memref<10240x128xf32, #tpu.memory_space<vmem_shared>> -> memref<10240x128xf32, #tpu.memory_space<vmem_shared>>
      tpu.enqueue_indirect_dma source(%arg10 : memref<64x128xf32, #tpu.memory_space<vmem>>) target(%dma_start3A_213 : memref<10240x128xf32, #tpu.memory_space<vmem_shared>>) offsets(%dma_start3A_210 : memref<64xi32, #tpu.memory_space<vmem>>) semaphore(%arg18 : memref<!tpu.dma_semaphore, #tpu.memory_space<semaphore_mem>>) {add = true}
      %add3A_214 = arith.constant 1 : i32
      %add3A_215 = arith.addi %add3A_152, %add3A_214 : i32
      %dma_start3A_216 = arith.constant 0 : i32
      %dma_start3A_217 = arith.constant 0 : i32
      %dma_start3A_218 = tpu.memref_slice %arg3[%add3A, %add3A_215, %dma_start3A_216, %dma_start3A_217] : memref<32x20x8x64xi32, #tpu.memory_space<hbm>> -> memref<1x1x8x64xi32, #tpu.memory_space<hbm>>
      %dma_start3A_219 = tpu.memref_squeeze %dma_start3A_218 : memref<1x1x8x64xi32, #tpu.memory_space<hbm>> -> memref<8x64xi32, #tpu.memory_space<hbm>>
      %dma_start3A_220 = arith.constant 0 : i32
      %dma_start3A_221 = arith.constant 0 : i32
      %dma_start3A_222 = tpu.memref_slice %arg3[%add3A, %add3A_215, %dma_start3A_220, %dma_start3A_221] : memref<32x20x8x64xi32, #tpu.memory_space<hbm>> -> memref<1x1x8x64xi32, #tpu.memory_space<hbm>>
      %dma_start3A_223 = tpu.memref_squeeze %dma_start3A_222 : memref<1x1x8x64xi32, #tpu.memory_space<hbm>> -> memref<8x64xi32, #tpu.memory_space<hbm>>
      tpu.enqueue_dma source(%dma_start3A_223 : memref<8x64xi32, #tpu.memory_space<hbm>>) target(%arg12 : memref<8x64xi32, #tpu.memory_space<vmem>>) target_semaphore(%arg20 : memref<!tpu.dma_semaphore, #tpu.memory_space<semaphore_mem>>)
      %dma_start3A_224 = arith.constant 0 : i32
      %dma_start3A_225 = arith.constant 0 : i32
      %dma_start3A_226 = tpu.memref_slice %arg4[%add3A, %add3A_215, %dma_start3A_224, %dma_start3A_225] : memref<32x20x8x64xi32, #tpu.memory_space<hbm>> -> memref<1x1x8x64xi32, #tpu.memory_space<hbm>>
      %dma_start3A_227 = tpu.memref_squeeze %dma_start3A_226 : memref<1x1x8x64xi32, #tpu.memory_space<hbm>> -> memref<8x64xi32, #tpu.memory_space<hbm>>
      %dma_start3A_228 = arith.constant 0 : i32
      %dma_start3A_229 = arith.constant 0 : i32
      %dma_start3A_230 = tpu.memref_slice %arg4[%add3A, %add3A_215, %dma_start3A_228, %dma_start3A_229] : memref<32x20x8x64xi32, #tpu.memory_space<hbm>> -> memref<1x1x8x64xi32, #tpu.memory_space<hbm>>
      %dma_start3A_231 = tpu.memref_squeeze %dma_start3A_230 : memref<1x1x8x64xi32, #tpu.memory_space<hbm>> -> memref<8x64xi32, #tpu.memory_space<hbm>>
      tpu.enqueue_dma source(%dma_start3A_231 : memref<8x64xi32, #tpu.memory_space<hbm>>) target(%arg14 : memref<8x64xi32, #tpu.memory_space<vmem>>) target_semaphore(%arg20 : memref<!tpu.dma_semaphore, #tpu.memory_space<semaphore_mem>>)
      %dma_start3A_232 = arith.constant 3 : i32
      %dma_start3A_233 = arith.constant 0 : i32
      %dma_start3A_234 = tpu.memref_slice %arg11[%dma_start3A_232, %dma_start3A_233] : memref<8x64xi32, #tpu.memory_space<vmem>> -> memref<1x64xi32, #tpu.memory_space<vmem>>
      %dma_start3A_235 = tpu.memref_squeeze %dma_start3A_234 : memref<1x64xi32, #tpu.memory_space<vmem>> -> memref<64xi32, #tpu.memory_space<vmem>>
      %dma_start3A_236 = arith.constant 0 : i32
      %dma_start3A_237 = arith.constant 0 : i32
      %dma_start3A_238 = tpu.memref_slice %arg2[%dma_start3A_236, %dma_start3A_237] : memref<160000x64xi32, #tpu.memory_space<hbm>> -> memref<160000x64xi32, #tpu.memory_space<hbm>>
      tpu.enqueue_indirect_dma source(%dma_start3A_238 : memref<160000x64xi32, #tpu.memory_space<hbm>>) target(%arg8 : memref<64x64xi32, #tpu.memory_space<vmem>>) offsets(%dma_start3A_235 : memref<64xi32, #tpu.memory_space<vmem>>) semaphore(%arg16 : memref<!tpu.dma_semaphore, #tpu.memory_space<semaphore_mem>>)
      %dma_wait3A_239 = arith.constant 2 : i32
      %dma_wait3A_240 = arith.constant 0 : i32
      %dma_wait3A_241 = tpu.memref_slice %arg11[%dma_wait3A_239, %dma_wait3A_240] : memref<8x64xi32, #tpu.memory_space<vmem>> -> memref<1x64xi32, #tpu.memory_space<vmem>>
      %dma_wait3A_242 = tpu.memref_squeeze %dma_wait3A_241 : memref<1x64xi32, #tpu.memory_space<vmem>> -> memref<64xi32, #tpu.memory_space<vmem>>
      %dma_wait3A_243 = arith.constant 0 : i32
      %dma_wait3A_244 = arith.constant 0 : i32
      %dma_wait3A_245 = tpu.memref_slice %arg2[%dma_wait3A_243, %dma_wait3A_244] : memref<160000x64xi32, #tpu.memory_space<hbm>> -> memref<160000x64xi32, #tpu.memory_space<hbm>>
      tpu.wait_indirect_dma semaphore(%arg15 : memref<!tpu.dma_semaphore, #tpu.memory_space<semaphore_mem>>) src(%dma_wait3A_245 : memref<160000x64xi32, #tpu.memory_space<hbm>>) dst(%arg7 : memref<64x64xi32, #tpu.memory_space<vmem>>)
      %dma_wait3A_246 = arith.constant 0 : i32
      %dma_wait3A_247 = arith.constant 0 : i32
      %dma_wait3A_248 = tpu.memref_slice %arg13[%dma_wait3A_246, %dma_wait3A_247] : memref<8x64xi32, #tpu.memory_space<vmem>> -> memref<1x64xi32, #tpu.memory_space<vmem>>
      %dma_wait3A_249 = tpu.memref_squeeze %dma_wait3A_248 : memref<1x64xi32, #tpu.memory_space<vmem>> -> memref<64xi32, #tpu.memory_space<vmem>>
      %dma_wait3A_250 = arith.constant 0 : i32
      %dma_wait3A_251 = arith.constant 0 : i32
      %dma_wait3A_252 = tpu.memref_slice %arg6[%dma_wait3A_250, %dma_wait3A_251] : memref<10240x128xf32, #tpu.memory_space<vmem_shared>> -> memref<10240x128xf32, #tpu.memory_space<vmem_shared>>
      tpu.wait_indirect_dma semaphore(%arg17 : memref<!tpu.dma_semaphore, #tpu.memory_space<semaphore_mem>>) src(%arg9 : memref<64x128xf32, #tpu.memory_space<vmem>>) dst(%dma_wait3A_252 : memref<10240x128xf32, #tpu.memory_space<vmem_shared>>)
      %scan3A_253 = arith.constant 0 : i32
      %scan3A_254 = arith.constant 0 : i32
      %scan3A_255 = arith.constant 64 : i32
      %scan3A_256 = arith.addi %scan3A_254, %scan3A_255 : i32
      %scan3A_257 = arith.constant 1 : i32
      scf.for %scan3A_732 = %scan3A_254 to %scan3A_256 step %scan3A_257  : i32 {
        %get3A = arith.index_cast %scan3A_732 : i32 to index
        %get3A_733 = arith.constant 0 : index
        %get3A_734 = tpu.vector_load %arg7[%get3A, %get3A_733] {strides = array<i32>} : memref<64x64xi32, #tpu.memory_space<vmem>>, vector<16xi32>,
        %shift_left3A = arith.constant 16 : i32
        %shift_left3A_735 = vector.broadcast %shift_left3A : i32 to vector<16xi32>
        %shift_left3A_736 = arith.shli %get3A_734, %shift_left3A_735 : vector<16xi32>
        %bitcast3A = vector.bitcast %shift_left3A_736 : vector<16xi32> to vector<16xf32>
        %and3A = arith.constant -65536 : i32
        %and3A_737 = vector.broadcast %and3A : i32 to vector<16xi32>
        %and3A_738 = arith.andi %get3A_734, %and3A_737 : vector<16xi32>
        %bitcast3A_739 = vector.bitcast %and3A_738 : vector<16xi32> to vector<16xf32>
        %swap3A = arith.index_cast %scan3A_732 : i32 to index
        %swap3A_740 = arith.constant 0 : index
        %swap3A_741 = tpu.vector_load %arg9[%swap3A, %swap3A_740] {strides = array<i32>} : memref<64x128xf32, #tpu.memory_space<vmem>>, vector<16xf32>,
        tpu.vector_store %arg9[%swap3A, %swap3A_740], %bitcast3A {strides = array<i32>} : memref<64x128xf32, #tpu.memory_space<vmem>>, vector<16xf32>,
        %swap3A_742 = arith.index_cast %scan3A_732 : i32 to index
        %swap3A_743 = arith.constant 16 : index
        %swap3A_744 = tpu.vector_load %arg9[%swap3A_742, %swap3A_743] {strides = array<i32>} : memref<64x128xf32, #tpu.memory_space<vmem>>, vector<16xf32>,
        tpu.vector_store %arg9[%swap3A_742, %swap3A_743], %bitcast3A_739 {strides = array<i32>} : memref<64x128xf32, #tpu.memory_space<vmem>>, vector<16xf32>,
        %get3A_745 = arith.index_cast %scan3A_732 : i32 to index
        %get3A_746 = arith.constant 16 : index
        %get3A_747 = tpu.vector_load %arg7[%get3A_745, %get3A_746] {strides = array<i32>} : memref<64x64xi32, #tpu.memory_space<vmem>>, vector<16xi32>,
        %shift_left3A_748 = arith.constant 16 : i32
        %shift_left3A_749 = vector.broadcast %shift_left3A_748 : i32 to vector<16xi32>
        %shift_left3A_750 = arith.shli %get3A_747, %shift_left3A_749 : vector<16xi32>
        %bitcast3A_751 = vector.bitcast %shift_left3A_750 : vector<16xi32> to vector<16xf32>
        %and3A_752 = arith.constant -65536 : i32
        %and3A_753 = vector.broadcast %and3A_752 : i32 to vector<16xi32>
        %and3A_754 = arith.andi %get3A_747, %and3A_753 : vector<16xi32>
        %bitcast3A_755 = vector.bitcast %and3A_754 : vector<16xi32> to vector<16xf32>
        %swap3A_756 = arith.index_cast %scan3A_732 : i32 to index
        %swap3A_757 = arith.constant 32 : index
        %swap3A_758 = tpu.vector_load %arg9[%swap3A_756, %swap3A_757] {strides = array<i32>} : memref<64x128xf32, #tpu.memory_space<vmem>>, vector<16xf32>,
        tpu.vector_store %arg9[%swap3A_756, %swap3A_757], %bitcast3A_751 {strides = array<i32>} : memref<64x128xf32, #tpu.memory_space<vmem>>, vector<16xf32>,
        %swap3A_759 = arith.index_cast %scan3A_732 : i32 to index
        %swap3A_760 = arith.constant 48 : index
        %swap3A_761 = tpu.vector_load %arg9[%swap3A_759, %swap3A_760] {strides = array<i32>} : memref<64x128xf32, #tpu.memory_space<vmem>>, vector<16xf32>,
        tpu.vector_store %arg9[%swap3A_759, %swap3A_760], %bitcast3A_755 {strides = array<i32>} : memref<64x128xf32, #tpu.memory_space<vmem>>, vector<16xf32>,
        %get3A_762 = arith.index_cast %scan3A_732 : i32 to index
        %get3A_763 = arith.constant 32 : index
        %get3A_764 = tpu.vector_load %arg7[%get3A_762, %get3A_763] {strides = array<i32>} : memref<64x64xi32, #tpu.memory_space<vmem>>, vector<16xi32>,
        %shift_left3A_765 = arith.constant 16 : i32
        %shift_left3A_766 = vector.broadcast %shift_left3A_765 : i32 to vector<16xi32>
        %shift_left3A_767 = arith.shli %get3A_764, %shift_left3A_766 : vector<16xi32>
        %bitcast3A_768 = vector.bitcast %shift_left3A_767 : vector<16xi32> to vector<16xf32>
        %and3A_769 = arith.constant -65536 : i32
        %and3A_770 = vector.broadcast %and3A_769 : i32 to vector<16xi32>
        %and3A_771 = arith.andi %get3A_764, %and3A_770 : vector<16xi32>
        %bitcast3A_772 = vector.bitcast %and3A_771 : vector<16xi32> to vector<16xf32>
        %swap3A_773 = arith.index_cast %scan3A_732 : i32 to index
        %swap3A_774 = arith.constant 64 : index
        %swap3A_775 = tpu.vector_load %arg9[%swap3A_773, %swap3A_774] {strides = array<i32>} : memref<64x128xf32, #tpu.memory_space<vmem>>, vector<16xf32>,
        tpu.vector_store %arg9[%swap3A_773, %swap3A_774], %bitcast3A_768 {strides = array<i32>} : memref<64x128xf32, #tpu.memory_space<vmem>>, vector<16xf32>,
        %swap3A_776 = arith.index_cast %scan3A_732 : i32 to index
        %swap3A_777 = arith.constant 80 : index
        %swap3A_778 = tpu.vector_load %arg9[%swap3A_776, %swap3A_777] {strides = array<i32>} : memref<64x128xf32, #tpu.memory_space<vmem>>, vector<16xf32>,
        tpu.vector_store %arg9[%swap3A_776, %swap3A_777], %bitcast3A_772 {strides = array<i32>} : memref<64x128xf32, #tpu.memory_space<vmem>>, vector<16xf32>,
        %get3A_779 = arith.index_cast %scan3A_732 : i32 to index
        %get3A_780 = arith.constant 48 : index
        %get3A_781 = tpu.vector_load %arg7[%get3A_779, %get3A_780] {strides = array<i32>} : memref<64x64xi32, #tpu.memory_space<vmem>>, vector<16xi32>,
        %shift_left3A_782 = arith.constant 16 : i32
        %shift_left3A_783 = vector.broadcast %shift_left3A_782 : i32 to vector<16xi32>
        %shift_left3A_784 = arith.shli %get3A_781, %shift_left3A_783 : vector<16xi32>
        %bitcast3A_785 = vector.bitcast %shift_left3A_784 : vector<16xi32> to vector<16xf32>
        %and3A_786 = arith.constant -65536 : i32
        %and3A_787 = vector.broadcast %and3A_786 : i32 to vector<16xi32>
        %and3A_788 = arith.andi %get3A_781, %and3A_787 : vector<16xi32>
        %bitcast3A_789 = vector.bitcast %and3A_788 : vector<16xi32> to vector<16xf32>
        %swap3A_790 = arith.index_cast %scan3A_732 : i32 to index
        %swap3A_791 = arith.constant 96 : index
        %swap3A_792 = tpu.vector_load %arg9[%swap3A_790, %swap3A_791] {strides = array<i32>} : memref<64x128xf32, #tpu.memory_space<vmem>>, vector<16xf32>,
        tpu.vector_store %arg9[%swap3A_790, %swap3A_791], %bitcast3A_785 {strides = array<i32>} : memref<64x128xf32, #tpu.memory_space<vmem>>, vector<16xf32>,
        %swap3A_793 = arith.index_cast %scan3A_732 : i32 to index
        %swap3A_794 = arith.constant 112 : index
        %swap3A_795 = tpu.vector_load %arg9[%swap3A_793, %swap3A_794] {strides = array<i32>} : memref<64x128xf32, #tpu.memory_space<vmem>>, vector<16xf32>,
        tpu.vector_store %arg9[%swap3A_793, %swap3A_794], %bitcast3A_789 {strides = array<i32>} : memref<64x128xf32, #tpu.memory_space<vmem>>, vector<16xf32>,
      }
      %scan3A_258 = arith.constant 64 : i32
      %dma_start3A_259 = arith.constant 2 : i32
      %dma_start3A_260 = arith.constant 0 : i32
      %dma_start3A_261 = tpu.memref_slice %arg13[%dma_start3A_259, %dma_start3A_260] : memref<8x64xi32, #tpu.memory_space<vmem>> -> memref<1x64xi32, #tpu.memory_space<vmem>>
      %dma_start3A_262 = tpu.memref_squeeze %dma_start3A_261 : memref<1x64xi32, #tpu.memory_space<vmem>> -> memref<64xi32, #tpu.memory_space<vmem>>
      %dma_start3A_263 = arith.constant 0 : i32
      %dma_start3A_264 = arith.constant 0 : i32
      %dma_start3A_265 = tpu.memref_slice %arg6[%dma_start3A_263, %dma_start3A_264] : memref<10240x128xf32, #tpu.memory_space<vmem_shared>> -> memref<10240x128xf32, #tpu.memory_space<vmem_shared>>
      tpu.enqueue_indirect_dma source(%arg9 : memref<64x128xf32, #tpu.memory_space<vmem>>) target(%dma_start3A_265 : memref<10240x128xf32, #tpu.memory_space<vmem_shared>>) offsets(%dma_start3A_262 : memref<64xi32, #tpu.memory_space<vmem>>) semaphore(%arg17 : memref<!tpu.dma_semaphore, #tpu.memory_space<semaphore_mem>>) {add = true}
      %dma_start3A_266 = arith.constant 4 : i32
      %dma_start3A_267 = arith.constant 0 : i32
      %dma_start3A_268 = tpu.memref_slice %arg11[%dma_start3A_266, %dma_start3A_267] : memref<8x64xi32, #tpu.memory_space<vmem>> -> memref<1x64xi32, #tpu.memory_space<vmem>>
      %dma_start3A_269 = tpu.memref_squeeze %dma_start3A_268 : memref<1x64xi32, #tpu.memory_space<vmem>> -> memref<64xi32, #tpu.memory_space<vmem>>
      %dma_start3A_270 = arith.constant 0 : i32
      %dma_start3A_271 = arith.constant 0 : i32
      %dma_start3A_272 = tpu.memref_slice %arg2[%dma_start3A_270, %dma_start3A_271] : memref<160000x64xi32, #tpu.memory_space<hbm>> -> memref<160000x64xi32, #tpu.memory_space<hbm>>
      tpu.enqueue_indirect_dma source(%dma_start3A_272 : memref<160000x64xi32, #tpu.memory_space<hbm>>) target(%arg7 : memref<64x64xi32, #tpu.memory_space<vmem>>) offsets(%dma_start3A_269 : memref<64xi32, #tpu.memory_space<vmem>>) semaphore(%arg15 : memref<!tpu.dma_semaphore, #tpu.memory_space<semaphore_mem>>)
      %dma_wait3A_273 = arith.constant 3 : i32
      %dma_wait3A_274 = arith.constant 0 : i32
      %dma_wait3A_275 = tpu.memref_slice %arg11[%dma_wait3A_273, %dma_wait3A_274] : memref<8x64xi32, #tpu.memory_space<vmem>> -> memref<1x64xi32, #tpu.memory_space<vmem>>
      %dma_wait3A_276 = tpu.memref_squeeze %dma_wait3A_275 : memref<1x64xi32, #tpu.memory_space<vmem>> -> memref<64xi32, #tpu.memory_space<vmem>>
      %dma_wait3A_277 = arith.constant 0 : i32
      %dma_wait3A_278 = arith.constant 0 : i32
      %dma_wait3A_279 = tpu.memref_slice %arg2[%dma_wait3A_277, %dma_wait3A_278] : memref<160000x64xi32, #tpu.memory_space<hbm>> -> memref<160000x64xi32, #tpu.memory_space<hbm>>
      tpu.wait_indirect_dma semaphore(%arg16 : memref<!tpu.dma_semaphore, #tpu.memory_space<semaphore_mem>>) src(%dma_wait3A_279 : memref<160000x64xi32, #tpu.memory_space<hbm>>) dst(%arg8 : memref<64x64xi32, #tpu.memory_space<vmem>>)
      %dma_wait3A_280 = arith.constant 1 : i32
      %dma_wait3A_281 = arith.constant 0 : i32
      %dma_wait3A_282 = tpu.memref_slice %arg13[%dma_wait3A_280, %dma_wait3A_281] : memref<8x64xi32, #tpu.memory_space<vmem>> -> memref<1x64xi32, #tpu.memory_space<vmem>>
      %dma_wait3A_283 = tpu.memref_squeeze %dma_wait3A_282 : memref<1x64xi32, #tpu.memory_space<vmem>> -> memref<64xi32, #tpu.memory_space<vmem>>
      %dma_wait3A_284 = arith.constant 0 : i32
      %dma_wait3A_285 = arith.constant 0 : i32
      %dma_wait3A_286 = tpu.memref_slice %arg6[%dma_wait3A_284, %dma_wait3A_285] : memref<10240x128xf32, #tpu.memory_space<vmem_shared>> -> memref<10240x128xf32, #tpu.memory_space<vmem_shared>>
      tpu.wait_indirect_dma semaphore(%arg18 : memref<!tpu.dma_semaphore, #tpu.memory_space<semaphore_mem>>) src(%arg10 : memref<64x128xf32, #tpu.memory_space<vmem>>) dst(%dma_wait3A_286 : memref<10240x128xf32, #tpu.memory_space<vmem_shared>>)
      %scan3A_287 = arith.constant 0 : i32
      %scan3A_288 = arith.constant 0 : i32
      %scan3A_289 = arith.constant 64 : i32
      %scan3A_290 = arith.addi %scan3A_288, %scan3A_289 : i32
      %scan3A_291 = arith.constant 1 : i32
      scf.for %scan3A_732 = %scan3A_288 to %scan3A_290 step %scan3A_291  : i32 {
        %get3A = arith.index_cast %scan3A_732 : i32 to index
        %get3A_733 = arith.constant 0 : index
        %get3A_734 = tpu.vector_load %arg8[%get3A, %get3A_733] {strides = array<i32>} : memref<64x64xi32, #tpu.memory_space<vmem>>, vector<16xi32>,
        %shift_left3A = arith.constant 16 : i32
        %shift_left3A_735 = vector.broadcast %shift_left3A : i32 to vector<16xi32>
        %shift_left3A_736 = arith.shli %get3A_734, %shift_left3A_735 : vector<16xi32>
        %bitcast3A = vector.bitcast %shift_left3A_736 : vector<16xi32> to vector<16xf32>
        %and3A = arith.constant -65536 : i32
        %and3A_737 = vector.broadcast %and3A : i32 to vector<16xi32>
        %and3A_738 = arith.andi %get3A_734, %and3A_737 : vector<16xi32>
        %bitcast3A_739 = vector.bitcast %and3A_738 : vector<16xi32> to vector<16xf32>
        %swap3A = arith.index_cast %scan3A_732 : i32 to index
        %swap3A_740 = arith.constant 0 : index
        %swap3A_741 = tpu.vector_load %arg10[%swap3A, %swap3A_740] {strides = array<i32>} : memref<64x128xf32, #tpu.memory_space<vmem>>, vector<16xf32>,
        tpu.vector_store %arg10[%swap3A, %swap3A_740], %bitcast3A {strides = array<i32>} : memref<64x128xf32, #tpu.memory_space<vmem>>, vector<16xf32>,
        %swap3A_742 = arith.index_cast %scan3A_732 : i32 to index
        %swap3A_743 = arith.constant 16 : index
        %swap3A_744 = tpu.vector_load %arg10[%swap3A_742, %swap3A_743] {strides = array<i32>} : memref<64x128xf32, #tpu.memory_space<vmem>>, vector<16xf32>,
        tpu.vector_store %arg10[%swap3A_742, %swap3A_743], %bitcast3A_739 {strides = array<i32>} : memref<64x128xf32, #tpu.memory_space<vmem>>, vector<16xf32>,
        %get3A_745 = arith.index_cast %scan3A_732 : i32 to index
        %get3A_746 = arith.constant 16 : index
        %get3A_747 = tpu.vector_load %arg8[%get3A_745, %get3A_746] {strides = array<i32>} : memref<64x64xi32, #tpu.memory_space<vmem>>, vector<16xi32>,
        %shift_left3A_748 = arith.constant 16 : i32
        %shift_left3A_749 = vector.broadcast %shift_left3A_748 : i32 to vector<16xi32>
        %shift_left3A_750 = arith.shli %get3A_747, %shift_left3A_749 : vector<16xi32>
        %bitcast3A_751 = vector.bitcast %shift_left3A_750 : vector<16xi32> to vector<16xf32>
        %and3A_752 = arith.constant -65536 : i32
        %and3A_753 = vector.broadcast %and3A_752 : i32 to vector<16xi32>
        %and3A_754 = arith.andi %get3A_747, %and3A_753 : vector<16xi32>
        %bitcast3A_755 = vector.bitcast %and3A_754 : vector<16xi32> to vector<16xf32>
        %swap3A_756 = arith.index_cast %scan3A_732 : i32 to index
        %swap3A_757 = arith.constant 32 : index
        %swap3A_758 = tpu.vector_load %arg10[%swap3A_756, %swap3A_757] {strides = array<i32>} : memref<64x128xf32, #tpu.memory_space<vmem>>, vector<16xf32>,
        tpu.vector_store %arg10[%swap3A_756, %swap3A_757], %bitcast3A_751 {strides = array<i32>} : memref<64x128xf32, #tpu.memory_space<vmem>>, vector<16xf32>,
        %swap3A_759 = arith.index_cast %scan3A_732 : i32 to index
        %swap3A_760 = arith.constant 48 : index
        %swap3A_761 = tpu.vector_load %arg10[%swap3A_759, %swap3A_760] {strides = array<i32>} : memref<64x128xf32, #tpu.memory_space<vmem>>, vector<16xf32>,
        tpu.vector_store %arg10[%swap3A_759, %swap3A_760], %bitcast3A_755 {strides = array<i32>} : memref<64x128xf32, #tpu.memory_space<vmem>>, vector<16xf32>,
        %get3A_762 = arith.index_cast %scan3A_732 : i32 to index
        %get3A_763 = arith.constant 32 : index
        %get3A_764 = tpu.vector_load %arg8[%get3A_762, %get3A_763] {strides = array<i32>} : memref<64x64xi32, #tpu.memory_space<vmem>>, vector<16xi32>,
        %shift_left3A_765 = arith.constant 16 : i32
        %shift_left3A_766 = vector.broadcast %shift_left3A_765 : i32 to vector<16xi32>
        %shift_left3A_767 = arith.shli %get3A_764, %shift_left3A_766 : vector<16xi32>
        %bitcast3A_768 = vector.bitcast %shift_left3A_767 : vector<16xi32> to vector<16xf32>
        %and3A_769 = arith.constant -65536 : i32
        %and3A_770 = vector.broadcast %and3A_769 : i32 to vector<16xi32>
        %and3A_771 = arith.andi %get3A_764, %and3A_770 : vector<16xi32>
        %bitcast3A_772 = vector.bitcast %and3A_771 : vector<16xi32> to vector<16xf32>
        %swap3A_773 = arith.index_cast %scan3A_732 : i32 to index
        %swap3A_774 = arith.constant 64 : index
        %swap3A_775 = tpu.vector_load %arg10[%swap3A_773, %swap3A_774] {strides = array<i32>} : memref<64x128xf32, #tpu.memory_space<vmem>>, vector<16xf32>,
        tpu.vector_store %arg10[%swap3A_773, %swap3A_774], %bitcast3A_768 {strides = array<i32>} : memref<64x128xf32, #tpu.memory_space<vmem>>, vector<16xf32>,
        %swap3A_776 = arith.index_cast %scan3A_732 : i32 to index
        %swap3A_777 = arith.constant 80 : index
        %swap3A_778 = tpu.vector_load %arg10[%swap3A_776, %swap3A_777] {strides = array<i32>} : memref<64x128xf32, #tpu.memory_space<vmem>>, vector<16xf32>,
        tpu.vector_store %arg10[%swap3A_776, %swap3A_777], %bitcast3A_772 {strides = array<i32>} : memref<64x128xf32, #tpu.memory_space<vmem>>, vector<16xf32>,
        %get3A_779 = arith.index_cast %scan3A_732 : i32 to index
        %get3A_780 = arith.constant 48 : index
        %get3A_781 = tpu.vector_load %arg8[%get3A_779, %get3A_780] {strides = array<i32>} : memref<64x64xi32, #tpu.memory_space<vmem>>, vector<16xi32>,
        %shift_left3A_782 = arith.constant 16 : i32
        %shift_left3A_783 = vector.broadcast %shift_left3A_782 : i32 to vector<16xi32>
        %shift_left3A_784 = arith.shli %get3A_781, %shift_left3A_783 : vector<16xi32>
        %bitcast3A_785 = vector.bitcast %shift_left3A_784 : vector<16xi32> to vector<16xf32>
        %and3A_786 = arith.constant -65536 : i32
        %and3A_787 = vector.broadcast %and3A_786 : i32 to vector<16xi32>
        %and3A_788 = arith.andi %get3A_781, %and3A_787 : vector<16xi32>
        %bitcast3A_789 = vector.bitcast %and3A_788 : vector<16xi32> to vector<16xf32>
        %swap3A_790 = arith.index_cast %scan3A_732 : i32 to index
        %swap3A_791 = arith.constant 96 : index
        %swap3A_792 = tpu.vector_load %arg10[%swap3A_790, %swap3A_791] {strides = array<i32>} : memref<64x128xf32, #tpu.memory_space<vmem>>, vector<16xf32>,
        tpu.vector_store %arg10[%swap3A_790, %swap3A_791], %bitcast3A_785 {strides = array<i32>} : memref<64x128xf32, #tpu.memory_space<vmem>>, vector<16xf32>,
        %swap3A_793 = arith.index_cast %scan3A_732 : i32 to index
        %swap3A_794 = arith.constant 112 : index
        %swap3A_795 = tpu.vector_load %arg10[%swap3A_793, %swap3A_794] {strides = array<i32>} : memref<64x128xf32, #tpu.memory_space<vmem>>, vector<16xf32>,
        tpu.vector_store %arg10[%swap3A_793, %swap3A_794], %bitcast3A_789 {strides = array<i32>} : memref<64x128xf32, #tpu.memory_space<vmem>>, vector<16xf32>,
      }
      %scan3A_292 = arith.constant 64 : i32
      %dma_start3A_293 = arith.constant 3 : i32
      %dma_start3A_294 = arith.constant 0 : i32
      %dma_start3A_295 = tpu.memref_slice %arg13[%dma_start3A_293, %dma_start3A_294] : memref<8x64xi32, #tpu.memory_space<vmem>> -> memref<1x64xi32, #tpu.memory_space<vmem>>
      %dma_start3A_296 = tpu.memref_squeeze %dma_start3A_295 : memref<1x64xi32, #tpu.memory_space<vmem>> -> memref<64xi32, #tpu.memory_space<vmem>>
      %dma_start3A_297 = arith.constant 0 : i32
      %dma_start3A_298 = arith.constant 0 : i32
      %dma_start3A_299 = tpu.memref_slice %arg6[%dma_start3A_297, %dma_start3A_298] : memref<10240x128xf32, #tpu.memory_space<vmem_shared>> -> memref<10240x128xf32, #tpu.memory_space<vmem_shared>>
      tpu.enqueue_indirect_dma source(%arg10 : memref<64x128xf32, #tpu.memory_space<vmem>>) target(%dma_start3A_299 : memref<10240x128xf32, #tpu.memory_space<vmem_shared>>) offsets(%dma_start3A_296 : memref<64xi32, #tpu.memory_space<vmem>>) semaphore(%arg18 : memref<!tpu.dma_semaphore, #tpu.memory_space<semaphore_mem>>) {add = true}
      %dma_start3A_300 = arith.constant 5 : i32
      %dma_start3A_301 = arith.constant 0 : i32
      %dma_start3A_302 = tpu.memref_slice %arg11[%dma_start3A_300, %dma_start3A_301] : memref<8x64xi32, #tpu.memory_space<vmem>> -> memref<1x64xi32, #tpu.memory_space<vmem>>
      %dma_start3A_303 = tpu.memref_squeeze %dma_start3A_302 : memref<1x64xi32, #tpu.memory_space<vmem>> -> memref<64xi32, #tpu.memory_space<vmem>>
      %dma_start3A_304 = arith.constant 0 : i32
      %dma_start3A_305 = arith.constant 0 : i32
      %dma_start3A_306 = tpu.memref_slice %arg2[%dma_start3A_304, %dma_start3A_305] : memref<160000x64xi32, #tpu.memory_space<hbm>> -> memref<160000x64xi32, #tpu.memory_space<hbm>>
      tpu.enqueue_indirect_dma source(%dma_start3A_306 : memref<160000x64xi32, #tpu.memory_space<hbm>>) target(%arg8 : memref<64x64xi32, #tpu.memory_space<vmem>>) offsets(%dma_start3A_303 : memref<64xi32, #tpu.memory_space<vmem>>) semaphore(%arg16 : memref<!tpu.dma_semaphore, #tpu.memory_space<semaphore_mem>>)
      %dma_wait3A_307 = arith.constant 4 : i32
      %dma_wait3A_308 = arith.constant 0 : i32
      %dma_wait3A_309 = tpu.memref_slice %arg11[%dma_wait3A_307, %dma_wait3A_308] : memref<8x64xi32, #tpu.memory_space<vmem>> -> memref<1x64xi32, #tpu.memory_space<vmem>>
      %dma_wait3A_310 = tpu.memref_squeeze %dma_wait3A_309 : memref<1x64xi32, #tpu.memory_space<vmem>> -> memref<64xi32, #tpu.memory_space<vmem>>
      %dma_wait3A_311 = arith.constant 0 : i32
      %dma_wait3A_312 = arith.constant 0 : i32
      %dma_wait3A_313 = tpu.memref_slice %arg2[%dma_wait3A_311, %dma_wait3A_312] : memref<160000x64xi32, #tpu.memory_space<hbm>> -> memref<160000x64xi32, #tpu.memory_space<hbm>>
      tpu.wait_indirect_dma semaphore(%arg15 : memref<!tpu.dma_semaphore, #tpu.memory_space<semaphore_mem>>) src(%dma_wait3A_313 : memref<160000x64xi32, #tpu.memory_space<hbm>>) dst(%arg7 : memref<64x64xi32, #tpu.memory_space<vmem>>)
      %dma_wait3A_314 = arith.constant 2 : i32
      %dma_wait3A_315 = arith.constant 0 : i32
      %dma_wait3A_316 = tpu.memref_slice %arg13[%dma_wait3A_314, %dma_wait3A_315] : memref<8x64xi32, #tpu.memory_space<vmem>> -> memref<1x64xi32, #tpu.memory_space<vmem>>
      %dma_wait3A_317 = tpu.memref_squeeze %dma_wait3A_316 : memref<1x64xi32, #tpu.memory_space<vmem>> -> memref<64xi32, #tpu.memory_space<vmem>>
      %dma_wait3A_318 = arith.constant 0 : i32
      %dma_wait3A_319 = arith.constant 0 : i32
      %dma_wait3A_320 = tpu.memref_slice %arg6[%dma_wait3A_318, %dma_wait3A_319] : memref<10240x128xf32, #tpu.memory_space<vmem_shared>> -> memref<10240x128xf32, #tpu.memory_space<vmem_shared>>
      tpu.wait_indirect_dma semaphore(%arg17 : memref<!tpu.dma_semaphore, #tpu.memory_space<semaphore_mem>>) src(%arg9 : memref<64x128xf32, #tpu.memory_space<vmem>>) dst(%dma_wait3A_320 : memref<10240x128xf32, #tpu.memory_space<vmem_shared>>)
      %scan3A_321 = arith.constant 0 : i32
      %scan3A_322 = arith.constant 0 : i32
      %scan3A_323 = arith.constant 64 : i32
      %scan3A_324 = arith.addi %scan3A_322, %scan3A_323 : i32
      %scan3A_325 = arith.constant 1 : i32
      scf.for %scan3A_732 = %scan3A_322 to %scan3A_324 step %scan3A_325  : i32 {
        %get3A = arith.index_cast %scan3A_732 : i32 to index
        %get3A_733 = arith.constant 0 : index
        %get3A_734 = tpu.vector_load %arg7[%get3A, %get3A_733] {strides = array<i32>} : memref<64x64xi32, #tpu.memory_space<vmem>>, vector<16xi32>,
        %shift_left3A = arith.constant 16 : i32
        %shift_left3A_735 = vector.broadcast %shift_left3A : i32 to vector<16xi32>
        %shift_left3A_736 = arith.shli %get3A_734, %shift_left3A_735 : vector<16xi32>
        %bitcast3A = vector.bitcast %shift_left3A_736 : vector<16xi32> to vector<16xf32>
        %and3A = arith.constant -65536 : i32
        %and3A_737 = vector.broadcast %and3A : i32 to vector<16xi32>
        %and3A_738 = arith.andi %get3A_734, %and3A_737 : vector<16xi32>
        %bitcast3A_739 = vector.bitcast %and3A_738 : vector<16xi32> to vector<16xf32>
        %swap3A = arith.index_cast %scan3A_732 : i32 to index
        %swap3A_740 = arith.constant 0 : index
        %swap3A_741 = tpu.vector_load %arg9[%swap3A, %swap3A_740] {strides = array<i32>} : memref<64x128xf32, #tpu.memory_space<vmem>>, vector<16xf32>,
        tpu.vector_store %arg9[%swap3A, %swap3A_740], %bitcast3A {strides = array<i32>} : memref<64x128xf32, #tpu.memory_space<vmem>>, vector<16xf32>,
        %swap3A_742 = arith.index_cast %scan3A_732 : i32 to index
        %swap3A_743 = arith.constant 16 : index
        %swap3A_744 = tpu.vector_load %arg9[%swap3A_742, %swap3A_743] {strides = array<i32>} : memref<64x128xf32, #tpu.memory_space<vmem>>, vector<16xf32>,
        tpu.vector_store %arg9[%swap3A_742, %swap3A_743], %bitcast3A_739 {strides = array<i32>} : memref<64x128xf32, #tpu.memory_space<vmem>>, vector<16xf32>,
        %get3A_745 = arith.index_cast %scan3A_732 : i32 to index
        %get3A_746 = arith.constant 16 : index
        %get3A_747 = tpu.vector_load %arg7[%get3A_745, %get3A_746] {strides = array<i32>} : memref<64x64xi32, #tpu.memory_space<vmem>>, vector<16xi32>,
        %shift_left3A_748 = arith.constant 16 : i32
        %shift_left3A_749 = vector.broadcast %shift_left3A_748 : i32 to vector<16xi32>
        %shift_left3A_750 = arith.shli %get3A_747, %shift_left3A_749 : vector<16xi32>
        %bitcast3A_751 = vector.bitcast %shift_left3A_750 : vector<16xi32> to vector<16xf32>
        %and3A_752 = arith.constant -65536 : i32
        %and3A_753 = vector.broadcast %and3A_752 : i32 to vector<16xi32>
        %and3A_754 = arith.andi %get3A_747, %and3A_753 : vector<16xi32>
        %bitcast3A_755 = vector.bitcast %and3A_754 : vector<16xi32> to vector<16xf32>
        %swap3A_756 = arith.index_cast %scan3A_732 : i32 to index
        %swap3A_757 = arith.constant 32 : index
        %swap3A_758 = tpu.vector_load %arg9[%swap3A_756, %swap3A_757] {strides = array<i32>} : memref<64x128xf32, #tpu.memory_space<vmem>>, vector<16xf32>,
        tpu.vector_store %arg9[%swap3A_756, %swap3A_757], %bitcast3A_751 {strides = array<i32>} : memref<64x128xf32, #tpu.memory_space<vmem>>, vector<16xf32>,
        %swap3A_759 = arith.index_cast %scan3A_732 : i32 to index
        %swap3A_760 = arith.constant 48 : index
        %swap3A_761 = tpu.vector_load %arg9[%swap3A_759, %swap3A_760] {strides = array<i32>} : memref<64x128xf32, #tpu.memory_space<vmem>>, vector<16xf32>,
        tpu.vector_store %arg9[%swap3A_759, %swap3A_760], %bitcast3A_755 {strides = array<i32>} : memref<64x128xf32, #tpu.memory_space<vmem>>, vector<16xf32>,
        %get3A_762 = arith.index_cast %scan3A_732 : i32 to index
        %get3A_763 = arith.constant 32 : index
        %get3A_764 = tpu.vector_load %arg7[%get3A_762, %get3A_763] {strides = array<i32>} : memref<64x64xi32, #tpu.memory_space<vmem>>, vector<16xi32>,
        %shift_left3A_765 = arith.constant 16 : i32
        %shift_left3A_766 = vector.broadcast %shift_left3A_765 : i32 to vector<16xi32>
        %shift_left3A_767 = arith.shli %get3A_764, %shift_left3A_766 : vector<16xi32>
        %bitcast3A_768 = vector.bitcast %shift_left3A_767 : vector<16xi32> to vector<16xf32>
        %and3A_769 = arith.constant -65536 : i32
        %and3A_770 = vector.broadcast %and3A_769 : i32 to vector<16xi32>
        %and3A_771 = arith.andi %get3A_764, %and3A_770 : vector<16xi32>
        %bitcast3A_772 = vector.bitcast %and3A_771 : vector<16xi32> to vector<16xf32>
        %swap3A_773 = arith.index_cast %scan3A_732 : i32 to index
        %swap3A_774 = arith.constant 64 : index
        %swap3A_775 = tpu.vector_load %arg9[%swap3A_773, %swap3A_774] {strides = array<i32>} : memref<64x128xf32, #tpu.memory_space<vmem>>, vector<16xf32>,
        tpu.vector_store %arg9[%swap3A_773, %swap3A_774], %bitcast3A_768 {strides = array<i32>} : memref<64x128xf32, #tpu.memory_space<vmem>>, vector<16xf32>,
        %swap3A_776 = arith.index_cast %scan3A_732 : i32 to index
        %swap3A_777 = arith.constant 80 : index
        %swap3A_778 = tpu.vector_load %arg9[%swap3A_776, %swap3A_777] {strides = array<i32>} : memref<64x128xf32, #tpu.memory_space<vmem>>, vector<16xf32>,
        tpu.vector_store %arg9[%swap3A_776, %swap3A_777], %bitcast3A_772 {strides = array<i32>} : memref<64x128xf32, #tpu.memory_space<vmem>>, vector<16xf32>,
        %get3A_779 = arith.index_cast %scan3A_732 : i32 to index
        %get3A_780 = arith.constant 48 : index
        %get3A_781 = tpu.vector_load %arg7[%get3A_779, %get3A_780] {strides = array<i32>} : memref<64x64xi32, #tpu.memory_space<vmem>>, vector<16xi32>,
        %shift_left3A_782 = arith.constant 16 : i32
        %shift_left3A_783 = vector.broadcast %shift_left3A_782 : i32 to vector<16xi32>
        %shift_left3A_784 = arith.shli %get3A_781, %shift_left3A_783 : vector<16xi32>
        %bitcast3A_785 = vector.bitcast %shift_left3A_784 : vector<16xi32> to vector<16xf32>
        %and3A_786 = arith.constant -65536 : i32
        %and3A_787 = vector.broadcast %and3A_786 : i32 to vector<16xi32>
        %and3A_788 = arith.andi %get3A_781, %and3A_787 : vector<16xi32>
        %bitcast3A_789 = vector.bitcast %and3A_788 : vector<16xi32> to vector<16xf32>
        %swap3A_790 = arith.index_cast %scan3A_732 : i32 to index
        %swap3A_791 = arith.constant 96 : index
        %swap3A_792 = tpu.vector_load %arg9[%swap3A_790, %swap3A_791] {strides = array<i32>} : memref<64x128xf32, #tpu.memory_space<vmem>>, vector<16xf32>,
        tpu.vector_store %arg9[%swap3A_790, %swap3A_791], %bitcast3A_785 {strides = array<i32>} : memref<64x128xf32, #tpu.memory_space<vmem>>, vector<16xf32>,
        %swap3A_793 = arith.index_cast %scan3A_732 : i32 to index
        %swap3A_794 = arith.constant 112 : index
        %swap3A_795 = tpu.vector_load %arg9[%swap3A_793, %swap3A_794] {strides = array<i32>} : memref<64x128xf32, #tpu.memory_space<vmem>>, vector<16xf32>,
        tpu.vector_store %arg9[%swap3A_793, %swap3A_794], %bitcast3A_789 {strides = array<i32>} : memref<64x128xf32, #tpu.memory_space<vmem>>, vector<16xf32>,
      }
      %scan3A_326 = arith.constant 64 : i32
      %dma_start3A_327 = arith.constant 4 : i32
      %dma_start3A_328 = arith.constant 0 : i32
      %dma_start3A_329 = tpu.memref_slice %arg13[%dma_start3A_327, %dma_start3A_328] : memref<8x64xi32, #tpu.memory_space<vmem>> -> memref<1x64xi32, #tpu.memory_space<vmem>>
      %dma_start3A_330 = tpu.memref_squeeze %dma_start3A_329 : memref<1x64xi32, #tpu.memory_space<vmem>> -> memref<64xi32, #tpu.memory_space<vmem>>
      %dma_start3A_331 = arith.constant 0 : i32
      %dma_start3A_332 = arith.constant 0 : i32
      %dma_start3A_333 = tpu.memref_slice %arg6[%dma_start3A_331, %dma_start3A_332] : memref<10240x128xf32, #tpu.memory_space<vmem_shared>> -> memref<10240x128xf32, #tpu.memory_space<vmem_shared>>
      tpu.enqueue_indirect_dma source(%arg9 : memref<64x128xf32, #tpu.memory_space<vmem>>) target(%dma_start3A_333 : memref<10240x128xf32, #tpu.memory_space<vmem_shared>>) offsets(%dma_start3A_330 : memref<64xi32, #tpu.memory_space<vmem>>) semaphore(%arg17 : memref<!tpu.dma_semaphore, #tpu.memory_space<semaphore_mem>>) {add = true}
      %dma_start3A_334 = arith.constant 6 : i32
      %dma_start3A_335 = arith.constant 0 : i32
      %dma_start3A_336 = tpu.memref_slice %arg11[%dma_start3A_334, %dma_start3A_335] : memref<8x64xi32, #tpu.memory_space<vmem>> -> memref<1x64xi32, #tpu.memory_space<vmem>>
      %dma_start3A_337 = tpu.memref_squeeze %dma_start3A_336 : memref<1x64xi32, #tpu.memory_space<vmem>> -> memref<64xi32, #tpu.memory_space<vmem>>
      %dma_start3A_338 = arith.constant 0 : i32
      %dma_start3A_339 = arith.constant 0 : i32
      %dma_start3A_340 = tpu.memref_slice %arg2[%dma_start3A_338, %dma_start3A_339] : memref<160000x64xi32, #tpu.memory_space<hbm>> -> memref<160000x64xi32, #tpu.memory_space<hbm>>
      tpu.enqueue_indirect_dma source(%dma_start3A_340 : memref<160000x64xi32, #tpu.memory_space<hbm>>) target(%arg7 : memref<64x64xi32, #tpu.memory_space<vmem>>) offsets(%dma_start3A_337 : memref<64xi32, #tpu.memory_space<vmem>>) semaphore(%arg15 : memref<!tpu.dma_semaphore, #tpu.memory_space<semaphore_mem>>)
      %dma_wait3A_341 = arith.constant 5 : i32
      %dma_wait3A_342 = arith.constant 0 : i32
      %dma_wait3A_343 = tpu.memref_slice %arg11[%dma_wait3A_341, %dma_wait3A_342] : memref<8x64xi32, #tpu.memory_space<vmem>> -> memref<1x64xi32, #tpu.memory_space<vmem>>
      %dma_wait3A_344 = tpu.memref_squeeze %dma_wait3A_343 : memref<1x64xi32, #tpu.memory_space<vmem>> -> memref<64xi32, #tpu.memory_space<vmem>>
      %dma_wait3A_345 = arith.constant 0 : i32
      %dma_wait3A_346 = arith.constant 0 : i32
      %dma_wait3A_347 = tpu.memref_slice %arg2[%dma_wait3A_345, %dma_wait3A_346] : memref<160000x64xi32, #tpu.memory_space<hbm>> -> memref<160000x64xi32, #tpu.memory_space<hbm>>
      tpu.wait_indirect_dma semaphore(%arg16 : memref<!tpu.dma_semaphore, #tpu.memory_space<semaphore_mem>>) src(%dma_wait3A_347 : memref<160000x64xi32, #tpu.memory_space<hbm>>) dst(%arg8 : memref<64x64xi32, #tpu.memory_space<vmem>>)
      %dma_wait3A_348 = arith.constant 3 : i32
      %dma_wait3A_349 = arith.constant 0 : i32
      %dma_wait3A_350 = tpu.memref_slice %arg13[%dma_wait3A_348, %dma_wait3A_349] : memref<8x64xi32, #tpu.memory_space<vmem>> -> memref<1x64xi32, #tpu.memory_space<vmem>>
      %dma_wait3A_351 = tpu.memref_squeeze %dma_wait3A_350 : memref<1x64xi32, #tpu.memory_space<vmem>> -> memref<64xi32, #tpu.memory_space<vmem>>
      %dma_wait3A_352 = arith.constant 0 : i32
      %dma_wait3A_353 = arith.constant 0 : i32
      %dma_wait3A_354 = tpu.memref_slice %arg6[%dma_wait3A_352, %dma_wait3A_353] : memref<10240x128xf32, #tpu.memory_space<vmem_shared>> -> memref<10240x128xf32, #tpu.memory_space<vmem_shared>>
      tpu.wait_indirect_dma semaphore(%arg18 : memref<!tpu.dma_semaphore, #tpu.memory_space<semaphore_mem>>) src(%arg10 : memref<64x128xf32, #tpu.memory_space<vmem>>) dst(%dma_wait3A_354 : memref<10240x128xf32, #tpu.memory_space<vmem_shared>>)
      %scan3A_355 = arith.constant 0 : i32
      %scan3A_356 = arith.constant 0 : i32
      %scan3A_357 = arith.constant 64 : i32
      %scan3A_358 = arith.addi %scan3A_356, %scan3A_357 : i32
      %scan3A_359 = arith.constant 1 : i32
      scf.for %scan3A_732 = %scan3A_356 to %scan3A_358 step %scan3A_359  : i32 {
        %get3A = arith.index_cast %scan3A_732 : i32 to index
        %get3A_733 = arith.constant 0 : index
        %get3A_734 = tpu.vector_load %arg8[%get3A, %get3A_733] {strides = array<i32>} : memref<64x64xi32, #tpu.memory_space<vmem>>, vector<16xi32>,
        %shift_left3A = arith.constant 16 : i32
        %shift_left3A_735 = vector.broadcast %shift_left3A : i32 to vector<16xi32>
        %shift_left3A_736 = arith.shli %get3A_734, %shift_left3A_735 : vector<16xi32>
        %bitcast3A = vector.bitcast %shift_left3A_736 : vector<16xi32> to vector<16xf32>
        %and3A = arith.constant -65536 : i32
        %and3A_737 = vector.broadcast %and3A : i32 to vector<16xi32>
        %and3A_738 = arith.andi %get3A_734, %and3A_737 : vector<16xi32>
        %bitcast3A_739 = vector.bitcast %and3A_738 : vector<16xi32> to vector<16xf32>
        %swap3A = arith.index_cast %scan3A_732 : i32 to index
        %swap3A_740 = arith.constant 0 : index
        %swap3A_741 = tpu.vector_load %arg10[%swap3A, %swap3A_740] {strides = array<i32>} : memref<64x128xf32, #tpu.memory_space<vmem>>, vector<16xf32>,
        tpu.vector_store %arg10[%swap3A, %swap3A_740], %bitcast3A {strides = array<i32>} : memref<64x128xf32, #tpu.memory_space<vmem>>, vector<16xf32>,
        %swap3A_742 = arith.index_cast %scan3A_732 : i32 to index
        %swap3A_743 = arith.constant 16 : index
        %swap3A_744 = tpu.vector_load %arg10[%swap3A_742, %swap3A_743] {strides = array<i32>} : memref<64x128xf32, #tpu.memory_space<vmem>>, vector<16xf32>,
        tpu.vector_store %arg10[%swap3A_742, %swap3A_743], %bitcast3A_739 {strides = array<i32>} : memref<64x128xf32, #tpu.memory_space<vmem>>, vector<16xf32>,
        %get3A_745 = arith.index_cast %scan3A_732 : i32 to index
        %get3A_746 = arith.constant 16 : index
        %get3A_747 = tpu.vector_load %arg8[%get3A_745, %get3A_746] {strides = array<i32>} : memref<64x64xi32, #tpu.memory_space<vmem>>, vector<16xi32>,
        %shift_left3A_748 = arith.constant 16 : i32
        %shift_left3A_749 = vector.broadcast %shift_left3A_748 : i32 to vector<16xi32>
        %shift_left3A_750 = arith.shli %get3A_747, %shift_left3A_749 : vector<16xi32>
        %bitcast3A_751 = vector.bitcast %shift_left3A_750 : vector<16xi32> to vector<16xf32>
        %and3A_752 = arith.constant -65536 : i32
        %and3A_753 = vector.broadcast %and3A_752 : i32 to vector<16xi32>
        %and3A_754 = arith.andi %get3A_747, %and3A_753 : vector<16xi32>
        %bitcast3A_755 = vector.bitcast %and3A_754 : vector<16xi32> to vector<16xf32>
        %swap3A_756 = arith.index_cast %scan3A_732 : i32 to index
        %swap3A_757 = arith.constant 32 : index
        %swap3A_758 = tpu.vector_load %arg10[%swap3A_756, %swap3A_757] {strides = array<i32>} : memref<64x128xf32, #tpu.memory_space<vmem>>, vector<16xf32>,
        tpu.vector_store %arg10[%swap3A_756, %swap3A_757], %bitcast3A_751 {strides = array<i32>} : memref<64x128xf32, #tpu.memory_space<vmem>>, vector<16xf32>,
        %swap3A_759 = arith.index_cast %scan3A_732 : i32 to index
        %swap3A_760 = arith.constant 48 : index
        %swap3A_761 = tpu.vector_load %arg10[%swap3A_759, %swap3A_760] {strides = array<i32>} : memref<64x128xf32, #tpu.memory_space<vmem>>, vector<16xf32>,
        tpu.vector_store %arg10[%swap3A_759, %swap3A_760], %bitcast3A_755 {strides = array<i32>} : memref<64x128xf32, #tpu.memory_space<vmem>>, vector<16xf32>,
        %get3A_762 = arith.index_cast %scan3A_732 : i32 to index
        %get3A_763 = arith.constant 32 : index
        %get3A_764 = tpu.vector_load %arg8[%get3A_762, %get3A_763] {strides = array<i32>} : memref<64x64xi32, #tpu.memory_space<vmem>>, vector<16xi32>,
        %shift_left3A_765 = arith.constant 16 : i32
        %shift_left3A_766 = vector.broadcast %shift_left3A_765 : i32 to vector<16xi32>
        %shift_left3A_767 = arith.shli %get3A_764, %shift_left3A_766 : vector<16xi32>
        %bitcast3A_768 = vector.bitcast %shift_left3A_767 : vector<16xi32> to vector<16xf32>
        %and3A_769 = arith.constant -65536 : i32
        %and3A_770 = vector.broadcast %and3A_769 : i32 to vector<16xi32>
        %and3A_771 = arith.andi %get3A_764, %and3A_770 : vector<16xi32>
        %bitcast3A_772 = vector.bitcast %and3A_771 : vector<16xi32> to vector<16xf32>
        %swap3A_773 = arith.index_cast %scan3A_732 : i32 to index
        %swap3A_774 = arith.constant 64 : index
        %swap3A_775 = tpu.vector_load %arg10[%swap3A_773, %swap3A_774] {strides = array<i32>} : memref<64x128xf32, #tpu.memory_space<vmem>>, vector<16xf32>,
        tpu.vector_store %arg10[%swap3A_773, %swap3A_774], %bitcast3A_768 {strides = array<i32>} : memref<64x128xf32, #tpu.memory_space<vmem>>, vector<16xf32>,
        %swap3A_776 = arith.index_cast %scan3A_732 : i32 to index
        %swap3A_777 = arith.constant 80 : index
        %swap3A_778 = tpu.vector_load %arg10[%swap3A_776, %swap3A_777] {strides = array<i32>} : memref<64x128xf32, #tpu.memory_space<vmem>>, vector<16xf32>,
        tpu.vector_store %arg10[%swap3A_776, %swap3A_777], %bitcast3A_772 {strides = array<i32>} : memref<64x128xf32, #tpu.memory_space<vmem>>, vector<16xf32>,
        %get3A_779 = arith.index_cast %scan3A_732 : i32 to index
        %get3A_780 = arith.constant 48 : index
        %get3A_781 = tpu.vector_load %arg8[%get3A_779, %get3A_780] {strides = array<i32>} : memref<64x64xi32, #tpu.memory_space<vmem>>, vector<16xi32>,
        %shift_left3A_782 = arith.constant 16 : i32
        %shift_left3A_783 = vector.broadcast %shift_left3A_782 : i32 to vector<16xi32>
        %shift_left3A_784 = arith.shli %get3A_781, %shift_left3A_783 : vector<16xi32>
        %bitcast3A_785 = vector.bitcast %shift_left3A_784 : vector<16xi32> to vector<16xf32>
        %and3A_786 = arith.constant -65536 : i32
        %and3A_787 = vector.broadcast %and3A_786 : i32 to vector<16xi32>
        %and3A_788 = arith.andi %get3A_781, %and3A_787 : vector<16xi32>
        %bitcast3A_789 = vector.bitcast %and3A_788 : vector<16xi32> to vector<16xf32>
        %swap3A_790 = arith.index_cast %scan3A_732 : i32 to index
        %swap3A_791 = arith.constant 96 : index
        %swap3A_792 = tpu.vector_load %arg10[%swap3A_790, %swap3A_791] {strides = array<i32>} : memref<64x128xf32, #tpu.memory_space<vmem>>, vector<16xf32>,
        tpu.vector_store %arg10[%swap3A_790, %swap3A_791], %bitcast3A_785 {strides = array<i32>} : memref<64x128xf32, #tpu.memory_space<vmem>>, vector<16xf32>,
        %swap3A_793 = arith.index_cast %scan3A_732 : i32 to index
        %swap3A_794 = arith.constant 112 : index
        %swap3A_795 = tpu.vector_load %arg10[%swap3A_793, %swap3A_794] {strides = array<i32>} : memref<64x128xf32, #tpu.memory_space<vmem>>, vector<16xf32>,
        tpu.vector_store %arg10[%swap3A_793, %swap3A_794], %bitcast3A_789 {strides = array<i32>} : memref<64x128xf32, #tpu.memory_space<vmem>>, vector<16xf32>,
      }
      %scan3A_360 = arith.constant 64 : i32
      %dma_start3A_361 = arith.constant 5 : i32
      %dma_start3A_362 = arith.constant 0 : i32
      %dma_start3A_363 = tpu.memref_slice %arg13[%dma_start3A_361, %dma_start3A_362] : memref<8x64xi32, #tpu.memory_space<vmem>> -> memref<1x64xi32, #tpu.memory_space<vmem>>
      %dma_start3A_364 = tpu.memref_squeeze %dma_start3A_363 : memref<1x64xi32, #tpu.memory_space<vmem>> -> memref<64xi32, #tpu.memory_space<vmem>>
      %dma_start3A_365 = arith.constant 0 : i32
      %dma_start3A_366 = arith.constant 0 : i32
      %dma_start3A_367 = tpu.memref_slice %arg6[%dma_start3A_365, %dma_start3A_366] : memref<10240x128xf32, #tpu.memory_space<vmem_shared>> -> memref<10240x128xf32, #tpu.memory_space<vmem_shared>>
      tpu.enqueue_indirect_dma source(%arg10 : memref<64x128xf32, #tpu.memory_space<vmem>>) target(%dma_start3A_367 : memref<10240x128xf32, #tpu.memory_space<vmem_shared>>) offsets(%dma_start3A_364 : memref<64xi32, #tpu.memory_space<vmem>>) semaphore(%arg18 : memref<!tpu.dma_semaphore, #tpu.memory_space<semaphore_mem>>) {add = true}
      %dma_start3A_368 = arith.constant 7 : i32
      %dma_start3A_369 = arith.constant 0 : i32
      %dma_start3A_370 = tpu.memref_slice %arg11[%dma_start3A_368, %dma_start3A_369] : memref<8x64xi32, #tpu.memory_space<vmem>> -> memref<1x64xi32, #tpu.memory_space<vmem>>
      %dma_start3A_371 = tpu.memref_squeeze %dma_start3A_370 : memref<1x64xi32, #tpu.memory_space<vmem>> -> memref<64xi32, #tpu.memory_space<vmem>>
      %dma_start3A_372 = arith.constant 0 : i32
      %dma_start3A_373 = arith.constant 0 : i32
      %dma_start3A_374 = tpu.memref_slice %arg2[%dma_start3A_372, %dma_start3A_373] : memref<160000x64xi32, #tpu.memory_space<hbm>> -> memref<160000x64xi32, #tpu.memory_space<hbm>>
      tpu.enqueue_indirect_dma source(%dma_start3A_374 : memref<160000x64xi32, #tpu.memory_space<hbm>>) target(%arg8 : memref<64x64xi32, #tpu.memory_space<vmem>>) offsets(%dma_start3A_371 : memref<64xi32, #tpu.memory_space<vmem>>) semaphore(%arg16 : memref<!tpu.dma_semaphore, #tpu.memory_space<semaphore_mem>>)
      %dma_wait3A_375 = arith.constant 6 : i32
      %dma_wait3A_376 = arith.constant 0 : i32
      %dma_wait3A_377 = tpu.memref_slice %arg11[%dma_wait3A_375, %dma_wait3A_376] : memref<8x64xi32, #tpu.memory_space<vmem>> -> memref<1x64xi32, #tpu.memory_space<vmem>>
      %dma_wait3A_378 = tpu.memref_squeeze %dma_wait3A_377 : memref<1x64xi32, #tpu.memory_space<vmem>> -> memref<64xi32, #tpu.memory_space<vmem>>
      %dma_wait3A_379 = arith.constant 0 : i32
      %dma_wait3A_380 = arith.constant 0 : i32
      %dma_wait3A_381 = tpu.memref_slice %arg2[%dma_wait3A_379, %dma_wait3A_380] : memref<160000x64xi32, #tpu.memory_space<hbm>> -> memref<160000x64xi32, #tpu.memory_space<hbm>>
      tpu.wait_indirect_dma semaphore(%arg15 : memref<!tpu.dma_semaphore, #tpu.memory_space<semaphore_mem>>) src(%dma_wait3A_381 : memref<160000x64xi32, #tpu.memory_space<hbm>>) dst(%arg7 : memref<64x64xi32, #tpu.memory_space<vmem>>)
      %dma_wait3A_382 = arith.constant 4 : i32
      %dma_wait3A_383 = arith.constant 0 : i32
      %dma_wait3A_384 = tpu.memref_slice %arg13[%dma_wait3A_382, %dma_wait3A_383] : memref<8x64xi32, #tpu.memory_space<vmem>> -> memref<1x64xi32, #tpu.memory_space<vmem>>
      %dma_wait3A_385 = tpu.memref_squeeze %dma_wait3A_384 : memref<1x64xi32, #tpu.memory_space<vmem>> -> memref<64xi32, #tpu.memory_space<vmem>>
      %dma_wait3A_386 = arith.constant 0 : i32
      %dma_wait3A_387 = arith.constant 0 : i32
      %dma_wait3A_388 = tpu.memref_slice %arg6[%dma_wait3A_386, %dma_wait3A_387] : memref<10240x128xf32, #tpu.memory_space<vmem_shared>> -> memref<10240x128xf32, #tpu.memory_space<vmem_shared>>
      tpu.wait_indirect_dma semaphore(%arg17 : memref<!tpu.dma_semaphore, #tpu.memory_space<semaphore_mem>>) src(%arg9 : memref<64x128xf32, #tpu.memory_space<vmem>>) dst(%dma_wait3A_388 : memref<10240x128xf32, #tpu.memory_space<vmem_shared>>)
      %scan3A_389 = arith.constant 0 : i32
      %scan3A_390 = arith.constant 0 : i32
      %scan3A_391 = arith.constant 64 : i32
      %scan3A_392 = arith.addi %scan3A_390, %scan3A_391 : i32
      %scan3A_393 = arith.constant 1 : i32
      scf.for %scan3A_732 = %scan3A_390 to %scan3A_392 step %scan3A_393  : i32 {
        %get3A = arith.index_cast %scan3A_732 : i32 to index
        %get3A_733 = arith.constant 0 : index
        %get3A_734 = tpu.vector_load %arg7[%get3A, %get3A_733] {strides = array<i32>} : memref<64x64xi32, #tpu.memory_space<vmem>>, vector<16xi32>,
        %shift_left3A = arith.constant 16 : i32
        %shift_left3A_735 = vector.broadcast %shift_left3A : i32 to vector<16xi32>
        %shift_left3A_736 = arith.shli %get3A_734, %shift_left3A_735 : vector<16xi32>
        %bitcast3A = vector.bitcast %shift_left3A_736 : vector<16xi32> to vector<16xf32>
        %and3A = arith.constant -65536 : i32
        %and3A_737 = vector.broadcast %and3A : i32 to vector<16xi32>
        %and3A_738 = arith.andi %get3A_734, %and3A_737 : vector<16xi32>
        %bitcast3A_739 = vector.bitcast %and3A_738 : vector<16xi32> to vector<16xf32>
        %swap3A = arith.index_cast %scan3A_732 : i32 to index
        %swap3A_740 = arith.constant 0 : index
        %swap3A_741 = tpu.vector_load %arg9[%swap3A, %swap3A_740] {strides = array<i32>} : memref<64x128xf32, #tpu.memory_space<vmem>>, vector<16xf32>,
        tpu.vector_store %arg9[%swap3A, %swap3A_740], %bitcast3A {strides = array<i32>} : memref<64x128xf32, #tpu.memory_space<vmem>>, vector<16xf32>,
        %swap3A_742 = arith.index_cast %scan3A_732 : i32 to index
        %swap3A_743 = arith.constant 16 : index
        %swap3A_744 = tpu.vector_load %arg9[%swap3A_742, %swap3A_743] {strides = array<i32>} : memref<64x128xf32, #tpu.memory_space<vmem>>, vector<16xf32>,
        tpu.vector_store %arg9[%swap3A_742, %swap3A_743], %bitcast3A_739 {strides = array<i32>} : memref<64x128xf32, #tpu.memory_space<vmem>>, vector<16xf32>,
        %get3A_745 = arith.index_cast %scan3A_732 : i32 to index
        %get3A_746 = arith.constant 16 : index
        %get3A_747 = tpu.vector_load %arg7[%get3A_745, %get3A_746] {strides = array<i32>} : memref<64x64xi32, #tpu.memory_space<vmem>>, vector<16xi32>,
        %shift_left3A_748 = arith.constant 16 : i32
        %shift_left3A_749 = vector.broadcast %shift_left3A_748 : i32 to vector<16xi32>
        %shift_left3A_750 = arith.shli %get3A_747, %shift_left3A_749 : vector<16xi32>
        %bitcast3A_751 = vector.bitcast %shift_left3A_750 : vector<16xi32> to vector<16xf32>
        %and3A_752 = arith.constant -65536 : i32
        %and3A_753 = vector.broadcast %and3A_752 : i32 to vector<16xi32>
        %and3A_754 = arith.andi %get3A_747, %and3A_753 : vector<16xi32>
        %bitcast3A_755 = vector.bitcast %and3A_754 : vector<16xi32> to vector<16xf32>
        %swap3A_756 = arith.index_cast %scan3A_732 : i32 to index
        %swap3A_757 = arith.constant 32 : index
        %swap3A_758 = tpu.vector_load %arg9[%swap3A_756, %swap3A_757] {strides = array<i32>} : memref<64x128xf32, #tpu.memory_space<vmem>>, vector<16xf32>,
        tpu.vector_store %arg9[%swap3A_756, %swap3A_757], %bitcast3A_751 {strides = array<i32>} : memref<64x128xf32, #tpu.memory_space<vmem>>, vector<16xf32>,
        %swap3A_759 = arith.index_cast %scan3A_732 : i32 to index
        %swap3A_760 = arith.constant 48 : index
        %swap3A_761 = tpu.vector_load %arg9[%swap3A_759, %swap3A_760] {strides = array<i32>} : memref<64x128xf32, #tpu.memory_space<vmem>>, vector<16xf32>,
        tpu.vector_store %arg9[%swap3A_759, %swap3A_760], %bitcast3A_755 {strides = array<i32>} : memref<64x128xf32, #tpu.memory_space<vmem>>, vector<16xf32>,
        %get3A_762 = arith.index_cast %scan3A_732 : i32 to index
        %get3A_763 = arith.constant 32 : index
        %get3A_764 = tpu.vector_load %arg7[%get3A_762, %get3A_763] {strides = array<i32>} : memref<64x64xi32, #tpu.memory_space<vmem>>, vector<16xi32>,
        %shift_left3A_765 = arith.constant 16 : i32
        %shift_left3A_766 = vector.broadcast %shift_left3A_765 : i32 to vector<16xi32>
        %shift_left3A_767 = arith.shli %get3A_764, %shift_left3A_766 : vector<16xi32>
        %bitcast3A_768 = vector.bitcast %shift_left3A_767 : vector<16xi32> to vector<16xf32>
        %and3A_769 = arith.constant -65536 : i32
        %and3A_770 = vector.broadcast %and3A_769 : i32 to vector<16xi32>
        %and3A_771 = arith.andi %get3A_764, %and3A_770 : vector<16xi32>
        %bitcast3A_772 = vector.bitcast %and3A_771 : vector<16xi32> to vector<16xf32>
        %swap3A_773 = arith.index_cast %scan3A_732 : i32 to index
        %swap3A_774 = arith.constant 64 : index
        %swap3A_775 = tpu.vector_load %arg9[%swap3A_773, %swap3A_774] {strides = array<i32>} : memref<64x128xf32, #tpu.memory_space<vmem>>, vector<16xf32>,
        tpu.vector_store %arg9[%swap3A_773, %swap3A_774], %bitcast3A_768 {strides = array<i32>} : memref<64x128xf32, #tpu.memory_space<vmem>>, vector<16xf32>,
        %swap3A_776 = arith.index_cast %scan3A_732 : i32 to index
        %swap3A_777 = arith.constant 80 : index
        %swap3A_778 = tpu.vector_load %arg9[%swap3A_776, %swap3A_777] {strides = array<i32>} : memref<64x128xf32, #tpu.memory_space<vmem>>, vector<16xf32>,
        tpu.vector_store %arg9[%swap3A_776, %swap3A_777], %bitcast3A_772 {strides = array<i32>} : memref<64x128xf32, #tpu.memory_space<vmem>>, vector<16xf32>,
        %get3A_779 = arith.index_cast %scan3A_732 : i32 to index
        %get3A_780 = arith.constant 48 : index
        %get3A_781 = tpu.vector_load %arg7[%get3A_779, %get3A_780] {strides = array<i32>} : memref<64x64xi32, #tpu.memory_space<vmem>>, vector<16xi32>,
        %shift_left3A_782 = arith.constant 16 : i32
        %shift_left3A_783 = vector.broadcast %shift_left3A_782 : i32 to vector<16xi32>
        %shift_left3A_784 = arith.shli %get3A_781, %shift_left3A_783 : vector<16xi32>
        %bitcast3A_785 = vector.bitcast %shift_left3A_784 : vector<16xi32> to vector<16xf32>
        %and3A_786 = arith.constant -65536 : i32
        %and3A_787 = vector.broadcast %and3A_786 : i32 to vector<16xi32>
        %and3A_788 = arith.andi %get3A_781, %and3A_787 : vector<16xi32>
        %bitcast3A_789 = vector.bitcast %and3A_788 : vector<16xi32> to vector<16xf32>
        %swap3A_790 = arith.index_cast %scan3A_732 : i32 to index
        %swap3A_791 = arith.constant 96 : index
        %swap3A_792 = tpu.vector_load %arg9[%swap3A_790, %swap3A_791] {strides = array<i32>} : memref<64x128xf32, #tpu.memory_space<vmem>>, vector<16xf32>,
        tpu.vector_store %arg9[%swap3A_790, %swap3A_791], %bitcast3A_785 {strides = array<i32>} : memref<64x128xf32, #tpu.memory_space<vmem>>, vector<16xf32>,
        %swap3A_793 = arith.index_cast %scan3A_732 : i32 to index
        %swap3A_794 = arith.constant 112 : index
        %swap3A_795 = tpu.vector_load %arg9[%swap3A_793, %swap3A_794] {strides = array<i32>} : memref<64x128xf32, #tpu.memory_space<vmem>>, vector<16xf32>,
        tpu.vector_store %arg9[%swap3A_793, %swap3A_794], %bitcast3A_789 {strides = array<i32>} : memref<64x128xf32, #tpu.memory_space<vmem>>, vector<16xf32>,
      }
      %scan3A_394 = arith.constant 64 : i32
      %dma_start3A_395 = arith.constant 6 : i32
      %dma_start3A_396 = arith.constant 0 : i32
      %dma_start3A_397 = tpu.memref_slice %arg13[%dma_start3A_395, %dma_start3A_396] : memref<8x64xi32, #tpu.memory_space<vmem>> -> memref<1x64xi32, #tpu.memory_space<vmem>>
      %dma_start3A_398 = tpu.memref_squeeze %dma_start3A_397 : memref<1x64xi32, #tpu.memory_space<vmem>> -> memref<64xi32, #tpu.memory_space<vmem>>
      %dma_start3A_399 = arith.constant 0 : i32
      %dma_start3A_400 = arith.constant 0 : i32
      %dma_start3A_401 = tpu.memref_slice %arg6[%dma_start3A_399, %dma_start3A_400] : memref<10240x128xf32, #tpu.memory_space<vmem_shared>> -> memref<10240x128xf32, #tpu.memory_space<vmem_shared>>
      tpu.enqueue_indirect_dma source(%arg9 : memref<64x128xf32, #tpu.memory_space<vmem>>) target(%dma_start3A_401 : memref<10240x128xf32, #tpu.memory_space<vmem_shared>>) offsets(%dma_start3A_398 : memref<64xi32, #tpu.memory_space<vmem>>) semaphore(%arg17 : memref<!tpu.dma_semaphore, #tpu.memory_space<semaphore_mem>>) {add = true}
      %add3A_402 = arith.constant 1 : i32
      %add3A_403 = arith.addi %add3A_152, %add3A_402 : i32
      %dma_wait3A_404 = arith.constant 0 : i32
      %dma_wait3A_405 = arith.constant 0 : i32
      %dma_wait3A_406 = tpu.memref_slice %arg3[%add3A, %add3A_403, %dma_wait3A_404, %dma_wait3A_405] : memref<32x20x8x64xi32, #tpu.memory_space<hbm>> -> memref<1x1x8x64xi32, #tpu.memory_space<hbm>>
      %dma_wait3A_407 = tpu.memref_squeeze %dma_wait3A_406 : memref<1x1x8x64xi32, #tpu.memory_space<hbm>> -> memref<8x64xi32, #tpu.memory_space<hbm>>
      %dma_wait3A_408 = arith.constant 0 : i32
      %dma_wait3A_409 = arith.constant 0 : i32
      %dma_wait3A_410 = tpu.memref_slice %arg3[%add3A, %add3A_403, %dma_wait3A_408, %dma_wait3A_409] : memref<32x20x8x64xi32, #tpu.memory_space<hbm>> -> memref<1x1x8x64xi32, #tpu.memory_space<hbm>>
      %dma_wait3A_411 = tpu.memref_squeeze %dma_wait3A_410 : memref<1x1x8x64xi32, #tpu.memory_space<hbm>> -> memref<8x64xi32, #tpu.memory_space<hbm>>
      tpu.wait_dma2 semaphore(%arg20 : memref<!tpu.dma_semaphore, #tpu.memory_space<semaphore_mem>>) src(%dma_wait3A_411 : memref<8x64xi32, #tpu.memory_space<hbm>>) dst(%arg12 : memref<8x64xi32, #tpu.memory_space<vmem>>)
      %dma_wait3A_412 = arith.constant 0 : i32
      %dma_wait3A_413 = arith.constant 0 : i32
      %dma_wait3A_414 = tpu.memref_slice %arg4[%add3A, %add3A_403, %dma_wait3A_412, %dma_wait3A_413] : memref<32x20x8x64xi32, #tpu.memory_space<hbm>> -> memref<1x1x8x64xi32, #tpu.memory_space<hbm>>
      %dma_wait3A_415 = tpu.memref_squeeze %dma_wait3A_414 : memref<1x1x8x64xi32, #tpu.memory_space<hbm>> -> memref<8x64xi32, #tpu.memory_space<hbm>>
      %dma_wait3A_416 = arith.constant 0 : i32
      %dma_wait3A_417 = arith.constant 0 : i32
      %dma_wait3A_418 = tpu.memref_slice %arg4[%add3A, %add3A_403, %dma_wait3A_416, %dma_wait3A_417] : memref<32x20x8x64xi32, #tpu.memory_space<hbm>> -> memref<1x1x8x64xi32, #tpu.memory_space<hbm>>
      %dma_wait3A_419 = tpu.memref_squeeze %dma_wait3A_418 : memref<1x1x8x64xi32, #tpu.memory_space<hbm>> -> memref<8x64xi32, #tpu.memory_space<hbm>>
      tpu.wait_dma2 semaphore(%arg20 : memref<!tpu.dma_semaphore, #tpu.memory_space<semaphore_mem>>) src(%dma_wait3A_419 : memref<8x64xi32, #tpu.memory_space<hbm>>) dst(%arg14 : memref<8x64xi32, #tpu.memory_space<vmem>>)
      %dma_start3A_420 = arith.constant 0 : i32
      %dma_start3A_421 = arith.constant 0 : i32
      %dma_start3A_422 = tpu.memref_slice %arg12[%dma_start3A_420, %dma_start3A_421] : memref<8x64xi32, #tpu.memory_space<vmem>> -> memref<1x64xi32, #tpu.memory_space<vmem>>
      %dma_start3A_423 = tpu.memref_squeeze %dma_start3A_422 : memref<1x64xi32, #tpu.memory_space<vmem>> -> memref<64xi32, #tpu.memory_space<vmem>>
      %dma_start3A_424 = arith.constant 0 : i32
      %dma_start3A_425 = arith.constant 0 : i32
      %dma_start3A_426 = tpu.memref_slice %arg2[%dma_start3A_424, %dma_start3A_425] : memref<160000x64xi32, #tpu.memory_space<hbm>> -> memref<160000x64xi32, #tpu.memory_space<hbm>>
      tpu.enqueue_indirect_dma source(%dma_start3A_426 : memref<160000x64xi32, #tpu.memory_space<hbm>>) target(%arg7 : memref<64x64xi32, #tpu.memory_space<vmem>>) offsets(%dma_start3A_423 : memref<64xi32, #tpu.memory_space<vmem>>) semaphore(%arg15 : memref<!tpu.dma_semaphore, #tpu.memory_space<semaphore_mem>>)
      %dma_wait3A_427 = arith.constant 7 : i32
      %dma_wait3A_428 = arith.constant 0 : i32
      %dma_wait3A_429 = tpu.memref_slice %arg11[%dma_wait3A_427, %dma_wait3A_428] : memref<8x64xi32, #tpu.memory_space<vmem>> -> memref<1x64xi32, #tpu.memory_space<vmem>>
      %dma_wait3A_430 = tpu.memref_squeeze %dma_wait3A_429 : memref<1x64xi32, #tpu.memory_space<vmem>> -> memref<64xi32, #tpu.memory_space<vmem>>
      %dma_wait3A_431 = arith.constant 0 : i32
      %dma_wait3A_432 = arith.constant 0 : i32
      %dma_wait3A_433 = tpu.memref_slice %arg2[%dma_wait3A_431, %dma_wait3A_432] : memref<160000x64xi32, #tpu.memory_space<hbm>> -> memref<160000x64xi32, #tpu.memory_space<hbm>>
      tpu.wait_indirect_dma semaphore(%arg16 : memref<!tpu.dma_semaphore, #tpu.memory_space<semaphore_mem>>) src(%dma_wait3A_433 : memref<160000x64xi32, #tpu.memory_space<hbm>>) dst(%arg8 : memref<64x64xi32, #tpu.memory_space<vmem>>)
      %dma_wait3A_434 = arith.constant 5 : i32
      %dma_wait3A_435 = arith.constant 0 : i32
      %dma_wait3A_436 = tpu.memref_slice %arg13[%dma_wait3A_434, %dma_wait3A_435] : memref<8x64xi32, #tpu.memory_space<vmem>> -> memref<1x64xi32, #tpu.memory_space<vmem>>
      %dma_wait3A_437 = tpu.memref_squeeze %dma_wait3A_436 : memref<1x64xi32, #tpu.memory_space<vmem>> -> memref<64xi32, #tpu.memory_space<vmem>>
      %dma_wait3A_438 = arith.constant 0 : i32
      %dma_wait3A_439 = arith.constant 0 : i32
      %dma_wait3A_440 = tpu.memref_slice %arg6[%dma_wait3A_438, %dma_wait3A_439] : memref<10240x128xf32, #tpu.memory_space<vmem_shared>> -> memref<10240x128xf32, #tpu.memory_space<vmem_shared>>
      tpu.wait_indirect_dma semaphore(%arg18 : memref<!tpu.dma_semaphore, #tpu.memory_space<semaphore_mem>>) src(%arg10 : memref<64x128xf32, #tpu.memory_space<vmem>>) dst(%dma_wait3A_440 : memref<10240x128xf32, #tpu.memory_space<vmem_shared>>)
      %scan3A_441 = arith.constant 0 : i32
      %scan3A_442 = arith.constant 0 : i32
      %scan3A_443 = arith.constant 64 : i32
      %scan3A_444 = arith.addi %scan3A_442, %scan3A_443 : i32
      %scan3A_445 = arith.constant 1 : i32
      scf.for %scan3A_732 = %scan3A_442 to %scan3A_444 step %scan3A_445  : i32 {
        %get3A = arith.index_cast %scan3A_732 : i32 to index
        %get3A_733 = arith.constant 0 : index
        %get3A_734 = tpu.vector_load %arg8[%get3A, %get3A_733] {strides = array<i32>} : memref<64x64xi32, #tpu.memory_space<vmem>>, vector<16xi32>,
        %shift_left3A = arith.constant 16 : i32
        %shift_left3A_735 = vector.broadcast %shift_left3A : i32 to vector<16xi32>
        %shift_left3A_736 = arith.shli %get3A_734, %shift_left3A_735 : vector<16xi32>
        %bitcast3A = vector.bitcast %shift_left3A_736 : vector<16xi32> to vector<16xf32>
        %and3A = arith.constant -65536 : i32
        %and3A_737 = vector.broadcast %and3A : i32 to vector<16xi32>
        %and3A_738 = arith.andi %get3A_734, %and3A_737 : vector<16xi32>
        %bitcast3A_739 = vector.bitcast %and3A_738 : vector<16xi32> to vector<16xf32>
        %swap3A = arith.index_cast %scan3A_732 : i32 to index
        %swap3A_740 = arith.constant 0 : index
        %swap3A_741 = tpu.vector_load %arg10[%swap3A, %swap3A_740] {strides = array<i32>} : memref<64x128xf32, #tpu.memory_space<vmem>>, vector<16xf32>,
        tpu.vector_store %arg10[%swap3A, %swap3A_740], %bitcast3A {strides = array<i32>} : memref<64x128xf32, #tpu.memory_space<vmem>>, vector<16xf32>,
        %swap3A_742 = arith.index_cast %scan3A_732 : i32 to index
        %swap3A_743 = arith.constant 16 : index
        %swap3A_744 = tpu.vector_load %arg10[%swap3A_742, %swap3A_743] {strides = array<i32>} : memref<64x128xf32, #tpu.memory_space<vmem>>, vector<16xf32>,
        tpu.vector_store %arg10[%swap3A_742, %swap3A_743], %bitcast3A_739 {strides = array<i32>} : memref<64x128xf32, #tpu.memory_space<vmem>>, vector<16xf32>,
        %get3A_745 = arith.index_cast %scan3A_732 : i32 to index
        %get3A_746 = arith.constant 16 : index
        %get3A_747 = tpu.vector_load %arg8[%get3A_745, %get3A_746] {strides = array<i32>} : memref<64x64xi32, #tpu.memory_space<vmem>>, vector<16xi32>,
        %shift_left3A_748 = arith.constant 16 : i32
        %shift_left3A_749 = vector.broadcast %shift_left3A_748 : i32 to vector<16xi32>
        %shift_left3A_750 = arith.shli %get3A_747, %shift_left3A_749 : vector<16xi32>
        %bitcast3A_751 = vector.bitcast %shift_left3A_750 : vector<16xi32> to vector<16xf32>
        %and3A_752 = arith.constant -65536 : i32
        %and3A_753 = vector.broadcast %and3A_752 : i32 to vector<16xi32>
        %and3A_754 = arith.andi %get3A_747, %and3A_753 : vector<16xi32>
        %bitcast3A_755 = vector.bitcast %and3A_754 : vector<16xi32> to vector<16xf32>
        %swap3A_756 = arith.index_cast %scan3A_732 : i32 to index
        %swap3A_757 = arith.constant 32 : index
        %swap3A_758 = tpu.vector_load %arg10[%swap3A_756, %swap3A_757] {strides = array<i32>} : memref<64x128xf32, #tpu.memory_space<vmem>>, vector<16xf32>,
        tpu.vector_store %arg10[%swap3A_756, %swap3A_757], %bitcast3A_751 {strides = array<i32>} : memref<64x128xf32, #tpu.memory_space<vmem>>, vector<16xf32>,
        %swap3A_759 = arith.index_cast %scan3A_732 : i32 to index
        %swap3A_760 = arith.constant 48 : index
        %swap3A_761 = tpu.vector_load %arg10[%swap3A_759, %swap3A_760] {strides = array<i32>} : memref<64x128xf32, #tpu.memory_space<vmem>>, vector<16xf32>,
        tpu.vector_store %arg10[%swap3A_759, %swap3A_760], %bitcast3A_755 {strides = array<i32>} : memref<64x128xf32, #tpu.memory_space<vmem>>, vector<16xf32>,
        %get3A_762 = arith.index_cast %scan3A_732 : i32 to index
        %get3A_763 = arith.constant 32 : index
        %get3A_764 = tpu.vector_load %arg8[%get3A_762, %get3A_763] {strides = array<i32>} : memref<64x64xi32, #tpu.memory_space<vmem>>, vector<16xi32>,
        %shift_left3A_765 = arith.constant 16 : i32
        %shift_left3A_766 = vector.broadcast %shift_left3A_765 : i32 to vector<16xi32>
        %shift_left3A_767 = arith.shli %get3A_764, %shift_left3A_766 : vector<16xi32>
        %bitcast3A_768 = vector.bitcast %shift_left3A_767 : vector<16xi32> to vector<16xf32>
        %and3A_769 = arith.constant -65536 : i32
        %and3A_770 = vector.broadcast %and3A_769 : i32 to vector<16xi32>
        %and3A_771 = arith.andi %get3A_764, %and3A_770 : vector<16xi32>
        %bitcast3A_772 = vector.bitcast %and3A_771 : vector<16xi32> to vector<16xf32>
        %swap3A_773 = arith.index_cast %scan3A_732 : i32 to index
        %swap3A_774 = arith.constant 64 : index
        %swap3A_775 = tpu.vector_load %arg10[%swap3A_773, %swap3A_774] {strides = array<i32>} : memref<64x128xf32, #tpu.memory_space<vmem>>, vector<16xf32>,
        tpu.vector_store %arg10[%swap3A_773, %swap3A_774], %bitcast3A_768 {strides = array<i32>} : memref<64x128xf32, #tpu.memory_space<vmem>>, vector<16xf32>,
        %swap3A_776 = arith.index_cast %scan3A_732 : i32 to index
        %swap3A_777 = arith.constant 80 : index
        %swap3A_778 = tpu.vector_load %arg10[%swap3A_776, %swap3A_777] {strides = array<i32>} : memref<64x128xf32, #tpu.memory_space<vmem>>, vector<16xf32>,
        tpu.vector_store %arg10[%swap3A_776, %swap3A_777], %bitcast3A_772 {strides = array<i32>} : memref<64x128xf32, #tpu.memory_space<vmem>>, vector<16xf32>,
        %get3A_779 = arith.index_cast %scan3A_732 : i32 to index
        %get3A_780 = arith.constant 48 : index
        %get3A_781 = tpu.vector_load %arg8[%get3A_779, %get3A_780] {strides = array<i32>} : memref<64x64xi32, #tpu.memory_space<vmem>>, vector<16xi32>,
        %shift_left3A_782 = arith.constant 16 : i32
        %shift_left3A_783 = vector.broadcast %shift_left3A_782 : i32 to vector<16xi32>
        %shift_left3A_784 = arith.shli %get3A_781, %shift_left3A_783 : vector<16xi32>
        %bitcast3A_785 = vector.bitcast %shift_left3A_784 : vector<16xi32> to vector<16xf32>
        %and3A_786 = arith.constant -65536 : i32
        %and3A_787 = vector.broadcast %and3A_786 : i32 to vector<16xi32>
        %and3A_788 = arith.andi %get3A_781, %and3A_787 : vector<16xi32>
        %bitcast3A_789 = vector.bitcast %and3A_788 : vector<16xi32> to vector<16xf32>
        %swap3A_790 = arith.index_cast %scan3A_732 : i32 to index
        %swap3A_791 = arith.constant 96 : index
        %swap3A_792 = tpu.vector_load %arg10[%swap3A_790, %swap3A_791] {strides = array<i32>} : memref<64x128xf32, #tpu.memory_space<vmem>>, vector<16xf32>,
        tpu.vector_store %arg10[%swap3A_790, %swap3A_791], %bitcast3A_785 {strides = array<i32>} : memref<64x128xf32, #tpu.memory_space<vmem>>, vector<16xf32>,
        %swap3A_793 = arith.index_cast %scan3A_732 : i32 to index
        %swap3A_794 = arith.constant 112 : index
        %swap3A_795 = tpu.vector_load %arg10[%swap3A_793, %swap3A_794] {strides = array<i32>} : memref<64x128xf32, #tpu.memory_space<vmem>>, vector<16xf32>,
        tpu.vector_store %arg10[%swap3A_793, %swap3A_794], %bitcast3A_789 {strides = array<i32>} : memref<64x128xf32, #tpu.memory_space<vmem>>, vector<16xf32>,
      }
      %scan3A_446 = arith.constant 64 : i32
      %dma_start3A_447 = arith.constant 7 : i32
      %dma_start3A_448 = arith.constant 0 : i32
      %dma_start3A_449 = tpu.memref_slice %arg13[%dma_start3A_447, %dma_start3A_448] : memref<8x64xi32, #tpu.memory_space<vmem>> -> memref<1x64xi32, #tpu.memory_space<vmem>>
      %dma_start3A_450 = tpu.memref_squeeze %dma_start3A_449 : memref<1x64xi32, #tpu.memory_space<vmem>> -> memref<64xi32, #tpu.memory_space<vmem>>
      %dma_start3A_451 = arith.constant 0 : i32
      %dma_start3A_452 = arith.constant 0 : i32
      %dma_start3A_453 = tpu.memref_slice %arg6[%dma_start3A_451, %dma_start3A_452] : memref<10240x128xf32, #tpu.memory_space<vmem_shared>> -> memref<10240x128xf32, #tpu.memory_space<vmem_shared>>
      tpu.enqueue_indirect_dma source(%arg10 : memref<64x128xf32, #tpu.memory_space<vmem>>) target(%dma_start3A_453 : memref<10240x128xf32, #tpu.memory_space<vmem_shared>>) offsets(%dma_start3A_450 : memref<64xi32, #tpu.memory_space<vmem>>) semaphore(%arg18 : memref<!tpu.dma_semaphore, #tpu.memory_space<semaphore_mem>>) {add = true}
      %mul3A_454 = arith.constant 2 : i32
      %mul3A_455 = arith.muli %mul3A_454, %scan3A_148 : i32
      %add3A_456 = arith.constant 1 : i32
      %add3A_457 = arith.addi %mul3A_455, %add3A_456 : i32
      %dma_start3A_458 = arith.constant 1 : i32
      %dma_start3A_459 = arith.constant 0 : i32
      %dma_start3A_460 = tpu.memref_slice %arg12[%dma_start3A_458, %dma_start3A_459] : memref<8x64xi32, #tpu.memory_space<vmem>> -> memref<1x64xi32, #tpu.memory_space<vmem>>
      %dma_start3A_461 = tpu.memref_squeeze %dma_start3A_460 : memref<1x64xi32, #tpu.memory_space<vmem>> -> memref<64xi32, #tpu.memory_space<vmem>>
      %dma_start3A_462 = arith.constant 0 : i32
      %dma_start3A_463 = arith.constant 0 : i32
      %dma_start3A_464 = tpu.memref_slice %arg2[%dma_start3A_462, %dma_start3A_463] : memref<160000x64xi32, #tpu.memory_space<hbm>> -> memref<160000x64xi32, #tpu.memory_space<hbm>>
      tpu.enqueue_indirect_dma source(%dma_start3A_464 : memref<160000x64xi32, #tpu.memory_space<hbm>>) target(%arg8 : memref<64x64xi32, #tpu.memory_space<vmem>>) offsets(%dma_start3A_461 : memref<64xi32, #tpu.memory_space<vmem>>) semaphore(%arg16 : memref<!tpu.dma_semaphore, #tpu.memory_space<semaphore_mem>>)
      %dma_wait3A_465 = arith.constant 0 : i32
      %dma_wait3A_466 = arith.constant 0 : i32
      %dma_wait3A_467 = tpu.memref_slice %arg12[%dma_wait3A_465, %dma_wait3A_466] : memref<8x64xi32, #tpu.memory_space<vmem>> -> memref<1x64xi32, #tpu.memory_space<vmem>>
      %dma_wait3A_468 = tpu.memref_squeeze %dma_wait3A_467 : memref<1x64xi32, #tpu.memory_space<vmem>> -> memref<64xi32, #tpu.memory_space<vmem>>
      %dma_wait3A_469 = arith.constant 0 : i32
      %dma_wait3A_470 = arith.constant 0 : i32
      %dma_wait3A_471 = tpu.memref_slice %arg2[%dma_wait3A_469, %dma_wait3A_470] : memref<160000x64xi32, #tpu.memory_space<hbm>> -> memref<160000x64xi32, #tpu.memory_space<hbm>>
      tpu.wait_indirect_dma semaphore(%arg15 : memref<!tpu.dma_semaphore, #tpu.memory_space<semaphore_mem>>) src(%dma_wait3A_471 : memref<160000x64xi32, #tpu.memory_space<hbm>>) dst(%arg7 : memref<64x64xi32, #tpu.memory_space<vmem>>)
      %dma_wait3A_472 = arith.constant 6 : i32
      %dma_wait3A_473 = arith.constant 0 : i32
      %dma_wait3A_474 = tpu.memref_slice %arg13[%dma_wait3A_472, %dma_wait3A_473] : memref<8x64xi32, #tpu.memory_space<vmem>> -> memref<1x64xi32, #tpu.memory_space<vmem>>
      %dma_wait3A_475 = tpu.memref_squeeze %dma_wait3A_474 : memref<1x64xi32, #tpu.memory_space<vmem>> -> memref<64xi32, #tpu.memory_space<vmem>>
      %dma_wait3A_476 = arith.constant 0 : i32
      %dma_wait3A_477 = arith.constant 0 : i32
      %dma_wait3A_478 = tpu.memref_slice %arg6[%dma_wait3A_476, %dma_wait3A_477] : memref<10240x128xf32, #tpu.memory_space<vmem_shared>> -> memref<10240x128xf32, #tpu.memory_space<vmem_shared>>
      tpu.wait_indirect_dma semaphore(%arg17 : memref<!tpu.dma_semaphore, #tpu.memory_space<semaphore_mem>>) src(%arg9 : memref<64x128xf32, #tpu.memory_space<vmem>>) dst(%dma_wait3A_478 : memref<10240x128xf32, #tpu.memory_space<vmem_shared>>)
      %scan3A_479 = arith.constant 0 : i32
      %scan3A_480 = arith.constant 0 : i32
      %scan3A_481 = arith.constant 64 : i32
      %scan3A_482 = arith.addi %scan3A_480, %scan3A_481 : i32
      %scan3A_483 = arith.constant 1 : i32
      scf.for %scan3A_732 = %scan3A_480 to %scan3A_482 step %scan3A_483  : i32 {
        %get3A = arith.index_cast %scan3A_732 : i32 to index
        %get3A_733 = arith.constant 0 : index
        %get3A_734 = tpu.vector_load %arg7[%get3A, %get3A_733] {strides = array<i32>} : memref<64x64xi32, #tpu.memory_space<vmem>>, vector<16xi32>,
        %shift_left3A = arith.constant 16 : i32
        %shift_left3A_735 = vector.broadcast %shift_left3A : i32 to vector<16xi32>
        %shift_left3A_736 = arith.shli %get3A_734, %shift_left3A_735 : vector<16xi32>
        %bitcast3A = vector.bitcast %shift_left3A_736 : vector<16xi32> to vector<16xf32>
        %and3A = arith.constant -65536 : i32
        %and3A_737 = vector.broadcast %and3A : i32 to vector<16xi32>
        %and3A_738 = arith.andi %get3A_734, %and3A_737 : vector<16xi32>
        %bitcast3A_739 = vector.bitcast %and3A_738 : vector<16xi32> to vector<16xf32>
        %swap3A = arith.index_cast %scan3A_732 : i32 to index
        %swap3A_740 = arith.constant 0 : index
        %swap3A_741 = tpu.vector_load %arg9[%swap3A, %swap3A_740] {strides = array<i32>} : memref<64x128xf32, #tpu.memory_space<vmem>>, vector<16xf32>,
        tpu.vector_store %arg9[%swap3A, %swap3A_740], %bitcast3A {strides = array<i32>} : memref<64x128xf32, #tpu.memory_space<vmem>>, vector<16xf32>,
        %swap3A_742 = arith.index_cast %scan3A_732 : i32 to index
        %swap3A_743 = arith.constant 16 : index
        %swap3A_744 = tpu.vector_load %arg9[%swap3A_742, %swap3A_743] {strides = array<i32>} : memref<64x128xf32, #tpu.memory_space<vmem>>, vector<16xf32>,
        tpu.vector_store %arg9[%swap3A_742, %swap3A_743], %bitcast3A_739 {strides = array<i32>} : memref<64x128xf32, #tpu.memory_space<vmem>>, vector<16xf32>,
        %get3A_745 = arith.index_cast %scan3A_732 : i32 to index
        %get3A_746 = arith.constant 16 : index
        %get3A_747 = tpu.vector_load %arg7[%get3A_745, %get3A_746] {strides = array<i32>} : memref<64x64xi32, #tpu.memory_space<vmem>>, vector<16xi32>,
        %shift_left3A_748 = arith.constant 16 : i32
        %shift_left3A_749 = vector.broadcast %shift_left3A_748 : i32 to vector<16xi32>
        %shift_left3A_750 = arith.shli %get3A_747, %shift_left3A_749 : vector<16xi32>
        %bitcast3A_751 = vector.bitcast %shift_left3A_750 : vector<16xi32> to vector<16xf32>
        %and3A_752 = arith.constant -65536 : i32
        %and3A_753 = vector.broadcast %and3A_752 : i32 to vector<16xi32>
        %and3A_754 = arith.andi %get3A_747, %and3A_753 : vector<16xi32>
        %bitcast3A_755 = vector.bitcast %and3A_754 : vector<16xi32> to vector<16xf32>
        %swap3A_756 = arith.index_cast %scan3A_732 : i32 to index
        %swap3A_757 = arith.constant 32 : index
        %swap3A_758 = tpu.vector_load %arg9[%swap3A_756, %swap3A_757] {strides = array<i32>} : memref<64x128xf32, #tpu.memory_space<vmem>>, vector<16xf32>,
        tpu.vector_store %arg9[%swap3A_756, %swap3A_757], %bitcast3A_751 {strides = array<i32>} : memref<64x128xf32, #tpu.memory_space<vmem>>, vector<16xf32>,
        %swap3A_759 = arith.index_cast %scan3A_732 : i32 to index
        %swap3A_760 = arith.constant 48 : index
        %swap3A_761 = tpu.vector_load %arg9[%swap3A_759, %swap3A_760] {strides = array<i32>} : memref<64x128xf32, #tpu.memory_space<vmem>>, vector<16xf32>,
        tpu.vector_store %arg9[%swap3A_759, %swap3A_760], %bitcast3A_755 {strides = array<i32>} : memref<64x128xf32, #tpu.memory_space<vmem>>, vector<16xf32>,
        %get3A_762 = arith.index_cast %scan3A_732 : i32 to index
        %get3A_763 = arith.constant 32 : index
        %get3A_764 = tpu.vector_load %arg7[%get3A_762, %get3A_763] {strides = array<i32>} : memref<64x64xi32, #tpu.memory_space<vmem>>, vector<16xi32>,
        %shift_left3A_765 = arith.constant 16 : i32
        %shift_left3A_766 = vector.broadcast %shift_left3A_765 : i32 to vector<16xi32>
        %shift_left3A_767 = arith.shli %get3A_764, %shift_left3A_766 : vector<16xi32>
        %bitcast3A_768 = vector.bitcast %shift_left3A_767 : vector<16xi32> to vector<16xf32>
        %and3A_769 = arith.constant -65536 : i32
        %and3A_770 = vector.broadcast %and3A_769 : i32 to vector<16xi32>
        %and3A_771 = arith.andi %get3A_764, %and3A_770 : vector<16xi32>
        %bitcast3A_772 = vector.bitcast %and3A_771 : vector<16xi32> to vector<16xf32>
        %swap3A_773 = arith.index_cast %scan3A_732 : i32 to index
        %swap3A_774 = arith.constant 64 : index
        %swap3A_775 = tpu.vector_load %arg9[%swap3A_773, %swap3A_774] {strides = array<i32>} : memref<64x128xf32, #tpu.memory_space<vmem>>, vector<16xf32>,
        tpu.vector_store %arg9[%swap3A_773, %swap3A_774], %bitcast3A_768 {strides = array<i32>} : memref<64x128xf32, #tpu.memory_space<vmem>>, vector<16xf32>,
        %swap3A_776 = arith.index_cast %scan3A_732 : i32 to index
        %swap3A_777 = arith.constant 80 : index
        %swap3A_778 = tpu.vector_load %arg9[%swap3A_776, %swap3A_777] {strides = array<i32>} : memref<64x128xf32, #tpu.memory_space<vmem>>, vector<16xf32>,
        tpu.vector_store %arg9[%swap3A_776, %swap3A_777], %bitcast3A_772 {strides = array<i32>} : memref<64x128xf32, #tpu.memory_space<vmem>>, vector<16xf32>,
        %get3A_779 = arith.index_cast %scan3A_732 : i32 to index
        %get3A_780 = arith.constant 48 : index
        %get3A_781 = tpu.vector_load %arg7[%get3A_779, %get3A_780] {strides = array<i32>} : memref<64x64xi32, #tpu.memory_space<vmem>>, vector<16xi32>,
        %shift_left3A_782 = arith.constant 16 : i32
        %shift_left3A_783 = vector.broadcast %shift_left3A_782 : i32 to vector<16xi32>
        %shift_left3A_784 = arith.shli %get3A_781, %shift_left3A_783 : vector<16xi32>
        %bitcast3A_785 = vector.bitcast %shift_left3A_784 : vector<16xi32> to vector<16xf32>
        %and3A_786 = arith.constant -65536 : i32
        %and3A_787 = vector.broadcast %and3A_786 : i32 to vector<16xi32>
        %and3A_788 = arith.andi %get3A_781, %and3A_787 : vector<16xi32>
        %bitcast3A_789 = vector.bitcast %and3A_788 : vector<16xi32> to vector<16xf32>
        %swap3A_790 = arith.index_cast %scan3A_732 : i32 to index
        %swap3A_791 = arith.constant 96 : index
        %swap3A_792 = tpu.vector_load %arg9[%swap3A_790, %swap3A_791] {strides = array<i32>} : memref<64x128xf32, #tpu.memory_space<vmem>>, vector<16xf32>,
        tpu.vector_store %arg9[%swap3A_790, %swap3A_791], %bitcast3A_785 {strides = array<i32>} : memref<64x128xf32, #tpu.memory_space<vmem>>, vector<16xf32>,
        %swap3A_793 = arith.index_cast %scan3A_732 : i32 to index
        %swap3A_794 = arith.constant 112 : index
        %swap3A_795 = tpu.vector_load %arg9[%swap3A_793, %swap3A_794] {strides = array<i32>} : memref<64x128xf32, #tpu.memory_space<vmem>>, vector<16xf32>,
        tpu.vector_store %arg9[%swap3A_793, %swap3A_794], %bitcast3A_789 {strides = array<i32>} : memref<64x128xf32, #tpu.memory_space<vmem>>, vector<16xf32>,
      }
      %scan3A_484 = arith.constant 64 : i32
      %dma_start3A_485 = arith.constant 0 : i32
      %dma_start3A_486 = arith.constant 0 : i32
      %dma_start3A_487 = tpu.memref_slice %arg14[%dma_start3A_485, %dma_start3A_486] : memref<8x64xi32, #tpu.memory_space<vmem>> -> memref<1x64xi32, #tpu.memory_space<vmem>>
      %dma_start3A_488 = tpu.memref_squeeze %dma_start3A_487 : memref<1x64xi32, #tpu.memory_space<vmem>> -> memref<64xi32, #tpu.memory_space<vmem>>
      %dma_start3A_489 = arith.constant 0 : i32
      %dma_start3A_490 = arith.constant 0 : i32
      %dma_start3A_491 = tpu.memref_slice %arg6[%dma_start3A_489, %dma_start3A_490] : memref<10240x128xf32, #tpu.memory_space<vmem_shared>> -> memref<10240x128xf32, #tpu.memory_space<vmem_shared>>
      tpu.enqueue_indirect_dma source(%arg9 : memref<64x128xf32, #tpu.memory_space<vmem>>) target(%dma_start3A_491 : memref<10240x128xf32, #tpu.memory_space<vmem_shared>>) offsets(%dma_start3A_488 : memref<64xi32, #tpu.memory_space<vmem>>) semaphore(%arg17 : memref<!tpu.dma_semaphore, #tpu.memory_space<semaphore_mem>>) {add = true}
      %dma_start3A_492 = arith.constant 2 : i32
      %dma_start3A_493 = arith.constant 0 : i32
      %dma_start3A_494 = tpu.memref_slice %arg12[%dma_start3A_492, %dma_start3A_493] : memref<8x64xi32, #tpu.memory_space<vmem>> -> memref<1x64xi32, #tpu.memory_space<vmem>>
      %dma_start3A_495 = tpu.memref_squeeze %dma_start3A_494 : memref<1x64xi32, #tpu.memory_space<vmem>> -> memref<64xi32, #tpu.memory_space<vmem>>
      %dma_start3A_496 = arith.constant 0 : i32
      %dma_start3A_497 = arith.constant 0 : i32
      %dma_start3A_498 = tpu.memref_slice %arg2[%dma_start3A_496, %dma_start3A_497] : memref<160000x64xi32, #tpu.memory_space<hbm>> -> memref<160000x64xi32, #tpu.memory_space<hbm>>
      tpu.enqueue_indirect_dma source(%dma_start3A_498 : memref<160000x64xi32, #tpu.memory_space<hbm>>) target(%arg7 : memref<64x64xi32, #tpu.memory_space<vmem>>) offsets(%dma_start3A_495 : memref<64xi32, #tpu.memory_space<vmem>>) semaphore(%arg15 : memref<!tpu.dma_semaphore, #tpu.memory_space<semaphore_mem>>)
      %dma_wait3A_499 = arith.constant 1 : i32
      %dma_wait3A_500 = arith.constant 0 : i32
      %dma_wait3A_501 = tpu.memref_slice %arg12[%dma_wait3A_499, %dma_wait3A_500] : memref<8x64xi32, #tpu.memory_space<vmem>> -> memref<1x64xi32, #tpu.memory_space<vmem>>
      %dma_wait3A_502 = tpu.memref_squeeze %dma_wait3A_501 : memref<1x64xi32, #tpu.memory_space<vmem>> -> memref<64xi32, #tpu.memory_space<vmem>>
      %dma_wait3A_503 = arith.constant 0 : i32
      %dma_wait3A_504 = arith.constant 0 : i32
      %dma_wait3A_505 = tpu.memref_slice %arg2[%dma_wait3A_503, %dma_wait3A_504] : memref<160000x64xi32, #tpu.memory_space<hbm>> -> memref<160000x64xi32, #tpu.memory_space<hbm>>
      tpu.wait_indirect_dma semaphore(%arg16 : memref<!tpu.dma_semaphore, #tpu.memory_space<semaphore_mem>>) src(%dma_wait3A_505 : memref<160000x64xi32, #tpu.memory_space<hbm>>) dst(%arg8 : memref<64x64xi32, #tpu.memory_space<vmem>>)
      %dma_wait3A_506 = arith.constant 7 : i32
      %dma_wait3A_507 = arith.constant 0 : i32
      %dma_wait3A_508 = tpu.memref_slice %arg13[%dma_wait3A_506, %dma_wait3A_507] : memref<8x64xi32, #tpu.memory_space<vmem>> -> memref<1x64xi32, #tpu.memory_space<vmem>>
      %dma_wait3A_509 = tpu.memref_squeeze %dma_wait3A_508 : memref<1x64xi32, #tpu.memory_space<vmem>> -> memref<64xi32, #tpu.memory_space<vmem>>
      %dma_wait3A_510 = arith.constant 0 : i32
      %dma_wait3A_511 = arith.constant 0 : i32
      %dma_wait3A_512 = tpu.memref_slice %arg6[%dma_wait3A_510, %dma_wait3A_511] : memref<10240x128xf32, #tpu.memory_space<vmem_shared>> -> memref<10240x128xf32, #tpu.memory_space<vmem_shared>>
      tpu.wait_indirect_dma semaphore(%arg18 : memref<!tpu.dma_semaphore, #tpu.memory_space<semaphore_mem>>) src(%arg10 : memref<64x128xf32, #tpu.memory_space<vmem>>) dst(%dma_wait3A_512 : memref<10240x128xf32, #tpu.memory_space<vmem_shared>>)
      %scan3A_513 = arith.constant 0 : i32
      %scan3A_514 = arith.constant 0 : i32
      %scan3A_515 = arith.constant 64 : i32
      %scan3A_516 = arith.addi %scan3A_514, %scan3A_515 : i32
      %scan3A_517 = arith.constant 1 : i32
      scf.for %scan3A_732 = %scan3A_514 to %scan3A_516 step %scan3A_517  : i32 {
        %get3A = arith.index_cast %scan3A_732 : i32 to index
        %get3A_733 = arith.constant 0 : index
        %get3A_734 = tpu.vector_load %arg8[%get3A, %get3A_733] {strides = array<i32>} : memref<64x64xi32, #tpu.memory_space<vmem>>, vector<16xi32>,
        %shift_left3A = arith.constant 16 : i32
        %shift_left3A_735 = vector.broadcast %shift_left3A : i32 to vector<16xi32>
        %shift_left3A_736 = arith.shli %get3A_734, %shift_left3A_735 : vector<16xi32>
        %bitcast3A = vector.bitcast %shift_left3A_736 : vector<16xi32> to vector<16xf32>
        %and3A = arith.constant -65536 : i32
        %and3A_737 = vector.broadcast %and3A : i32 to vector<16xi32>
        %and3A_738 = arith.andi %get3A_734, %and3A_737 : vector<16xi32>
        %bitcast3A_739 = vector.bitcast %and3A_738 : vector<16xi32> to vector<16xf32>
        %swap3A = arith.index_cast %scan3A_732 : i32 to index
        %swap3A_740 = arith.constant 0 : index
        %swap3A_741 = tpu.vector_load %arg10[%swap3A, %swap3A_740] {strides = array<i32>} : memref<64x128xf32, #tpu.memory_space<vmem>>, vector<16xf32>,
        tpu.vector_store %arg10[%swap3A, %swap3A_740], %bitcast3A {strides = array<i32>} : memref<64x128xf32, #tpu.memory_space<vmem>>, vector<16xf32>,
        %swap3A_742 = arith.index_cast %scan3A_732 : i32 to index
        %swap3A_743 = arith.constant 16 : index
        %swap3A_744 = tpu.vector_load %arg10[%swap3A_742, %swap3A_743] {strides = array<i32>} : memref<64x128xf32, #tpu.memory_space<vmem>>, vector<16xf32>,
        tpu.vector_store %arg10[%swap3A_742, %swap3A_743], %bitcast3A_739 {strides = array<i32>} : memref<64x128xf32, #tpu.memory_space<vmem>>, vector<16xf32>,
        %get3A_745 = arith.index_cast %scan3A_732 : i32 to index
        %get3A_746 = arith.constant 16 : index
        %get3A_747 = tpu.vector_load %arg8[%get3A_745, %get3A_746] {strides = array<i32>} : memref<64x64xi32, #tpu.memory_space<vmem>>, vector<16xi32>,
        %shift_left3A_748 = arith.constant 16 : i32
        %shift_left3A_749 = vector.broadcast %shift_left3A_748 : i32 to vector<16xi32>
        %shift_left3A_750 = arith.shli %get3A_747, %shift_left3A_749 : vector<16xi32>
        %bitcast3A_751 = vector.bitcast %shift_left3A_750 : vector<16xi32> to vector<16xf32>
        %and3A_752 = arith.constant -65536 : i32
        %and3A_753 = vector.broadcast %and3A_752 : i32 to vector<16xi32>
        %and3A_754 = arith.andi %get3A_747, %and3A_753 : vector<16xi32>
        %bitcast3A_755 = vector.bitcast %and3A_754 : vector<16xi32> to vector<16xf32>
        %swap3A_756 = arith.index_cast %scan3A_732 : i32 to index
        %swap3A_757 = arith.constant 32 : index
        %swap3A_758 = tpu.vector_load %arg10[%swap3A_756, %swap3A_757] {strides = array<i32>} : memref<64x128xf32, #tpu.memory_space<vmem>>, vector<16xf32>,
        tpu.vector_store %arg10[%swap3A_756, %swap3A_757], %bitcast3A_751 {strides = array<i32>} : memref<64x128xf32, #tpu.memory_space<vmem>>, vector<16xf32>,
        %swap3A_759 = arith.index_cast %scan3A_732 : i32 to index
        %swap3A_760 = arith.constant 48 : index
        %swap3A_761 = tpu.vector_load %arg10[%swap3A_759, %swap3A_760] {strides = array<i32>} : memref<64x128xf32, #tpu.memory_space<vmem>>, vector<16xf32>,
        tpu.vector_store %arg10[%swap3A_759, %swap3A_760], %bitcast3A_755 {strides = array<i32>} : memref<64x128xf32, #tpu.memory_space<vmem>>, vector<16xf32>,
        %get3A_762 = arith.index_cast %scan3A_732 : i32 to index
        %get3A_763 = arith.constant 32 : index
        %get3A_764 = tpu.vector_load %arg8[%get3A_762, %get3A_763] {strides = array<i32>} : memref<64x64xi32, #tpu.memory_space<vmem>>, vector<16xi32>,
        %shift_left3A_765 = arith.constant 16 : i32
        %shift_left3A_766 = vector.broadcast %shift_left3A_765 : i32 to vector<16xi32>
        %shift_left3A_767 = arith.shli %get3A_764, %shift_left3A_766 : vector<16xi32>
        %bitcast3A_768 = vector.bitcast %shift_left3A_767 : vector<16xi32> to vector<16xf32>
        %and3A_769 = arith.constant -65536 : i32
        %and3A_770 = vector.broadcast %and3A_769 : i32 to vector<16xi32>
        %and3A_771 = arith.andi %get3A_764, %and3A_770 : vector<16xi32>
        %bitcast3A_772 = vector.bitcast %and3A_771 : vector<16xi32> to vector<16xf32>
        %swap3A_773 = arith.index_cast %scan3A_732 : i32 to index
        %swap3A_774 = arith.constant 64 : index
        %swap3A_775 = tpu.vector_load %arg10[%swap3A_773, %swap3A_774] {strides = array<i32>} : memref<64x128xf32, #tpu.memory_space<vmem>>, vector<16xf32>,
        tpu.vector_store %arg10[%swap3A_773, %swap3A_774], %bitcast3A_768 {strides = array<i32>} : memref<64x128xf32, #tpu.memory_space<vmem>>, vector<16xf32>,
        %swap3A_776 = arith.index_cast %scan3A_732 : i32 to index
        %swap3A_777 = arith.constant 80 : index
        %swap3A_778 = tpu.vector_load %arg10[%swap3A_776, %swap3A_777] {strides = array<i32>} : memref<64x128xf32, #tpu.memory_space<vmem>>, vector<16xf32>,
        tpu.vector_store %arg10[%swap3A_776, %swap3A_777], %bitcast3A_772 {strides = array<i32>} : memref<64x128xf32, #tpu.memory_space<vmem>>, vector<16xf32>,
        %get3A_779 = arith.index_cast %scan3A_732 : i32 to index
        %get3A_780 = arith.constant 48 : index
        %get3A_781 = tpu.vector_load %arg8[%get3A_779, %get3A_780] {strides = array<i32>} : memref<64x64xi32, #tpu.memory_space<vmem>>, vector<16xi32>,
        %shift_left3A_782 = arith.constant 16 : i32
        %shift_left3A_783 = vector.broadcast %shift_left3A_782 : i32 to vector<16xi32>
        %shift_left3A_784 = arith.shli %get3A_781, %shift_left3A_783 : vector<16xi32>
        %bitcast3A_785 = vector.bitcast %shift_left3A_784 : vector<16xi32> to vector<16xf32>
        %and3A_786 = arith.constant -65536 : i32
        %and3A_787 = vector.broadcast %and3A_786 : i32 to vector<16xi32>
        %and3A_788 = arith.andi %get3A_781, %and3A_787 : vector<16xi32>
        %bitcast3A_789 = vector.bitcast %and3A_788 : vector<16xi32> to vector<16xf32>
        %swap3A_790 = arith.index_cast %scan3A_732 : i32 to index
        %swap3A_791 = arith.constant 96 : index
        %swap3A_792 = tpu.vector_load %arg10[%swap3A_790, %swap3A_791] {strides = array<i32>} : memref<64x128xf32, #tpu.memory_space<vmem>>, vector<16xf32>,
        tpu.vector_store %arg10[%swap3A_790, %swap3A_791], %bitcast3A_785 {strides = array<i32>} : memref<64x128xf32, #tpu.memory_space<vmem>>, vector<16xf32>,
        %swap3A_793 = arith.index_cast %scan3A_732 : i32 to index
        %swap3A_794 = arith.constant 112 : index
        %swap3A_795 = tpu.vector_load %arg10[%swap3A_793, %swap3A_794] {strides = array<i32>} : memref<64x128xf32, #tpu.memory_space<vmem>>, vector<16xf32>,
        tpu.vector_store %arg10[%swap3A_793, %swap3A_794], %bitcast3A_789 {strides = array<i32>} : memref<64x128xf32, #tpu.memory_space<vmem>>, vector<16xf32>,
      }
      %scan3A_518 = arith.constant 64 : i32
      %dma_start3A_519 = arith.constant 1 : i32
      %dma_start3A_520 = arith.constant 0 : i32
      %dma_start3A_521 = tpu.memref_slice %arg14[%dma_start3A_519, %dma_start3A_520] : memref<8x64xi32, #tpu.memory_space<vmem>> -> memref<1x64xi32, #tpu.memory_space<vmem>>
      %dma_start3A_522 = tpu.memref_squeeze %dma_start3A_521 : memref<1x64xi32, #tpu.memory_space<vmem>> -> memref<64xi32, #tpu.memory_space<vmem>>
      %dma_start3A_523 = arith.constant 0 : i32
      %dma_start3A_524 = arith.constant 0 : i32
      %dma_start3A_525 = tpu.memref_slice %arg6[%dma_start3A_523, %dma_start3A_524] : memref<10240x128xf32, #tpu.memory_space<vmem_shared>> -> memref<10240x128xf32, #tpu.memory_space<vmem_shared>>
      tpu.enqueue_indirect_dma source(%arg10 : memref<64x128xf32, #tpu.memory_space<vmem>>) target(%dma_start3A_525 : memref<10240x128xf32, #tpu.memory_space<vmem_shared>>) offsets(%dma_start3A_522 : memref<64xi32, #tpu.memory_space<vmem>>) semaphore(%arg18 : memref<!tpu.dma_semaphore, #tpu.memory_space<semaphore_mem>>) {add = true}
      %lt3A = arith.constant 9 : i32
      %lt3A_526 = arith.cmpi slt, %scan3A_148, %lt3A : i32
      %convert_element_type3A_527 = arith.extui %lt3A_526 : i1 to i32
      %cond3A_528 = arith.constant 0 : i32
      %cond3A_529 = arith.cmpi ne, %convert_element_type3A_527, %cond3A_528 : i32
      scf.if %cond3A_529 {
        %add3A_732 = arith.constant 1 : i32
        %add3A_733 = arith.addi %add3A_457, %add3A_732 : i32
        %dma_start3A_734 = arith.constant 0 : i32
        %dma_start3A_735 = arith.constant 0 : i32
        %dma_start3A_736 = tpu.memref_slice %arg3[%add3A, %add3A_733, %dma_start3A_734, %dma_start3A_735] : memref<32x20x8x64xi32, #tpu.memory_space<hbm>> -> memref<1x1x8x64xi32, #tpu.memory_space<hbm>>
        %dma_start3A_737 = tpu.memref_squeeze %dma_start3A_736 : memref<1x1x8x64xi32, #tpu.memory_space<hbm>> -> memref<8x64xi32, #tpu.memory_space<hbm>>
        %dma_start3A_738 = arith.constant 0 : i32
        %dma_start3A_739 = arith.constant 0 : i32
        %dma_start3A_740 = tpu.memref_slice %arg3[%add3A, %add3A_733, %dma_start3A_738, %dma_start3A_739] : memref<32x20x8x64xi32, #tpu.memory_space<hbm>> -> memref<1x1x8x64xi32, #tpu.memory_space<hbm>>
        %dma_start3A_741 = tpu.memref_squeeze %dma_start3A_740 : memref<1x1x8x64xi32, #tpu.memory_space<hbm>> -> memref<8x64xi32, #tpu.memory_space<hbm>>
        tpu.enqueue_dma source(%dma_start3A_741 : memref<8x64xi32, #tpu.memory_space<hbm>>) target(%arg11 : memref<8x64xi32, #tpu.memory_space<vmem>>) target_semaphore(%arg19 : memref<!tpu.dma_semaphore, #tpu.memory_space<semaphore_mem>>)
        %dma_start3A_742 = arith.constant 0 : i32
        %dma_start3A_743 = arith.constant 0 : i32
        %dma_start3A_744 = tpu.memref_slice %arg4[%add3A, %add3A_733, %dma_start3A_742, %dma_start3A_743] : memref<32x20x8x64xi32, #tpu.memory_space<hbm>> -> memref<1x1x8x64xi32, #tpu.memory_space<hbm>>
        %dma_start3A_745 = tpu.memref_squeeze %dma_start3A_744 : memref<1x1x8x64xi32, #tpu.memory_space<hbm>> -> memref<8x64xi32, #tpu.memory_space<hbm>>
        %dma_start3A_746 = arith.constant 0 : i32
        %dma_start3A_747 = arith.constant 0 : i32
        %dma_start3A_748 = tpu.memref_slice %arg4[%add3A, %add3A_733, %dma_start3A_746, %dma_start3A_747] : memref<32x20x8x64xi32, #tpu.memory_space<hbm>> -> memref<1x1x8x64xi32, #tpu.memory_space<hbm>>
        %dma_start3A_749 = tpu.memref_squeeze %dma_start3A_748 : memref<1x1x8x64xi32, #tpu.memory_space<hbm>> -> memref<8x64xi32, #tpu.memory_space<hbm>>
        tpu.enqueue_dma source(%dma_start3A_749 : memref<8x64xi32, #tpu.memory_space<hbm>>) target(%arg13 : memref<8x64xi32, #tpu.memory_space<vmem>>) target_semaphore(%arg19 : memref<!tpu.dma_semaphore, #tpu.memory_space<semaphore_mem>>)
      } else {
      }
      %dma_start3A_530 = arith.constant 3 : i32
      %dma_start3A_531 = arith.constant 0 : i32
      %dma_start3A_532 = tpu.memref_slice %arg12[%dma_start3A_530, %dma_start3A_531] : memref<8x64xi32, #tpu.memory_space<vmem>> -> memref<1x64xi32, #tpu.memory_space<vmem>>
      %dma_start3A_533 = tpu.memref_squeeze %dma_start3A_532 : memref<1x64xi32, #tpu.memory_space<vmem>> -> memref<64xi32, #tpu.memory_space<vmem>>
      %dma_start3A_534 = arith.constant 0 : i32
      %dma_start3A_535 = arith.constant 0 : i32
      %dma_start3A_536 = tpu.memref_slice %arg2[%dma_start3A_534, %dma_start3A_535] : memref<160000x64xi32, #tpu.memory_space<hbm>> -> memref<160000x64xi32, #tpu.memory_space<hbm>>
      tpu.enqueue_indirect_dma source(%dma_start3A_536 : memref<160000x64xi32, #tpu.memory_space<hbm>>) target(%arg8 : memref<64x64xi32, #tpu.memory_space<vmem>>) offsets(%dma_start3A_533 : memref<64xi32, #tpu.memory_space<vmem>>) semaphore(%arg16 : memref<!tpu.dma_semaphore, #tpu.memory_space<semaphore_mem>>)
      %dma_wait3A_537 = arith.constant 2 : i32
      %dma_wait3A_538 = arith.constant 0 : i32
      %dma_wait3A_539 = tpu.memref_slice %arg12[%dma_wait3A_537, %dma_wait3A_538] : memref<8x64xi32, #tpu.memory_space<vmem>> -> memref<1x64xi32, #tpu.memory_space<vmem>>
      %dma_wait3A_540 = tpu.memref_squeeze %dma_wait3A_539 : memref<1x64xi32, #tpu.memory_space<vmem>> -> memref<64xi32, #tpu.memory_space<vmem>>
      %dma_wait3A_541 = arith.constant 0 : i32
      %dma_wait3A_542 = arith.constant 0 : i32
      %dma_wait3A_543 = tpu.memref_slice %arg2[%dma_wait3A_541, %dma_wait3A_542] : memref<160000x64xi32, #tpu.memory_space<hbm>> -> memref<160000x64xi32, #tpu.memory_space<hbm>>
      tpu.wait_indirect_dma semaphore(%arg15 : memref<!tpu.dma_semaphore, #tpu.memory_space<semaphore_mem>>) src(%dma_wait3A_543 : memref<160000x64xi32, #tpu.memory_space<hbm>>) dst(%arg7 : memref<64x64xi32, #tpu.memory_space<vmem>>)
      %dma_wait3A_544 = arith.constant 0 : i32
      %dma_wait3A_545 = arith.constant 0 : i32
      %dma_wait3A_546 = tpu.memref_slice %arg14[%dma_wait3A_544, %dma_wait3A_545] : memref<8x64xi32, #tpu.memory_space<vmem>> -> memref<1x64xi32, #tpu.memory_space<vmem>>
      %dma_wait3A_547 = tpu.memref_squeeze %dma_wait3A_546 : memref<1x64xi32, #tpu.memory_space<vmem>> -> memref<64xi32, #tpu.memory_space<vmem>>
      %dma_wait3A_548 = arith.constant 0 : i32
      %dma_wait3A_549 = arith.constant 0 : i32
      %dma_wait3A_550 = tpu.memref_slice %arg6[%dma_wait3A_548, %dma_wait3A_549] : memref<10240x128xf32, #tpu.memory_space<vmem_shared>> -> memref<10240x128xf32, #tpu.memory_space<vmem_shared>>
      tpu.wait_indirect_dma semaphore(%arg17 : memref<!tpu.dma_semaphore, #tpu.memory_space<semaphore_mem>>) src(%arg9 : memref<64x128xf32, #tpu.memory_space<vmem>>) dst(%dma_wait3A_550 : memref<10240x128xf32, #tpu.memory_space<vmem_shared>>)
      %scan3A_551 = arith.constant 0 : i32
      %scan3A_552 = arith.constant 0 : i32
      %scan3A_553 = arith.constant 64 : i32
      %scan3A_554 = arith.addi %scan3A_552, %scan3A_553 : i32
      %scan3A_555 = arith.constant 1 : i32
      scf.for %scan3A_732 = %scan3A_552 to %scan3A_554 step %scan3A_555  : i32 {
        %get3A = arith.index_cast %scan3A_732 : i32 to index
        %get3A_733 = arith.constant 0 : index
        %get3A_734 = tpu.vector_load %arg7[%get3A, %get3A_733] {strides = array<i32>} : memref<64x64xi32, #tpu.memory_space<vmem>>, vector<16xi32>,
        %shift_left3A = arith.constant 16 : i32
        %shift_left3A_735 = vector.broadcast %shift_left3A : i32 to vector<16xi32>
        %shift_left3A_736 = arith.shli %get3A_734, %shift_left3A_735 : vector<16xi32>
        %bitcast3A = vector.bitcast %shift_left3A_736 : vector<16xi32> to vector<16xf32>
        %and3A = arith.constant -65536 : i32
        %and3A_737 = vector.broadcast %and3A : i32 to vector<16xi32>
        %and3A_738 = arith.andi %get3A_734, %and3A_737 : vector<16xi32>
        %bitcast3A_739 = vector.bitcast %and3A_738 : vector<16xi32> to vector<16xf32>
        %swap3A = arith.index_cast %scan3A_732 : i32 to index
        %swap3A_740 = arith.constant 0 : index
        %swap3A_741 = tpu.vector_load %arg9[%swap3A, %swap3A_740] {strides = array<i32>} : memref<64x128xf32, #tpu.memory_space<vmem>>, vector<16xf32>,
        tpu.vector_store %arg9[%swap3A, %swap3A_740], %bitcast3A {strides = array<i32>} : memref<64x128xf32, #tpu.memory_space<vmem>>, vector<16xf32>,
        %swap3A_742 = arith.index_cast %scan3A_732 : i32 to index
        %swap3A_743 = arith.constant 16 : index
        %swap3A_744 = tpu.vector_load %arg9[%swap3A_742, %swap3A_743] {strides = array<i32>} : memref<64x128xf32, #tpu.memory_space<vmem>>, vector<16xf32>,
        tpu.vector_store %arg9[%swap3A_742, %swap3A_743], %bitcast3A_739 {strides = array<i32>} : memref<64x128xf32, #tpu.memory_space<vmem>>, vector<16xf32>,
        %get3A_745 = arith.index_cast %scan3A_732 : i32 to index
        %get3A_746 = arith.constant 16 : index
        %get3A_747 = tpu.vector_load %arg7[%get3A_745, %get3A_746] {strides = array<i32>} : memref<64x64xi32, #tpu.memory_space<vmem>>, vector<16xi32>,
        %shift_left3A_748 = arith.constant 16 : i32
        %shift_left3A_749 = vector.broadcast %shift_left3A_748 : i32 to vector<16xi32>
        %shift_left3A_750 = arith.shli %get3A_747, %shift_left3A_749 : vector<16xi32>
        %bitcast3A_751 = vector.bitcast %shift_left3A_750 : vector<16xi32> to vector<16xf32>
        %and3A_752 = arith.constant -65536 : i32
        %and3A_753 = vector.broadcast %and3A_752 : i32 to vector<16xi32>
        %and3A_754 = arith.andi %get3A_747, %and3A_753 : vector<16xi32>
        %bitcast3A_755 = vector.bitcast %and3A_754 : vector<16xi32> to vector<16xf32>
        %swap3A_756 = arith.index_cast %scan3A_732 : i32 to index
        %swap3A_757 = arith.constant 32 : index
        %swap3A_758 = tpu.vector_load %arg9[%swap3A_756, %swap3A_757] {strides = array<i32>} : memref<64x128xf32, #tpu.memory_space<vmem>>, vector<16xf32>,
        tpu.vector_store %arg9[%swap3A_756, %swap3A_757], %bitcast3A_751 {strides = array<i32>} : memref<64x128xf32, #tpu.memory_space<vmem>>, vector<16xf32>,
        %swap3A_759 = arith.index_cast %scan3A_732 : i32 to index
        %swap3A_760 = arith.constant 48 : index
        %swap3A_761 = tpu.vector_load %arg9[%swap3A_759, %swap3A_760] {strides = array<i32>} : memref<64x128xf32, #tpu.memory_space<vmem>>, vector<16xf32>,
        tpu.vector_store %arg9[%swap3A_759, %swap3A_760], %bitcast3A_755 {strides = array<i32>} : memref<64x128xf32, #tpu.memory_space<vmem>>, vector<16xf32>,
        %get3A_762 = arith.index_cast %scan3A_732 : i32 to index
        %get3A_763 = arith.constant 32 : index
        %get3A_764 = tpu.vector_load %arg7[%get3A_762, %get3A_763] {strides = array<i32>} : memref<64x64xi32, #tpu.memory_space<vmem>>, vector<16xi32>,
        %shift_left3A_765 = arith.constant 16 : i32
        %shift_left3A_766 = vector.broadcast %shift_left3A_765 : i32 to vector<16xi32>
        %shift_left3A_767 = arith.shli %get3A_764, %shift_left3A_766 : vector<16xi32>
        %bitcast3A_768 = vector.bitcast %shift_left3A_767 : vector<16xi32> to vector<16xf32>
        %and3A_769 = arith.constant -65536 : i32
        %and3A_770 = vector.broadcast %and3A_769 : i32 to vector<16xi32>
        %and3A_771 = arith.andi %get3A_764, %and3A_770 : vector<16xi32>
        %bitcast3A_772 = vector.bitcast %and3A_771 : vector<16xi32> to vector<16xf32>
        %swap3A_773 = arith.index_cast %scan3A_732 : i32 to index
        %swap3A_774 = arith.constant 64 : index
        %swap3A_775 = tpu.vector_load %arg9[%swap3A_773, %swap3A_774] {strides = array<i32>} : memref<64x128xf32, #tpu.memory_space<vmem>>, vector<16xf32>,
        tpu.vector_store %arg9[%swap3A_773, %swap3A_774], %bitcast3A_768 {strides = array<i32>} : memref<64x128xf32, #tpu.memory_space<vmem>>, vector<16xf32>,
        %swap3A_776 = arith.index_cast %scan3A_732 : i32 to index
        %swap3A_777 = arith.constant 80 : index
        %swap3A_778 = tpu.vector_load %arg9[%swap3A_776, %swap3A_777] {strides = array<i32>} : memref<64x128xf32, #tpu.memory_space<vmem>>, vector<16xf32>,
        tpu.vector_store %arg9[%swap3A_776, %swap3A_777], %bitcast3A_772 {strides = array<i32>} : memref<64x128xf32, #tpu.memory_space<vmem>>, vector<16xf32>,
        %get3A_779 = arith.index_cast %scan3A_732 : i32 to index
        %get3A_780 = arith.constant 48 : index
        %get3A_781 = tpu.vector_load %arg7[%get3A_779, %get3A_780] {strides = array<i32>} : memref<64x64xi32, #tpu.memory_space<vmem>>, vector<16xi32>,
        %shift_left3A_782 = arith.constant 16 : i32
        %shift_left3A_783 = vector.broadcast %shift_left3A_782 : i32 to vector<16xi32>
        %shift_left3A_784 = arith.shli %get3A_781, %shift_left3A_783 : vector<16xi32>
        %bitcast3A_785 = vector.bitcast %shift_left3A_784 : vector<16xi32> to vector<16xf32>
        %and3A_786 = arith.constant -65536 : i32
        %and3A_787 = vector.broadcast %and3A_786 : i32 to vector<16xi32>
        %and3A_788 = arith.andi %get3A_781, %and3A_787 : vector<16xi32>
        %bitcast3A_789 = vector.bitcast %and3A_788 : vector<16xi32> to vector<16xf32>
        %swap3A_790 = arith.index_cast %scan3A_732 : i32 to index
        %swap3A_791 = arith.constant 96 : index
        %swap3A_792 = tpu.vector_load %arg9[%swap3A_790, %swap3A_791] {strides = array<i32>} : memref<64x128xf32, #tpu.memory_space<vmem>>, vector<16xf32>,
        tpu.vector_store %arg9[%swap3A_790, %swap3A_791], %bitcast3A_785 {strides = array<i32>} : memref<64x128xf32, #tpu.memory_space<vmem>>, vector<16xf32>,
        %swap3A_793 = arith.index_cast %scan3A_732 : i32 to index
        %swap3A_794 = arith.constant 112 : index
        %swap3A_795 = tpu.vector_load %arg9[%swap3A_793, %swap3A_794] {strides = array<i32>} : memref<64x128xf32, #tpu.memory_space<vmem>>, vector<16xf32>,
        tpu.vector_store %arg9[%swap3A_793, %swap3A_794], %bitcast3A_789 {strides = array<i32>} : memref<64x128xf32, #tpu.memory_space<vmem>>, vector<16xf32>,
      }
      %scan3A_556 = arith.constant 64 : i32
      %dma_start3A_557 = arith.constant 2 : i32
      %dma_start3A_558 = arith.constant 0 : i32
      %dma_start3A_559 = tpu.memref_slice %arg14[%dma_start3A_557, %dma_start3A_558] : memref<8x64xi32, #tpu.memory_space<vmem>> -> memref<1x64xi32, #tpu.memory_space<vmem>>
      %dma_start3A_560 = tpu.memref_squeeze %dma_start3A_559 : memref<1x64xi32, #tpu.memory_space<vmem>> -> memref<64xi32, #tpu.memory_space<vmem>>
      %dma_start3A_561 = arith.constant 0 : i32
      %dma_start3A_562 = arith.constant 0 : i32
      %dma_start3A_563 = tpu.memref_slice %arg6[%dma_start3A_561, %dma_start3A_562] : memref<10240x128xf32, #tpu.memory_space<vmem_shared>> -> memref<10240x128xf32, #tpu.memory_space<vmem_shared>>
      tpu.enqueue_indirect_dma source(%arg9 : memref<64x128xf32, #tpu.memory_space<vmem>>) target(%dma_start3A_563 : memref<10240x128xf32, #tpu.memory_space<vmem_shared>>) offsets(%dma_start3A_560 : memref<64xi32, #tpu.memory_space<vmem>>) semaphore(%arg17 : memref<!tpu.dma_semaphore, #tpu.memory_space<semaphore_mem>>) {add = true}
      %dma_start3A_564 = arith.constant 4 : i32
      %dma_start3A_565 = arith.constant 0 : i32
      %dma_start3A_566 = tpu.memref_slice %arg12[%dma_start3A_564, %dma_start3A_565] : memref<8x64xi32, #tpu.memory_space<vmem>> -> memref<1x64xi32, #tpu.memory_space<vmem>>
      %dma_start3A_567 = tpu.memref_squeeze %dma_start3A_566 : memref<1x64xi32, #tpu.memory_space<vmem>> -> memref<64xi32, #tpu.memory_space<vmem>>
      %dma_start3A_568 = arith.constant 0 : i32
      %dma_start3A_569 = arith.constant 0 : i32
      %dma_start3A_570 = tpu.memref_slice %arg2[%dma_start3A_568, %dma_start3A_569] : memref<160000x64xi32, #tpu.memory_space<hbm>> -> memref<160000x64xi32, #tpu.memory_space<hbm>>
      tpu.enqueue_indirect_dma source(%dma_start3A_570 : memref<160000x64xi32, #tpu.memory_space<hbm>>) target(%arg7 : memref<64x64xi32, #tpu.memory_space<vmem>>) offsets(%dma_start3A_567 : memref<64xi32, #tpu.memory_space<vmem>>) semaphore(%arg15 : memref<!tpu.dma_semaphore, #tpu.memory_space<semaphore_mem>>)
      %dma_wait3A_571 = arith.constant 3 : i32
      %dma_wait3A_572 = arith.constant 0 : i32
      %dma_wait3A_573 = tpu.memref_slice %arg12[%dma_wait3A_571, %dma_wait3A_572] : memref<8x64xi32, #tpu.memory_space<vmem>> -> memref<1x64xi32, #tpu.memory_space<vmem>>
      %dma_wait3A_574 = tpu.memref_squeeze %dma_wait3A_573 : memref<1x64xi32, #tpu.memory_space<vmem>> -> memref<64xi32, #tpu.memory_space<vmem>>
      %dma_wait3A_575 = arith.constant 0 : i32
      %dma_wait3A_576 = arith.constant 0 : i32
      %dma_wait3A_577 = tpu.memref_slice %arg2[%dma_wait3A_575, %dma_wait3A_576] : memref<160000x64xi32, #tpu.memory_space<hbm>> -> memref<160000x64xi32, #tpu.memory_space<hbm>>
      tpu.wait_indirect_dma semaphore(%arg16 : memref<!tpu.dma_semaphore, #tpu.memory_space<semaphore_mem>>) src(%dma_wait3A_577 : memref<160000x64xi32, #tpu.memory_space<hbm>>) dst(%arg8 : memref<64x64xi32, #tpu.memory_space<vmem>>)
      %dma_wait3A_578 = arith.constant 1 : i32
      %dma_wait3A_579 = arith.constant 0 : i32
      %dma_wait3A_580 = tpu.memref_slice %arg14[%dma_wait3A_578, %dma_wait3A_579] : memref<8x64xi32, #tpu.memory_space<vmem>> -> memref<1x64xi32, #tpu.memory_space<vmem>>
      %dma_wait3A_581 = tpu.memref_squeeze %dma_wait3A_580 : memref<1x64xi32, #tpu.memory_space<vmem>> -> memref<64xi32, #tpu.memory_space<vmem>>
      %dma_wait3A_582 = arith.constant 0 : i32
      %dma_wait3A_583 = arith.constant 0 : i32
      %dma_wait3A_584 = tpu.memref_slice %arg6[%dma_wait3A_582, %dma_wait3A_583] : memref<10240x128xf32, #tpu.memory_space<vmem_shared>> -> memref<10240x128xf32, #tpu.memory_space<vmem_shared>>
      tpu.wait_indirect_dma semaphore(%arg18 : memref<!tpu.dma_semaphore, #tpu.memory_space<semaphore_mem>>) src(%arg10 : memref<64x128xf32, #tpu.memory_space<vmem>>) dst(%dma_wait3A_584 : memref<10240x128xf32, #tpu.memory_space<vmem_shared>>)
      %scan3A_585 = arith.constant 0 : i32
      %scan3A_586 = arith.constant 0 : i32
      %scan3A_587 = arith.constant 64 : i32
      %scan3A_588 = arith.addi %scan3A_586, %scan3A_587 : i32
      %scan3A_589 = arith.constant 1 : i32
      scf.for %scan3A_732 = %scan3A_586 to %scan3A_588 step %scan3A_589  : i32 {
        %get3A = arith.index_cast %scan3A_732 : i32 to index
        %get3A_733 = arith.constant 0 : index
        %get3A_734 = tpu.vector_load %arg8[%get3A, %get3A_733] {strides = array<i32>} : memref<64x64xi32, #tpu.memory_space<vmem>>, vector<16xi32>,
        %shift_left3A = arith.constant 16 : i32
        %shift_left3A_735 = vector.broadcast %shift_left3A : i32 to vector<16xi32>
        %shift_left3A_736 = arith.shli %get3A_734, %shift_left3A_735 : vector<16xi32>
        %bitcast3A = vector.bitcast %shift_left3A_736 : vector<16xi32> to vector<16xf32>
        %and3A = arith.constant -65536 : i32
        %and3A_737 = vector.broadcast %and3A : i32 to vector<16xi32>
        %and3A_738 = arith.andi %get3A_734, %and3A_737 : vector<16xi32>
        %bitcast3A_739 = vector.bitcast %and3A_738 : vector<16xi32> to vector<16xf32>
        %swap3A = arith.index_cast %scan3A_732 : i32 to index
        %swap3A_740 = arith.constant 0 : index
        %swap3A_741 = tpu.vector_load %arg10[%swap3A, %swap3A_740] {strides = array<i32>} : memref<64x128xf32, #tpu.memory_space<vmem>>, vector<16xf32>,
        tpu.vector_store %arg10[%swap3A, %swap3A_740], %bitcast3A {strides = array<i32>} : memref<64x128xf32, #tpu.memory_space<vmem>>, vector<16xf32>,
        %swap3A_742 = arith.index_cast %scan3A_732 : i32 to index
        %swap3A_743 = arith.constant 16 : index
        %swap3A_744 = tpu.vector_load %arg10[%swap3A_742, %swap3A_743] {strides = array<i32>} : memref<64x128xf32, #tpu.memory_space<vmem>>, vector<16xf32>,
        tpu.vector_store %arg10[%swap3A_742, %swap3A_743], %bitcast3A_739 {strides = array<i32>} : memref<64x128xf32, #tpu.memory_space<vmem>>, vector<16xf32>,
        %get3A_745 = arith.index_cast %scan3A_732 : i32 to index
        %get3A_746 = arith.constant 16 : index
        %get3A_747 = tpu.vector_load %arg8[%get3A_745, %get3A_746] {strides = array<i32>} : memref<64x64xi32, #tpu.memory_space<vmem>>, vector<16xi32>,
        %shift_left3A_748 = arith.constant 16 : i32
        %shift_left3A_749 = vector.broadcast %shift_left3A_748 : i32 to vector<16xi32>
        %shift_left3A_750 = arith.shli %get3A_747, %shift_left3A_749 : vector<16xi32>
        %bitcast3A_751 = vector.bitcast %shift_left3A_750 : vector<16xi32> to vector<16xf32>
        %and3A_752 = arith.constant -65536 : i32
        %and3A_753 = vector.broadcast %and3A_752 : i32 to vector<16xi32>
        %and3A_754 = arith.andi %get3A_747, %and3A_753 : vector<16xi32>
        %bitcast3A_755 = vector.bitcast %and3A_754 : vector<16xi32> to vector<16xf32>
        %swap3A_756 = arith.index_cast %scan3A_732 : i32 to index
        %swap3A_757 = arith.constant 32 : index
        %swap3A_758 = tpu.vector_load %arg10[%swap3A_756, %swap3A_757] {strides = array<i32>} : memref<64x128xf32, #tpu.memory_space<vmem>>, vector<16xf32>,
        tpu.vector_store %arg10[%swap3A_756, %swap3A_757], %bitcast3A_751 {strides = array<i32>} : memref<64x128xf32, #tpu.memory_space<vmem>>, vector<16xf32>,
        %swap3A_759 = arith.index_cast %scan3A_732 : i32 to index
        %swap3A_760 = arith.constant 48 : index
        %swap3A_761 = tpu.vector_load %arg10[%swap3A_759, %swap3A_760] {strides = array<i32>} : memref<64x128xf32, #tpu.memory_space<vmem>>, vector<16xf32>,
        tpu.vector_store %arg10[%swap3A_759, %swap3A_760], %bitcast3A_755 {strides = array<i32>} : memref<64x128xf32, #tpu.memory_space<vmem>>, vector<16xf32>,
        %get3A_762 = arith.index_cast %scan3A_732 : i32 to index
        %get3A_763 = arith.constant 32 : index
        %get3A_764 = tpu.vector_load %arg8[%get3A_762, %get3A_763] {strides = array<i32>} : memref<64x64xi32, #tpu.memory_space<vmem>>, vector<16xi32>,
        %shift_left3A_765 = arith.constant 16 : i32
        %shift_left3A_766 = vector.broadcast %shift_left3A_765 : i32 to vector<16xi32>
        %shift_left3A_767 = arith.shli %get3A_764, %shift_left3A_766 : vector<16xi32>
        %bitcast3A_768 = vector.bitcast %shift_left3A_767 : vector<16xi32> to vector<16xf32>
        %and3A_769 = arith.constant -65536 : i32
        %and3A_770 = vector.broadcast %and3A_769 : i32 to vector<16xi32>
        %and3A_771 = arith.andi %get3A_764, %and3A_770 : vector<16xi32>
        %bitcast3A_772 = vector.bitcast %and3A_771 : vector<16xi32> to vector<16xf32>
        %swap3A_773 = arith.index_cast %scan3A_732 : i32 to index
        %swap3A_774 = arith.constant 64 : index
        %swap3A_775 = tpu.vector_load %arg10[%swap3A_773, %swap3A_774] {strides = array<i32>} : memref<64x128xf32, #tpu.memory_space<vmem>>, vector<16xf32>,
        tpu.vector_store %arg10[%swap3A_773, %swap3A_774], %bitcast3A_768 {strides = array<i32>} : memref<64x128xf32, #tpu.memory_space<vmem>>, vector<16xf32>,
        %swap3A_776 = arith.index_cast %scan3A_732 : i32 to index
        %swap3A_777 = arith.constant 80 : index
        %swap3A_778 = tpu.vector_load %arg10[%swap3A_776, %swap3A_777] {strides = array<i32>} : memref<64x128xf32, #tpu.memory_space<vmem>>, vector<16xf32>,
        tpu.vector_store %arg10[%swap3A_776, %swap3A_777], %bitcast3A_772 {strides = array<i32>} : memref<64x128xf32, #tpu.memory_space<vmem>>, vector<16xf32>,
        %get3A_779 = arith.index_cast %scan3A_732 : i32 to index
        %get3A_780 = arith.constant 48 : index
        %get3A_781 = tpu.vector_load %arg8[%get3A_779, %get3A_780] {strides = array<i32>} : memref<64x64xi32, #tpu.memory_space<vmem>>, vector<16xi32>,
        %shift_left3A_782 = arith.constant 16 : i32
        %shift_left3A_783 = vector.broadcast %shift_left3A_782 : i32 to vector<16xi32>
        %shift_left3A_784 = arith.shli %get3A_781, %shift_left3A_783 : vector<16xi32>
        %bitcast3A_785 = vector.bitcast %shift_left3A_784 : vector<16xi32> to vector<16xf32>
        %and3A_786 = arith.constant -65536 : i32
        %and3A_787 = vector.broadcast %and3A_786 : i32 to vector<16xi32>
        %and3A_788 = arith.andi %get3A_781, %and3A_787 : vector<16xi32>
        %bitcast3A_789 = vector.bitcast %and3A_788 : vector<16xi32> to vector<16xf32>
        %swap3A_790 = arith.index_cast %scan3A_732 : i32 to index
        %swap3A_791 = arith.constant 96 : index
        %swap3A_792 = tpu.vector_load %arg10[%swap3A_790, %swap3A_791] {strides = array<i32>} : memref<64x128xf32, #tpu.memory_space<vmem>>, vector<16xf32>,
        tpu.vector_store %arg10[%swap3A_790, %swap3A_791], %bitcast3A_785 {strides = array<i32>} : memref<64x128xf32, #tpu.memory_space<vmem>>, vector<16xf32>,
        %swap3A_793 = arith.index_cast %scan3A_732 : i32 to index
        %swap3A_794 = arith.constant 112 : index
        %swap3A_795 = tpu.vector_load %arg10[%swap3A_793, %swap3A_794] {strides = array<i32>} : memref<64x128xf32, #tpu.memory_space<vmem>>, vector<16xf32>,
        tpu.vector_store %arg10[%swap3A_793, %swap3A_794], %bitcast3A_789 {strides = array<i32>} : memref<64x128xf32, #tpu.memory_space<vmem>>, vector<16xf32>,
      }
      %scan3A_590 = arith.constant 64 : i32
      %dma_start3A_591 = arith.constant 3 : i32
      %dma_start3A_592 = arith.constant 0 : i32
      %dma_start3A_593 = tpu.memref_slice %arg14[%dma_start3A_591, %dma_start3A_592] : memref<8x64xi32, #tpu.memory_space<vmem>> -> memref<1x64xi32, #tpu.memory_space<vmem>>
      %dma_start3A_594 = tpu.memref_squeeze %dma_start3A_593 : memref<1x64xi32, #tpu.memory_space<vmem>> -> memref<64xi32, #tpu.memory_space<vmem>>
      %dma_start3A_595 = arith.constant 0 : i32
      %dma_start3A_596 = arith.constant 0 : i32
      %dma_start3A_597 = tpu.memref_slice %arg6[%dma_start3A_595, %dma_start3A_596] : memref<10240x128xf32, #tpu.memory_space<vmem_shared>> -> memref<10240x128xf32, #tpu.memory_space<vmem_shared>>
      tpu.enqueue_indirect_dma source(%arg10 : memref<64x128xf32, #tpu.memory_space<vmem>>) target(%dma_start3A_597 : memref<10240x128xf32, #tpu.memory_space<vmem_shared>>) offsets(%dma_start3A_594 : memref<64xi32, #tpu.memory_space<vmem>>) semaphore(%arg18 : memref<!tpu.dma_semaphore, #tpu.memory_space<semaphore_mem>>) {add = true}
      %dma_start3A_598 = arith.constant 5 : i32
      %dma_start3A_599 = arith.constant 0 : i32
      %dma_start3A_600 = tpu.memref_slice %arg12[%dma_start3A_598, %dma_start3A_599] : memref<8x64xi32, #tpu.memory_space<vmem>> -> memref<1x64xi32, #tpu.memory_space<vmem>>
      %dma_start3A_601 = tpu.memref_squeeze %dma_start3A_600 : memref<1x64xi32, #tpu.memory_space<vmem>> -> memref<64xi32, #tpu.memory_space<vmem>>
      %dma_start3A_602 = arith.constant 0 : i32
      %dma_start3A_603 = arith.constant 0 : i32
      %dma_start3A_604 = tpu.memref_slice %arg2[%dma_start3A_602, %dma_start3A_603] : memref<160000x64xi32, #tpu.memory_space<hbm>> -> memref<160000x64xi32, #tpu.memory_space<hbm>>
      tpu.enqueue_indirect_dma source(%dma_start3A_604 : memref<160000x64xi32, #tpu.memory_space<hbm>>) target(%arg8 : memref<64x64xi32, #tpu.memory_space<vmem>>) offsets(%dma_start3A_601 : memref<64xi32, #tpu.memory_space<vmem>>) semaphore(%arg16 : memref<!tpu.dma_semaphore, #tpu.memory_space<semaphore_mem>>)
      %dma_wait3A_605 = arith.constant 4 : i32
      %dma_wait3A_606 = arith.constant 0 : i32
      %dma_wait3A_607 = tpu.memref_slice %arg12[%dma_wait3A_605, %dma_wait3A_606] : memref<8x64xi32, #tpu.memory_space<vmem>> -> memref<1x64xi32, #tpu.memory_space<vmem>>
      %dma_wait3A_608 = tpu.memref_squeeze %dma_wait3A_607 : memref<1x64xi32, #tpu.memory_space<vmem>> -> memref<64xi32, #tpu.memory_space<vmem>>
      %dma_wait3A_609 = arith.constant 0 : i32
      %dma_wait3A_610 = arith.constant 0 : i32
      %dma_wait3A_611 = tpu.memref_slice %arg2[%dma_wait3A_609, %dma_wait3A_610] : memref<160000x64xi32, #tpu.memory_space<hbm>> -> memref<160000x64xi32, #tpu.memory_space<hbm>>
      tpu.wait_indirect_dma semaphore(%arg15 : memref<!tpu.dma_semaphore, #tpu.memory_space<semaphore_mem>>) src(%dma_wait3A_611 : memref<160000x64xi32, #tpu.memory_space<hbm>>) dst(%arg7 : memref<64x64xi32, #tpu.memory_space<vmem>>)
      %dma_wait3A_612 = arith.constant 2 : i32
      %dma_wait3A_613 = arith.constant 0 : i32
      %dma_wait3A_614 = tpu.memref_slice %arg14[%dma_wait3A_612, %dma_wait3A_613] : memref<8x64xi32, #tpu.memory_space<vmem>> -> memref<1x64xi32, #tpu.memory_space<vmem>>
      %dma_wait3A_615 = tpu.memref_squeeze %dma_wait3A_614 : memref<1x64xi32, #tpu.memory_space<vmem>> -> memref<64xi32, #tpu.memory_space<vmem>>
      %dma_wait3A_616 = arith.constant 0 : i32
      %dma_wait3A_617 = arith.constant 0 : i32
      %dma_wait3A_618 = tpu.memref_slice %arg6[%dma_wait3A_616, %dma_wait3A_617] : memref<10240x128xf32, #tpu.memory_space<vmem_shared>> -> memref<10240x128xf32, #tpu.memory_space<vmem_shared>>
      tpu.wait_indirect_dma semaphore(%arg17 : memref<!tpu.dma_semaphore, #tpu.memory_space<semaphore_mem>>) src(%arg9 : memref<64x128xf32, #tpu.memory_space<vmem>>) dst(%dma_wait3A_618 : memref<10240x128xf32, #tpu.memory_space<vmem_shared>>)
      %scan3A_619 = arith.constant 0 : i32
      %scan3A_620 = arith.constant 0 : i32
      %scan3A_621 = arith.constant 64 : i32
      %scan3A_622 = arith.addi %scan3A_620, %scan3A_621 : i32
      %scan3A_623 = arith.constant 1 : i32
      scf.for %scan3A_732 = %scan3A_620 to %scan3A_622 step %scan3A_623  : i32 {
        %get3A = arith.index_cast %scan3A_732 : i32 to index
        %get3A_733 = arith.constant 0 : index
        %get3A_734 = tpu.vector_load %arg7[%get3A, %get3A_733] {strides = array<i32>} : memref<64x64xi32, #tpu.memory_space<vmem>>, vector<16xi32>,
        %shift_left3A = arith.constant 16 : i32
        %shift_left3A_735 = vector.broadcast %shift_left3A : i32 to vector<16xi32>
        %shift_left3A_736 = arith.shli %get3A_734, %shift_left3A_735 : vector<16xi32>
        %bitcast3A = vector.bitcast %shift_left3A_736 : vector<16xi32> to vector<16xf32>
        %and3A = arith.constant -65536 : i32
        %and3A_737 = vector.broadcast %and3A : i32 to vector<16xi32>
        %and3A_738 = arith.andi %get3A_734, %and3A_737 : vector<16xi32>
        %bitcast3A_739 = vector.bitcast %and3A_738 : vector<16xi32> to vector<16xf32>
        %swap3A = arith.index_cast %scan3A_732 : i32 to index
        %swap3A_740 = arith.constant 0 : index
        %swap3A_741 = tpu.vector_load %arg9[%swap3A, %swap3A_740] {strides = array<i32>} : memref<64x128xf32, #tpu.memory_space<vmem>>, vector<16xf32>,
        tpu.vector_store %arg9[%swap3A, %swap3A_740], %bitcast3A {strides = array<i32>} : memref<64x128xf32, #tpu.memory_space<vmem>>, vector<16xf32>,
        %swap3A_742 = arith.index_cast %scan3A_732 : i32 to index
        %swap3A_743 = arith.constant 16 : index
        %swap3A_744 = tpu.vector_load %arg9[%swap3A_742, %swap3A_743] {strides = array<i32>} : memref<64x128xf32, #tpu.memory_space<vmem>>, vector<16xf32>,
        tpu.vector_store %arg9[%swap3A_742, %swap3A_743], %bitcast3A_739 {strides = array<i32>} : memref<64x128xf32, #tpu.memory_space<vmem>>, vector<16xf32>,
        %get3A_745 = arith.index_cast %scan3A_732 : i32 to index
        %get3A_746 = arith.constant 16 : index
        %get3A_747 = tpu.vector_load %arg7[%get3A_745, %get3A_746] {strides = array<i32>} : memref<64x64xi32, #tpu.memory_space<vmem>>, vector<16xi32>,
        %shift_left3A_748 = arith.constant 16 : i32
        %shift_left3A_749 = vector.broadcast %shift_left3A_748 : i32 to vector<16xi32>
        %shift_left3A_750 = arith.shli %get3A_747, %shift_left3A_749 : vector<16xi32>
        %bitcast3A_751 = vector.bitcast %shift_left3A_750 : vector<16xi32> to vector<16xf32>
        %and3A_752 = arith.constant -65536 : i32
        %and3A_753 = vector.broadcast %and3A_752 : i32 to vector<16xi32>
        %and3A_754 = arith.andi %get3A_747, %and3A_753 : vector<16xi32>
        %bitcast3A_755 = vector.bitcast %and3A_754 : vector<16xi32> to vector<16xf32>
        %swap3A_756 = arith.index_cast %scan3A_732 : i32 to index
        %swap3A_757 = arith.constant 32 : index
        %swap3A_758 = tpu.vector_load %arg9[%swap3A_756, %swap3A_757] {strides = array<i32>} : memref<64x128xf32, #tpu.memory_space<vmem>>, vector<16xf32>,
        tpu.vector_store %arg9[%swap3A_756, %swap3A_757], %bitcast3A_751 {strides = array<i32>} : memref<64x128xf32, #tpu.memory_space<vmem>>, vector<16xf32>,
        %swap3A_759 = arith.index_cast %scan3A_732 : i32 to index
        %swap3A_760 = arith.constant 48 : index
        %swap3A_761 = tpu.vector_load %arg9[%swap3A_759, %swap3A_760] {strides = array<i32>} : memref<64x128xf32, #tpu.memory_space<vmem>>, vector<16xf32>,
        tpu.vector_store %arg9[%swap3A_759, %swap3A_760], %bitcast3A_755 {strides = array<i32>} : memref<64x128xf32, #tpu.memory_space<vmem>>, vector<16xf32>,
        %get3A_762 = arith.index_cast %scan3A_732 : i32 to index
        %get3A_763 = arith.constant 32 : index
        %get3A_764 = tpu.vector_load %arg7[%get3A_762, %get3A_763] {strides = array<i32>} : memref<64x64xi32, #tpu.memory_space<vmem>>, vector<16xi32>,
        %shift_left3A_765 = arith.constant 16 : i32
        %shift_left3A_766 = vector.broadcast %shift_left3A_765 : i32 to vector<16xi32>
        %shift_left3A_767 = arith.shli %get3A_764, %shift_left3A_766 : vector<16xi32>
        %bitcast3A_768 = vector.bitcast %shift_left3A_767 : vector<16xi32> to vector<16xf32>
        %and3A_769 = arith.constant -65536 : i32
        %and3A_770 = vector.broadcast %and3A_769 : i32 to vector<16xi32>
        %and3A_771 = arith.andi %get3A_764, %and3A_770 : vector<16xi32>
        %bitcast3A_772 = vector.bitcast %and3A_771 : vector<16xi32> to vector<16xf32>
        %swap3A_773 = arith.index_cast %scan3A_732 : i32 to index
        %swap3A_774 = arith.constant 64 : index
        %swap3A_775 = tpu.vector_load %arg9[%swap3A_773, %swap3A_774] {strides = array<i32>} : memref<64x128xf32, #tpu.memory_space<vmem>>, vector<16xf32>,
        tpu.vector_store %arg9[%swap3A_773, %swap3A_774], %bitcast3A_768 {strides = array<i32>} : memref<64x128xf32, #tpu.memory_space<vmem>>, vector<16xf32>,
        %swap3A_776 = arith.index_cast %scan3A_732 : i32 to index
        %swap3A_777 = arith.constant 80 : index
        %swap3A_778 = tpu.vector_load %arg9[%swap3A_776, %swap3A_777] {strides = array<i32>} : memref<64x128xf32, #tpu.memory_space<vmem>>, vector<16xf32>,
        tpu.vector_store %arg9[%swap3A_776, %swap3A_777], %bitcast3A_772 {strides = array<i32>} : memref<64x128xf32, #tpu.memory_space<vmem>>, vector<16xf32>,
        %get3A_779 = arith.index_cast %scan3A_732 : i32 to index
        %get3A_780 = arith.constant 48 : index
        %get3A_781 = tpu.vector_load %arg7[%get3A_779, %get3A_780] {strides = array<i32>} : memref<64x64xi32, #tpu.memory_space<vmem>>, vector<16xi32>,
        %shift_left3A_782 = arith.constant 16 : i32
        %shift_left3A_783 = vector.broadcast %shift_left3A_782 : i32 to vector<16xi32>
        %shift_left3A_784 = arith.shli %get3A_781, %shift_left3A_783 : vector<16xi32>
        %bitcast3A_785 = vector.bitcast %shift_left3A_784 : vector<16xi32> to vector<16xf32>
        %and3A_786 = arith.constant -65536 : i32
        %and3A_787 = vector.broadcast %and3A_786 : i32 to vector<16xi32>
        %and3A_788 = arith.andi %get3A_781, %and3A_787 : vector<16xi32>
        %bitcast3A_789 = vector.bitcast %and3A_788 : vector<16xi32> to vector<16xf32>
        %swap3A_790 = arith.index_cast %scan3A_732 : i32 to index
        %swap3A_791 = arith.constant 96 : index
        %swap3A_792 = tpu.vector_load %arg9[%swap3A_790, %swap3A_791] {strides = array<i32>} : memref<64x128xf32, #tpu.memory_space<vmem>>, vector<16xf32>,
        tpu.vector_store %arg9[%swap3A_790, %swap3A_791], %bitcast3A_785 {strides = array<i32>} : memref<64x128xf32, #tpu.memory_space<vmem>>, vector<16xf32>,
        %swap3A_793 = arith.index_cast %scan3A_732 : i32 to index
        %swap3A_794 = arith.constant 112 : index
        %swap3A_795 = tpu.vector_load %arg9[%swap3A_793, %swap3A_794] {strides = array<i32>} : memref<64x128xf32, #tpu.memory_space<vmem>>, vector<16xf32>,
        tpu.vector_store %arg9[%swap3A_793, %swap3A_794], %bitcast3A_789 {strides = array<i32>} : memref<64x128xf32, #tpu.memory_space<vmem>>, vector<16xf32>,
      }
      %scan3A_624 = arith.constant 64 : i32
      %dma_start3A_625 = arith.constant 4 : i32
      %dma_start3A_626 = arith.constant 0 : i32
      %dma_start3A_627 = tpu.memref_slice %arg14[%dma_start3A_625, %dma_start3A_626] : memref<8x64xi32, #tpu.memory_space<vmem>> -> memref<1x64xi32, #tpu.memory_space<vmem>>
      %dma_start3A_628 = tpu.memref_squeeze %dma_start3A_627 : memref<1x64xi32, #tpu.memory_space<vmem>> -> memref<64xi32, #tpu.memory_space<vmem>>
      %dma_start3A_629 = arith.constant 0 : i32
      %dma_start3A_630 = arith.constant 0 : i32
      %dma_start3A_631 = tpu.memref_slice %arg6[%dma_start3A_629, %dma_start3A_630] : memref<10240x128xf32, #tpu.memory_space<vmem_shared>> -> memref<10240x128xf32, #tpu.memory_space<vmem_shared>>
      tpu.enqueue_indirect_dma source(%arg9 : memref<64x128xf32, #tpu.memory_space<vmem>>) target(%dma_start3A_631 : memref<10240x128xf32, #tpu.memory_space<vmem_shared>>) offsets(%dma_start3A_628 : memref<64xi32, #tpu.memory_space<vmem>>) semaphore(%arg17 : memref<!tpu.dma_semaphore, #tpu.memory_space<semaphore_mem>>) {add = true}
      %dma_start3A_632 = arith.constant 6 : i32
      %dma_start3A_633 = arith.constant 0 : i32
      %dma_start3A_634 = tpu.memref_slice %arg12[%dma_start3A_632, %dma_start3A_633] : memref<8x64xi32, #tpu.memory_space<vmem>> -> memref<1x64xi32, #tpu.memory_space<vmem>>
      %dma_start3A_635 = tpu.memref_squeeze %dma_start3A_634 : memref<1x64xi32, #tpu.memory_space<vmem>> -> memref<64xi32, #tpu.memory_space<vmem>>
      %dma_start3A_636 = arith.constant 0 : i32
      %dma_start3A_637 = arith.constant 0 : i32
      %dma_start3A_638 = tpu.memref_slice %arg2[%dma_start3A_636, %dma_start3A_637] : memref<160000x64xi32, #tpu.memory_space<hbm>> -> memref<160000x64xi32, #tpu.memory_space<hbm>>
      tpu.enqueue_indirect_dma source(%dma_start3A_638 : memref<160000x64xi32, #tpu.memory_space<hbm>>) target(%arg7 : memref<64x64xi32, #tpu.memory_space<vmem>>) offsets(%dma_start3A_635 : memref<64xi32, #tpu.memory_space<vmem>>) semaphore(%arg15 : memref<!tpu.dma_semaphore, #tpu.memory_space<semaphore_mem>>)
      %dma_wait3A_639 = arith.constant 5 : i32
      %dma_wait3A_640 = arith.constant 0 : i32
      %dma_wait3A_641 = tpu.memref_slice %arg12[%dma_wait3A_639, %dma_wait3A_640] : memref<8x64xi32, #tpu.memory_space<vmem>> -> memref<1x64xi32, #tpu.memory_space<vmem>>
      %dma_wait3A_642 = tpu.memref_squeeze %dma_wait3A_641 : memref<1x64xi32, #tpu.memory_space<vmem>> -> memref<64xi32, #tpu.memory_space<vmem>>
      %dma_wait3A_643 = arith.constant 0 : i32
      %dma_wait3A_644 = arith.constant 0 : i32
      %dma_wait3A_645 = tpu.memref_slice %arg2[%dma_wait3A_643, %dma_wait3A_644] : memref<160000x64xi32, #tpu.memory_space<hbm>> -> memref<160000x64xi32, #tpu.memory_space<hbm>>
      tpu.wait_indirect_dma semaphore(%arg16 : memref<!tpu.dma_semaphore, #tpu.memory_space<semaphore_mem>>) src(%dma_wait3A_645 : memref<160000x64xi32, #tpu.memory_space<hbm>>) dst(%arg8 : memref<64x64xi32, #tpu.memory_space<vmem>>)
      %dma_wait3A_646 = arith.constant 3 : i32
      %dma_wait3A_647 = arith.constant 0 : i32
      %dma_wait3A_648 = tpu.memref_slice %arg14[%dma_wait3A_646, %dma_wait3A_647] : memref<8x64xi32, #tpu.memory_space<vmem>> -> memref<1x64xi32, #tpu.memory_space<vmem>>
      %dma_wait3A_649 = tpu.memref_squeeze %dma_wait3A_648 : memref<1x64xi32, #tpu.memory_space<vmem>> -> memref<64xi32, #tpu.memory_space<vmem>>
      %dma_wait3A_650 = arith.constant 0 : i32
      %dma_wait3A_651 = arith.constant 0 : i32
      %dma_wait3A_652 = tpu.memref_slice %arg6[%dma_wait3A_650, %dma_wait3A_651] : memref<10240x128xf32, #tpu.memory_space<vmem_shared>> -> memref<10240x128xf32, #tpu.memory_space<vmem_shared>>
      tpu.wait_indirect_dma semaphore(%arg18 : memref<!tpu.dma_semaphore, #tpu.memory_space<semaphore_mem>>) src(%arg10 : memref<64x128xf32, #tpu.memory_space<vmem>>) dst(%dma_wait3A_652 : memref<10240x128xf32, #tpu.memory_space<vmem_shared>>)
      %scan3A_653 = arith.constant 0 : i32
      %scan3A_654 = arith.constant 0 : i32
      %scan3A_655 = arith.constant 64 : i32
      %scan3A_656 = arith.addi %scan3A_654, %scan3A_655 : i32
      %scan3A_657 = arith.constant 1 : i32
      scf.for %scan3A_732 = %scan3A_654 to %scan3A_656 step %scan3A_657  : i32 {
        %get3A = arith.index_cast %scan3A_732 : i32 to index
        %get3A_733 = arith.constant 0 : index
        %get3A_734 = tpu.vector_load %arg8[%get3A, %get3A_733] {strides = array<i32>} : memref<64x64xi32, #tpu.memory_space<vmem>>, vector<16xi32>,
        %shift_left3A = arith.constant 16 : i32
        %shift_left3A_735 = vector.broadcast %shift_left3A : i32 to vector<16xi32>
        %shift_left3A_736 = arith.shli %get3A_734, %shift_left3A_735 : vector<16xi32>
        %bitcast3A = vector.bitcast %shift_left3A_736 : vector<16xi32> to vector<16xf32>
        %and3A = arith.constant -65536 : i32
        %and3A_737 = vector.broadcast %and3A : i32 to vector<16xi32>
        %and3A_738 = arith.andi %get3A_734, %and3A_737 : vector<16xi32>
        %bitcast3A_739 = vector.bitcast %and3A_738 : vector<16xi32> to vector<16xf32>
        %swap3A = arith.index_cast %scan3A_732 : i32 to index
        %swap3A_740 = arith.constant 0 : index
        %swap3A_741 = tpu.vector_load %arg10[%swap3A, %swap3A_740] {strides = array<i32>} : memref<64x128xf32, #tpu.memory_space<vmem>>, vector<16xf32>,
        tpu.vector_store %arg10[%swap3A, %swap3A_740], %bitcast3A {strides = array<i32>} : memref<64x128xf32, #tpu.memory_space<vmem>>, vector<16xf32>,
        %swap3A_742 = arith.index_cast %scan3A_732 : i32 to index
        %swap3A_743 = arith.constant 16 : index
        %swap3A_744 = tpu.vector_load %arg10[%swap3A_742, %swap3A_743] {strides = array<i32>} : memref<64x128xf32, #tpu.memory_space<vmem>>, vector<16xf32>,
        tpu.vector_store %arg10[%swap3A_742, %swap3A_743], %bitcast3A_739 {strides = array<i32>} : memref<64x128xf32, #tpu.memory_space<vmem>>, vector<16xf32>,
        %get3A_745 = arith.index_cast %scan3A_732 : i32 to index
        %get3A_746 = arith.constant 16 : index
        %get3A_747 = tpu.vector_load %arg8[%get3A_745, %get3A_746] {strides = array<i32>} : memref<64x64xi32, #tpu.memory_space<vmem>>, vector<16xi32>,
        %shift_left3A_748 = arith.constant 16 : i32
        %shift_left3A_749 = vector.broadcast %shift_left3A_748 : i32 to vector<16xi32>
        %shift_left3A_750 = arith.shli %get3A_747, %shift_left3A_749 : vector<16xi32>
        %bitcast3A_751 = vector.bitcast %shift_left3A_750 : vector<16xi32> to vector<16xf32>
        %and3A_752 = arith.constant -65536 : i32
        %and3A_753 = vector.broadcast %and3A_752 : i32 to vector<16xi32>
        %and3A_754 = arith.andi %get3A_747, %and3A_753 : vector<16xi32>
        %bitcast3A_755 = vector.bitcast %and3A_754 : vector<16xi32> to vector<16xf32>
        %swap3A_756 = arith.index_cast %scan3A_732 : i32 to index
        %swap3A_757 = arith.constant 32 : index
        %swap3A_758 = tpu.vector_load %arg10[%swap3A_756, %swap3A_757] {strides = array<i32>} : memref<64x128xf32, #tpu.memory_space<vmem>>, vector<16xf32>,
        tpu.vector_store %arg10[%swap3A_756, %swap3A_757], %bitcast3A_751 {strides = array<i32>} : memref<64x128xf32, #tpu.memory_space<vmem>>, vector<16xf32>,
        %swap3A_759 = arith.index_cast %scan3A_732 : i32 to index
        %swap3A_760 = arith.constant 48 : index
        %swap3A_761 = tpu.vector_load %arg10[%swap3A_759, %swap3A_760] {strides = array<i32>} : memref<64x128xf32, #tpu.memory_space<vmem>>, vector<16xf32>,
        tpu.vector_store %arg10[%swap3A_759, %swap3A_760], %bitcast3A_755 {strides = array<i32>} : memref<64x128xf32, #tpu.memory_space<vmem>>, vector<16xf32>,
        %get3A_762 = arith.index_cast %scan3A_732 : i32 to index
        %get3A_763 = arith.constant 32 : index
        %get3A_764 = tpu.vector_load %arg8[%get3A_762, %get3A_763] {strides = array<i32>} : memref<64x64xi32, #tpu.memory_space<vmem>>, vector<16xi32>,
        %shift_left3A_765 = arith.constant 16 : i32
        %shift_left3A_766 = vector.broadcast %shift_left3A_765 : i32 to vector<16xi32>
        %shift_left3A_767 = arith.shli %get3A_764, %shift_left3A_766 : vector<16xi32>
        %bitcast3A_768 = vector.bitcast %shift_left3A_767 : vector<16xi32> to vector<16xf32>
        %and3A_769 = arith.constant -65536 : i32
        %and3A_770 = vector.broadcast %and3A_769 : i32 to vector<16xi32>
        %and3A_771 = arith.andi %get3A_764, %and3A_770 : vector<16xi32>
        %bitcast3A_772 = vector.bitcast %and3A_771 : vector<16xi32> to vector<16xf32>
        %swap3A_773 = arith.index_cast %scan3A_732 : i32 to index
        %swap3A_774 = arith.constant 64 : index
        %swap3A_775 = tpu.vector_load %arg10[%swap3A_773, %swap3A_774] {strides = array<i32>} : memref<64x128xf32, #tpu.memory_space<vmem>>, vector<16xf32>,
        tpu.vector_store %arg10[%swap3A_773, %swap3A_774], %bitcast3A_768 {strides = array<i32>} : memref<64x128xf32, #tpu.memory_space<vmem>>, vector<16xf32>,
        %swap3A_776 = arith.index_cast %scan3A_732 : i32 to index
        %swap3A_777 = arith.constant 80 : index
        %swap3A_778 = tpu.vector_load %arg10[%swap3A_776, %swap3A_777] {strides = array<i32>} : memref<64x128xf32, #tpu.memory_space<vmem>>, vector<16xf32>,
        tpu.vector_store %arg10[%swap3A_776, %swap3A_777], %bitcast3A_772 {strides = array<i32>} : memref<64x128xf32, #tpu.memory_space<vmem>>, vector<16xf32>,
        %get3A_779 = arith.index_cast %scan3A_732 : i32 to index
        %get3A_780 = arith.constant 48 : index
        %get3A_781 = tpu.vector_load %arg8[%get3A_779, %get3A_780] {strides = array<i32>} : memref<64x64xi32, #tpu.memory_space<vmem>>, vector<16xi32>,
        %shift_left3A_782 = arith.constant 16 : i32
        %shift_left3A_783 = vector.broadcast %shift_left3A_782 : i32 to vector<16xi32>
        %shift_left3A_784 = arith.shli %get3A_781, %shift_left3A_783 : vector<16xi32>
        %bitcast3A_785 = vector.bitcast %shift_left3A_784 : vector<16xi32> to vector<16xf32>
        %and3A_786 = arith.constant -65536 : i32
        %and3A_787 = vector.broadcast %and3A_786 : i32 to vector<16xi32>
        %and3A_788 = arith.andi %get3A_781, %and3A_787 : vector<16xi32>
        %bitcast3A_789 = vector.bitcast %and3A_788 : vector<16xi32> to vector<16xf32>
        %swap3A_790 = arith.index_cast %scan3A_732 : i32 to index
        %swap3A_791 = arith.constant 96 : index
        %swap3A_792 = tpu.vector_load %arg10[%swap3A_790, %swap3A_791] {strides = array<i32>} : memref<64x128xf32, #tpu.memory_space<vmem>>, vector<16xf32>,
        tpu.vector_store %arg10[%swap3A_790, %swap3A_791], %bitcast3A_785 {strides = array<i32>} : memref<64x128xf32, #tpu.memory_space<vmem>>, vector<16xf32>,
        %swap3A_793 = arith.index_cast %scan3A_732 : i32 to index
        %swap3A_794 = arith.constant 112 : index
        %swap3A_795 = tpu.vector_load %arg10[%swap3A_793, %swap3A_794] {strides = array<i32>} : memref<64x128xf32, #tpu.memory_space<vmem>>, vector<16xf32>,
        tpu.vector_store %arg10[%swap3A_793, %swap3A_794], %bitcast3A_789 {strides = array<i32>} : memref<64x128xf32, #tpu.memory_space<vmem>>, vector<16xf32>,
      }
      %scan3A_658 = arith.constant 64 : i32
      %dma_start3A_659 = arith.constant 5 : i32
      %dma_start3A_660 = arith.constant 0 : i32
      %dma_start3A_661 = tpu.memref_slice %arg14[%dma_start3A_659, %dma_start3A_660] : memref<8x64xi32, #tpu.memory_space<vmem>> -> memref<1x64xi32, #tpu.memory_space<vmem>>
      %dma_start3A_662 = tpu.memref_squeeze %dma_start3A_661 : memref<1x64xi32, #tpu.memory_space<vmem>> -> memref<64xi32, #tpu.memory_space<vmem>>
      %dma_start3A_663 = arith.constant 0 : i32
      %dma_start3A_664 = arith.constant 0 : i32
      %dma_start3A_665 = tpu.memref_slice %arg6[%dma_start3A_663, %dma_start3A_664] : memref<10240x128xf32, #tpu.memory_space<vmem_shared>> -> memref<10240x128xf32, #tpu.memory_space<vmem_shared>>
      tpu.enqueue_indirect_dma source(%arg10 : memref<64x128xf32, #tpu.memory_space<vmem>>) target(%dma_start3A_665 : memref<10240x128xf32, #tpu.memory_space<vmem_shared>>) offsets(%dma_start3A_662 : memref<64xi32, #tpu.memory_space<vmem>>) semaphore(%arg18 : memref<!tpu.dma_semaphore, #tpu.memory_space<semaphore_mem>>) {add = true}
      %dma_start3A_666 = arith.constant 7 : i32
      %dma_start3A_667 = arith.constant 0 : i32
      %dma_start3A_668 = tpu.memref_slice %arg12[%dma_start3A_666, %dma_start3A_667] : memref<8x64xi32, #tpu.memory_space<vmem>> -> memref<1x64xi32, #tpu.memory_space<vmem>>
      %dma_start3A_669 = tpu.memref_squeeze %dma_start3A_668 : memref<1x64xi32, #tpu.memory_space<vmem>> -> memref<64xi32, #tpu.memory_space<vmem>>
      %dma_start3A_670 = arith.constant 0 : i32
      %dma_start3A_671 = arith.constant 0 : i32
      %dma_start3A_672 = tpu.memref_slice %arg2[%dma_start3A_670, %dma_start3A_671] : memref<160000x64xi32, #tpu.memory_space<hbm>> -> memref<160000x64xi32, #tpu.memory_space<hbm>>
      tpu.enqueue_indirect_dma source(%dma_start3A_672 : memref<160000x64xi32, #tpu.memory_space<hbm>>) target(%arg8 : memref<64x64xi32, #tpu.memory_space<vmem>>) offsets(%dma_start3A_669 : memref<64xi32, #tpu.memory_space<vmem>>) semaphore(%arg16 : memref<!tpu.dma_semaphore, #tpu.memory_space<semaphore_mem>>)
      %dma_wait3A_673 = arith.constant 6 : i32
      %dma_wait3A_674 = arith.constant 0 : i32
      %dma_wait3A_675 = tpu.memref_slice %arg12[%dma_wait3A_673, %dma_wait3A_674] : memref<8x64xi32, #tpu.memory_space<vmem>> -> memref<1x64xi32, #tpu.memory_space<vmem>>
      %dma_wait3A_676 = tpu.memref_squeeze %dma_wait3A_675 : memref<1x64xi32, #tpu.memory_space<vmem>> -> memref<64xi32, #tpu.memory_space<vmem>>
      %dma_wait3A_677 = arith.constant 0 : i32
      %dma_wait3A_678 = arith.constant 0 : i32
      %dma_wait3A_679 = tpu.memref_slice %arg2[%dma_wait3A_677, %dma_wait3A_678] : memref<160000x64xi32, #tpu.memory_space<hbm>> -> memref<160000x64xi32, #tpu.memory_space<hbm>>
      tpu.wait_indirect_dma semaphore(%arg15 : memref<!tpu.dma_semaphore, #tpu.memory_space<semaphore_mem>>) src(%dma_wait3A_679 : memref<160000x64xi32, #tpu.memory_space<hbm>>) dst(%arg7 : memref<64x64xi32, #tpu.memory_space<vmem>>)
      %dma_wait3A_680 = arith.constant 4 : i32
      %dma_wait3A_681 = arith.constant 0 : i32
      %dma_wait3A_682 = tpu.memref_slice %arg14[%dma_wait3A_680, %dma_wait3A_681] : memref<8x64xi32, #tpu.memory_space<vmem>> -> memref<1x64xi32, #tpu.memory_space<vmem>>
      %dma_wait3A_683 = tpu.memref_squeeze %dma_wait3A_682 : memref<1x64xi32, #tpu.memory_space<vmem>> -> memref<64xi32, #tpu.memory_space<vmem>>
      %dma_wait3A_684 = arith.constant 0 : i32
      %dma_wait3A_685 = arith.constant 0 : i32
      %dma_wait3A_686 = tpu.memref_slice %arg6[%dma_wait3A_684, %dma_wait3A_685] : memref<10240x128xf32, #tpu.memory_space<vmem_shared>> -> memref<10240x128xf32, #tpu.memory_space<vmem_shared>>
      tpu.wait_indirect_dma semaphore(%arg17 : memref<!tpu.dma_semaphore, #tpu.memory_space<semaphore_mem>>) src(%arg9 : memref<64x128xf32, #tpu.memory_space<vmem>>) dst(%dma_wait3A_686 : memref<10240x128xf32, #tpu.memory_space<vmem_shared>>)
      %scan3A_687 = arith.constant 0 : i32
      %scan3A_688 = arith.constant 0 : i32
      %scan3A_689 = arith.constant 64 : i32
      %scan3A_690 = arith.addi %scan3A_688, %scan3A_689 : i32
      %scan3A_691 = arith.constant 1 : i32
      scf.for %scan3A_732 = %scan3A_688 to %scan3A_690 step %scan3A_691  : i32 {
        %get3A = arith.index_cast %scan3A_732 : i32 to index
        %get3A_733 = arith.constant 0 : index
        %get3A_734 = tpu.vector_load %arg7[%get3A, %get3A_733] {strides = array<i32>} : memref<64x64xi32, #tpu.memory_space<vmem>>, vector<16xi32>,
        %shift_left3A = arith.constant 16 : i32
        %shift_left3A_735 = vector.broadcast %shift_left3A : i32 to vector<16xi32>
        %shift_left3A_736 = arith.shli %get3A_734, %shift_left3A_735 : vector<16xi32>
        %bitcast3A = vector.bitcast %shift_left3A_736 : vector<16xi32> to vector<16xf32>
        %and3A = arith.constant -65536 : i32
        %and3A_737 = vector.broadcast %and3A : i32 to vector<16xi32>
        %and3A_738 = arith.andi %get3A_734, %and3A_737 : vector<16xi32>
        %bitcast3A_739 = vector.bitcast %and3A_738 : vector<16xi32> to vector<16xf32>
        %swap3A = arith.index_cast %scan3A_732 : i32 to index
        %swap3A_740 = arith.constant 0 : index
        %swap3A_741 = tpu.vector_load %arg9[%swap3A, %swap3A_740] {strides = array<i32>} : memref<64x128xf32, #tpu.memory_space<vmem>>, vector<16xf32>,
        tpu.vector_store %arg9[%swap3A, %swap3A_740], %bitcast3A {strides = array<i32>} : memref<64x128xf32, #tpu.memory_space<vmem>>, vector<16xf32>,
        %swap3A_742 = arith.index_cast %scan3A_732 : i32 to index
        %swap3A_743 = arith.constant 16 : index
        %swap3A_744 = tpu.vector_load %arg9[%swap3A_742, %swap3A_743] {strides = array<i32>} : memref<64x128xf32, #tpu.memory_space<vmem>>, vector<16xf32>,
        tpu.vector_store %arg9[%swap3A_742, %swap3A_743], %bitcast3A_739 {strides = array<i32>} : memref<64x128xf32, #tpu.memory_space<vmem>>, vector<16xf32>,
        %get3A_745 = arith.index_cast %scan3A_732 : i32 to index
        %get3A_746 = arith.constant 16 : index
        %get3A_747 = tpu.vector_load %arg7[%get3A_745, %get3A_746] {strides = array<i32>} : memref<64x64xi32, #tpu.memory_space<vmem>>, vector<16xi32>,
        %shift_left3A_748 = arith.constant 16 : i32
        %shift_left3A_749 = vector.broadcast %shift_left3A_748 : i32 to vector<16xi32>
        %shift_left3A_750 = arith.shli %get3A_747, %shift_left3A_749 : vector<16xi32>
        %bitcast3A_751 = vector.bitcast %shift_left3A_750 : vector<16xi32> to vector<16xf32>
        %and3A_752 = arith.constant -65536 : i32
        %and3A_753 = vector.broadcast %and3A_752 : i32 to vector<16xi32>
        %and3A_754 = arith.andi %get3A_747, %and3A_753 : vector<16xi32>
        %bitcast3A_755 = vector.bitcast %and3A_754 : vector<16xi32> to vector<16xf32>
        %swap3A_756 = arith.index_cast %scan3A_732 : i32 to index
        %swap3A_757 = arith.constant 32 : index
        %swap3A_758 = tpu.vector_load %arg9[%swap3A_756, %swap3A_757] {strides = array<i32>} : memref<64x128xf32, #tpu.memory_space<vmem>>, vector<16xf32>,
        tpu.vector_store %arg9[%swap3A_756, %swap3A_757], %bitcast3A_751 {strides = array<i32>} : memref<64x128xf32, #tpu.memory_space<vmem>>, vector<16xf32>,
        %swap3A_759 = arith.index_cast %scan3A_732 : i32 to index
        %swap3A_760 = arith.constant 48 : index
        %swap3A_761 = tpu.vector_load %arg9[%swap3A_759, %swap3A_760] {strides = array<i32>} : memref<64x128xf32, #tpu.memory_space<vmem>>, vector<16xf32>,
        tpu.vector_store %arg9[%swap3A_759, %swap3A_760], %bitcast3A_755 {strides = array<i32>} : memref<64x128xf32, #tpu.memory_space<vmem>>, vector<16xf32>,
        %get3A_762 = arith.index_cast %scan3A_732 : i32 to index
        %get3A_763 = arith.constant 32 : index
        %get3A_764 = tpu.vector_load %arg7[%get3A_762, %get3A_763] {strides = array<i32>} : memref<64x64xi32, #tpu.memory_space<vmem>>, vector<16xi32>,
        %shift_left3A_765 = arith.constant 16 : i32
        %shift_left3A_766 = vector.broadcast %shift_left3A_765 : i32 to vector<16xi32>
        %shift_left3A_767 = arith.shli %get3A_764, %shift_left3A_766 : vector<16xi32>
        %bitcast3A_768 = vector.bitcast %shift_left3A_767 : vector<16xi32> to vector<16xf32>
        %and3A_769 = arith.constant -65536 : i32
        %and3A_770 = vector.broadcast %and3A_769 : i32 to vector<16xi32>
        %and3A_771 = arith.andi %get3A_764, %and3A_770 : vector<16xi32>
        %bitcast3A_772 = vector.bitcast %and3A_771 : vector<16xi32> to vector<16xf32>
        %swap3A_773 = arith.index_cast %scan3A_732 : i32 to index
        %swap3A_774 = arith.constant 64 : index
        %swap3A_775 = tpu.vector_load %arg9[%swap3A_773, %swap3A_774] {strides = array<i32>} : memref<64x128xf32, #tpu.memory_space<vmem>>, vector<16xf32>,
        tpu.vector_store %arg9[%swap3A_773, %swap3A_774], %bitcast3A_768 {strides = array<i32>} : memref<64x128xf32, #tpu.memory_space<vmem>>, vector<16xf32>,
        %swap3A_776 = arith.index_cast %scan3A_732 : i32 to index
        %swap3A_777 = arith.constant 80 : index
        %swap3A_778 = tpu.vector_load %arg9[%swap3A_776, %swap3A_777] {strides = array<i32>} : memref<64x128xf32, #tpu.memory_space<vmem>>, vector<16xf32>,
        tpu.vector_store %arg9[%swap3A_776, %swap3A_777], %bitcast3A_772 {strides = array<i32>} : memref<64x128xf32, #tpu.memory_space<vmem>>, vector<16xf32>,
        %get3A_779 = arith.index_cast %scan3A_732 : i32 to index
        %get3A_780 = arith.constant 48 : index
        %get3A_781 = tpu.vector_load %arg7[%get3A_779, %get3A_780] {strides = array<i32>} : memref<64x64xi32, #tpu.memory_space<vmem>>, vector<16xi32>,
        %shift_left3A_782 = arith.constant 16 : i32
        %shift_left3A_783 = vector.broadcast %shift_left3A_782 : i32 to vector<16xi32>
        %shift_left3A_784 = arith.shli %get3A_781, %shift_left3A_783 : vector<16xi32>
        %bitcast3A_785 = vector.bitcast %shift_left3A_784 : vector<16xi32> to vector<16xf32>
        %and3A_786 = arith.constant -65536 : i32
        %and3A_787 = vector.broadcast %and3A_786 : i32 to vector<16xi32>
        %and3A_788 = arith.andi %get3A_781, %and3A_787 : vector<16xi32>
        %bitcast3A_789 = vector.bitcast %and3A_788 : vector<16xi32> to vector<16xf32>
        %swap3A_790 = arith.index_cast %scan3A_732 : i32 to index
        %swap3A_791 = arith.constant 96 : index
        %swap3A_792 = tpu.vector_load %arg9[%swap3A_790, %swap3A_791] {strides = array<i32>} : memref<64x128xf32, #tpu.memory_space<vmem>>, vector<16xf32>,
        tpu.vector_store %arg9[%swap3A_790, %swap3A_791], %bitcast3A_785 {strides = array<i32>} : memref<64x128xf32, #tpu.memory_space<vmem>>, vector<16xf32>,
        %swap3A_793 = arith.index_cast %scan3A_732 : i32 to index
        %swap3A_794 = arith.constant 112 : index
        %swap3A_795 = tpu.vector_load %arg9[%swap3A_793, %swap3A_794] {strides = array<i32>} : memref<64x128xf32, #tpu.memory_space<vmem>>, vector<16xf32>,
        tpu.vector_store %arg9[%swap3A_793, %swap3A_794], %bitcast3A_789 {strides = array<i32>} : memref<64x128xf32, #tpu.memory_space<vmem>>, vector<16xf32>,
      }
      %scan3A_692 = arith.constant 64 : i32
      %dma_start3A_693 = arith.constant 6 : i32
      %dma_start3A_694 = arith.constant 0 : i32
      %dma_start3A_695 = tpu.memref_slice %arg14[%dma_start3A_693, %dma_start3A_694] : memref<8x64xi32, #tpu.memory_space<vmem>> -> memref<1x64xi32, #tpu.memory_space<vmem>>
      %dma_start3A_696 = tpu.memref_squeeze %dma_start3A_695 : memref<1x64xi32, #tpu.memory_space<vmem>> -> memref<64xi32, #tpu.memory_space<vmem>>
      %dma_start3A_697 = arith.constant 0 : i32
      %dma_start3A_698 = arith.constant 0 : i32
      %dma_start3A_699 = tpu.memref_slice %arg6[%dma_start3A_697, %dma_start3A_698] : memref<10240x128xf32, #tpu.memory_space<vmem_shared>> -> memref<10240x128xf32, #tpu.memory_space<vmem_shared>>
      tpu.enqueue_indirect_dma source(%arg9 : memref<64x128xf32, #tpu.memory_space<vmem>>) target(%dma_start3A_699 : memref<10240x128xf32, #tpu.memory_space<vmem_shared>>) offsets(%dma_start3A_696 : memref<64xi32, #tpu.memory_space<vmem>>) semaphore(%arg17 : memref<!tpu.dma_semaphore, #tpu.memory_space<semaphore_mem>>) {add = true}
      %lt3A_700 = arith.constant 9 : i32
      %lt3A_701 = arith.cmpi slt, %scan3A_148, %lt3A_700 : i32
      %convert_element_type3A_702 = arith.extui %lt3A_701 : i1 to i32
      %cond3A_703 = arith.constant 0 : i32
      %cond3A_704 = arith.cmpi ne, %convert_element_type3A_702, %cond3A_703 : i32
      scf.if %cond3A_704 {
        %add3A_732 = arith.constant 1 : i32
        %add3A_733 = arith.addi %add3A_457, %add3A_732 : i32
        %dma_wait3A_734 = arith.constant 0 : i32
        %dma_wait3A_735 = arith.constant 0 : i32
        %dma_wait3A_736 = tpu.memref_slice %arg3[%add3A, %add3A_733, %dma_wait3A_734, %dma_wait3A_735] : memref<32x20x8x64xi32, #tpu.memory_space<hbm>> -> memref<1x1x8x64xi32, #tpu.memory_space<hbm>>
        %dma_wait3A_737 = tpu.memref_squeeze %dma_wait3A_736 : memref<1x1x8x64xi32, #tpu.memory_space<hbm>> -> memref<8x64xi32, #tpu.memory_space<hbm>>
        %dma_wait3A_738 = arith.constant 0 : i32
        %dma_wait3A_739 = arith.constant 0 : i32
        %dma_wait3A_740 = tpu.memref_slice %arg3[%add3A, %add3A_733, %dma_wait3A_738, %dma_wait3A_739] : memref<32x20x8x64xi32, #tpu.memory_space<hbm>> -> memref<1x1x8x64xi32, #tpu.memory_space<hbm>>
        %dma_wait3A_741 = tpu.memref_squeeze %dma_wait3A_740 : memref<1x1x8x64xi32, #tpu.memory_space<hbm>> -> memref<8x64xi32, #tpu.memory_space<hbm>>
        tpu.wait_dma2 semaphore(%arg19 : memref<!tpu.dma_semaphore, #tpu.memory_space<semaphore_mem>>) src(%dma_wait3A_741 : memref<8x64xi32, #tpu.memory_space<hbm>>) dst(%arg11 : memref<8x64xi32, #tpu.memory_space<vmem>>)
        %dma_wait3A_742 = arith.constant 0 : i32
        %dma_wait3A_743 = arith.constant 0 : i32
        %dma_wait3A_744 = tpu.memref_slice %arg4[%add3A, %add3A_733, %dma_wait3A_742, %dma_wait3A_743] : memref<32x20x8x64xi32, #tpu.memory_space<hbm>> -> memref<1x1x8x64xi32, #tpu.memory_space<hbm>>
        %dma_wait3A_745 = tpu.memref_squeeze %dma_wait3A_744 : memref<1x1x8x64xi32, #tpu.memory_space<hbm>> -> memref<8x64xi32, #tpu.memory_space<hbm>>
        %dma_wait3A_746 = arith.constant 0 : i32
        %dma_wait3A_747 = arith.constant 0 : i32
        %dma_wait3A_748 = tpu.memref_slice %arg4[%add3A, %add3A_733, %dma_wait3A_746, %dma_wait3A_747] : memref<32x20x8x64xi32, #tpu.memory_space<hbm>> -> memref<1x1x8x64xi32, #tpu.memory_space<hbm>>
        %dma_wait3A_749 = tpu.memref_squeeze %dma_wait3A_748 : memref<1x1x8x64xi32, #tpu.memory_space<hbm>> -> memref<8x64xi32, #tpu.memory_space<hbm>>
        tpu.wait_dma2 semaphore(%arg19 : memref<!tpu.dma_semaphore, #tpu.memory_space<semaphore_mem>>) src(%dma_wait3A_749 : memref<8x64xi32, #tpu.memory_space<hbm>>) dst(%arg13 : memref<8x64xi32, #tpu.memory_space<vmem>>)
        %dma_start3A_750 = arith.constant 0 : i32
        %dma_start3A_751 = arith.constant 0 : i32
        %dma_start3A_752 = tpu.memref_slice %arg11[%dma_start3A_750, %dma_start3A_751] : memref<8x64xi32, #tpu.memory_space<vmem>> -> memref<1x64xi32, #tpu.memory_space<vmem>>
        %dma_start3A_753 = tpu.memref_squeeze %dma_start3A_752 : memref<1x64xi32, #tpu.memory_space<vmem>> -> memref<64xi32, #tpu.memory_space<vmem>>
        %dma_start3A_754 = arith.constant 0 : i32
        %dma_start3A_755 = arith.constant 0 : i32
        %dma_start3A_756 = tpu.memref_slice %arg2[%dma_start3A_754, %dma_start3A_755] : memref<160000x64xi32, #tpu.memory_space<hbm>> -> memref<160000x64xi32, #tpu.memory_space<hbm>>
        tpu.enqueue_indirect_dma source(%dma_start3A_756 : memref<160000x64xi32, #tpu.memory_space<hbm>>) target(%arg7 : memref<64x64xi32, #tpu.memory_space<vmem>>) offsets(%dma_start3A_753 : memref<64xi32, #tpu.memory_space<vmem>>) semaphore(%arg15 : memref<!tpu.dma_semaphore, #tpu.memory_space<semaphore_mem>>)
      } else {
      }
      %dma_wait3A_705 = arith.constant 7 : i32
      %dma_wait3A_706 = arith.constant 0 : i32
      %dma_wait3A_707 = tpu.memref_slice %arg12[%dma_wait3A_705, %dma_wait3A_706] : memref<8x64xi32, #tpu.memory_space<vmem>> -> memref<1x64xi32, #tpu.memory_space<vmem>>
      %dma_wait3A_708 = tpu.memref_squeeze %dma_wait3A_707 : memref<1x64xi32, #tpu.memory_space<vmem>> -> memref<64xi32, #tpu.memory_space<vmem>>
      %dma_wait3A_709 = arith.constant 0 : i32
      %dma_wait3A_710 = arith.constant 0 : i32
      %dma_wait3A_711 = tpu.memref_slice %arg2[%dma_wait3A_709, %dma_wait3A_710] : memref<160000x64xi32, #tpu.memory_space<hbm>> -> memref<160000x64xi32, #tpu.memory_space<hbm>>
      tpu.wait_indirect_dma semaphore(%arg16 : memref<!tpu.dma_semaphore, #tpu.memory_space<semaphore_mem>>) src(%dma_wait3A_711 : memref<160000x64xi32, #tpu.memory_space<hbm>>) dst(%arg8 : memref<64x64xi32, #tpu.memory_space<vmem>>)
      %dma_wait3A_712 = arith.constant 5 : i32
      %dma_wait3A_713 = arith.constant 0 : i32
      %dma_wait3A_714 = tpu.memref_slice %arg14[%dma_wait3A_712, %dma_wait3A_713] : memref<8x64xi32, #tpu.memory_space<vmem>> -> memref<1x64xi32, #tpu.memory_space<vmem>>
      %dma_wait3A_715 = tpu.memref_squeeze %dma_wait3A_714 : memref<1x64xi32, #tpu.memory_space<vmem>> -> memref<64xi32, #tpu.memory_space<vmem>>
      %dma_wait3A_716 = arith.constant 0 : i32
      %dma_wait3A_717 = arith.constant 0 : i32
      %dma_wait3A_718 = tpu.memref_slice %arg6[%dma_wait3A_716, %dma_wait3A_717] : memref<10240x128xf32, #tpu.memory_space<vmem_shared>> -> memref<10240x128xf32, #tpu.memory_space<vmem_shared>>
      tpu.wait_indirect_dma semaphore(%arg18 : memref<!tpu.dma_semaphore, #tpu.memory_space<semaphore_mem>>) src(%arg10 : memref<64x128xf32, #tpu.memory_space<vmem>>) dst(%dma_wait3A_718 : memref<10240x128xf32, #tpu.memory_space<vmem_shared>>)
      %scan3A_719 = arith.constant 0 : i32
      %scan3A_720 = arith.constant 0 : i32
      %scan3A_721 = arith.constant 64 : i32
      %scan3A_722 = arith.addi %scan3A_720, %scan3A_721 : i32
      %scan3A_723 = arith.constant 1 : i32
      scf.for %scan3A_732 = %scan3A_720 to %scan3A_722 step %scan3A_723  : i32 {
        %get3A = arith.index_cast %scan3A_732 : i32 to index
        %get3A_733 = arith.constant 0 : index
        %get3A_734 = tpu.vector_load %arg8[%get3A, %get3A_733] {strides = array<i32>} : memref<64x64xi32, #tpu.memory_space<vmem>>, vector<16xi32>,
        %shift_left3A = arith.constant 16 : i32
        %shift_left3A_735 = vector.broadcast %shift_left3A : i32 to vector<16xi32>
        %shift_left3A_736 = arith.shli %get3A_734, %shift_left3A_735 : vector<16xi32>
        %bitcast3A = vector.bitcast %shift_left3A_736 : vector<16xi32> to vector<16xf32>
        %and3A = arith.constant -65536 : i32
        %and3A_737 = vector.broadcast %and3A : i32 to vector<16xi32>
        %and3A_738 = arith.andi %get3A_734, %and3A_737 : vector<16xi32>
        %bitcast3A_739 = vector.bitcast %and3A_738 : vector<16xi32> to vector<16xf32>
        %swap3A = arith.index_cast %scan3A_732 : i32 to index
        %swap3A_740 = arith.constant 0 : index
        %swap3A_741 = tpu.vector_load %arg10[%swap3A, %swap3A_740] {strides = array<i32>} : memref<64x128xf32, #tpu.memory_space<vmem>>, vector<16xf32>,
        tpu.vector_store %arg10[%swap3A, %swap3A_740], %bitcast3A {strides = array<i32>} : memref<64x128xf32, #tpu.memory_space<vmem>>, vector<16xf32>,
        %swap3A_742 = arith.index_cast %scan3A_732 : i32 to index
        %swap3A_743 = arith.constant 16 : index
        %swap3A_744 = tpu.vector_load %arg10[%swap3A_742, %swap3A_743] {strides = array<i32>} : memref<64x128xf32, #tpu.memory_space<vmem>>, vector<16xf32>,
        tpu.vector_store %arg10[%swap3A_742, %swap3A_743], %bitcast3A_739 {strides = array<i32>} : memref<64x128xf32, #tpu.memory_space<vmem>>, vector<16xf32>,
        %get3A_745 = arith.index_cast %scan3A_732 : i32 to index
        %get3A_746 = arith.constant 16 : index
        %get3A_747 = tpu.vector_load %arg8[%get3A_745, %get3A_746] {strides = array<i32>} : memref<64x64xi32, #tpu.memory_space<vmem>>, vector<16xi32>,
        %shift_left3A_748 = arith.constant 16 : i32
        %shift_left3A_749 = vector.broadcast %shift_left3A_748 : i32 to vector<16xi32>
        %shift_left3A_750 = arith.shli %get3A_747, %shift_left3A_749 : vector<16xi32>
        %bitcast3A_751 = vector.bitcast %shift_left3A_750 : vector<16xi32> to vector<16xf32>
        %and3A_752 = arith.constant -65536 : i32
        %and3A_753 = vector.broadcast %and3A_752 : i32 to vector<16xi32>
        %and3A_754 = arith.andi %get3A_747, %and3A_753 : vector<16xi32>
        %bitcast3A_755 = vector.bitcast %and3A_754 : vector<16xi32> to vector<16xf32>
        %swap3A_756 = arith.index_cast %scan3A_732 : i32 to index
        %swap3A_757 = arith.constant 32 : index
        %swap3A_758 = tpu.vector_load %arg10[%swap3A_756, %swap3A_757] {strides = array<i32>} : memref<64x128xf32, #tpu.memory_space<vmem>>, vector<16xf32>,
        tpu.vector_store %arg10[%swap3A_756, %swap3A_757], %bitcast3A_751 {strides = array<i32>} : memref<64x128xf32, #tpu.memory_space<vmem>>, vector<16xf32>,
        %swap3A_759 = arith.index_cast %scan3A_732 : i32 to index
        %swap3A_760 = arith.constant 48 : index
        %swap3A_761 = tpu.vector_load %arg10[%swap3A_759, %swap3A_760] {strides = array<i32>} : memref<64x128xf32, #tpu.memory_space<vmem>>, vector<16xf32>,
        tpu.vector_store %arg10[%swap3A_759, %swap3A_760], %bitcast3A_755 {strides = array<i32>} : memref<64x128xf32, #tpu.memory_space<vmem>>, vector<16xf32>,
        %get3A_762 = arith.index_cast %scan3A_732 : i32 to index
        %get3A_763 = arith.constant 32 : index
        %get3A_764 = tpu.vector_load %arg8[%get3A_762, %get3A_763] {strides = array<i32>} : memref<64x64xi32, #tpu.memory_space<vmem>>, vector<16xi32>,
        %shift_left3A_765 = arith.constant 16 : i32
        %shift_left3A_766 = vector.broadcast %shift_left3A_765 : i32 to vector<16xi32>
        %shift_left3A_767 = arith.shli %get3A_764, %shift_left3A_766 : vector<16xi32>
        %bitcast3A_768 = vector.bitcast %shift_left3A_767 : vector<16xi32> to vector<16xf32>
        %and3A_769 = arith.constant -65536 : i32
        %and3A_770 = vector.broadcast %and3A_769 : i32 to vector<16xi32>
        %and3A_771 = arith.andi %get3A_764, %and3A_770 : vector<16xi32>
        %bitcast3A_772 = vector.bitcast %and3A_771 : vector<16xi32> to vector<16xf32>
        %swap3A_773 = arith.index_cast %scan3A_732 : i32 to index
        %swap3A_774 = arith.constant 64 : index
        %swap3A_775 = tpu.vector_load %arg10[%swap3A_773, %swap3A_774] {strides = array<i32>} : memref<64x128xf32, #tpu.memory_space<vmem>>, vector<16xf32>,
        tpu.vector_store %arg10[%swap3A_773, %swap3A_774], %bitcast3A_768 {strides = array<i32>} : memref<64x128xf32, #tpu.memory_space<vmem>>, vector<16xf32>,
        %swap3A_776 = arith.index_cast %scan3A_732 : i32 to index
        %swap3A_777 = arith.constant 80 : index
        %swap3A_778 = tpu.vector_load %arg10[%swap3A_776, %swap3A_777] {strides = array<i32>} : memref<64x128xf32, #tpu.memory_space<vmem>>, vector<16xf32>,
        tpu.vector_store %arg10[%swap3A_776, %swap3A_777], %bitcast3A_772 {strides = array<i32>} : memref<64x128xf32, #tpu.memory_space<vmem>>, vector<16xf32>,
        %get3A_779 = arith.index_cast %scan3A_732 : i32 to index
        %get3A_780 = arith.constant 48 : index
        %get3A_781 = tpu.vector_load %arg8[%get3A_779, %get3A_780] {strides = array<i32>} : memref<64x64xi32, #tpu.memory_space<vmem>>, vector<16xi32>,
        %shift_left3A_782 = arith.constant 16 : i32
        %shift_left3A_783 = vector.broadcast %shift_left3A_782 : i32 to vector<16xi32>
        %shift_left3A_784 = arith.shli %get3A_781, %shift_left3A_783 : vector<16xi32>
        %bitcast3A_785 = vector.bitcast %shift_left3A_784 : vector<16xi32> to vector<16xf32>
        %and3A_786 = arith.constant -65536 : i32
        %and3A_787 = vector.broadcast %and3A_786 : i32 to vector<16xi32>
        %and3A_788 = arith.andi %get3A_781, %and3A_787 : vector<16xi32>
        %bitcast3A_789 = vector.bitcast %and3A_788 : vector<16xi32> to vector<16xf32>
        %swap3A_790 = arith.index_cast %scan3A_732 : i32 to index
        %swap3A_791 = arith.constant 96 : index
        %swap3A_792 = tpu.vector_load %arg10[%swap3A_790, %swap3A_791] {strides = array<i32>} : memref<64x128xf32, #tpu.memory_space<vmem>>, vector<16xf32>,
        tpu.vector_store %arg10[%swap3A_790, %swap3A_791], %bitcast3A_785 {strides = array<i32>} : memref<64x128xf32, #tpu.memory_space<vmem>>, vector<16xf32>,
        %swap3A_793 = arith.index_cast %scan3A_732 : i32 to index
        %swap3A_794 = arith.constant 112 : index
        %swap3A_795 = tpu.vector_load %arg10[%swap3A_793, %swap3A_794] {strides = array<i32>} : memref<64x128xf32, #tpu.memory_space<vmem>>, vector<16xf32>,
        tpu.vector_store %arg10[%swap3A_793, %swap3A_794], %bitcast3A_789 {strides = array<i32>} : memref<64x128xf32, #tpu.memory_space<vmem>>, vector<16xf32>,
      }
      %scan3A_724 = arith.constant 64 : i32
      %dma_start3A_725 = arith.constant 7 : i32
      %dma_start3A_726 = arith.constant 0 : i32
      %dma_start3A_727 = tpu.memref_slice %arg14[%dma_start3A_725, %dma_start3A_726] : memref<8x64xi32, #tpu.memory_space<vmem>> -> memref<1x64xi32, #tpu.memory_space<vmem>>
      %dma_start3A_728 = tpu.memref_squeeze %dma_start3A_727 : memref<1x64xi32, #tpu.memory_space<vmem>> -> memref<64xi32, #tpu.memory_space<vmem>>
      %dma_start3A_729 = arith.constant 0 : i32
      %dma_start3A_730 = arith.constant 0 : i32
      %dma_start3A_731 = tpu.memref_slice %arg6[%dma_start3A_729, %dma_start3A_730] : memref<10240x128xf32, #tpu.memory_space<vmem_shared>> -> memref<10240x128xf32, #tpu.memory_space<vmem_shared>>
      tpu.enqueue_indirect_dma source(%arg10 : memref<64x128xf32, #tpu.memory_space<vmem>>) target(%dma_start3A_731 : memref<10240x128xf32, #tpu.memory_space<vmem_shared>>) offsets(%dma_start3A_728 : memref<64xi32, #tpu.memory_space<vmem>>) semaphore(%arg18 : memref<!tpu.dma_semaphore, #tpu.memory_space<semaphore_mem>>) {add = true}
    }
    %scan3A_92 = arith.constant 10 : i32
    %dma_wait3A_93 = arith.constant 6 : i32
    %dma_wait3A_94 = arith.constant 0 : i32
    %dma_wait3A_95 = tpu.memref_slice %arg14[%dma_wait3A_93, %dma_wait3A_94] : memref<8x64xi32, #tpu.memory_space<vmem>> -> memref<1x64xi32, #tpu.memory_space<vmem>>
    %dma_wait3A_96 = tpu.memref_squeeze %dma_wait3A_95 : memref<1x64xi32, #tpu.memory_space<vmem>> -> memref<64xi32, #tpu.memory_space<vmem>>
    %dma_wait3A_97 = arith.constant 0 : i32
    %dma_wait3A_98 = arith.constant 0 : i32
    %dma_wait3A_99 = tpu.memref_slice %arg6[%dma_wait3A_97, %dma_wait3A_98] : memref<10240x128xf32, #tpu.memory_space<vmem_shared>> -> memref<10240x128xf32, #tpu.memory_space<vmem_shared>>
    tpu.wait_indirect_dma semaphore(%arg17 : memref<!tpu.dma_semaphore, #tpu.memory_space<semaphore_mem>>) src(%arg9 : memref<64x128xf32, #tpu.memory_space<vmem>>) dst(%dma_wait3A_99 : memref<10240x128xf32, #tpu.memory_space<vmem_shared>>)
    %dma_wait3A_100 = arith.constant 7 : i32
    %dma_wait3A_101 = arith.constant 0 : i32
    %dma_wait3A_102 = tpu.memref_slice %arg14[%dma_wait3A_100, %dma_wait3A_101] : memref<8x64xi32, #tpu.memory_space<vmem>> -> memref<1x64xi32, #tpu.memory_space<vmem>>
    %dma_wait3A_103 = tpu.memref_squeeze %dma_wait3A_102 : memref<1x64xi32, #tpu.memory_space<vmem>> -> memref<64xi32, #tpu.memory_space<vmem>>
    %dma_wait3A_104 = arith.constant 0 : i32
    %dma_wait3A_105 = arith.constant 0 : i32
    %dma_wait3A_106 = tpu.memref_slice %arg6[%dma_wait3A_104, %dma_wait3A_105] : memref<10240x128xf32, #tpu.memory_space<vmem_shared>> -> memref<10240x128xf32, #tpu.memory_space<vmem_shared>>
    tpu.wait_indirect_dma semaphore(%arg18 : memref<!tpu.dma_semaphore, #tpu.memory_space<semaphore_mem>>) src(%arg10 : memref<64x128xf32, #tpu.memory_space<vmem>>) dst(%dma_wait3A_106 : memref<10240x128xf32, #tpu.memory_space<vmem_shared>>)
    %barrier3A_107 = arith.constant 0 : index
    tpu.barrier barrier_id(%barrier3A_107)
    %mul3A_108 = arith.constant 640 : i32
    %mul3A_109 = arith.muli %arg1, %mul3A_108 : i32
    %add3A_110 = arith.constant 0 : i32
    %add3A_111 = arith.addi %mul3A_109, %add3A_110 : i32
    "tpu.region"() ({
      %run_scoped3A = tpu.sem_alloc : memref<!tpu.dma_semaphore, #tpu.memory_space<semaphore_mem>>
      %dma_start3A_148 = arith.constant 0 : i32
      %dma_start3A_149 = tpu.memref_slice %arg6[%add3A_111, %dma_start3A_148] : memref<10240x128xf32, #tpu.memory_space<vmem_shared>> -> memref<64x128xf32, #tpu.memory_space<vmem_shared>>
      %dma_start3A_150 = arith.constant 0 : i32
      %dma_start3A_151 = tpu.memref_slice %arg6[%add3A_111, %dma_start3A_150] : memref<10240x128xf32, #tpu.memory_space<vmem_shared>> -> memref<64x128xf32, #tpu.memory_space<vmem_shared>>
      tpu.enqueue_dma source(%dma_start3A_151 : memref<64x128xf32, #tpu.memory_space<vmem_shared>>) target(%arg9 : memref<64x128xf32, #tpu.memory_space<vmem>>) target_semaphore(%run_scoped3A : memref<!tpu.dma_semaphore, #tpu.memory_space<semaphore_mem>>)
      %dma_wait3A_152 = arith.constant 0 : i32
      %dma_wait3A_153 = tpu.memref_slice %arg6[%add3A_111, %dma_wait3A_152] : memref<10240x128xf32, #tpu.memory_space<vmem_shared>> -> memref<64x128xf32, #tpu.memory_space<vmem_shared>>
      %dma_wait3A_154 = arith.constant 0 : i32
      %dma_wait3A_155 = tpu.memref_slice %arg6[%add3A_111, %dma_wait3A_154] : memref<10240x128xf32, #tpu.memory_space<vmem_shared>> -> memref<64x128xf32, #tpu.memory_space<vmem_shared>>
      tpu.wait_dma2 semaphore(%run_scoped3A : memref<!tpu.dma_semaphore, #tpu.memory_space<semaphore_mem>>) src(%dma_wait3A_155 : memref<64x128xf32, #tpu.memory_space<vmem_shared>>) dst(%arg9 : memref<64x128xf32, #tpu.memory_space<vmem>>)
      tpu.yield
    }) : () -> ()
    "tpu.region"() ({
      %run_scoped3A = tpu.sem_alloc : memref<!tpu.dma_semaphore, #tpu.memory_space<semaphore_mem>>
      %dma_start3A_148 = arith.constant 0 : i32
      %dma_start3A_149 = tpu.memref_slice %arg5[%arg0, %add3A_111, %dma_start3A_148] : memref<2x10240x128xf32, #tpu.memory_space<hbm>> -> memref<1x64x128xf32, #tpu.memory_space<hbm>>
      %dma_start3A_150 = tpu.memref_squeeze %dma_start3A_149 : memref<1x64x128xf32, #tpu.memory_space<hbm>> -> memref<64x128xf32, #tpu.memory_space<hbm>>
      %dma_start3A_151 = arith.constant 0 : i32
      %dma_start3A_152 = tpu.memref_slice %arg5[%arg0, %add3A_111, %dma_start3A_151] : memref<2x10240x128xf32, #tpu.memory_space<hbm>> -> memref<1x64x128xf32, #tpu.memory_space<hbm>>
      %dma_start3A_153 = tpu.memref_squeeze %dma_start3A_152 : memref<1x64x128xf32, #tpu.memory_space<hbm>> -> memref<64x128xf32, #tpu.memory_space<hbm>>
      tpu.enqueue_dma source(%arg9 : memref<64x128xf32, #tpu.memory_space<vmem>>) target(%dma_start3A_153 : memref<64x128xf32, #tpu.memory_space<hbm>>) target_semaphore(%run_scoped3A : memref<!tpu.dma_semaphore, #tpu.memory_space<semaphore_mem>>)
      %dma_wait3A_154 = arith.constant 0 : i32
      %dma_wait3A_155 = tpu.memref_slice %arg5[%arg0, %add3A_111, %dma_wait3A_154] : memref<2x10240x128xf32, #tpu.memory_space<hbm>> -> memref<1x64x128xf32, #tpu.memory_space<hbm>>
      %dma_wait3A_156 = tpu.memref_squeeze %dma_wait3A_155 : memref<1x64x128xf32, #tpu.memory_space<hbm>> -> memref<64x128xf32, #tpu.memory_space<hbm>>
      %dma_wait3A_157 = arith.constant 0 : i32
      %dma_wait3A_158 = tpu.memref_slice %arg5[%arg0, %add3A_111, %dma_wait3A_157] : memref<2x10240x128xf32, #tpu.memory_space<hbm>> -> memref<1x64x128xf32, #tpu.memory_space<hbm>>
      %dma_wait3A_159 = tpu.memref_squeeze %dma_wait3A_158 : memref<1x64x128xf32, #tpu.memory_space<hbm>> -> memref<64x128xf32, #tpu.memory_space<hbm>>
      tpu.wait_dma2 semaphore(%run_scoped3A : memref<!tpu.dma_semaphore, #tpu.memory_space<semaphore_mem>>) src(%arg9 : memref<64x128xf32, #tpu.memory_space<vmem>>) dst(%dma_wait3A_159 : memref<64x128xf32, #tpu.memory_space<hbm>>)
      tpu.yield
    }) : () -> ()
    %mul3A_112 = arith.constant 640 : i32
    %mul3A_113 = arith.muli %arg1, %mul3A_112 : i32
    %add3A_114 = arith.constant 64 : i32
    %add3A_115 = arith.addi %mul3A_113, %add3A_114 : i32
    "tpu.region"() ({
      %run_scoped3A = tpu.sem_alloc : memref<!tpu.dma_semaphore, #tpu.memory_space<semaphore_mem>>
      %dma_start3A_148 = arith.constant 0 : i32
      %dma_start3A_149 = tpu.memref_slice %arg6[%add3A_115, %dma_start3A_148] : memref<10240x128xf32, #tpu.memory_space<vmem_shared>> -> memref<64x128xf32, #tpu.memory_space<vmem_shared>>
      %dma_start3A_150 = arith.constant 0 : i32
      %dma_start3A_151 = tpu.memref_slice %arg6[%add3A_115, %dma_start3A_150] : memref<10240x128xf32, #tpu.memory_space<vmem_shared>> -> memref<64x128xf32, #tpu.memory_space<vmem_shared>>
      tpu.enqueue_dma source(%dma_start3A_151 : memref<64x128xf32, #tpu.memory_space<vmem_shared>>) target(%arg9 : memref<64x128xf32, #tpu.memory_space<vmem>>) target_semaphore(%run_scoped3A : memref<!tpu.dma_semaphore, #tpu.memory_space<semaphore_mem>>)
      %dma_wait3A_152 = arith.constant 0 : i32
      %dma_wait3A_153 = tpu.memref_slice %arg6[%add3A_115, %dma_wait3A_152] : memref<10240x128xf32, #tpu.memory_space<vmem_shared>> -> memref<64x128xf32, #tpu.memory_space<vmem_shared>>
      %dma_wait3A_154 = arith.constant 0 : i32
      %dma_wait3A_155 = tpu.memref_slice %arg6[%add3A_115, %dma_wait3A_154] : memref<10240x128xf32, #tpu.memory_space<vmem_shared>> -> memref<64x128xf32, #tpu.memory_space<vmem_shared>>
      tpu.wait_dma2 semaphore(%run_scoped3A : memref<!tpu.dma_semaphore, #tpu.memory_space<semaphore_mem>>) src(%dma_wait3A_155 : memref<64x128xf32, #tpu.memory_space<vmem_shared>>) dst(%arg9 : memref<64x128xf32, #tpu.memory_space<vmem>>)
      tpu.yield
    }) : () -> ()
    "tpu.region"() ({
      %run_scoped3A = tpu.sem_alloc : memref<!tpu.dma_semaphore, #tpu.memory_space<semaphore_mem>>
      %dma_start3A_148 = arith.constant 0 : i32
      %dma_start3A_149 = tpu.memref_slice %arg5[%arg0, %add3A_115, %dma_start3A_148] : memref<2x10240x128xf32, #tpu.memory_space<hbm>> -> memref<1x64x128xf32, #tpu.memory_space<hbm>>
      %dma_start3A_150 = tpu.memref_squeeze %dma_start3A_149 : memref<1x64x128xf32, #tpu.memory_space<hbm>> -> memref<64x128xf32, #tpu.memory_space<hbm>>
      %dma_start3A_151 = arith.constant 0 : i32
      %dma_start3A_152 = tpu.memref_slice %arg5[%arg0, %add3A_115, %dma_start3A_151] : memref<2x10240x128xf32, #tpu.memory_space<hbm>> -> memref<1x64x128xf32, #tpu.memory_space<hbm>>
      %dma_start3A_153 = tpu.memref_squeeze %dma_start3A_152 : memref<1x64x128xf32, #tpu.memory_space<hbm>> -> memref<64x128xf32, #tpu.memory_space<hbm>>
      tpu.enqueue_dma source(%arg9 : memref<64x128xf32, #tpu.memory_space<vmem>>) target(%dma_start3A_153 : memref<64x128xf32, #tpu.memory_space<hbm>>) target_semaphore(%run_scoped3A : memref<!tpu.dma_semaphore, #tpu.memory_space<semaphore_mem>>)
      %dma_wait3A_154 = arith.constant 0 : i32
      %dma_wait3A_155 = tpu.memref_slice %arg5[%arg0, %add3A_115, %dma_wait3A_154] : memref<2x10240x128xf32, #tpu.memory_space<hbm>> -> memref<1x64x128xf32, #tpu.memory_space<hbm>>
      %dma_wait3A_156 = tpu.memref_squeeze %dma_wait3A_155 : memref<1x64x128xf32, #tpu.memory_space<hbm>> -> memref<64x128xf32, #tpu.memory_space<hbm>>
      %dma_wait3A_157 = arith.constant 0 : i32
      %dma_wait3A_158 = tpu.memref_slice %arg5[%arg0, %add3A_115, %dma_wait3A_157] : memref<2x10240x128xf32, #tpu.memory_space<hbm>> -> memref<1x64x128xf32, #tpu.memory_space<hbm>>
      %dma_wait3A_159 = tpu.memref_squeeze %dma_wait3A_158 : memref<1x64x128xf32, #tpu.memory_space<hbm>> -> memref<64x128xf32, #tpu.memory_space<hbm>>
      tpu.wait_dma2 semaphore(%run_scoped3A : memref<!tpu.dma_semaphore, #tpu.memory_space<semaphore_mem>>) src(%arg9 : memref<64x128xf32, #tpu.memory_space<vmem>>) dst(%dma_wait3A_159 : memref<64x128xf32, #tpu.memory_space<hbm>>)
      tpu.yield
    }) : () -> ()
    %mul3A_116 = arith.constant 640 : i32
    %mul3A_117 = arith.muli %arg1, %mul3A_116 : i32
    %add3A_118 = arith.constant 128 : i32
    %add3A_119 = arith.addi %mul3A_117, %add3A_118 : i32
    "tpu.region"() ({
      %run_scoped3A = tpu.sem_alloc : memref<!tpu.dma_semaphore, #tpu.memory_space<semaphore_mem>>
      %dma_start3A_148 = arith.constant 0 : i32
      %dma_start3A_149 = tpu.memref_slice %arg6[%add3A_119, %dma_start3A_148] : memref<10240x128xf32, #tpu.memory_space<vmem_shared>> -> memref<64x128xf32, #tpu.memory_space<vmem_shared>>
      %dma_start3A_150 = arith.constant 0 : i32
      %dma_start3A_151 = tpu.memref_slice %arg6[%add3A_119, %dma_start3A_150] : memref<10240x128xf32, #tpu.memory_space<vmem_shared>> -> memref<64x128xf32, #tpu.memory_space<vmem_shared>>
      tpu.enqueue_dma source(%dma_start3A_151 : memref<64x128xf32, #tpu.memory_space<vmem_shared>>) target(%arg9 : memref<64x128xf32, #tpu.memory_space<vmem>>) target_semaphore(%run_scoped3A : memref<!tpu.dma_semaphore, #tpu.memory_space<semaphore_mem>>)
      %dma_wait3A_152 = arith.constant 0 : i32
      %dma_wait3A_153 = tpu.memref_slice %arg6[%add3A_119, %dma_wait3A_152] : memref<10240x128xf32, #tpu.memory_space<vmem_shared>> -> memref<64x128xf32, #tpu.memory_space<vmem_shared>>
      %dma_wait3A_154 = arith.constant 0 : i32
      %dma_wait3A_155 = tpu.memref_slice %arg6[%add3A_119, %dma_wait3A_154] : memref<10240x128xf32, #tpu.memory_space<vmem_shared>> -> memref<64x128xf32, #tpu.memory_space<vmem_shared>>
      tpu.wait_dma2 semaphore(%run_scoped3A : memref<!tpu.dma_semaphore, #tpu.memory_space<semaphore_mem>>) src(%dma_wait3A_155 : memref<64x128xf32, #tpu.memory_space<vmem_shared>>) dst(%arg9 : memref<64x128xf32, #tpu.memory_space<vmem>>)
      tpu.yield
    }) : () -> ()
    "tpu.region"() ({
      %run_scoped3A = tpu.sem_alloc : memref<!tpu.dma_semaphore, #tpu.memory_space<semaphore_mem>>
      %dma_start3A_148 = arith.constant 0 : i32
      %dma_start3A_149 = tpu.memref_slice %arg5[%arg0, %add3A_119, %dma_start3A_148] : memref<2x10240x128xf32, #tpu.memory_space<hbm>> -> memref<1x64x128xf32, #tpu.memory_space<hbm>>
      %dma_start3A_150 = tpu.memref_squeeze %dma_start3A_149 : memref<1x64x128xf32, #tpu.memory_space<hbm>> -> memref<64x128xf32, #tpu.memory_space<hbm>>
      %dma_start3A_151 = arith.constant 0 : i32
      %dma_start3A_152 = tpu.memref_slice %arg5[%arg0, %add3A_119, %dma_start3A_151] : memref<2x10240x128xf32, #tpu.memory_space<hbm>> -> memref<1x64x128xf32, #tpu.memory_space<hbm>>
      %dma_start3A_153 = tpu.memref_squeeze %dma_start3A_152 : memref<1x64x128xf32, #tpu.memory_space<hbm>> -> memref<64x128xf32, #tpu.memory_space<hbm>>
      tpu.enqueue_dma source(%arg9 : memref<64x128xf32, #tpu.memory_space<vmem>>) target(%dma_start3A_153 : memref<64x128xf32, #tpu.memory_space<hbm>>) target_semaphore(%run_scoped3A : memref<!tpu.dma_semaphore, #tpu.memory_space<semaphore_mem>>)
      %dma_wait3A_154 = arith.constant 0 : i32
      %dma_wait3A_155 = tpu.memref_slice %arg5[%arg0, %add3A_119, %dma_wait3A_154] : memref<2x10240x128xf32, #tpu.memory_space<hbm>> -> memref<1x64x128xf32, #tpu.memory_space<hbm>>
      %dma_wait3A_156 = tpu.memref_squeeze %dma_wait3A_155 : memref<1x64x128xf32, #tpu.memory_space<hbm>> -> memref<64x128xf32, #tpu.memory_space<hbm>>
      %dma_wait3A_157 = arith.constant 0 : i32
      %dma_wait3A_158 = tpu.memref_slice %arg5[%arg0, %add3A_119, %dma_wait3A_157] : memref<2x10240x128xf32, #tpu.memory_space<hbm>> -> memref<1x64x128xf32, #tpu.memory_space<hbm>>
      %dma_wait3A_159 = tpu.memref_squeeze %dma_wait3A_158 : memref<1x64x128xf32, #tpu.memory_space<hbm>> -> memref<64x128xf32, #tpu.memory_space<hbm>>
      tpu.wait_dma2 semaphore(%run_scoped3A : memref<!tpu.dma_semaphore, #tpu.memory_space<semaphore_mem>>) src(%arg9 : memref<64x128xf32, #tpu.memory_space<vmem>>) dst(%dma_wait3A_159 : memref<64x128xf32, #tpu.memory_space<hbm>>)
      tpu.yield
    }) : () -> ()
    %mul3A_120 = arith.constant 640 : i32
    %mul3A_121 = arith.muli %arg1, %mul3A_120 : i32
    %add3A_122 = arith.constant 192 : i32
    %add3A_123 = arith.addi %mul3A_121, %add3A_122 : i32
    "tpu.region"() ({
      %run_scoped3A = tpu.sem_alloc : memref<!tpu.dma_semaphore, #tpu.memory_space<semaphore_mem>>
      %dma_start3A_148 = arith.constant 0 : i32
      %dma_start3A_149 = tpu.memref_slice %arg6[%add3A_123, %dma_start3A_148] : memref<10240x128xf32, #tpu.memory_space<vmem_shared>> -> memref<64x128xf32, #tpu.memory_space<vmem_shared>>
      %dma_start3A_150 = arith.constant 0 : i32
      %dma_start3A_151 = tpu.memref_slice %arg6[%add3A_123, %dma_start3A_150] : memref<10240x128xf32, #tpu.memory_space<vmem_shared>> -> memref<64x128xf32, #tpu.memory_space<vmem_shared>>
      tpu.enqueue_dma source(%dma_start3A_151 : memref<64x128xf32, #tpu.memory_space<vmem_shared>>) target(%arg9 : memref<64x128xf32, #tpu.memory_space<vmem>>) target_semaphore(%run_scoped3A : memref<!tpu.dma_semaphore, #tpu.memory_space<semaphore_mem>>)
      %dma_wait3A_152 = arith.constant 0 : i32
      %dma_wait3A_153 = tpu.memref_slice %arg6[%add3A_123, %dma_wait3A_152] : memref<10240x128xf32, #tpu.memory_space<vmem_shared>> -> memref<64x128xf32, #tpu.memory_space<vmem_shared>>
      %dma_wait3A_154 = arith.constant 0 : i32
      %dma_wait3A_155 = tpu.memref_slice %arg6[%add3A_123, %dma_wait3A_154] : memref<10240x128xf32, #tpu.memory_space<vmem_shared>> -> memref<64x128xf32, #tpu.memory_space<vmem_shared>>
      tpu.wait_dma2 semaphore(%run_scoped3A : memref<!tpu.dma_semaphore, #tpu.memory_space<semaphore_mem>>) src(%dma_wait3A_155 : memref<64x128xf32, #tpu.memory_space<vmem_shared>>) dst(%arg9 : memref<64x128xf32, #tpu.memory_space<vmem>>)
      tpu.yield
    }) : () -> ()
    "tpu.region"() ({
      %run_scoped3A = tpu.sem_alloc : memref<!tpu.dma_semaphore, #tpu.memory_space<semaphore_mem>>
      %dma_start3A_148 = arith.constant 0 : i32
      %dma_start3A_149 = tpu.memref_slice %arg5[%arg0, %add3A_123, %dma_start3A_148] : memref<2x10240x128xf32, #tpu.memory_space<hbm>> -> memref<1x64x128xf32, #tpu.memory_space<hbm>>
      %dma_start3A_150 = tpu.memref_squeeze %dma_start3A_149 : memref<1x64x128xf32, #tpu.memory_space<hbm>> -> memref<64x128xf32, #tpu.memory_space<hbm>>
      %dma_start3A_151 = arith.constant 0 : i32
      %dma_start3A_152 = tpu.memref_slice %arg5[%arg0, %add3A_123, %dma_start3A_151] : memref<2x10240x128xf32, #tpu.memory_space<hbm>> -> memref<1x64x128xf32, #tpu.memory_space<hbm>>
      %dma_start3A_153 = tpu.memref_squeeze %dma_start3A_152 : memref<1x64x128xf32, #tpu.memory_space<hbm>> -> memref<64x128xf32, #tpu.memory_space<hbm>>
      tpu.enqueue_dma source(%arg9 : memref<64x128xf32, #tpu.memory_space<vmem>>) target(%dma_start3A_153 : memref<64x128xf32, #tpu.memory_space<hbm>>) target_semaphore(%run_scoped3A : memref<!tpu.dma_semaphore, #tpu.memory_space<semaphore_mem>>)
      %dma_wait3A_154 = arith.constant 0 : i32
      %dma_wait3A_155 = tpu.memref_slice %arg5[%arg0, %add3A_123, %dma_wait3A_154] : memref<2x10240x128xf32, #tpu.memory_space<hbm>> -> memref<1x64x128xf32, #tpu.memory_space<hbm>>
      %dma_wait3A_156 = tpu.memref_squeeze %dma_wait3A_155 : memref<1x64x128xf32, #tpu.memory_space<hbm>> -> memref<64x128xf32, #tpu.memory_space<hbm>>
      %dma_wait3A_157 = arith.constant 0 : i32
      %dma_wait3A_158 = tpu.memref_slice %arg5[%arg0, %add3A_123, %dma_wait3A_157] : memref<2x10240x128xf32, #tpu.memory_space<hbm>> -> memref<1x64x128xf32, #tpu.memory_space<hbm>>
      %dma_wait3A_159 = tpu.memref_squeeze %dma_wait3A_158 : memref<1x64x128xf32, #tpu.memory_space<hbm>> -> memref<64x128xf32, #tpu.memory_space<hbm>>
      tpu.wait_dma2 semaphore(%run_scoped3A : memref<!tpu.dma_semaphore, #tpu.memory_space<semaphore_mem>>) src(%arg9 : memref<64x128xf32, #tpu.memory_space<vmem>>) dst(%dma_wait3A_159 : memref<64x128xf32, #tpu.memory_space<hbm>>)
      tpu.yield
    }) : () -> ()
    %mul3A_124 = arith.constant 640 : i32
    %mul3A_125 = arith.muli %arg1, %mul3A_124 : i32
    %add3A_126 = arith.constant 256 : i32
    %add3A_127 = arith.addi %mul3A_125, %add3A_126 : i32
    "tpu.region"() ({
      %run_scoped3A = tpu.sem_alloc : memref<!tpu.dma_semaphore, #tpu.memory_space<semaphore_mem>>
      %dma_start3A_148 = arith.constant 0 : i32
      %dma_start3A_149 = tpu.memref_slice %arg6[%add3A_127, %dma_start3A_148] : memref<10240x128xf32, #tpu.memory_space<vmem_shared>> -> memref<64x128xf32, #tpu.memory_space<vmem_shared>>
      %dma_start3A_150 = arith.constant 0 : i32
      %dma_start3A_151 = tpu.memref_slice %arg6[%add3A_127, %dma_start3A_150] : memref<10240x128xf32, #tpu.memory_space<vmem_shared>> -> memref<64x128xf32, #tpu.memory_space<vmem_shared>>
      tpu.enqueue_dma source(%dma_start3A_151 : memref<64x128xf32, #tpu.memory_space<vmem_shared>>) target(%arg9 : memref<64x128xf32, #tpu.memory_space<vmem>>) target_semaphore(%run_scoped3A : memref<!tpu.dma_semaphore, #tpu.memory_space<semaphore_mem>>)
      %dma_wait3A_152 = arith.constant 0 : i32
      %dma_wait3A_153 = tpu.memref_slice %arg6[%add3A_127, %dma_wait3A_152] : memref<10240x128xf32, #tpu.memory_space<vmem_shared>> -> memref<64x128xf32, #tpu.memory_space<vmem_shared>>
      %dma_wait3A_154 = arith.constant 0 : i32
      %dma_wait3A_155 = tpu.memref_slice %arg6[%add3A_127, %dma_wait3A_154] : memref<10240x128xf32, #tpu.memory_space<vmem_shared>> -> memref<64x128xf32, #tpu.memory_space<vmem_shared>>
      tpu.wait_dma2 semaphore(%run_scoped3A : memref<!tpu.dma_semaphore, #tpu.memory_space<semaphore_mem>>) src(%dma_wait3A_155 : memref<64x128xf32, #tpu.memory_space<vmem_shared>>) dst(%arg9 : memref<64x128xf32, #tpu.memory_space<vmem>>)
      tpu.yield
    }) : () -> ()
    "tpu.region"() ({
      %run_scoped3A = tpu.sem_alloc : memref<!tpu.dma_semaphore, #tpu.memory_space<semaphore_mem>>
      %dma_start3A_148 = arith.constant 0 : i32
      %dma_start3A_149 = tpu.memref_slice %arg5[%arg0, %add3A_127, %dma_start3A_148] : memref<2x10240x128xf32, #tpu.memory_space<hbm>> -> memref<1x64x128xf32, #tpu.memory_space<hbm>>
      %dma_start3A_150 = tpu.memref_squeeze %dma_start3A_149 : memref<1x64x128xf32, #tpu.memory_space<hbm>> -> memref<64x128xf32, #tpu.memory_space<hbm>>
      %dma_start3A_151 = arith.constant 0 : i32
      %dma_start3A_152 = tpu.memref_slice %arg5[%arg0, %add3A_127, %dma_start3A_151] : memref<2x10240x128xf32, #tpu.memory_space<hbm>> -> memref<1x64x128xf32, #tpu.memory_space<hbm>>
      %dma_start3A_153 = tpu.memref_squeeze %dma_start3A_152 : memref<1x64x128xf32, #tpu.memory_space<hbm>> -> memref<64x128xf32, #tpu.memory_space<hbm>>
      tpu.enqueue_dma source(%arg9 : memref<64x128xf32, #tpu.memory_space<vmem>>) target(%dma_start3A_153 : memref<64x128xf32, #tpu.memory_space<hbm>>) target_semaphore(%run_scoped3A : memref<!tpu.dma_semaphore, #tpu.memory_space<semaphore_mem>>)
      %dma_wait3A_154 = arith.constant 0 : i32
      %dma_wait3A_155 = tpu.memref_slice %arg5[%arg0, %add3A_127, %dma_wait3A_154] : memref<2x10240x128xf32, #tpu.memory_space<hbm>> -> memref<1x64x128xf32, #tpu.memory_space<hbm>>
      %dma_wait3A_156 = tpu.memref_squeeze %dma_wait3A_155 : memref<1x64x128xf32, #tpu.memory_space<hbm>> -> memref<64x128xf32, #tpu.memory_space<hbm>>
      %dma_wait3A_157 = arith.constant 0 : i32
      %dma_wait3A_158 = tpu.memref_slice %arg5[%arg0, %add3A_127, %dma_wait3A_157] : memref<2x10240x128xf32, #tpu.memory_space<hbm>> -> memref<1x64x128xf32, #tpu.memory_space<hbm>>
      %dma_wait3A_159 = tpu.memref_squeeze %dma_wait3A_158 : memref<1x64x128xf32, #tpu.memory_space<hbm>> -> memref<64x128xf32, #tpu.memory_space<hbm>>
      tpu.wait_dma2 semaphore(%run_scoped3A : memref<!tpu.dma_semaphore, #tpu.memory_space<semaphore_mem>>) src(%arg9 : memref<64x128xf32, #tpu.memory_space<vmem>>) dst(%dma_wait3A_159 : memref<64x128xf32, #tpu.memory_space<hbm>>)
      tpu.yield
    }) : () -> ()
    %mul3A_128 = arith.constant 640 : i32
    %mul3A_129 = arith.muli %arg1, %mul3A_128 : i32
    %add3A_130 = arith.constant 320 : i32
    %add3A_131 = arith.addi %mul3A_129, %add3A_130 : i32
    "tpu.region"() ({
      %run_scoped3A = tpu.sem_alloc : memref<!tpu.dma_semaphore, #tpu.memory_space<semaphore_mem>>
      %dma_start3A_148 = arith.constant 0 : i32
      %dma_start3A_149 = tpu.memref_slice %arg6[%add3A_131, %dma_start3A_148] : memref<10240x128xf32, #tpu.memory_space<vmem_shared>> -> memref<64x128xf32, #tpu.memory_space<vmem_shared>>
      %dma_start3A_150 = arith.constant 0 : i32
      %dma_start3A_151 = tpu.memref_slice %arg6[%add3A_131, %dma_start3A_150] : memref<10240x128xf32, #tpu.memory_space<vmem_shared>> -> memref<64x128xf32, #tpu.memory_space<vmem_shared>>
      tpu.enqueue_dma source(%dma_start3A_151 : memref<64x128xf32, #tpu.memory_space<vmem_shared>>) target(%arg9 : memref<64x128xf32, #tpu.memory_space<vmem>>) target_semaphore(%run_scoped3A : memref<!tpu.dma_semaphore, #tpu.memory_space<semaphore_mem>>)
      %dma_wait3A_152 = arith.constant 0 : i32
      %dma_wait3A_153 = tpu.memref_slice %arg6[%add3A_131, %dma_wait3A_152] : memref<10240x128xf32, #tpu.memory_space<vmem_shared>> -> memref<64x128xf32, #tpu.memory_space<vmem_shared>>
      %dma_wait3A_154 = arith.constant 0 : i32
      %dma_wait3A_155 = tpu.memref_slice %arg6[%add3A_131, %dma_wait3A_154] : memref<10240x128xf32, #tpu.memory_space<vmem_shared>> -> memref<64x128xf32, #tpu.memory_space<vmem_shared>>
      tpu.wait_dma2 semaphore(%run_scoped3A : memref<!tpu.dma_semaphore, #tpu.memory_space<semaphore_mem>>) src(%dma_wait3A_155 : memref<64x128xf32, #tpu.memory_space<vmem_shared>>) dst(%arg9 : memref<64x128xf32, #tpu.memory_space<vmem>>)
      tpu.yield
    }) : () -> ()
    "tpu.region"() ({
      %run_scoped3A = tpu.sem_alloc : memref<!tpu.dma_semaphore, #tpu.memory_space<semaphore_mem>>
      %dma_start3A_148 = arith.constant 0 : i32
      %dma_start3A_149 = tpu.memref_slice %arg5[%arg0, %add3A_131, %dma_start3A_148] : memref<2x10240x128xf32, #tpu.memory_space<hbm>> -> memref<1x64x128xf32, #tpu.memory_space<hbm>>
      %dma_start3A_150 = tpu.memref_squeeze %dma_start3A_149 : memref<1x64x128xf32, #tpu.memory_space<hbm>> -> memref<64x128xf32, #tpu.memory_space<hbm>>
      %dma_start3A_151 = arith.constant 0 : i32
      %dma_start3A_152 = tpu.memref_slice %arg5[%arg0, %add3A_131, %dma_start3A_151] : memref<2x10240x128xf32, #tpu.memory_space<hbm>> -> memref<1x64x128xf32, #tpu.memory_space<hbm>>
      %dma_start3A_153 = tpu.memref_squeeze %dma_start3A_152 : memref<1x64x128xf32, #tpu.memory_space<hbm>> -> memref<64x128xf32, #tpu.memory_space<hbm>>
      tpu.enqueue_dma source(%arg9 : memref<64x128xf32, #tpu.memory_space<vmem>>) target(%dma_start3A_153 : memref<64x128xf32, #tpu.memory_space<hbm>>) target_semaphore(%run_scoped3A : memref<!tpu.dma_semaphore, #tpu.memory_space<semaphore_mem>>)
      %dma_wait3A_154 = arith.constant 0 : i32
      %dma_wait3A_155 = tpu.memref_slice %arg5[%arg0, %add3A_131, %dma_wait3A_154] : memref<2x10240x128xf32, #tpu.memory_space<hbm>> -> memref<1x64x128xf32, #tpu.memory_space<hbm>>
      %dma_wait3A_156 = tpu.memref_squeeze %dma_wait3A_155 : memref<1x64x128xf32, #tpu.memory_space<hbm>> -> memref<64x128xf32, #tpu.memory_space<hbm>>
      %dma_wait3A_157 = arith.constant 0 : i32
      %dma_wait3A_158 = tpu.memref_slice %arg5[%arg0, %add3A_131, %dma_wait3A_157] : memref<2x10240x128xf32, #tpu.memory_space<hbm>> -> memref<1x64x128xf32, #tpu.memory_space<hbm>>
      %dma_wait3A_159 = tpu.memref_squeeze %dma_wait3A_158 : memref<1x64x128xf32, #tpu.memory_space<hbm>> -> memref<64x128xf32, #tpu.memory_space<hbm>>
      tpu.wait_dma2 semaphore(%run_scoped3A : memref<!tpu.dma_semaphore, #tpu.memory_space<semaphore_mem>>) src(%arg9 : memref<64x128xf32, #tpu.memory_space<vmem>>) dst(%dma_wait3A_159 : memref<64x128xf32, #tpu.memory_space<hbm>>)
      tpu.yield
    }) : () -> ()
    %mul3A_132 = arith.constant 640 : i32
    %mul3A_133 = arith.muli %arg1, %mul3A_132 : i32
    %add3A_134 = arith.constant 384 : i32
    %add3A_135 = arith.addi %mul3A_133, %add3A_134 : i32
    "tpu.region"() ({
      %run_scoped3A = tpu.sem_alloc : memref<!tpu.dma_semaphore, #tpu.memory_space<semaphore_mem>>
      %dma_start3A_148 = arith.constant 0 : i32
      %dma_start3A_149 = tpu.memref_slice %arg6[%add3A_135, %dma_start3A_148] : memref<10240x128xf32, #tpu.memory_space<vmem_shared>> -> memref<64x128xf32, #tpu.memory_space<vmem_shared>>
      %dma_start3A_150 = arith.constant 0 : i32
      %dma_start3A_151 = tpu.memref_slice %arg6[%add3A_135, %dma_start3A_150] : memref<10240x128xf32, #tpu.memory_space<vmem_shared>> -> memref<64x128xf32, #tpu.memory_space<vmem_shared>>
      tpu.enqueue_dma source(%dma_start3A_151 : memref<64x128xf32, #tpu.memory_space<vmem_shared>>) target(%arg9 : memref<64x128xf32, #tpu.memory_space<vmem>>) target_semaphore(%run_scoped3A : memref<!tpu.dma_semaphore, #tpu.memory_space<semaphore_mem>>)
      %dma_wait3A_152 = arith.constant 0 : i32
      %dma_wait3A_153 = tpu.memref_slice %arg6[%add3A_135, %dma_wait3A_152] : memref<10240x128xf32, #tpu.memory_space<vmem_shared>> -> memref<64x128xf32, #tpu.memory_space<vmem_shared>>
      %dma_wait3A_154 = arith.constant 0 : i32
      %dma_wait3A_155 = tpu.memref_slice %arg6[%add3A_135, %dma_wait3A_154] : memref<10240x128xf32, #tpu.memory_space<vmem_shared>> -> memref<64x128xf32, #tpu.memory_space<vmem_shared>>
      tpu.wait_dma2 semaphore(%run_scoped3A : memref<!tpu.dma_semaphore, #tpu.memory_space<semaphore_mem>>) src(%dma_wait3A_155 : memref<64x128xf32, #tpu.memory_space<vmem_shared>>) dst(%arg9 : memref<64x128xf32, #tpu.memory_space<vmem>>)
      tpu.yield
    }) : () -> ()
    "tpu.region"() ({
      %run_scoped3A = tpu.sem_alloc : memref<!tpu.dma_semaphore, #tpu.memory_space<semaphore_mem>>
      %dma_start3A_148 = arith.constant 0 : i32
      %dma_start3A_149 = tpu.memref_slice %arg5[%arg0, %add3A_135, %dma_start3A_148] : memref<2x10240x128xf32, #tpu.memory_space<hbm>> -> memref<1x64x128xf32, #tpu.memory_space<hbm>>
      %dma_start3A_150 = tpu.memref_squeeze %dma_start3A_149 : memref<1x64x128xf32, #tpu.memory_space<hbm>> -> memref<64x128xf32, #tpu.memory_space<hbm>>
      %dma_start3A_151 = arith.constant 0 : i32
      %dma_start3A_152 = tpu.memref_slice %arg5[%arg0, %add3A_135, %dma_start3A_151] : memref<2x10240x128xf32, #tpu.memory_space<hbm>> -> memref<1x64x128xf32, #tpu.memory_space<hbm>>
      %dma_start3A_153 = tpu.memref_squeeze %dma_start3A_152 : memref<1x64x128xf32, #tpu.memory_space<hbm>> -> memref<64x128xf32, #tpu.memory_space<hbm>>
      tpu.enqueue_dma source(%arg9 : memref<64x128xf32, #tpu.memory_space<vmem>>) target(%dma_start3A_153 : memref<64x128xf32, #tpu.memory_space<hbm>>) target_semaphore(%run_scoped3A : memref<!tpu.dma_semaphore, #tpu.memory_space<semaphore_mem>>)
      %dma_wait3A_154 = arith.constant 0 : i32
      %dma_wait3A_155 = tpu.memref_slice %arg5[%arg0, %add3A_135, %dma_wait3A_154] : memref<2x10240x128xf32, #tpu.memory_space<hbm>> -> memref<1x64x128xf32, #tpu.memory_space<hbm>>
      %dma_wait3A_156 = tpu.memref_squeeze %dma_wait3A_155 : memref<1x64x128xf32, #tpu.memory_space<hbm>> -> memref<64x128xf32, #tpu.memory_space<hbm>>
      %dma_wait3A_157 = arith.constant 0 : i32
      %dma_wait3A_158 = tpu.memref_slice %arg5[%arg0, %add3A_135, %dma_wait3A_157] : memref<2x10240x128xf32, #tpu.memory_space<hbm>> -> memref<1x64x128xf32, #tpu.memory_space<hbm>>
      %dma_wait3A_159 = tpu.memref_squeeze %dma_wait3A_158 : memref<1x64x128xf32, #tpu.memory_space<hbm>> -> memref<64x128xf32, #tpu.memory_space<hbm>>
      tpu.wait_dma2 semaphore(%run_scoped3A : memref<!tpu.dma_semaphore, #tpu.memory_space<semaphore_mem>>) src(%arg9 : memref<64x128xf32, #tpu.memory_space<vmem>>) dst(%dma_wait3A_159 : memref<64x128xf32, #tpu.memory_space<hbm>>)
      tpu.yield
    }) : () -> ()
    %mul3A_136 = arith.constant 640 : i32
    %mul3A_137 = arith.muli %arg1, %mul3A_136 : i32
    %add3A_138 = arith.constant 448 : i32
    %add3A_139 = arith.addi %mul3A_137, %add3A_138 : i32
    "tpu.region"() ({
      %run_scoped3A = tpu.sem_alloc : memref<!tpu.dma_semaphore, #tpu.memory_space<semaphore_mem>>
      %dma_start3A_148 = arith.constant 0 : i32
      %dma_start3A_149 = tpu.memref_slice %arg6[%add3A_139, %dma_start3A_148] : memref<10240x128xf32, #tpu.memory_space<vmem_shared>> -> memref<64x128xf32, #tpu.memory_space<vmem_shared>>
      %dma_start3A_150 = arith.constant 0 : i32
      %dma_start3A_151 = tpu.memref_slice %arg6[%add3A_139, %dma_start3A_150] : memref<10240x128xf32, #tpu.memory_space<vmem_shared>> -> memref<64x128xf32, #tpu.memory_space<vmem_shared>>
      tpu.enqueue_dma source(%dma_start3A_151 : memref<64x128xf32, #tpu.memory_space<vmem_shared>>) target(%arg9 : memref<64x128xf32, #tpu.memory_space<vmem>>) target_semaphore(%run_scoped3A : memref<!tpu.dma_semaphore, #tpu.memory_space<semaphore_mem>>)
      %dma_wait3A_152 = arith.constant 0 : i32
      %dma_wait3A_153 = tpu.memref_slice %arg6[%add3A_139, %dma_wait3A_152] : memref<10240x128xf32, #tpu.memory_space<vmem_shared>> -> memref<64x128xf32, #tpu.memory_space<vmem_shared>>
      %dma_wait3A_154 = arith.constant 0 : i32
      %dma_wait3A_155 = tpu.memref_slice %arg6[%add3A_139, %dma_wait3A_154] : memref<10240x128xf32, #tpu.memory_space<vmem_shared>> -> memref<64x128xf32, #tpu.memory_space<vmem_shared>>
      tpu.wait_dma2 semaphore(%run_scoped3A : memref<!tpu.dma_semaphore, #tpu.memory_space<semaphore_mem>>) src(%dma_wait3A_155 : memref<64x128xf32, #tpu.memory_space<vmem_shared>>) dst(%arg9 : memref<64x128xf32, #tpu.memory_space<vmem>>)
      tpu.yield
    }) : () -> ()
    "tpu.region"() ({
      %run_scoped3A = tpu.sem_alloc : memref<!tpu.dma_semaphore, #tpu.memory_space<semaphore_mem>>
      %dma_start3A_148 = arith.constant 0 : i32
      %dma_start3A_149 = tpu.memref_slice %arg5[%arg0, %add3A_139, %dma_start3A_148] : memref<2x10240x128xf32, #tpu.memory_space<hbm>> -> memref<1x64x128xf32, #tpu.memory_space<hbm>>
      %dma_start3A_150 = tpu.memref_squeeze %dma_start3A_149 : memref<1x64x128xf32, #tpu.memory_space<hbm>> -> memref<64x128xf32, #tpu.memory_space<hbm>>
      %dma_start3A_151 = arith.constant 0 : i32
      %dma_start3A_152 = tpu.memref_slice %arg5[%arg0, %add3A_139, %dma_start3A_151] : memref<2x10240x128xf32, #tpu.memory_space<hbm>> -> memref<1x64x128xf32, #tpu.memory_space<hbm>>
      %dma_start3A_153 = tpu.memref_squeeze %dma_start3A_152 : memref<1x64x128xf32, #tpu.memory_space<hbm>> -> memref<64x128xf32, #tpu.memory_space<hbm>>
      tpu.enqueue_dma source(%arg9 : memref<64x128xf32, #tpu.memory_space<vmem>>) target(%dma_start3A_153 : memref<64x128xf32, #tpu.memory_space<hbm>>) target_semaphore(%run_scoped3A : memref<!tpu.dma_semaphore, #tpu.memory_space<semaphore_mem>>)
      %dma_wait3A_154 = arith.constant 0 : i32
      %dma_wait3A_155 = tpu.memref_slice %arg5[%arg0, %add3A_139, %dma_wait3A_154] : memref<2x10240x128xf32, #tpu.memory_space<hbm>> -> memref<1x64x128xf32, #tpu.memory_space<hbm>>
      %dma_wait3A_156 = tpu.memref_squeeze %dma_wait3A_155 : memref<1x64x128xf32, #tpu.memory_space<hbm>> -> memref<64x128xf32, #tpu.memory_space<hbm>>
      %dma_wait3A_157 = arith.constant 0 : i32
      %dma_wait3A_158 = tpu.memref_slice %arg5[%arg0, %add3A_139, %dma_wait3A_157] : memref<2x10240x128xf32, #tpu.memory_space<hbm>> -> memref<1x64x128xf32, #tpu.memory_space<hbm>>
      %dma_wait3A_159 = tpu.memref_squeeze %dma_wait3A_158 : memref<1x64x128xf32, #tpu.memory_space<hbm>> -> memref<64x128xf32, #tpu.memory_space<hbm>>
      tpu.wait_dma2 semaphore(%run_scoped3A : memref<!tpu.dma_semaphore, #tpu.memory_space<semaphore_mem>>) src(%arg9 : memref<64x128xf32, #tpu.memory_space<vmem>>) dst(%dma_wait3A_159 : memref<64x128xf32, #tpu.memory_space<hbm>>)
      tpu.yield
    }) : () -> ()
    %mul3A_140 = arith.constant 640 : i32
    %mul3A_141 = arith.muli %arg1, %mul3A_140 : i32
    %add3A_142 = arith.constant 512 : i32
    %add3A_143 = arith.addi %mul3A_141, %add3A_142 : i32
    "tpu.region"() ({
      %run_scoped3A = tpu.sem_alloc : memref<!tpu.dma_semaphore, #tpu.memory_space<semaphore_mem>>
      %dma_start3A_148 = arith.constant 0 : i32
      %dma_start3A_149 = tpu.memref_slice %arg6[%add3A_143, %dma_start3A_148] : memref<10240x128xf32, #tpu.memory_space<vmem_shared>> -> memref<64x128xf32, #tpu.memory_space<vmem_shared>>
      %dma_start3A_150 = arith.constant 0 : i32
      %dma_start3A_151 = tpu.memref_slice %arg6[%add3A_143, %dma_start3A_150] : memref<10240x128xf32, #tpu.memory_space<vmem_shared>> -> memref<64x128xf32, #tpu.memory_space<vmem_shared>>
      tpu.enqueue_dma source(%dma_start3A_151 : memref<64x128xf32, #tpu.memory_space<vmem_shared>>) target(%arg9 : memref<64x128xf32, #tpu.memory_space<vmem>>) target_semaphore(%run_scoped3A : memref<!tpu.dma_semaphore, #tpu.memory_space<semaphore_mem>>)
      %dma_wait3A_152 = arith.constant 0 : i32
      %dma_wait3A_153 = tpu.memref_slice %arg6[%add3A_143, %dma_wait3A_152] : memref<10240x128xf32, #tpu.memory_space<vmem_shared>> -> memref<64x128xf32, #tpu.memory_space<vmem_shared>>
      %dma_wait3A_154 = arith.constant 0 : i32
      %dma_wait3A_155 = tpu.memref_slice %arg6[%add3A_143, %dma_wait3A_154] : memref<10240x128xf32, #tpu.memory_space<vmem_shared>> -> memref<64x128xf32, #tpu.memory_space<vmem_shared>>
      tpu.wait_dma2 semaphore(%run_scoped3A : memref<!tpu.dma_semaphore, #tpu.memory_space<semaphore_mem>>) src(%dma_wait3A_155 : memref<64x128xf32, #tpu.memory_space<vmem_shared>>) dst(%arg9 : memref<64x128xf32, #tpu.memory_space<vmem>>)
      tpu.yield
    }) : () -> ()
    "tpu.region"() ({
      %run_scoped3A = tpu.sem_alloc : memref<!tpu.dma_semaphore, #tpu.memory_space<semaphore_mem>>
      %dma_start3A_148 = arith.constant 0 : i32
      %dma_start3A_149 = tpu.memref_slice %arg5[%arg0, %add3A_143, %dma_start3A_148] : memref<2x10240x128xf32, #tpu.memory_space<hbm>> -> memref<1x64x128xf32, #tpu.memory_space<hbm>>
      %dma_start3A_150 = tpu.memref_squeeze %dma_start3A_149 : memref<1x64x128xf32, #tpu.memory_space<hbm>> -> memref<64x128xf32, #tpu.memory_space<hbm>>
      %dma_start3A_151 = arith.constant 0 : i32
      %dma_start3A_152 = tpu.memref_slice %arg5[%arg0, %add3A_143, %dma_start3A_151] : memref<2x10240x128xf32, #tpu.memory_space<hbm>> -> memref<1x64x128xf32, #tpu.memory_space<hbm>>
      %dma_start3A_153 = tpu.memref_squeeze %dma_start3A_152 : memref<1x64x128xf32, #tpu.memory_space<hbm>> -> memref<64x128xf32, #tpu.memory_space<hbm>>
      tpu.enqueue_dma source(%arg9 : memref<64x128xf32, #tpu.memory_space<vmem>>) target(%dma_start3A_153 : memref<64x128xf32, #tpu.memory_space<hbm>>) target_semaphore(%run_scoped3A : memref<!tpu.dma_semaphore, #tpu.memory_space<semaphore_mem>>)
      %dma_wait3A_154 = arith.constant 0 : i32
      %dma_wait3A_155 = tpu.memref_slice %arg5[%arg0, %add3A_143, %dma_wait3A_154] : memref<2x10240x128xf32, #tpu.memory_space<hbm>> -> memref<1x64x128xf32, #tpu.memory_space<hbm>>
      %dma_wait3A_156 = tpu.memref_squeeze %dma_wait3A_155 : memref<1x64x128xf32, #tpu.memory_space<hbm>> -> memref<64x128xf32, #tpu.memory_space<hbm>>
      %dma_wait3A_157 = arith.constant 0 : i32
      %dma_wait3A_158 = tpu.memref_slice %arg5[%arg0, %add3A_143, %dma_wait3A_157] : memref<2x10240x128xf32, #tpu.memory_space<hbm>> -> memref<1x64x128xf32, #tpu.memory_space<hbm>>
      %dma_wait3A_159 = tpu.memref_squeeze %dma_wait3A_158 : memref<1x64x128xf32, #tpu.memory_space<hbm>> -> memref<64x128xf32, #tpu.memory_space<hbm>>
      tpu.wait_dma2 semaphore(%run_scoped3A : memref<!tpu.dma_semaphore, #tpu.memory_space<semaphore_mem>>) src(%arg9 : memref<64x128xf32, #tpu.memory_space<vmem>>) dst(%dma_wait3A_159 : memref<64x128xf32, #tpu.memory_space<hbm>>)
      tpu.yield
    }) : () -> ()
    %mul3A_144 = arith.constant 640 : i32
    %mul3A_145 = arith.muli %arg1, %mul3A_144 : i32
    %add3A_146 = arith.constant 576 : i32
    %add3A_147 = arith.addi %mul3A_145, %add3A_146 : i32
    "tpu.region"() ({
      %run_scoped3A = tpu.sem_alloc : memref<!tpu.dma_semaphore, #tpu.memory_space<semaphore_mem>>
      %dma_start3A_148 = arith.constant 0 : i32
      %dma_start3A_149 = tpu.memref_slice %arg6[%add3A_147, %dma_start3A_148] : memref<10240x128xf32, #tpu.memory_space<vmem_shared>> -> memref<64x128xf32, #tpu.memory_space<vmem_shared>>
      %dma_start3A_150 = arith.constant 0 : i32
      %dma_start3A_151 = tpu.memref_slice %arg6[%add3A_147, %dma_start3A_150] : memref<10240x128xf32, #tpu.memory_space<vmem_shared>> -> memref<64x128xf32, #tpu.memory_space<vmem_shared>>
      tpu.enqueue_dma source(%dma_start3A_151 : memref<64x128xf32, #tpu.memory_space<vmem_shared>>) target(%arg9 : memref<64x128xf32, #tpu.memory_space<vmem>>) target_semaphore(%run_scoped3A : memref<!tpu.dma_semaphore, #tpu.memory_space<semaphore_mem>>)
      %dma_wait3A_152 = arith.constant 0 : i32
      %dma_wait3A_153 = tpu.memref_slice %arg6[%add3A_147, %dma_wait3A_152] : memref<10240x128xf32, #tpu.memory_space<vmem_shared>> -> memref<64x128xf32, #tpu.memory_space<vmem_shared>>
      %dma_wait3A_154 = arith.constant 0 : i32
      %dma_wait3A_155 = tpu.memref_slice %arg6[%add3A_147, %dma_wait3A_154] : memref<10240x128xf32, #tpu.memory_space<vmem_shared>> -> memref<64x128xf32, #tpu.memory_space<vmem_shared>>
      tpu.wait_dma2 semaphore(%run_scoped3A : memref<!tpu.dma_semaphore, #tpu.memory_space<semaphore_mem>>) src(%dma_wait3A_155 : memref<64x128xf32, #tpu.memory_space<vmem_shared>>) dst(%arg9 : memref<64x128xf32, #tpu.memory_space<vmem>>)
      tpu.yield
    }) : () -> ()
    "tpu.region"() ({
      %run_scoped3A = tpu.sem_alloc : memref<!tpu.dma_semaphore, #tpu.memory_space<semaphore_mem>>
      %dma_start3A_148 = arith.constant 0 : i32
      %dma_start3A_149 = tpu.memref_slice %arg5[%arg0, %add3A_147, %dma_start3A_148] : memref<2x10240x128xf32, #tpu.memory_space<hbm>> -> memref<1x64x128xf32, #tpu.memory_space<hbm>>
      %dma_start3A_150 = tpu.memref_squeeze %dma_start3A_149 : memref<1x64x128xf32, #tpu.memory_space<hbm>> -> memref<64x128xf32, #tpu.memory_space<hbm>>
      %dma_start3A_151 = arith.constant 0 : i32
      %dma_start3A_152 = tpu.memref_slice %arg5[%arg0, %add3A_147, %dma_start3A_151] : memref<2x10240x128xf32, #tpu.memory_space<hbm>> -> memref<1x64x128xf32, #tpu.memory_space<hbm>>
      %dma_start3A_153 = tpu.memref_squeeze %dma_start3A_152 : memref<1x64x128xf32, #tpu.memory_space<hbm>> -> memref<64x128xf32, #tpu.memory_space<hbm>>
      tpu.enqueue_dma source(%arg9 : memref<64x128xf32, #tpu.memory_space<vmem>>) target(%dma_start3A_153 : memref<64x128xf32, #tpu.memory_space<hbm>>) target_semaphore(%run_scoped3A : memref<!tpu.dma_semaphore, #tpu.memory_space<semaphore_mem>>)
      %dma_wait3A_154 = arith.constant 0 : i32
      %dma_wait3A_155 = tpu.memref_slice %arg5[%arg0, %add3A_147, %dma_wait3A_154] : memref<2x10240x128xf32, #tpu.memory_space<hbm>> -> memref<1x64x128xf32, #tpu.memory_space<hbm>>
      %dma_wait3A_156 = tpu.memref_squeeze %dma_wait3A_155 : memref<1x64x128xf32, #tpu.memory_space<hbm>> -> memref<64x128xf32, #tpu.memory_space<hbm>>
      %dma_wait3A_157 = arith.constant 0 : i32
      %dma_wait3A_158 = tpu.memref_slice %arg5[%arg0, %add3A_147, %dma_wait3A_157] : memref<2x10240x128xf32, #tpu.memory_space<hbm>> -> memref<1x64x128xf32, #tpu.memory_space<hbm>>
      %dma_wait3A_159 = tpu.memref_squeeze %dma_wait3A_158 : memref<1x64x128xf32, #tpu.memory_space<hbm>> -> memref<64x128xf32, #tpu.memory_space<hbm>>
      tpu.wait_dma2 semaphore(%run_scoped3A : memref<!tpu.dma_semaphore, #tpu.memory_space<semaphore_mem>>) src(%arg9 : memref<64x128xf32, #tpu.memory_space<vmem>>) dst(%dma_wait3A_159 : memref<64x128xf32, #tpu.memory_space<hbm>>)
      tpu.yield
    }) : () -> ()
    return
  }
}

</mosaic_0001>

<sc_bundles>
// kernel: _sc_aggregate.3.cloned.1.call-start
scs
__scs_entry_jumppad:
0x0: {  	(pc) =	sbr.rel $0x88, $3  }
0x1: {  	(tag) =	ssettag $0x0;
	lr =	simm.s32 $0x1  }
0x2: {  	[smem:$0x3F9E] =	sst lr;
	_ =	strace $0xD0000000  }
0x3: {  	_ = 	snop  }
0x4: {  	_ = 	snop  }
0x5: {  	_ = 	snop  }
0x6: {  	_ = 	snop  }
0x7: {  	_ = 	snop  }
__scs_overlays_trampoline_lowered:
0x8: {  	[smem:$0x3FAD] =	sst s0  }
0x9: {  	[smem:$0x3FAE] =	sst s1  }
0xa: {  	[smem:$0x3FAF] =	sst s2  }
0xb: {  	[smem:$0x3FB0] =	sst s3  }
0xc: {  	[smem:$0x3FB1] =	sst s4  }
0xd: {  	[smem:$0x3FB2] =	sst s5  }
0xe: {  	[smem:$0x3FB3] =	sst s6  }
0xf: {  	[smem:$0x3FB4] =	sst s7  }
0x10: {  	[smem:$0x3FB5] =	sst s8  }
0x11: {  	[smem:$0x3FB6] =	sst s9;
	s0 =	simm.s32 @!p0 $0x0  }
0x12: {  	s1 =	sld [smem:$0x3F9C];
	s0 =	simm.s32 @p0 $0x1  }
0x13: {  	[smem:$0x3FB7] =	sst s0;
	s0 =	simm.s32 @!p1 $0x0  }
0x14: {  	s2 =	sld [smem:$0x3F9B];
	s0 =	simm.s32 @p1 $0x1  }
0x15: {  	[smem:$0x3FB8] =	sst s0;
	s0 =	simm.s32 @!p2 $0x0  }
0x16: {  	s3 =	sld [smem:$0x3FDB];
	s0 =	simm.s32 @p2 $0x1  }
0x17: {  	s4 =	simm.s32 $0x1BF5;
	[smem:$0x3FBA] =	sst s0  }
0x18: {  	s0 =	sld [smem:$0x3F9D];
	_ =	swait.ge [sflag:s4], $0x0  }
0x19: {  	s7 =	sld [smem:$0x3F9E]  }
0x1a: {  	s8 =	sadd.s32 $0xFFFFE003, lr  }
0x1b: {  	s9 =	sadd.s32 $0xFFFFFEF7, lr;
	s5 =	simm.s32 $0xFFFFFFFF;
	p2 =	slt.u32 s8, $0xFFFFF086  }
0x1c: {  	p1 =	slt.u32 s9, $0xF7A;
	s5 =	simm.s32 @!p2 $0x0  }
0x1d: {  	s5 =	simm.s32 @p1 $0x1;
	p0 =	seq.s32 s7, s2  }
0x1e: {  	s7 =	smul.u32 @!p0 $0xF7A, s2;
	p2 =	seq.s32 @!p0 s5, $0x0  }
0x1f: {  	s9 =	smul.u32 $0xF7A, s1;
	s8 =	simm.s32 @!p0 $0x1BF5;
	p2 =	por !p2, p0  }
0x20: {  	[sflag:s8] =	ssyncset.s32 @!p0 $0xFFFFF086;
	s6 =	sadd.s32 @!p0 s3, s7;
	s7 =	simm.s32 @!p0 $0x108  }
0x21: {  	s3 =	sadd.s32 s3, s9;
	s6 =	sadd.s32 @!p0 $0x88, s6;
	s7 =	simm.s32 @p2 $0x1082  }
0x22: {  	[simem:s7], [sflag:s8] =	dma.local @!p0 [hbm:s6], $0xF7A  }
0x23: {  	s9 =	sor.u32 $0xD0000000, s2;
	s6 =	simm.s32 $0x108;
	_ =	swait.ge @!p0 [sflag:s8], $0x0  }
0x24: {  	s3 =	sadd.s32 $0x88, s3;
	s6 =	simm.s32 @!p1 $0x1082;
	[sflag:s4] =	ssyncset.s32 $0xFFFFF086  }
0x25: {  	[simem:s6], [sflag:s4] =	dma.local [hbm:s3], $0xF7A  }
0x26: {  	[smem:$0x3F9E] =	sst s1;
	(tag) =	ssettag s2;
	_ =	strace s9  }
0x27: {  	s1 =	sld [smem:$0x3FAE]  }
0x28: {  	s2 =	sld [smem:$0x3FAF]  }
0x29: {  	s4 =	sld [smem:$0x3FB1]  }
0x2a: {  	p0 =	seq.s32 s5, $0x0;
	s5 =	sld [smem:$0x3FB2]  }
0x2b: {  	s6 =	sld [smem:$0x3FB3]  }
0x2c: {  	s7 =	sld [smem:$0x3FB4]  }
0x2d: {  	s3 =	simm.s32 $0x108;
	s8 =	sld [smem:$0x3FB5]  }
0x2e: {  	s3 =	simm.s32 @!p0 $0x1082;
	s9 =	sld [smem:$0x3FB6]  }
0x2f: {  	lr =	sadd.s32 s0, s3;
	s0 =	sld [smem:$0x3FAD]  }
0x30: {  	s3 =	sld [smem:$0x3FB0]  }
0x31: {  	[smem:$0x3FB9] =	sst s10  }
0x32: {  	s10 =	sld [smem:$0x3FB7];
	_ =	sdelay $0x3  }
0x33: {  	p0 =	seq.s32 s10, $0x1;
	s10 =	sld [smem:$0x3FB9];
	_ =	sdelay $0x3  }
0x34: {  	[smem:$0x3FB9] =	sst s10  }
0x35: {  	s10 =	sld [smem:$0x3FB8];
	_ =	sdelay $0x3  }
0x36: {  	p1 =	seq.s32 s10, $0x1;
	s10 =	sld [smem:$0x3FB9];
	_ =	sdelay $0x3  }
0x37: {  	[smem:$0x3FB9] =	sst s10  }
0x38: {  	s10 =	sld [smem:$0x3FBA]  }
0x39: {  	_ = 	snop;
	(pc) =	sbr.ind lr, $3  }
0x3a: {  	_ = 	snop  }
0x3b: {  	_ = 	snop  }
0x3c: {  	p2 =	seq.s32 s10, $0x1;
	s10 =	sld [smem:$0x3FB9]  }
0x3d: {  	_ =	shalt  }
0x3e: {  	_ =	shalt  }
0x3f: {  	_ =	shalt  }
0x40: {  	_ =	shalt  }
0x41: {  	_ =	shalt  }
0x42: {  	_ =	shalt  }
0x43: {  	_ =	shalt  }
0x44: {  	_ =	shalt  }
0x45: {  	_ =	shalt  }
0x46: {  	_ =	shalt  }
0x47: {  	_ =	shalt  }
0x48: {  	_ =	shalt  }
0x49: {  	_ =	shalt  }
0x4a: {  	_ =	shalt  }
0x4b: {  	_ =	shalt  }
0x4c: {  	_ =	shalt  }
0x4d: {  	_ =	shalt  }
0x4e: {  	_ =	shalt  }
0x4f: {  	_ =	shalt  }
0x50: {  	_ =	shalt  }
0x51: {  	_ =	shalt  }
0x52: {  	_ =	shalt  }
0x53: {  	_ =	shalt  }
0x54: {  	_ =	shalt  }
0x55: {  	_ =	shalt  }
0x56: {  	_ =	shalt  }
0x57: {  	_ =	shalt  }
0x58: {  	_ =	shalt  }
0x59: {  	_ =	shalt  }
0x5a: {  	_ =	shalt  }
0x5b: {  	_ =	shalt  }
0x5c: {  	_ =	shalt  }
0x5d: {  	_ =	shalt  }
0x5e: {  	_ =	shalt  }
0x5f: {  	_ =	shalt  }
0x60: {  	_ =	shalt  }
0x61: {  	_ =	shalt  }
0x62: {  	_ =	shalt  }
0x63: {  	_ =	shalt  }
0x64: {  	_ =	shalt  }
0x65: {  	_ =	shalt  }
0x66: {  	_ =	shalt  }
0x67: {  	_ =	shalt  }
0x68: {  	_ =	shalt  }
0x69: {  	_ =	shalt  }
0x6a: {  	_ =	shalt  }
0x6b: {  	_ =	shalt  }
0x6c: {  	_ =	shalt  }
0x6d: {  	_ =	shalt  }
0x6e: {  	_ =	shalt  }
0x6f: {  	_ =	shalt  }
0x70: {  	_ =	shalt  }
0x71: {  	_ =	shalt  }
0x72: {  	_ =	shalt  }
0x73: {  	_ =	shalt  }
0x74: {  	_ =	shalt  }
0x75: {  	_ =	shalt  }
0x76: {  	_ =	shalt  }
0x77: {  	_ =	shalt  }
0x78: {  	_ =	shalt  }
0x79: {  	_ =	shalt  }
0x7a: {  	_ =	shalt  }
0x7b: {  	_ =	shalt  }
0x7c: {  	_ =	shalt  }
0x7d: {  	_ =	shalt  }
0x7e: {  	_ =	shalt  }
0x7f: {  	_ =	shalt  }
0x80: {  	_ =	shalt  }
0x81: {  	_ =	shalt  }
0x82: {  	_ =	shalt  }
0x83: {  	_ =	shalt  }
0x84: {  	_ =	shalt  }
0x85: {  	_ =	shalt  }
0x86: {  	_ =	shalt  }
0x87: {  	_ =	shalt  }
.Lfunc_end0:
.L_simem_size_0:
called_computation_lowered:
.L_overlay_start_0:
0x88: {  	s2 =	sld [smem:$0x3FD9]  }
0x89: {  	s3 =	sld [smem:$0x3FFE];
	_ =	sdelay $0x1  }
0x8a: {  	s1 =	srdreg.scid  }
0x8b: {  	s0 =	sand.u32 $0x1, s1  }
0x8c: {  	s17 =	sshll.u32 s0, $0xA;
	s2 =	sadd.s32 s3, s2  }
0x8d: {  	s2 =	sadd.s32 s2, s17  }
0x8e: {  	[smem:$0x3FC5] =	sst s2  }
0x8f: {  	_ = 	snop  }
0x90: {  	s2 =	sld [smem:$0x3FD0];
	(tm) =	ssettm $0x1  }
0x91: {  	s18 =	sld [smem:$0x3FFB];
	_ =	sdelay $0x3  }
0x92: {  	_ =	strace s18  }
0x93: {  	s3 =	sld [smem:$0x3FFC];
	_ =	sdelay $0x3  }
0x94: {  	_ =	strace s3  }
0x95: {  	s3 =	sld [smem:$0x3FFD];
	_ =	sdelay $0x3  }
0x96: {  	_ =	strace s3  }
0x97: {  	_ =	strace $0x8FFFFFFF  }
0x98: {  	s19 =	sld [smem:$0x3FDB];
	_ =	sdelay $0x1  }
0x99: {  	s4 =	simm.s32 $_scs_section_size  }
0x9a: {  	s5 =	simm.s32 $_size__tile_overlayer_lowered;
	s6 =	simm.s32 $_tile_overlayer_lowered  }
0x9b: {  	s22 =	simm.s32 $0x1BFF;
	s21 =	sshll.u32 s6, $0x1;
	s3 =	sadd.s32 s4, s19  }
0x9c: {  	s7 =	simm.s32 $0x0;
	s20 =	sshll.u32 s5, $0x1;
	s5 =	sadd.s32 s21, s3  }
0x9d: {  	[timem:s7], [sflag:s22] =	dma.local [hbm:s5], s20  }
0x9e: {  	_ =	swait.ge [sflag:s22], s20  }
0x9f: {  	s4 =	ssub.s32 $0x0, s20;
	[sflag:s22] =	ssyncset.done $0x0  }
0xa0: {  	[sflag:s22] =	ssyncadd.s32 s4;
	_ =	sdelay $0x1  }
0xa1: {  	s23 =	simm.s32 $0x1B8B  }
0xa2: {  	_ =	swait.ge [sflag:s23], $0x1  }
0xa3: {  	[sflag:s23] =	ssyncset.done $0x0  }
0xa4: {  	s25 =	simm.s32 $0x1B8E;
	s24 =	sld [smem:$0x3FFE];
	[sflag:s23] =	ssyncadd.s32 $0xFFFFFFFF  }
0xa5: {  	s26 =	simm.s32 $execute0_lowered;
	[smem:$0x3FD2] =	sst s25  }
0xa6: {  	s5 =	sshll.u32 s26, $0x1;
	_ =	strace $0x80000046;
	[dreg:$0x1] =	wrdreg $0xFFFFFFFF  }
0xa7: {  	s28 =	simm.s32 $_size_execute0_lowered;
	s3 =	sadd.s32 s3, s5;
	[dreg:$0x0] =	wrdreg $0x0  }
0xa8: {  	s5 =	sshll.u32 s28, $0x1;
	[dreg:$0x2] =	wrdreg s3  }
0xa9: {  	[dreg:$0x3] =	wrdreg s5  }
0xaa: {  	[dreg:$0x4] =	wrdreg $0xC0  }
0xab: {  	_ =	task [dreg:s7], $0x5FFFF  }
0xac: {  	[dreg:$0x1] =	wrdreg $0xFFFFFFFF  }
0xad: {  	[dreg:$0x0] =	wrdreg $0x60  }
0xae: {  	[dreg:$0x2] =	wrdreg s24  }
0xaf: {  	[dreg:$0x3] =	wrdreg s2  }
0xb0: {  	[dreg:$0x4] =	wrdreg $0x0  }
0xb1: {  	[dreg:$0x5] =	wrdreg $0x9  }
0xb2: {  	_ =	task.clear_ibuf [dreg:s7], $0x6FFFF;
	_ =	strace $0x90000046  }
0xb3: {  	s29 =	simm.s32 $0x9;
	_ =	strace $0x80000048  }
0xb4: {  	_ =	swait.ge [sflag:s29], $0x1  }
0xb5: {  	[sflag:s29] =	ssyncadd.s32 $0xFFFFFFFF  }
0xb6: {  	_ =	strace $0x90000048  }
0xb7: {  	_ =	sfence  }
0xb8: {  	s30 =	sld [smem:$0x0];
	_ =	sdelay $0x2  }
0xb9: {  	s31 =	sshll.u32 s1, $0xD;
	s1 =	sshrl.u32 s1, $0x2  }
0xba: {  	s3 =	sand.u32 $0x4000, s31;
	s1 =	sadd.s32 s1, s30  }
0xbb: {  	s0 =	sor.u32 s3, s0;
	s1 =	sshll.u32 s1, $0x11  }
0xbc: {  	s0 =	sor.u32 s1, s0  }
0xbd: {  	s0 =	sadd.s32 $0x8F2B, s0  }
0xbe: {  	[sflag:s0] =	ssyncadd.remote.s32 $0x1  }
0xbf: {  	_ =	sfence.sel $0xFFFF  }
0xc0: {  	[dreg:$0x0] =	wrdreg $0xFFFFFFFF;
	(pc) =	sbr.abs _section_cstart, $3  }
0xc1: {  	[dreg:$0x1] =	wrdreg $0xFFFFFFFF  }
0xc2: {  	_ =	task.clear_ibuf [dreg:s7], $0x2FFFF;
	_ =	strace $0x9FFFFFFF  }
0xc3: {  	(tm) =	ssettm $0x7FFFFFFF  }
tec
execute0_lowered:
.L_overlay_start_1:
0x0: {  	(tag) =	ssettag $0x1  }
0x1: {  	s0 =	rddreg [dreg:$0x0]  }
0x2: {  	s2 =	rddreg [dreg:$0x1]  }
0x3: {  	s1 =	rddreg [dreg:$0x2];
	s3 =	srdreg.scid;
	s4 =	simm.s32 $0x0  }
0x4: {  	s7 =	stileid.u32;
	s29 =	simm.s32 $0x18000;
	s3 =	sand.u32 $0x1, s3  }
0x5: {  	[smem:$0x7FF] =	sst s4;
	s6 =	sshll.u32 s7, $0x1;
	s7 =	smul.u32 $0x14000, s7  }
0x6: {  	s28 =	simm.s32 $0x1A740;
	s25 =	ssub.s32 $0x2, s3;
	_ =	strace $0x80000047  }
0x7: {  	s5 =	sshrl.u32 s25, $0x1;
	s8 =	sadd.s32 $0x4000, s7;
	s9 =	sadd.s32 $0x6000, s7  }
0x8: {  	s10 =	sadd.s32 $0x8000, s7;
	s11 =	sadd.s32 $0xA000, s7;
	s12 =	sadd.s32 $0xC000, s7  }
0x9: {  	s4 =	ssub.s32 s25, s5;
	s5 =	sor.u32 s3, s6;
	s3 =	smul.u32 $0x140000, s3  }
0xa: {  	s13 =	sadd.s32 $0xE000, s7;
	s17 =	sadd.s32 $0x10000, s7;
	s6 =	sor.u32 $0x2000, s7  }
0xb: {  	s18 =	sadd.s32 $0x12000, s7;
	s14 =	sadd.s32 s7, s3;
	s26 =	sadd.s32 s3, s6  }
0xc: {  	s15 =	sadd.s32 s3, s8;
	s16 =	sadd.s32 s3, s9;
	s19 =	sadd.s32 s3, s10  }
0xd: {  	s20 =	sadd.s32 s3, s11;
	s21 =	sadd.s32 s3, s12;
	s24 =	sadd.s32 s3, s13  }
0xe: {  	s25 =	sadd.s32 s3, s17;
	s3 =	sadd.s32 s3, s18;
	s10 =	sadd.s32 s10, s1  }
0xf: {  	s11 =	sadd.s32 s11, s1;
	s12 =	sadd.s32 s12, s1;
	s14 =	sshrl.u32 s14, $0x3  }
0x10: {  	s15 =	sshrl.u32 s15, $0x3;
	s16 =	sshrl.u32 s16, $0x3;
	[dreg:$0x12] =	wrdreg s10  }
0x11: {  	s23 =	sshrl.u32 s21, $0x3;
	s3 =	sshrl.u32 s3, $0x3;
	[dreg:$0x13] =	wrdreg s11  }
0x12: {  	[dreg:$0x14] =	wrdreg s12;
	s10 =	simm.s32 $0x15000;
	s14 =	sadd.s32 s2, s14  }
0x13: {  	s15 =	sadd.s32 s2, s15;
	[dreg:$0x4] =	wrdreg s14;
	s14 =	sshrl.u32 s26, $0x3  }
0x14: {  	[dreg:$0x6] =	wrdreg s15;
	s15 =	sshrl.u32 s20, $0x3;
	s20 =	sadd.s32 s17, s1  }
0x15: {  	s11 =	simm.s32 $0x1;
	s14 =	sadd.s32 s2, s14;
	[dreg:$0x16] =	wrdreg s20  }
0x16: {  	s12 =	simm.s32 $0x6;
	s22 =	sadd.s32 s2, s15;
	[dreg:$0x5] =	wrdreg s14  }
0x17: {  	s15 =	sshrl.u32 s25, $0x3;
	s25 =	sadd.s32 s6, s1;
	[dreg:$0x9] =	wrdreg s22  }
0x18: {  	s17 =	simm.s32 $0x1A600;
	s14 =	sadd.s32 s2, s16;
	[dreg:$0xf] =	wrdreg s25  }
0x19: {  	s6 =	simm.s32 $0x1A400;
	s26 =	sadd.s32 s2, s15;
	[dreg:$0x7] =	wrdreg s14  }
0x1a: {  	s20 =	simm.s32 $0x1A780;
	s22 =	sadd.s32 s18, s1;
	[dreg:$0xc] =	wrdreg s26  }
0x1b: {  	s14 =	sshrl.u32 s19, $0x3;
	s19 =	sadd.s32 s13, s1;
	[dreg:$0x17] =	wrdreg s22  }
0x1c: {  	s15 =	sadd.s32 $0xA800, s0;
	s26 =	smax.u32 s4, $0x1;
	[dreg:$0x15] =	wrdreg s19  }
0x1d: {  	s16 =	sadd.s32 $0x800, s0;
	s14 =	sadd.s32 s2, s14;
	[dreg:$0x1a] =	wrdreg s26  }
0x1e: {  	s18 =	simm.s32 $0x1A3C0;
	[dreg:$0x8] =	wrdreg s14;
	s14 =	sadd.s32 s2, s23  }
0x1f: {  	s4 =	simm.s32 $0x7;
	s13 =	simm.s32 $0x2;
	[dreg:$0xa] =	wrdreg s14  }
0x20: {  	s14 =	sshrl.u32 s24, $0x3;
	s24 =	sadd.s32 s7, s1;
	s7 =	sadd.s32 s8, s1  }
0x21: {  	s22 =	simm.s32 $0x4;
	s8 =	sadd.s32 s9, s1;
	[dreg:$0x10] =	wrdreg s7  }
0x22: {  	s19 =	simm.s32 $0x3;
	s9 =	smul.u32 $0x2800, s5;
	[dreg:$0x11] =	wrdreg s8  }
0x23: {  	s5 =	simm.s32 $0x1A380;
	s14 =	sadd.s32 s2, s14;
	[dreg:$0xe] =	wrdreg s24  }
0x24: {  	s2 =	sadd.s32 s2, s3;
	s8 =	simm.s32 $0x40;
	[dreg:$0xb] =	wrdreg s14  }
0x25: {  	s3 =	simm.s32 $0x1A700;
	[dreg:$0xd] =	wrdreg s2;
	s14 =	sadd.s32 $0x271800, s0  }
0x26: {  	s21 =	sshrl.u32 s9, $0x3;
	s30 =	sor.u32 $0x200, s9;
	s31 =	sor.u32 $0x400, s9  }
0x27: {  	s9 =	simm.s32 $0x14000;
	s0 =	simm.s32 $0x1A200;
	s23 =	sadd.s32 s15, s21  }
0x28: {  	s2 =	sadd.s32 s16, s21;
	s21 =	simm.s32 $0x1A7C0;
	[dreg:$0x18] =	wrdreg s23  }
0x29: {  	v0 =	vimm.f32 $0.0e+00;
	[dreg:$0x19] =	wrdreg s2;
	s2 =	simm.s32 $0x16000;
	s23 =	simm.s32 $0x0  }
.LBB2_1:
0x2a: {  	[dreg:$0x1b] =	wrdreg s23;
	s7 =	simm.s32 $0x0;
	s23 =	simm.s32 $0x200  }
.LBB2_2:
0x2b: {  	p0 =	sne.s32 s23, $0x7E00;
	[tilespmem:s7+$0x16070] =	vst v0  }
0x2c: {  	[tilespmem:s7+$0x16000] =	vst v0  }
0x2d: {  	[tilespmem:s7+$0x16010] =	vst v0  }
.Ltmp0:
0x2e: {  	[tilespmem:s7+$0x16020] =	vst v0;
	(pc) =	sbr.rel @p0 .LBB2_2-.Ltmp0, $4  }
0x2f: {  	[tilespmem:s7+$0x16030] =	vst v0  }
0x30: {  	[tilespmem:s7+$0x16040] =	vst v0  }
0x31: {  	[tilespmem:s7+$0x16050] =	vst v0  }
0x32: {  	[tilespmem:s7+$0x16060] =	vst v0;
	s7 =	sshra.s32 s23, $0x2;
	s23 =	sadd.s32 $0x200, s23  }
0x33: {  	[tilespmem:s7+$0x16070] =	vst v0  }
0x34: {  	[tilespmem:s7+$0x16000] =	vst v0  }
0x35: {  	[tilespmem:s7+$0x16010] =	vst v0  }
0x36: {  	[tilespmem:s7+$0x16020] =	vst v0  }
0x37: {  	[tilespmem:s7+$0x16030] =	vst v0  }
0x38: {  	[tilespmem:s7+$0x16040] =	vst v0  }
0x39: {  	[tilespmem:s7+$0x16050] =	vst v0  }
0x3a: {  	[tilespmem:s7+$0x16060] =	vst v0  }
0x3b: {  	[spmem:s24] =	stream.linear.scatter [tilespmem:s2], [sflag:$0x7], $0x2000, $0x38;
	[tilespmem:$0x1A800] =	vst v63  }
0x3c: {  	_ =	swait.ge [sflag:s4], $0x2000  }
0x3d: {  	[sflag:s4] =	ssyncset.done $0x0  }
0x3e: {  	[sflag:s4] =	ssyncadd.s32 $0xFFFFE000  }
0x3f: {  	[spmem:s25] =	stream.linear.scatter [tilespmem:s2], [sflag:$0x7], $0x2000, $0x38;
	[tilespmem:$0x1A800] =	vst v63  }
0x40: {  	_ =	swait.ge [sflag:s4], $0x2000  }
0x41: {  	[sflag:s4] =	ssyncset.done $0x0  }
0x42: {  	s26 =	rddreg [dreg:$0x10];
	[sflag:s4] =	ssyncadd.s32 $0xFFFFE000  }
0x43: {  	[spmem:s26] =	stream.linear.scatter [tilespmem:s2], [sflag:$0x7], $0x2000, $0x38;
	[tilespmem:$0x1A800] =	vst v63  }
0x44: {  	_ =	swait.ge [sflag:s4], $0x2000  }
0x45: {  	[sflag:s4] =	ssyncset.done $0x0  }
0x46: {  	s23 =	rddreg [dreg:$0x11];
	[sflag:s4] =	ssyncadd.s32 $0xFFFFE000  }
0x47: {  	[spmem:s23] =	stream.linear.scatter [tilespmem:s2], [sflag:$0x7], $0x2000, $0x38;
	[tilespmem:$0x1A800] =	vst v63  }
0x48: {  	_ =	swait.ge [sflag:s4], $0x2000  }
0x49: {  	[sflag:s4] =	ssyncset.done $0x0  }
0x4a: {  	s24 =	rddreg [dreg:$0x12];
	[sflag:s4] =	ssyncadd.s32 $0xFFFFE000  }
0x4b: {  	[spmem:s24] =	stream.linear.scatter [tilespmem:s2], [sflag:$0x7], $0x2000, $0x38;
	[tilespmem:$0x1A800] =	vst v63  }
0x4c: {  	_ =	swait.ge [sflag:s4], $0x2000  }
0x4d: {  	[sflag:s4] =	ssyncset.done $0x0  }
0x4e: {  	s25 =	rddreg [dreg:$0x13];
	[sflag:s4] =	ssyncadd.s32 $0xFFFFE000  }
0x4f: {  	[spmem:s25] =	stream.linear.scatter [tilespmem:s2], [sflag:$0x7], $0x2000, $0x38;
	[tilespmem:$0x1A800] =	vst v63  }
0x50: {  	_ =	swait.ge [sflag:s4], $0x2000  }
0x51: {  	[sflag:s4] =	ssyncset.done $0x0  }
0x52: {  	s26 =	rddreg [dreg:$0x14];
	[sflag:s4] =	ssyncadd.s32 $0xFFFFE000  }
0x53: {  	[spmem:s26] =	stream.linear.scatter [tilespmem:s2], [sflag:$0x7], $0x2000, $0x38;
	[tilespmem:$0x1A800] =	vst v63  }
0x54: {  	_ =	swait.ge [sflag:s4], $0x2000  }
0x55: {  	[sflag:s4] =	ssyncset.done $0x0  }
0x56: {  	s23 =	rddreg [dreg:$0x15];
	[sflag:s4] =	ssyncadd.s32 $0xFFFFE000  }
0x57: {  	[spmem:s23] =	stream.linear.scatter [tilespmem:s2], [sflag:$0x7], $0x2000, $0x38;
	[tilespmem:$0x1A800] =	vst v63  }
0x58: {  	_ =	swait.ge [sflag:s4], $0x2000  }
0x59: {  	[sflag:s4] =	ssyncset.done $0x0  }
0x5a: {  	s24 =	rddreg [dreg:$0x16];
	[sflag:s4] =	ssyncadd.s32 $0xFFFFE000  }
0x5b: {  	[spmem:s24] =	stream.linear.scatter [tilespmem:s2], [sflag:$0x7], $0x2000, $0x38;
	[tilespmem:$0x1A800] =	vst v63  }
0x5c: {  	_ =	swait.ge [sflag:s4], $0x2000  }
0x5d: {  	[sflag:s4] =	ssyncset.done $0x0  }
0x5e: {  	s25 =	rddreg [dreg:$0x17];
	[sflag:s4] =	ssyncadd.s32 $0xFFFFE000  }
0x5f: {  	[spmem:s25] =	stream.linear.scatter [tilespmem:s2], [sflag:$0x7], $0x2000, $0x38;
	[tilespmem:$0x1A800] =	vst v63  }
0x60: {  	_ =	swait.ge [sflag:s4], $0x2000  }
0x61: {  	[sflag:s4] =	ssyncset.done $0x0  }
0x62: {  	[sflag:s4] =	ssyncadd.s32 $0xFFFFE000  }
0x63: {  	[bflag:$0x0] =	sbarrier.arrive $0xFFFF  }
0x64: {  	s23 =	simm.s32 $0x0;
	s24 =	simm.s32 $0x1A000;
	s26 =	rddreg [dreg:$0x18]  }
0x65: {  	[tilespmem:s24], [sflag:$0x5] =	stream.linear.gather [hbm4b:s26+s23], $0x200, $0x38;
	[tilespmem:$0x1A800] =	vst v63  }
0x66: {  	s25 =	rddreg [dreg:$0x19];
	s26 =	simm.s32 $0x5  }
0x67: {  	[tilespmem:s6], [sflag:$0x5] =	stream.linear.gather [hbm4b:s25+s23], $0x200, $0x38;
	[tilespmem:$0x1A800] =	vst v63  }
0x68: {  	_ =	swait.ge [sflag:s26], $0x200  }
0x69: {  	[sflag:s26] =	ssyncset.done $0x0  }
0x6a: {  	[sflag:s26] =	ssyncadd.s32 $0xFFFFFE00  }
0x6b: {  	_ =	swait.ge [sflag:s26], $0x200  }
0x6c: {  	[sflag:s26] =	ssyncset.done $0x0  }
0x6d: {  	[sflag:s26] =	ssyncadd.s32 $0xFFFFFE00  }
0x6e: {  	[tilespmem:s9], [sflag:$0x1] =	stream.indirect.gather [hbm4b:s14+s8], $0x40, s24, s8, $0xb8;
	[tilespmem:$0x1A800] =	vst v63  }
.LBB2_4:
0x6f: {  	s7 =	simm.s32 $0x1A040  }
0x70: {  	[tilespmem:s10], [sflag:$0x2] =	stream.indirect.gather [hbm4b:s14+s8], $0x40, s7, s8, $0xb8;
	[tilespmem:$0x1A800] =	vst v63  }
0x71: {  	_ =	swait.ge [sflag:s11], $0x1000  }
0x72: {  	p0 =	seq.s32 s23, $0x0;
	[sflag:s11] =	ssyncset.done $0x0  }
0x73: {  	s7 =	simm.s32 @!p0 $0x3;
	[sflag:s11] =	ssyncadd.s32 $0xFFFFF000  }
0x74: {  	_ =	swait.ge @!p0 [sflag:s7], $0x2000  }
0x75: {  	[sflag:s7] =	ssyncset.done @!p0 $0x0  }
0x76: {  	s26 =	simm.s32 $0x0;
	[sflag:s7] =	ssyncadd.s32 @!p0 $0xFFFFE000  }
0x77: {  	v1 =	vld [tilespmem:s26+$0x14000];
	_ =	sdelay $0x4  }
0x78: {  	s25 =	simm.s32 $0x16040;
	v2 =	vshll.u32 v1, $0x10  }
0x79: {  	v1 =	vand.u32 $0xFFFF0000, v1;
	[tilespmem:s25+$0xFFFFFFC0] =	vst v2  }
0x7a: {  	[tilespmem:s25+$0xFFFFFFD0] =	vst v1  }
0x7b: {  	v1 =	vld [tilespmem:s26+$0x14010];
	_ =	sdelay $0x4  }
0x7c: {  	v2 =	vshll.u32 v1, $0x10  }
0x7d: {  	v1 =	vand.u32 $0xFFFF0000, v1;
	[tilespmem:s25+$0xFFFFFFE0] =	vst v2  }
0x7e: {  	[tilespmem:s25+$0xFFFFFFF0] =	vst v1  }
0x7f: {  	v1 =	vld [tilespmem:s26+$0x14020];
	_ =	sdelay $0x4  }
0x80: {  	v2 =	vand.u32 $0xFFFF0000, v1  }
0x81: {  	v1 =	vshll.u32 v1, $0x10;
	[tilespmem:s25+$0x10] =	vst v2  }
0x82: {  	[tilespmem:s25+$0x0] =	vst v1  }
0x83: {  	v1 =	vld [tilespmem:s26+$0x14030];
	_ =	sdelay $0x4  }
0x84: {  	v2 =	vshll.u32 v1, $0x10  }
0x85: {  	v1 =	vand.u32 $0xFFFF0000, v1;
	[tilespmem:s25+$0x20] =	vst v2  }
0x86: {  	s26 =	simm.s32 $0x40;
	[tilespmem:s25+$0x30] =	vst v1  }
0x87: {  	v1 =	vld [tilespmem:s26+$0x14000]  }
0x88: {  	s24 =	sshll.u32 s23, $0xA;
	s7 =	simm.s32 $0x200  }
.LBB2_5:
0x89: {  	p1 =	sne.s32 s7, $0x3F00;
	_ =	sdelay $0x2  }
0x8a: {  	s25 =	sadd.s32 $0x80, s25;
	v2 =	vshll.u32 v1, $0x10  }
0x8b: {  	v1 =	vand.u32 $0xFFFF0000, v1;
	[tilespmem:s25+$0xFFFFFFC0] =	vst v2  }
0x8c: {  	[tilespmem:s25+$0xFFFFFFD0] =	vst v1  }
0x8d: {  	v1 =	vld [tilespmem:s26+$0x14010];
	_ =	sdelay $0x4  }
0x8e: {  	v2 =	vshll.u32 v1, $0x10  }
0x8f: {  	v1 =	vand.u32 $0xFFFF0000, v1;
	[tilespmem:s25+$0xFFFFFFE0] =	vst v2  }
0x90: {  	[tilespmem:s25+$0xFFFFFFF0] =	vst v1  }
0x91: {  	v1 =	vld [tilespmem:s26+$0x14020];
	_ =	sdelay $0x4  }
0x92: {  	v2 =	vshll.u32 v1, $0x10;
	v1 =	vand.u32 $0xFFFF0000, v1  }
0x93: {  	[tilespmem:s25+$0x10] =	vst v1  }
0x94: {  	[tilespmem:s25+$0x0] =	vst v2  }
0x95: {  	v1 =	vld [tilespmem:s26+$0x14030];
	_ =	sdelay $0x4  }
.Ltmp1:
0x96: {  	v2 =	vshll.u32 v1, $0x10;
	v1 =	vand.u32 $0xFFFF0000, v1;
	(pc) =	sbr.rel @p1 .LBB2_5-.Ltmp1, $4  }
0x97: {  	[tilespmem:s25+$0x20] =	vst v2  }
0x98: {  	s26 =	sshra.s32 s7, $0x2;
	[tilespmem:s25+$0x30] =	vst v1  }
0x99: {  	v1 =	vld [tilespmem:s26+$0x14000]  }
0x9a: {  	s7 =	sadd.s32 $0x100, s7  }
0x9b: {  	_ =	sdelay $0x2  }
0x9c: {  	s7 =	sadd.s32 $0x80, s25;
	v2 =	vshll.u32 v1, $0x10  }
0x9d: {  	v1 =	vand.u32 $0xFFFF0000, v1;
	[tilespmem:s7+$0xFFFFFFC0] =	vst v2  }
0x9e: {  	[tilespmem:s7+$0xFFFFFFD0] =	vst v1  }
0x9f: {  	v1 =	vld [tilespmem:s26+$0x14010];
	_ =	sdelay $0x4  }
0xa0: {  	v2 =	vshll.u32 v1, $0x10  }
0xa1: {  	v1 =	vand.u32 $0xFFFF0000, v1;
	[tilespmem:s7+$0xFFFFFFE0] =	vst v2  }
0xa2: {  	[tilespmem:s7+$0xFFFFFFF0] =	vst v1  }
0xa3: {  	v1 =	vld [tilespmem:s26+$0x14020];
	_ =	sdelay $0x4  }
0xa4: {  	v2 =	vand.u32 $0xFFFF0000, v1  }
0xa5: {  	v1 =	vshll.u32 v1, $0x10;
	[tilespmem:s7+$0x10] =	vst v2  }
0xa6: {  	[tilespmem:s7+$0x0] =	vst v1  }
0xa7: {  	v1 =	vld [tilespmem:s26+$0x14030];
	_ =	sdelay $0x4  }
0xa8: {  	v2 =	vshll.u32 v1, $0x10  }
0xa9: {  	v1 =	vand.u32 $0xFFFF0000, v1;
	[tilespmem:s7+$0x20] =	vst v2  }
0xaa: {  	[tilespmem:s7+$0x30] =	vst v1  }
0xab: {  	[spmem:s1] =	stream.indirect.scatter.add.f32 [tilespmem:s2], [sflag:$0x3], $0x80, s6, s8, $0xb8;
	[tilespmem:$0x1A800] =	vst v63  }
0xac: {  	s25 =	simm.s32 $0x1A080  }
0xad: {  	[tilespmem:s9], [sflag:$0x1] =	stream.indirect.gather [hbm4b:s14+s8], $0x40, s25, s8, $0xb8;
	[tilespmem:$0x1A800] =	vst v63  }
0xae: {  	_ =	swait.ge [sflag:s13], $0x1000  }
0xaf: {  	[sflag:s13] =	ssyncset.done $0x0  }
0xb0: {  	s7 =	simm.s32 @!p0 $0x4;
	[sflag:s13] =	ssyncadd.s32 $0xFFFFF000  }
0xb1: {  	_ =	swait.ge @!p0 [sflag:s7], $0x2000  }
0xb2: {  	[sflag:s7] =	ssyncset.done @!p0 $0x0  }
0xb3: {  	s26 =	simm.s32 $0x0;
	[sflag:s7] =	ssyncadd.s32 @!p0 $0xFFFFE000  }
0xb4: {  	v1 =	vld [tilespmem:s26+$0x15000];
	_ =	sdelay $0x4  }
0xb5: {  	s25 =	simm.s32 $0x18040;
	v2 =	vshll.u32 v1, $0x10  }
0xb6: {  	v1 =	vand.u32 $0xFFFF0000, v1;
	[tilespmem:s25+$0xFFFFFFC0] =	vst v2  }
0xb7: {  	[tilespmem:s25+$0xFFFFFFD0] =	vst v1  }
0xb8: {  	v1 =	vld [tilespmem:s26+$0x15010];
	_ =	sdelay $0x4  }
0xb9: {  	v2 =	vshll.u32 v1, $0x10  }
0xba: {  	v1 =	vand.u32 $0xFFFF0000, v1;
	[tilespmem:s25+$0xFFFFFFE0] =	vst v2  }
0xbb: {  	[tilespmem:s25+$0xFFFFFFF0] =	vst v1  }
0xbc: {  	v1 =	vld [tilespmem:s26+$0x15020];
	_ =	sdelay $0x4  }
0xbd: {  	v2 =	vand.u32 $0xFFFF0000, v1  }
0xbe: {  	v1 =	vshll.u32 v1, $0x10;
	[tilespmem:s25+$0x10] =	vst v2  }
0xbf: {  	[tilespmem:s25+$0x0] =	vst v1  }
0xc0: {  	v1 =	vld [tilespmem:s26+$0x15030];
	_ =	sdelay $0x4  }
0xc1: {  	v2 =	vshll.u32 v1, $0x10  }
0xc2: {  	v1 =	vand.u32 $0xFFFF0000, v1;
	[tilespmem:s25+$0x20] =	vst v2  }
0xc3: {  	s26 =	simm.s32 $0x40;
	[tilespmem:s25+$0x30] =	vst v1  }
0xc4: {  	v1 =	vld [tilespmem:s26+$0x15000]  }
0xc5: {  	s7 =	simm.s32 $0x200  }
.LBB2_7:
0xc6: {  	p0 =	sne.s32 s7, $0x3F00;
	_ =	sdelay $0x2  }
0xc7: {  	s25 =	sadd.s32 $0x80, s25;
	v2 =	vshll.u32 v1, $0x10  }
0xc8: {  	v1 =	vand.u32 $0xFFFF0000, v1;
	[tilespmem:s25+$0xFFFFFFC0] =	vst v2  }
0xc9: {  	[tilespmem:s25+$0xFFFFFFD0] =	vst v1  }
0xca: {  	v1 =	vld [tilespmem:s26+$0x15010];
	_ =	sdelay $0x4  }
0xcb: {  	v2 =	vshll.u32 v1, $0x10  }
0xcc: {  	v1 =	vand.u32 $0xFFFF0000, v1;
	[tilespmem:s25+$0xFFFFFFE0] =	vst v2  }
0xcd: {  	[tilespmem:s25+$0xFFFFFFF0] =	vst v1  }
0xce: {  	v1 =	vld [tilespmem:s26+$0x15020];
	_ =	sdelay $0x4  }
0xcf: {  	v2 =	vshll.u32 v1, $0x10;
	v1 =	vand.u32 $0xFFFF0000, v1  }
0xd0: {  	[tilespmem:s25+$0x10] =	vst v1  }
0xd1: {  	[tilespmem:s25+$0x0] =	vst v2  }
0xd2: {  	v1 =	vld [tilespmem:s26+$0x15030];
	_ =	sdelay $0x4  }
.Ltmp2:
0xd3: {  	v2 =	vshll.u32 v1, $0x10;
	v1 =	vand.u32 $0xFFFF0000, v1;
	(pc) =	sbr.rel @p0 .LBB2_7-.Ltmp2, $4  }
0xd4: {  	[tilespmem:s25+$0x20] =	vst v2  }
0xd5: {  	s26 =	sshra.s32 s7, $0x2;
	[tilespmem:s25+$0x30] =	vst v1  }
0xd6: {  	v1 =	vld [tilespmem:s26+$0x15000]  }
0xd7: {  	s7 =	sadd.s32 $0x100, s7  }
0xd8: {  	_ =	sdelay $0x2  }
0xd9: {  	s7 =	sadd.s32 $0x80, s25;
	v2 =	vshll.u32 v1, $0x10  }
0xda: {  	v1 =	vand.u32 $0xFFFF0000, v1;
	[tilespmem:s7+$0xFFFFFFC0] =	vst v2  }
0xdb: {  	[tilespmem:s7+$0xFFFFFFD0] =	vst v1  }
0xdc: {  	v1 =	vld [tilespmem:s26+$0x15010];
	_ =	sdelay $0x4  }
0xdd: {  	v2 =	vshll.u32 v1, $0x10  }
0xde: {  	v1 =	vand.u32 $0xFFFF0000, v1;
	[tilespmem:s7+$0xFFFFFFE0] =	vst v2  }
0xdf: {  	[tilespmem:s7+$0xFFFFFFF0] =	vst v1  }
0xe0: {  	v1 =	vld [tilespmem:s26+$0x15020];
	_ =	sdelay $0x4  }
0xe1: {  	v2 =	vand.u32 $0xFFFF0000, v1  }
0xe2: {  	v1 =	vshll.u32 v1, $0x10;
	[tilespmem:s7+$0x10] =	vst v2  }
0xe3: {  	[tilespmem:s7+$0x0] =	vst v1  }
0xe4: {  	v1 =	vld [tilespmem:s26+$0x15030];
	_ =	sdelay $0x4  }
0xe5: {  	v2 =	vshll.u32 v1, $0x10  }
0xe6: {  	s26 =	sadd.s32 s24, s30;
	v1 =	vand.u32 $0xFFFF0000, v1;
	[tilespmem:s7+$0x20] =	vst v2  }
0xe7: {  	s25 =	simm.s32 $0x1A440;
	[tilespmem:s7+$0x30] =	vst v1;
	s7 =	sshrl.u32 s26, $0x3  }
0xe8: {  	[spmem:s1] =	stream.indirect.scatter.add.f32 [tilespmem:s29], [sflag:$0x4], $0x80, s25, s8, $0xb8;
	[tilespmem:$0x1A800] =	vst v63  }
0xe9: {  	s26 =	simm.s32 $0x0;
	s25 =	sadd.s32 s15, s7  }
0xea: {  	[tilespmem:s0], [sflag:$0x6] =	stream.linear.gather [hbm4b:s25+s26], $0x200, $0x38;
	[tilespmem:$0x1A800] =	vst v63  }
0xeb: {  	s7 =	sadd.s32 s16, s7  }
0xec: {  	[tilespmem:s17], [sflag:$0x6] =	stream.linear.gather [hbm4b:s7+s26], $0x200, $0x38;
	[tilespmem:$0x1A800] =	vst v63  }
0xed: {  	s25 =	simm.s32 $0x1A0C0  }
0xee: {  	[tilespmem:s10], [sflag:$0x2] =	stream.indirect.gather [hbm4b:s14+s8], $0x40, s25, s8, $0xb8;
	[tilespmem:$0x1A800] =	vst v63  }
0xef: {  	_ =	swait.ge [sflag:s11], $0x1000  }
0xf0: {  	[sflag:s11] =	ssyncset.done $0x0  }
0xf1: {  	[sflag:s11] =	ssyncadd.s32 $0xFFFFF000  }
0xf2: {  	_ =	swait.ge [sflag:s19], $0x2000  }
0xf3: {  	[sflag:s19] =	ssyncset.done $0x0  }
0xf4: {  	s26 =	simm.s32 $0x0;
	[sflag:s19] =	ssyncadd.s32 $0xFFFFE000  }
0xf5: {  	v1 =	vld [tilespmem:s26+$0x14000];
	_ =	sdelay $0x4  }
0xf6: {  	s25 =	simm.s32 $0x16040;
	v2 =	vshll.u32 v1, $0x10  }
0xf7: {  	v1 =	vand.u32 $0xFFFF0000, v1;
	[tilespmem:s25+$0xFFFFFFC0] =	vst v2  }
0xf8: {  	[tilespmem:s25+$0xFFFFFFD0] =	vst v1  }
0xf9: {  	v1 =	vld [tilespmem:s26+$0x14010];
	_ =	sdelay $0x4  }
0xfa: {  	v2 =	vshll.u32 v1, $0x10  }
0xfb: {  	v1 =	vand.u32 $0xFFFF0000, v1;
	[tilespmem:s25+$0xFFFFFFE0] =	vst v2  }
0xfc: {  	[tilespmem:s25+$0xFFFFFFF0] =	vst v1  }
0xfd: {  	v1 =	vld [tilespmem:s26+$0x14020];
	_ =	sdelay $0x4  }
0xfe: {  	v2 =	vand.u32 $0xFFFF0000, v1  }
0xff: {  	v1 =	vshll.u32 v1, $0x10;
	[tilespmem:s25+$0x10] =	vst v2  }
0x100: {  	[tilespmem:s25+$0x0] =	vst v1  }
0x101: {  	v1 =	vld [tilespmem:s26+$0x14030];
	_ =	sdelay $0x4  }
0x102: {  	v2 =	vshll.u32 v1, $0x10  }
0x103: {  	v1 =	vand.u32 $0xFFFF0000, v1;
	[tilespmem:s25+$0x20] =	vst v2  }
0x104: {  	s26 =	simm.s32 $0x40;
	[tilespmem:s25+$0x30] =	vst v1  }
0x105: {  	v1 =	vld [tilespmem:s26+$0x14000]  }
0x106: {  	s7 =	simm.s32 $0x200  }
.LBB2_9:
0x107: {  	p0 =	sne.s32 s7, $0x3F00;
	_ =	sdelay $0x2  }
0x108: {  	s25 =	sadd.s32 $0x80, s25;
	v2 =	vshll.u32 v1, $0x10  }
0x109: {  	v1 =	vand.u32 $0xFFFF0000, v1;
	[tilespmem:s25+$0xFFFFFFC0] =	vst v2  }
0x10a: {  	[tilespmem:s25+$0xFFFFFFD0] =	vst v1  }
0x10b: {  	v1 =	vld [tilespmem:s26+$0x14010];
	_ =	sdelay $0x4  }
0x10c: {  	v2 =	vshll.u32 v1, $0x10  }
0x10d: {  	v1 =	vand.u32 $0xFFFF0000, v1;
	[tilespmem:s25+$0xFFFFFFE0] =	vst v2  }
0x10e: {  	[tilespmem:s25+$0xFFFFFFF0] =	vst v1  }
0x10f: {  	v1 =	vld [tilespmem:s26+$0x14020];
	_ =	sdelay $0x4  }
0x110: {  	v2 =	vshll.u32 v1, $0x10;
	v1 =	vand.u32 $0xFFFF0000, v1  }
0x111: {  	[tilespmem:s25+$0x10] =	vst v1  }
0x112: {  	[tilespmem:s25+$0x0] =	vst v2  }
0x113: {  	v1 =	vld [tilespmem:s26+$0x14030];
	_ =	sdelay $0x4  }
.Ltmp3:
0x114: {  	v2 =	vshll.u32 v1, $0x10;
	v1 =	vand.u32 $0xFFFF0000, v1;
	(pc) =	sbr.rel @p0 .LBB2_9-.Ltmp3, $4  }
0x115: {  	[tilespmem:s25+$0x20] =	vst v2  }
0x116: {  	s26 =	sshra.s32 s7, $0x2;
	[tilespmem:s25+$0x30] =	vst v1  }
0x117: {  	v1 =	vld [tilespmem:s26+$0x14000]  }
0x118: {  	s7 =	sadd.s32 $0x100, s7  }
0x119: {  	_ =	sdelay $0x2  }
0x11a: {  	s7 =	sadd.s32 $0x80, s25;
	v2 =	vshll.u32 v1, $0x10  }
0x11b: {  	v1 =	vand.u32 $0xFFFF0000, v1;
	[tilespmem:s7+$0xFFFFFFC0] =	vst v2  }
0x11c: {  	[tilespmem:s7+$0xFFFFFFD0] =	vst v1  }
0x11d: {  	v1 =	vld [tilespmem:s26+$0x14010];
	_ =	sdelay $0x4  }
0x11e: {  	v2 =	vshll.u32 v1, $0x10  }
0x11f: {  	v1 =	vand.u32 $0xFFFF0000, v1;
	[tilespmem:s7+$0xFFFFFFE0] =	vst v2  }
0x120: {  	[tilespmem:s7+$0xFFFFFFF0] =	vst v1  }
0x121: {  	v1 =	vld [tilespmem:s26+$0x14020];
	_ =	sdelay $0x4  }
0x122: {  	v2 =	vand.u32 $0xFFFF0000, v1  }
0x123: {  	v1 =	vshll.u32 v1, $0x10;
	[tilespmem:s7+$0x10] =	vst v2  }
0x124: {  	[tilespmem:s7+$0x0] =	vst v1  }
0x125: {  	v1 =	vld [tilespmem:s26+$0x14030];
	_ =	sdelay $0x4  }
0x126: {  	v2 =	vshll.u32 v1, $0x10  }
0x127: {  	v1 =	vand.u32 $0xFFFF0000, v1;
	[tilespmem:s7+$0x20] =	vst v2  }
0x128: {  	s26 =	simm.s32 $0x1A480;
	[tilespmem:s7+$0x30] =	vst v1  }
0x129: {  	[spmem:s1] =	stream.indirect.scatter.add.f32 [tilespmem:s2], [sflag:$0x3], $0x80, s26, s8, $0xb8;
	[tilespmem:$0x1A800] =	vst v63  }
0x12a: {  	s25 =	simm.s32 $0x1A100  }
0x12b: {  	[tilespmem:s9], [sflag:$0x1] =	stream.indirect.gather [hbm4b:s14+s8], $0x40, s25, s8, $0xb8;
	[tilespmem:$0x1A800] =	vst v63  }
0x12c: {  	_ =	swait.ge [sflag:s13], $0x1000  }
0x12d: {  	[sflag:s13] =	ssyncset.done $0x0  }
0x12e: {  	[sflag:s13] =	ssyncadd.s32 $0xFFFFF000  }
0x12f: {  	_ =	swait.ge [sflag:s22], $0x2000  }
0x130: {  	[sflag:s22] =	ssyncset.done $0x0  }
0x131: {  	s26 =	simm.s32 $0x0;
	[sflag:s22] =	ssyncadd.s32 $0xFFFFE000  }
0x132: {  	v1 =	vld [tilespmem:s26+$0x15000];
	_ =	sdelay $0x4  }
0x133: {  	s25 =	simm.s32 $0x18040;
	v2 =	vshll.u32 v1, $0x10  }
0x134: {  	v1 =	vand.u32 $0xFFFF0000, v1;
	[tilespmem:s25+$0xFFFFFFC0] =	vst v2  }
0x135: {  	[tilespmem:s25+$0xFFFFFFD0] =	vst v1  }
0x136: {  	v1 =	vld [tilespmem:s26+$0x15010];
	_ =	sdelay $0x4  }
0x137: {  	v2 =	vshll.u32 v1, $0x10  }
0x138: {  	v1 =	vand.u32 $0xFFFF0000, v1;
	[tilespmem:s25+$0xFFFFFFE0] =	vst v2  }
0x139: {  	[tilespmem:s25+$0xFFFFFFF0] =	vst v1  }
0x13a: {  	v1 =	vld [tilespmem:s26+$0x15020];
	_ =	sdelay $0x4  }
0x13b: {  	v2 =	vand.u32 $0xFFFF0000, v1  }
0x13c: {  	v1 =	vshll.u32 v1, $0x10;
	[tilespmem:s25+$0x10] =	vst v2  }
0x13d: {  	[tilespmem:s25+$0x0] =	vst v1  }
0x13e: {  	v1 =	vld [tilespmem:s26+$0x15030];
	_ =	sdelay $0x4  }
0x13f: {  	v2 =	vshll.u32 v1, $0x10  }
0x140: {  	v1 =	vand.u32 $0xFFFF0000, v1;
	[tilespmem:s25+$0x20] =	vst v2  }
0x141: {  	s26 =	simm.s32 $0x40;
	[tilespmem:s25+$0x30] =	vst v1  }
0x142: {  	v1 =	vld [tilespmem:s26+$0x15000]  }
0x143: {  	s7 =	simm.s32 $0x200  }
.LBB2_11:
0x144: {  	p0 =	sne.s32 s7, $0x3F00;
	_ =	sdelay $0x2  }
0x145: {  	s25 =	sadd.s32 $0x80, s25;
	v2 =	vshll.u32 v1, $0x10  }
0x146: {  	v1 =	vand.u32 $0xFFFF0000, v1;
	[tilespmem:s25+$0xFFFFFFC0] =	vst v2  }
0x147: {  	[tilespmem:s25+$0xFFFFFFD0] =	vst v1  }
0x148: {  	v1 =	vld [tilespmem:s26+$0x15010];
	_ =	sdelay $0x4  }
0x149: {  	v2 =	vshll.u32 v1, $0x10  }
0x14a: {  	v1 =	vand.u32 $0xFFFF0000, v1;
	[tilespmem:s25+$0xFFFFFFE0] =	vst v2  }
0x14b: {  	[tilespmem:s25+$0xFFFFFFF0] =	vst v1  }
0x14c: {  	v1 =	vld [tilespmem:s26+$0x15020];
	_ =	sdelay $0x4  }
0x14d: {  	v2 =	vshll.u32 v1, $0x10;
	v1 =	vand.u32 $0xFFFF0000, v1  }
0x14e: {  	[tilespmem:s25+$0x10] =	vst v1  }
0x14f: {  	[tilespmem:s25+$0x0] =	vst v2  }
0x150: {  	v1 =	vld [tilespmem:s26+$0x15030];
	_ =	sdelay $0x4  }
.Ltmp4:
0x151: {  	v2 =	vshll.u32 v1, $0x10;
	v1 =	vand.u32 $0xFFFF0000, v1;
	(pc) =	sbr.rel @p0 .LBB2_11-.Ltmp4, $4  }
0x152: {  	[tilespmem:s25+$0x20] =	vst v2  }
0x153: {  	s26 =	sshra.s32 s7, $0x2;
	[tilespmem:s25+$0x30] =	vst v1  }
0x154: {  	v1 =	vld [tilespmem:s26+$0x15000]  }
0x155: {  	s7 =	sadd.s32 $0x100, s7  }
0x156: {  	_ =	sdelay $0x2  }
0x157: {  	s7 =	sadd.s32 $0x80, s25;
	v2 =	vshll.u32 v1, $0x10  }
0x158: {  	v1 =	vand.u32 $0xFFFF0000, v1;
	[tilespmem:s7+$0xFFFFFFC0] =	vst v2  }
0x159: {  	[tilespmem:s7+$0xFFFFFFD0] =	vst v1  }
0x15a: {  	v1 =	vld [tilespmem:s26+$0x15010];
	_ =	sdelay $0x4  }
0x15b: {  	v2 =	vshll.u32 v1, $0x10  }
0x15c: {  	v1 =	vand.u32 $0xFFFF0000, v1;
	[tilespmem:s7+$0xFFFFFFE0] =	vst v2  }
0x15d: {  	[tilespmem:s7+$0xFFFFFFF0] =	vst v1  }
0x15e: {  	v1 =	vld [tilespmem:s26+$0x15020];
	_ =	sdelay $0x4  }
0x15f: {  	v2 =	vand.u32 $0xFFFF0000, v1  }
0x160: {  	v1 =	vshll.u32 v1, $0x10;
	[tilespmem:s7+$0x10] =	vst v2  }
0x161: {  	[tilespmem:s7+$0x0] =	vst v1  }
0x162: {  	v1 =	vld [tilespmem:s26+$0x15030];
	_ =	sdelay $0x4  }
0x163: {  	v2 =	vshll.u32 v1, $0x10  }
0x164: {  	v1 =	vand.u32 $0xFFFF0000, v1;
	[tilespmem:s7+$0x20] =	vst v2  }
0x165: {  	s26 =	simm.s32 $0x1A4C0;
	[tilespmem:s7+$0x30] =	vst v1  }
0x166: {  	[spmem:s1] =	stream.indirect.scatter.add.f32 [tilespmem:s29], [sflag:$0x4], $0x80, s26, s8, $0xb8;
	[tilespmem:$0x1A800] =	vst v63  }
0x167: {  	s25 =	simm.s32 $0x1A140  }
0x168: {  	[tilespmem:s10], [sflag:$0x2] =	stream.indirect.gather [hbm4b:s14+s8], $0x40, s25, s8, $0xb8;
	[tilespmem:$0x1A800] =	vst v63  }
0x169: {  	_ =	swait.ge [sflag:s11], $0x1000  }
0x16a: {  	[sflag:s11] =	ssyncset.done $0x0  }
0x16b: {  	[sflag:s11] =	ssyncadd.s32 $0xFFFFF000  }
0x16c: {  	_ =	swait.ge [sflag:s19], $0x2000  }
0x16d: {  	[sflag:s19] =	ssyncset.done $0x0  }
0x16e: {  	s26 =	simm.s32 $0x0;
	[sflag:s19] =	ssyncadd.s32 $0xFFFFE000  }
0x16f: {  	v1 =	vld [tilespmem:s26+$0x14000];
	_ =	sdelay $0x4  }
0x170: {  	s25 =	simm.s32 $0x16040;
	v2 =	vshll.u32 v1, $0x10  }
0x171: {  	v1 =	vand.u32 $0xFFFF0000, v1;
	[tilespmem:s25+$0xFFFFFFC0] =	vst v2  }
0x172: {  	[tilespmem:s25+$0xFFFFFFD0] =	vst v1  }
0x173: {  	v1 =	vld [tilespmem:s26+$0x14010];
	_ =	sdelay $0x4  }
0x174: {  	v2 =	vshll.u32 v1, $0x10  }
0x175: {  	v1 =	vand.u32 $0xFFFF0000, v1;
	[tilespmem:s25+$0xFFFFFFE0] =	vst v2  }
0x176: {  	[tilespmem:s25+$0xFFFFFFF0] =	vst v1  }
0x177: {  	v1 =	vld [tilespmem:s26+$0x14020];
	_ =	sdelay $0x4  }
0x178: {  	v2 =	vand.u32 $0xFFFF0000, v1  }
0x179: {  	v1 =	vshll.u32 v1, $0x10;
	[tilespmem:s25+$0x10] =	vst v2  }
0x17a: {  	[tilespmem:s25+$0x0] =	vst v1  }
0x17b: {  	v1 =	vld [tilespmem:s26+$0x14030];
	_ =	sdelay $0x4  }
0x17c: {  	v2 =	vshll.u32 v1, $0x10  }
0x17d: {  	v1 =	vand.u32 $0xFFFF0000, v1;
	[tilespmem:s25+$0x20] =	vst v2  }
0x17e: {  	s26 =	simm.s32 $0x40;
	[tilespmem:s25+$0x30] =	vst v1  }
0x17f: {  	v1 =	vld [tilespmem:s26+$0x14000]  }
0x180: {  	s7 =	simm.s32 $0x200  }
.LBB2_13:
0x181: {  	p0 =	sne.s32 s7, $0x3F00;
	_ =	sdelay $0x2  }
0x182: {  	s25 =	sadd.s32 $0x80, s25;
	v2 =	vshll.u32 v1, $0x10  }
0x183: {  	v1 =	vand.u32 $0xFFFF0000, v1;
	[tilespmem:s25+$0xFFFFFFC0] =	vst v2  }
0x184: {  	[tilespmem:s25+$0xFFFFFFD0] =	vst v1  }
0x185: {  	v1 =	vld [tilespmem:s26+$0x14010];
	_ =	sdelay $0x4  }
0x186: {  	v2 =	vshll.u32 v1, $0x10  }
0x187: {  	v1 =	vand.u32 $0xFFFF0000, v1;
	[tilespmem:s25+$0xFFFFFFE0] =	vst v2  }
0x188: {  	[tilespmem:s25+$0xFFFFFFF0] =	vst v1  }
0x189: {  	v1 =	vld [tilespmem:s26+$0x14020];
	_ =	sdelay $0x4  }
0x18a: {  	v2 =	vshll.u32 v1, $0x10;
	v1 =	vand.u32 $0xFFFF0000, v1  }
0x18b: {  	[tilespmem:s25+$0x10] =	vst v1  }
0x18c: {  	[tilespmem:s25+$0x0] =	vst v2  }
0x18d: {  	v1 =	vld [tilespmem:s26+$0x14030];
	_ =	sdelay $0x4  }
.Ltmp5:
0x18e: {  	v2 =	vshll.u32 v1, $0x10;
	v1 =	vand.u32 $0xFFFF0000, v1;
	(pc) =	sbr.rel @p0 .LBB2_13-.Ltmp5, $4  }
0x18f: {  	[tilespmem:s25+$0x20] =	vst v2  }
0x190: {  	s26 =	sshra.s32 s7, $0x2;
	[tilespmem:s25+$0x30] =	vst v1  }
0x191: {  	v1 =	vld [tilespmem:s26+$0x14000]  }
0x192: {  	s7 =	sadd.s32 $0x100, s7  }
0x193: {  	_ =	sdelay $0x2  }
0x194: {  	s7 =	sadd.s32 $0x80, s25;
	v2 =	vshll.u32 v1, $0x10  }
0x195: {  	v1 =	vand.u32 $0xFFFF0000, v1;
	[tilespmem:s7+$0xFFFFFFC0] =	vst v2  }
0x196: {  	[tilespmem:s7+$0xFFFFFFD0] =	vst v1  }
0x197: {  	v1 =	vld [tilespmem:s26+$0x14010];
	_ =	sdelay $0x4  }
0x198: {  	v2 =	vshll.u32 v1, $0x10  }
0x199: {  	v1 =	vand.u32 $0xFFFF0000, v1;
	[tilespmem:s7+$0xFFFFFFE0] =	vst v2  }
0x19a: {  	[tilespmem:s7+$0xFFFFFFF0] =	vst v1  }
0x19b: {  	v1 =	vld [tilespmem:s26+$0x14020];
	_ =	sdelay $0x4  }
0x19c: {  	v2 =	vand.u32 $0xFFFF0000, v1  }
0x19d: {  	v1 =	vshll.u32 v1, $0x10;
	[tilespmem:s7+$0x10] =	vst v2  }
0x19e: {  	[tilespmem:s7+$0x0] =	vst v1  }
0x19f: {  	v1 =	vld [tilespmem:s26+$0x14030];
	_ =	sdelay $0x4  }
0x1a0: {  	v2 =	vshll.u32 v1, $0x10  }
0x1a1: {  	v1 =	vand.u32 $0xFFFF0000, v1;
	[tilespmem:s7+$0x20] =	vst v2  }
0x1a2: {  	s26 =	simm.s32 $0x1A500;
	[tilespmem:s7+$0x30] =	vst v1  }
0x1a3: {  	[spmem:s1] =	stream.indirect.scatter.add.f32 [tilespmem:s2], [sflag:$0x3], $0x80, s26, s8, $0xb8;
	[tilespmem:$0x1A800] =	vst v63  }
0x1a4: {  	s25 =	simm.s32 $0x1A180  }
0x1a5: {  	[tilespmem:s9], [sflag:$0x1] =	stream.indirect.gather [hbm4b:s14+s8], $0x40, s25, s8, $0xb8;
	[tilespmem:$0x1A800] =	vst v63  }
0x1a6: {  	_ =	swait.ge [sflag:s13], $0x1000  }
0x1a7: {  	[sflag:s13] =	ssyncset.done $0x0  }
0x1a8: {  	[sflag:s13] =	ssyncadd.s32 $0xFFFFF000  }
0x1a9: {  	_ =	swait.ge [sflag:s22], $0x2000  }
0x1aa: {  	[sflag:s22] =	ssyncset.done $0x0  }
0x1ab: {  	s26 =	simm.s32 $0x0;
	[sflag:s22] =	ssyncadd.s32 $0xFFFFE000  }
0x1ac: {  	v1 =	vld [tilespmem:s26+$0x15000];
	_ =	sdelay $0x4  }
0x1ad: {  	s25 =	simm.s32 $0x18040;
	v2 =	vshll.u32 v1, $0x10  }
0x1ae: {  	v1 =	vand.u32 $0xFFFF0000, v1;
	[tilespmem:s25+$0xFFFFFFC0] =	vst v2  }
0x1af: {  	[tilespmem:s25+$0xFFFFFFD0] =	vst v1  }
0x1b0: {  	v1 =	vld [tilespmem:s26+$0x15010];
	_ =	sdelay $0x4  }
0x1b1: {  	v2 =	vshll.u32 v1, $0x10  }
0x1b2: {  	v1 =	vand.u32 $0xFFFF0000, v1;
	[tilespmem:s25+$0xFFFFFFE0] =	vst v2  }
0x1b3: {  	[tilespmem:s25+$0xFFFFFFF0] =	vst v1  }
0x1b4: {  	v1 =	vld [tilespmem:s26+$0x15020];
	_ =	sdelay $0x4  }
0x1b5: {  	v2 =	vand.u32 $0xFFFF0000, v1  }
0x1b6: {  	v1 =	vshll.u32 v1, $0x10;
	[tilespmem:s25+$0x10] =	vst v2  }
0x1b7: {  	[tilespmem:s25+$0x0] =	vst v1  }
0x1b8: {  	v1 =	vld [tilespmem:s26+$0x15030];
	_ =	sdelay $0x4  }
0x1b9: {  	v2 =	vshll.u32 v1, $0x10  }
0x1ba: {  	v1 =	vand.u32 $0xFFFF0000, v1;
	[tilespmem:s25+$0x20] =	vst v2  }
0x1bb: {  	s26 =	simm.s32 $0x40;
	[tilespmem:s25+$0x30] =	vst v1  }
0x1bc: {  	v1 =	vld [tilespmem:s26+$0x15000]  }
0x1bd: {  	s7 =	simm.s32 $0x200  }
.LBB2_15:
0x1be: {  	p0 =	sne.s32 s7, $0x3F00;
	_ =	sdelay $0x2  }
0x1bf: {  	s25 =	sadd.s32 $0x80, s25;
	v2 =	vshll.u32 v1, $0x10  }
0x1c0: {  	v1 =	vand.u32 $0xFFFF0000, v1;
	[tilespmem:s25+$0xFFFFFFC0] =	vst v2  }
0x1c1: {  	[tilespmem:s25+$0xFFFFFFD0] =	vst v1  }
0x1c2: {  	v1 =	vld [tilespmem:s26+$0x15010];
	_ =	sdelay $0x4  }
0x1c3: {  	v2 =	vshll.u32 v1, $0x10  }
0x1c4: {  	v1 =	vand.u32 $0xFFFF0000, v1;
	[tilespmem:s25+$0xFFFFFFE0] =	vst v2  }
0x1c5: {  	[tilespmem:s25+$0xFFFFFFF0] =	vst v1  }
0x1c6: {  	v1 =	vld [tilespmem:s26+$0x15020];
	_ =	sdelay $0x4  }
0x1c7: {  	v2 =	vshll.u32 v1, $0x10;
	v1 =	vand.u32 $0xFFFF0000, v1  }
0x1c8: {  	[tilespmem:s25+$0x10] =	vst v1  }
0x1c9: {  	[tilespmem:s25+$0x0] =	vst v2  }
0x1ca: {  	v1 =	vld [tilespmem:s26+$0x15030];
	_ =	sdelay $0x4  }
.Ltmp6:
0x1cb: {  	v2 =	vshll.u32 v1, $0x10;
	v1 =	vand.u32 $0xFFFF0000, v1;
	(pc) =	sbr.rel @p0 .LBB2_15-.Ltmp6, $4  }
0x1cc: {  	[tilespmem:s25+$0x20] =	vst v2  }
0x1cd: {  	s26 =	sshra.s32 s7, $0x2;
	[tilespmem:s25+$0x30] =	vst v1  }
0x1ce: {  	v1 =	vld [tilespmem:s26+$0x15000]  }
0x1cf: {  	s7 =	sadd.s32 $0x100, s7  }
0x1d0: {  	_ =	sdelay $0x2  }
0x1d1: {  	s7 =	sadd.s32 $0x80, s25;
	v2 =	vshll.u32 v1, $0x10  }
0x1d2: {  	v1 =	vand.u32 $0xFFFF0000, v1;
	[tilespmem:s7+$0xFFFFFFC0] =	vst v2  }
0x1d3: {  	[tilespmem:s7+$0xFFFFFFD0] =	vst v1  }
0x1d4: {  	v1 =	vld [tilespmem:s26+$0x15010];
	_ =	sdelay $0x4  }
0x1d5: {  	v2 =	vshll.u32 v1, $0x10  }
0x1d6: {  	v1 =	vand.u32 $0xFFFF0000, v1;
	[tilespmem:s7+$0xFFFFFFE0] =	vst v2  }
0x1d7: {  	[tilespmem:s7+$0xFFFFFFF0] =	vst v1  }
0x1d8: {  	v1 =	vld [tilespmem:s26+$0x15020];
	_ =	sdelay $0x4  }
0x1d9: {  	v2 =	vand.u32 $0xFFFF0000, v1  }
0x1da: {  	v1 =	vshll.u32 v1, $0x10;
	[tilespmem:s7+$0x10] =	vst v2  }
0x1db: {  	[tilespmem:s7+$0x0] =	vst v1  }
0x1dc: {  	v1 =	vld [tilespmem:s26+$0x15030];
	_ =	sdelay $0x4  }
0x1dd: {  	v2 =	vshll.u32 v1, $0x10  }
0x1de: {  	v1 =	vand.u32 $0xFFFF0000, v1;
	[tilespmem:s7+$0x20] =	vst v2  }
0x1df: {  	s26 =	simm.s32 $0x1A540;
	[tilespmem:s7+$0x30] =	vst v1  }
0x1e0: {  	[spmem:s1] =	stream.indirect.scatter.add.f32 [tilespmem:s29], [sflag:$0x4], $0x80, s26, s8, $0xb8;
	[tilespmem:$0x1A800] =	vst v63  }
0x1e1: {  	s25 =	simm.s32 $0x1A1C0  }
0x1e2: {  	[tilespmem:s10], [sflag:$0x2] =	stream.indirect.gather [hbm4b:s14+s8], $0x40, s25, s8, $0xb8;
	[tilespmem:$0x1A800] =	vst v63  }
0x1e3: {  	_ =	swait.ge [sflag:s11], $0x1000  }
0x1e4: {  	[sflag:s11] =	ssyncset.done $0x0  }
0x1e5: {  	[sflag:s11] =	ssyncadd.s32 $0xFFFFF000  }
0x1e6: {  	_ =	swait.ge [sflag:s19], $0x2000  }
0x1e7: {  	[sflag:s19] =	ssyncset.done $0x0  }
0x1e8: {  	s26 =	simm.s32 $0x0;
	[sflag:s19] =	ssyncadd.s32 $0xFFFFE000  }
0x1e9: {  	v1 =	vld [tilespmem:s26+$0x14000];
	_ =	sdelay $0x4  }
0x1ea: {  	s25 =	simm.s32 $0x16040;
	v2 =	vshll.u32 v1, $0x10  }
0x1eb: {  	v1 =	vand.u32 $0xFFFF0000, v1;
	[tilespmem:s25+$0xFFFFFFC0] =	vst v2  }
0x1ec: {  	[tilespmem:s25+$0xFFFFFFD0] =	vst v1  }
0x1ed: {  	v1 =	vld [tilespmem:s26+$0x14010];
	_ =	sdelay $0x4  }
0x1ee: {  	v2 =	vshll.u32 v1, $0x10  }
0x1ef: {  	v1 =	vand.u32 $0xFFFF0000, v1;
	[tilespmem:s25+$0xFFFFFFE0] =	vst v2  }
0x1f0: {  	[tilespmem:s25+$0xFFFFFFF0] =	vst v1  }
0x1f1: {  	v1 =	vld [tilespmem:s26+$0x14020];
	_ =	sdelay $0x4  }
0x1f2: {  	v2 =	vand.u32 $0xFFFF0000, v1  }
0x1f3: {  	v1 =	vshll.u32 v1, $0x10;
	[tilespmem:s25+$0x10] =	vst v2  }
0x1f4: {  	[tilespmem:s25+$0x0] =	vst v1  }
0x1f5: {  	v1 =	vld [tilespmem:s26+$0x14030];
	_ =	sdelay $0x4  }
0x1f6: {  	v2 =	vshll.u32 v1, $0x10  }
0x1f7: {  	v1 =	vand.u32 $0xFFFF0000, v1;
	[tilespmem:s25+$0x20] =	vst v2  }
0x1f8: {  	s26 =	simm.s32 $0x40;
	[tilespmem:s25+$0x30] =	vst v1  }
0x1f9: {  	v1 =	vld [tilespmem:s26+$0x14000]  }
0x1fa: {  	s7 =	simm.s32 $0x200  }
.LBB2_17:
0x1fb: {  	p0 =	sne.s32 s7, $0x3F00;
	_ =	sdelay $0x2  }
0x1fc: {  	s25 =	sadd.s32 $0x80, s25;
	v2 =	vshll.u32 v1, $0x10  }
0x1fd: {  	v1 =	vand.u32 $0xFFFF0000, v1;
	[tilespmem:s25+$0xFFFFFFC0] =	vst v2  }
0x1fe: {  	[tilespmem:s25+$0xFFFFFFD0] =	vst v1  }
0x1ff: {  	v1 =	vld [tilespmem:s26+$0x14010];
	_ =	sdelay $0x4  }
0x200: {  	v2 =	vshll.u32 v1, $0x10  }
0x201: {  	v1 =	vand.u32 $0xFFFF0000, v1;
	[tilespmem:s25+$0xFFFFFFE0] =	vst v2  }
0x202: {  	[tilespmem:s25+$0xFFFFFFF0] =	vst v1  }
0x203: {  	v1 =	vld [tilespmem:s26+$0x14020];
	_ =	sdelay $0x4  }
0x204: {  	v2 =	vshll.u32 v1, $0x10;
	v1 =	vand.u32 $0xFFFF0000, v1  }
0x205: {  	[tilespmem:s25+$0x10] =	vst v1  }
0x206: {  	[tilespmem:s25+$0x0] =	vst v2  }
0x207: {  	v1 =	vld [tilespmem:s26+$0x14030];
	_ =	sdelay $0x4  }
.Ltmp7:
0x208: {  	v2 =	vshll.u32 v1, $0x10;
	v1 =	vand.u32 $0xFFFF0000, v1;
	(pc) =	sbr.rel @p0 .LBB2_17-.Ltmp7, $4  }
0x209: {  	[tilespmem:s25+$0x20] =	vst v2  }
0x20a: {  	s26 =	sshra.s32 s7, $0x2;
	[tilespmem:s25+$0x30] =	vst v1  }
0x20b: {  	v1 =	vld [tilespmem:s26+$0x14000]  }
0x20c: {  	s7 =	sadd.s32 $0x100, s7  }
0x20d: {  	_ =	sdelay $0x2  }
0x20e: {  	s7 =	sadd.s32 $0x80, s25;
	v2 =	vshll.u32 v1, $0x10  }
0x20f: {  	v1 =	vand.u32 $0xFFFF0000, v1;
	[tilespmem:s7+$0xFFFFFFC0] =	vst v2  }
0x210: {  	[tilespmem:s7+$0xFFFFFFD0] =	vst v1  }
0x211: {  	v1 =	vld [tilespmem:s26+$0x14010];
	_ =	sdelay $0x4  }
0x212: {  	v2 =	vshll.u32 v1, $0x10  }
0x213: {  	v1 =	vand.u32 $0xFFFF0000, v1;
	[tilespmem:s7+$0xFFFFFFE0] =	vst v2  }
0x214: {  	[tilespmem:s7+$0xFFFFFFF0] =	vst v1  }
0x215: {  	v1 =	vld [tilespmem:s26+$0x14020];
	_ =	sdelay $0x4  }
0x216: {  	v2 =	vand.u32 $0xFFFF0000, v1  }
0x217: {  	v1 =	vshll.u32 v1, $0x10;
	[tilespmem:s7+$0x10] =	vst v2  }
0x218: {  	[tilespmem:s7+$0x0] =	vst v1  }
0x219: {  	v1 =	vld [tilespmem:s26+$0x14030];
	_ =	sdelay $0x4  }
0x21a: {  	v2 =	vshll.u32 v1, $0x10  }
0x21b: {  	v1 =	vand.u32 $0xFFFF0000, v1;
	[tilespmem:s7+$0x20] =	vst v2  }
0x21c: {  	s25 =	simm.s32 $0x1A580;
	[tilespmem:s7+$0x30] =	vst v1  }
0x21d: {  	[spmem:s1] =	stream.indirect.scatter.add.f32 [tilespmem:s2], [sflag:$0x3], $0x80, s25, s8, $0xb8;
	[tilespmem:$0x1A800] =	vst v63  }
0x21e: {  	_ =	swait.ge [sflag:s12], $0x200  }
0x21f: {  	[sflag:s12] =	ssyncset.done $0x0  }
0x220: {  	[sflag:s12] =	ssyncadd.s32 $0xFFFFFE00  }
0x221: {  	_ =	swait.ge [sflag:s12], $0x200  }
0x222: {  	[sflag:s12] =	ssyncset.done $0x0  }
0x223: {  	[sflag:s12] =	ssyncadd.s32 $0xFFFFFE00  }
0x224: {  	[tilespmem:s9], [sflag:$0x1] =	stream.indirect.gather [hbm4b:s14+s8], $0x40, s0, s8, $0xb8;
	[tilespmem:$0x1A800] =	vst v63  }
0x225: {  	_ =	swait.ge [sflag:s13], $0x1000  }
0x226: {  	[sflag:s13] =	ssyncset.done $0x0  }
0x227: {  	[sflag:s13] =	ssyncadd.s32 $0xFFFFF000  }
0x228: {  	_ =	swait.ge [sflag:s22], $0x2000  }
0x229: {  	[sflag:s22] =	ssyncset.done $0x0  }
0x22a: {  	s26 =	simm.s32 $0x0;
	[sflag:s22] =	ssyncadd.s32 $0xFFFFE000  }
0x22b: {  	v1 =	vld [tilespmem:s26+$0x15000];
	_ =	sdelay $0x4  }
0x22c: {  	s25 =	simm.s32 $0x18040;
	v2 =	vshll.u32 v1, $0x10  }
0x22d: {  	v1 =	vand.u32 $0xFFFF0000, v1;
	[tilespmem:s25+$0xFFFFFFC0] =	vst v2  }
0x22e: {  	[tilespmem:s25+$0xFFFFFFD0] =	vst v1  }
0x22f: {  	v1 =	vld [tilespmem:s26+$0x15010];
	_ =	sdelay $0x4  }
0x230: {  	v2 =	vshll.u32 v1, $0x10  }
0x231: {  	v1 =	vand.u32 $0xFFFF0000, v1;
	[tilespmem:s25+$0xFFFFFFE0] =	vst v2  }
0x232: {  	[tilespmem:s25+$0xFFFFFFF0] =	vst v1  }
0x233: {  	v1 =	vld [tilespmem:s26+$0x15020];
	_ =	sdelay $0x4  }
0x234: {  	v2 =	vand.u32 $0xFFFF0000, v1  }
0x235: {  	v1 =	vshll.u32 v1, $0x10;
	[tilespmem:s25+$0x10] =	vst v2  }
0x236: {  	[tilespmem:s25+$0x0] =	vst v1  }
0x237: {  	v1 =	vld [tilespmem:s26+$0x15030];
	_ =	sdelay $0x4  }
0x238: {  	v2 =	vshll.u32 v1, $0x10  }
0x239: {  	v1 =	vand.u32 $0xFFFF0000, v1;
	[tilespmem:s25+$0x20] =	vst v2  }
0x23a: {  	s26 =	simm.s32 $0x40;
	[tilespmem:s25+$0x30] =	vst v1  }
0x23b: {  	v1 =	vld [tilespmem:s26+$0x15000]  }
0x23c: {  	s7 =	simm.s32 $0x200  }
.LBB2_19:
0x23d: {  	p0 =	sne.s32 s7, $0x3F00;
	_ =	sdelay $0x2  }
0x23e: {  	s25 =	sadd.s32 $0x80, s25;
	v2 =	vshll.u32 v1, $0x10  }
0x23f: {  	v1 =	vand.u32 $0xFFFF0000, v1;
	[tilespmem:s25+$0xFFFFFFC0] =	vst v2  }
0x240: {  	[tilespmem:s25+$0xFFFFFFD0] =	vst v1  }
0x241: {  	v1 =	vld [tilespmem:s26+$0x15010];
	_ =	sdelay $0x4  }
0x242: {  	v2 =	vshll.u32 v1, $0x10  }
0x243: {  	v1 =	vand.u32 $0xFFFF0000, v1;
	[tilespmem:s25+$0xFFFFFFE0] =	vst v2  }
0x244: {  	[tilespmem:s25+$0xFFFFFFF0] =	vst v1  }
0x245: {  	v1 =	vld [tilespmem:s26+$0x15020];
	_ =	sdelay $0x4  }
0x246: {  	v2 =	vshll.u32 v1, $0x10;
	v1 =	vand.u32 $0xFFFF0000, v1  }
0x247: {  	[tilespmem:s25+$0x10] =	vst v1  }
0x248: {  	[tilespmem:s25+$0x0] =	vst v2  }
0x249: {  	v1 =	vld [tilespmem:s26+$0x15030];
	_ =	sdelay $0x4  }
.Ltmp8:
0x24a: {  	v2 =	vshll.u32 v1, $0x10;
	v1 =	vand.u32 $0xFFFF0000, v1;
	(pc) =	sbr.rel @p0 .LBB2_19-.Ltmp8, $4  }
0x24b: {  	[tilespmem:s25+$0x20] =	vst v2  }
0x24c: {  	s26 =	sshra.s32 s7, $0x2;
	[tilespmem:s25+$0x30] =	vst v1  }
0x24d: {  	v1 =	vld [tilespmem:s26+$0x15000]  }
0x24e: {  	s7 =	sadd.s32 $0x100, s7  }
0x24f: {  	_ =	sdelay $0x2  }
0x250: {  	s7 =	sadd.s32 $0x80, s25;
	v2 =	vshll.u32 v1, $0x10  }
0x251: {  	v1 =	vand.u32 $0xFFFF0000, v1;
	[tilespmem:s7+$0xFFFFFFC0] =	vst v2  }
0x252: {  	[tilespmem:s7+$0xFFFFFFD0] =	vst v1  }
0x253: {  	v1 =	vld [tilespmem:s26+$0x15010];
	_ =	sdelay $0x4  }
0x254: {  	v2 =	vshll.u32 v1, $0x10  }
0x255: {  	v1 =	vand.u32 $0xFFFF0000, v1;
	[tilespmem:s7+$0xFFFFFFE0] =	vst v2  }
0x256: {  	[tilespmem:s7+$0xFFFFFFF0] =	vst v1  }
0x257: {  	v1 =	vld [tilespmem:s26+$0x15020];
	_ =	sdelay $0x4  }
0x258: {  	v2 =	vand.u32 $0xFFFF0000, v1  }
0x259: {  	v1 =	vshll.u32 v1, $0x10;
	[tilespmem:s7+$0x10] =	vst v2  }
0x25a: {  	[tilespmem:s7+$0x0] =	vst v1  }
0x25b: {  	v1 =	vld [tilespmem:s26+$0x15030];
	_ =	sdelay $0x4  }
0x25c: {  	v2 =	vshll.u32 v1, $0x10  }
0x25d: {  	v1 =	vand.u32 $0xFFFF0000, v1;
	[tilespmem:s7+$0x20] =	vst v2  }
0x25e: {  	s26 =	simm.s32 $0x1A5C0;
	[tilespmem:s7+$0x30] =	vst v1  }
0x25f: {  	[spmem:s1] =	stream.indirect.scatter.add.f32 [tilespmem:s29], [sflag:$0x4], $0x80, s26, s8, $0xb8;
	[tilespmem:$0x1A800] =	vst v63  }
0x260: {  	s25 =	simm.s32 $0x1A240  }
0x261: {  	[tilespmem:s10], [sflag:$0x2] =	stream.indirect.gather [hbm4b:s14+s8], $0x40, s25, s8, $0xb8;
	[tilespmem:$0x1A800] =	vst v63  }
0x262: {  	_ =	swait.ge [sflag:s11], $0x1000  }
0x263: {  	[sflag:s11] =	ssyncset.done $0x0  }
0x264: {  	[sflag:s11] =	ssyncadd.s32 $0xFFFFF000  }
0x265: {  	_ =	swait.ge [sflag:s19], $0x2000  }
0x266: {  	[sflag:s19] =	ssyncset.done $0x0  }
0x267: {  	s26 =	simm.s32 $0x0;
	[sflag:s19] =	ssyncadd.s32 $0xFFFFE000  }
0x268: {  	v1 =	vld [tilespmem:s26+$0x14000];
	_ =	sdelay $0x4  }
0x269: {  	s25 =	simm.s32 $0x16040;
	v2 =	vshll.u32 v1, $0x10  }
0x26a: {  	v1 =	vand.u32 $0xFFFF0000, v1;
	[tilespmem:s25+$0xFFFFFFC0] =	vst v2  }
0x26b: {  	[tilespmem:s25+$0xFFFFFFD0] =	vst v1  }
0x26c: {  	v1 =	vld [tilespmem:s26+$0x14010];
	_ =	sdelay $0x4  }
0x26d: {  	v2 =	vshll.u32 v1, $0x10  }
0x26e: {  	v1 =	vand.u32 $0xFFFF0000, v1;
	[tilespmem:s25+$0xFFFFFFE0] =	vst v2  }
0x26f: {  	[tilespmem:s25+$0xFFFFFFF0] =	vst v1  }
0x270: {  	v1 =	vld [tilespmem:s26+$0x14020];
	_ =	sdelay $0x4  }
0x271: {  	v2 =	vand.u32 $0xFFFF0000, v1  }
0x272: {  	v1 =	vshll.u32 v1, $0x10;
	[tilespmem:s25+$0x10] =	vst v2  }
0x273: {  	[tilespmem:s25+$0x0] =	vst v1  }
0x274: {  	v1 =	vld [tilespmem:s26+$0x14030];
	_ =	sdelay $0x4  }
0x275: {  	v2 =	vshll.u32 v1, $0x10  }
0x276: {  	v1 =	vand.u32 $0xFFFF0000, v1;
	[tilespmem:s25+$0x20] =	vst v2  }
0x277: {  	s26 =	simm.s32 $0x40;
	[tilespmem:s25+$0x30] =	vst v1  }
0x278: {  	v1 =	vld [tilespmem:s26+$0x14000]  }
0x279: {  	s7 =	simm.s32 $0x200  }
.LBB2_21:
0x27a: {  	p0 =	sne.s32 s7, $0x3F00;
	_ =	sdelay $0x2  }
0x27b: {  	s25 =	sadd.s32 $0x80, s25;
	v2 =	vshll.u32 v1, $0x10  }
0x27c: {  	v1 =	vand.u32 $0xFFFF0000, v1;
	[tilespmem:s25+$0xFFFFFFC0] =	vst v2  }
0x27d: {  	[tilespmem:s25+$0xFFFFFFD0] =	vst v1  }
0x27e: {  	v1 =	vld [tilespmem:s26+$0x14010];
	_ =	sdelay $0x4  }
0x27f: {  	v2 =	vshll.u32 v1, $0x10  }
0x280: {  	v1 =	vand.u32 $0xFFFF0000, v1;
	[tilespmem:s25+$0xFFFFFFE0] =	vst v2  }
0x281: {  	[tilespmem:s25+$0xFFFFFFF0] =	vst v1  }
0x282: {  	v1 =	vld [tilespmem:s26+$0x14020];
	_ =	sdelay $0x4  }
0x283: {  	v2 =	vshll.u32 v1, $0x10;
	v1 =	vand.u32 $0xFFFF0000, v1  }
0x284: {  	[tilespmem:s25+$0x10] =	vst v1  }
0x285: {  	[tilespmem:s25+$0x0] =	vst v2  }
0x286: {  	v1 =	vld [tilespmem:s26+$0x14030];
	_ =	sdelay $0x4  }
.Ltmp9:
0x287: {  	v2 =	vshll.u32 v1, $0x10;
	v1 =	vand.u32 $0xFFFF0000, v1;
	(pc) =	sbr.rel @p0 .LBB2_21-.Ltmp9, $4  }
0x288: {  	[tilespmem:s25+$0x20] =	vst v2  }
0x289: {  	s26 =	sshra.s32 s7, $0x2;
	[tilespmem:s25+$0x30] =	vst v1  }
0x28a: {  	v1 =	vld [tilespmem:s26+$0x14000]  }
0x28b: {  	s7 =	sadd.s32 $0x100, s7  }
0x28c: {  	_ =	sdelay $0x2  }
0x28d: {  	s7 =	sadd.s32 $0x80, s25;
	v2 =	vshll.u32 v1, $0x10  }
0x28e: {  	v1 =	vand.u32 $0xFFFF0000, v1;
	[tilespmem:s7+$0xFFFFFFC0] =	vst v2  }
0x28f: {  	[tilespmem:s7+$0xFFFFFFD0] =	vst v1  }
0x290: {  	v1 =	vld [tilespmem:s26+$0x14010];
	_ =	sdelay $0x4  }
0x291: {  	v2 =	vshll.u32 v1, $0x10  }
0x292: {  	v1 =	vand.u32 $0xFFFF0000, v1;
	[tilespmem:s7+$0xFFFFFFE0] =	vst v2  }
0x293: {  	[tilespmem:s7+$0xFFFFFFF0] =	vst v1  }
0x294: {  	v1 =	vld [tilespmem:s26+$0x14020];
	_ =	sdelay $0x4  }
0x295: {  	v2 =	vand.u32 $0xFFFF0000, v1  }
0x296: {  	v1 =	vshll.u32 v1, $0x10;
	[tilespmem:s7+$0x10] =	vst v2  }
0x297: {  	[tilespmem:s7+$0x0] =	vst v1  }
0x298: {  	v1 =	vld [tilespmem:s26+$0x14030];
	_ =	sdelay $0x4  }
0x299: {  	v2 =	vshll.u32 v1, $0x10  }
0x29a: {  	v1 =	vand.u32 $0xFFFF0000, v1;
	[tilespmem:s7+$0x20] =	vst v2  }
0x29b: {  	[tilespmem:s7+$0x30] =	vst v1  }
0x29c: {  	[spmem:s1] =	stream.indirect.scatter.add.f32 [tilespmem:s2], [sflag:$0x3], $0x80, s17, s8, $0xb8;
	[tilespmem:$0x1A800] =	vst v63  }
0x29d: {  	s25 =	simm.s32 $0x1A280  }
0x29e: {  	[tilespmem:s9], [sflag:$0x1] =	stream.indirect.gather [hbm4b:s14+s8], $0x40, s25, s8, $0xb8;
	[tilespmem:$0x1A800] =	vst v63  }
0x29f: {  	_ =	swait.ge [sflag:s13], $0x1000  }
0x2a0: {  	[sflag:s13] =	ssyncset.done $0x0  }
0x2a1: {  	[sflag:s13] =	ssyncadd.s32 $0xFFFFF000  }
0x2a2: {  	_ =	swait.ge [sflag:s22], $0x2000  }
0x2a3: {  	[sflag:s22] =	ssyncset.done $0x0  }
0x2a4: {  	s26 =	simm.s32 $0x0;
	[sflag:s22] =	ssyncadd.s32 $0xFFFFE000  }
0x2a5: {  	v1 =	vld [tilespmem:s26+$0x15000];
	_ =	sdelay $0x4  }
0x2a6: {  	s25 =	simm.s32 $0x18040;
	v2 =	vshll.u32 v1, $0x10  }
0x2a7: {  	v1 =	vand.u32 $0xFFFF0000, v1;
	[tilespmem:s25+$0xFFFFFFC0] =	vst v2  }
0x2a8: {  	[tilespmem:s25+$0xFFFFFFD0] =	vst v1  }
0x2a9: {  	v1 =	vld [tilespmem:s26+$0x15010];
	_ =	sdelay $0x4  }
0x2aa: {  	v2 =	vshll.u32 v1, $0x10  }
0x2ab: {  	v1 =	vand.u32 $0xFFFF0000, v1;
	[tilespmem:s25+$0xFFFFFFE0] =	vst v2  }
0x2ac: {  	[tilespmem:s25+$0xFFFFFFF0] =	vst v1  }
0x2ad: {  	v1 =	vld [tilespmem:s26+$0x15020];
	_ =	sdelay $0x4  }
0x2ae: {  	v2 =	vand.u32 $0xFFFF0000, v1  }
0x2af: {  	v1 =	vshll.u32 v1, $0x10;
	[tilespmem:s25+$0x10] =	vst v2  }
0x2b0: {  	[tilespmem:s25+$0x0] =	vst v1  }
0x2b1: {  	v1 =	vld [tilespmem:s26+$0x15030];
	_ =	sdelay $0x4  }
0x2b2: {  	v2 =	vshll.u32 v1, $0x10  }
0x2b3: {  	v1 =	vand.u32 $0xFFFF0000, v1;
	[tilespmem:s25+$0x20] =	vst v2  }
0x2b4: {  	s26 =	simm.s32 $0x40;
	[tilespmem:s25+$0x30] =	vst v1  }
0x2b5: {  	v1 =	vld [tilespmem:s26+$0x15000]  }
0x2b6: {  	s7 =	simm.s32 $0x200  }
.LBB2_23:
0x2b7: {  	p0 =	sne.s32 s7, $0x3F00;
	_ =	sdelay $0x2  }
0x2b8: {  	s25 =	sadd.s32 $0x80, s25;
	v2 =	vshll.u32 v1, $0x10  }
0x2b9: {  	v1 =	vand.u32 $0xFFFF0000, v1;
	[tilespmem:s25+$0xFFFFFFC0] =	vst v2  }
0x2ba: {  	[tilespmem:s25+$0xFFFFFFD0] =	vst v1  }
0x2bb: {  	v1 =	vld [tilespmem:s26+$0x15010];
	_ =	sdelay $0x4  }
0x2bc: {  	v2 =	vshll.u32 v1, $0x10  }
0x2bd: {  	v1 =	vand.u32 $0xFFFF0000, v1;
	[tilespmem:s25+$0xFFFFFFE0] =	vst v2  }
0x2be: {  	[tilespmem:s25+$0xFFFFFFF0] =	vst v1  }
0x2bf: {  	v1 =	vld [tilespmem:s26+$0x15020];
	_ =	sdelay $0x4  }
0x2c0: {  	v2 =	vshll.u32 v1, $0x10;
	v1 =	vand.u32 $0xFFFF0000, v1  }
0x2c1: {  	[tilespmem:s25+$0x10] =	vst v1  }
0x2c2: {  	[tilespmem:s25+$0x0] =	vst v2  }
0x2c3: {  	v1 =	vld [tilespmem:s26+$0x15030];
	_ =	sdelay $0x4  }
.Ltmp10:
0x2c4: {  	v2 =	vshll.u32 v1, $0x10;
	v1 =	vand.u32 $0xFFFF0000, v1;
	(pc) =	sbr.rel @p0 .LBB2_23-.Ltmp10, $4  }
0x2c5: {  	[tilespmem:s25+$0x20] =	vst v2  }
0x2c6: {  	s26 =	sshra.s32 s7, $0x2;
	[tilespmem:s25+$0x30] =	vst v1  }
0x2c7: {  	v1 =	vld [tilespmem:s26+$0x15000]  }
0x2c8: {  	s7 =	sadd.s32 $0x100, s7  }
0x2c9: {  	_ =	sdelay $0x2  }
0x2ca: {  	s7 =	sadd.s32 $0x80, s25;
	v2 =	vshll.u32 v1, $0x10  }
0x2cb: {  	v1 =	vand.u32 $0xFFFF0000, v1;
	[tilespmem:s7+$0xFFFFFFC0] =	vst v2  }
0x2cc: {  	[tilespmem:s7+$0xFFFFFFD0] =	vst v1  }
0x2cd: {  	v1 =	vld [tilespmem:s26+$0x15010];
	_ =	sdelay $0x4  }
0x2ce: {  	v2 =	vshll.u32 v1, $0x10  }
0x2cf: {  	v1 =	vand.u32 $0xFFFF0000, v1;
	[tilespmem:s7+$0xFFFFFFE0] =	vst v2  }
0x2d0: {  	[tilespmem:s7+$0xFFFFFFF0] =	vst v1  }
0x2d1: {  	v1 =	vld [tilespmem:s26+$0x15020];
	_ =	sdelay $0x4  }
0x2d2: {  	v2 =	vand.u32 $0xFFFF0000, v1  }
0x2d3: {  	v1 =	vshll.u32 v1, $0x10;
	[tilespmem:s7+$0x10] =	vst v2  }
0x2d4: {  	[tilespmem:s7+$0x0] =	vst v1  }
0x2d5: {  	v1 =	vld [tilespmem:s26+$0x15030];
	_ =	sdelay $0x4  }
0x2d6: {  	v2 =	vshll.u32 v1, $0x10  }
0x2d7: {  	p0 =	seq.s32 s23, $0x9;
	v1 =	vand.u32 $0xFFFF0000, v1;
	[tilespmem:s7+$0x20] =	vst v2  }
0x2d8: {  	s26 =	simm.s32 $0x1A640;
	[tilespmem:s7+$0x30] =	vst v1;
	s7 =	sadd.s32 @!p0 s24, s31  }
0x2d9: {  	[spmem:s1] =	stream.indirect.scatter.add.f32 [tilespmem:s29], [sflag:$0x4], $0x80, s26, s8, $0xb8;
	[tilespmem:$0x1A800] =	vst v63  }
0x2da: {  	s7 =	sshrl.u32 @!p0 s7, $0x3  }
0x2db: {  	s25 =	simm.s32 @!p0 $0x0;
	s26 =	simm.s32 @!p0 $0x1A000;
	s24 =	sadd.s32 @!p0 s15, s7  }
0x2dc: {  	[tilespmem:s26], [sflag:$0x5] =	stream.linear.gather @!p0 [hbm4b:s24+s25], $0x200, $0x38;
	[tilespmem:$0x1A800] =	vst v63  }
0x2dd: {  	s7 =	sadd.s32 @!p0 s16, s7;
	s24 =	simm.s32 @!p0 $0x1A400  }
0x2de: {  	[tilespmem:s24], [sflag:$0x5] =	stream.linear.gather @!p0 [hbm4b:s7+s25], $0x200, $0x38;
	[tilespmem:$0x1A800] =	vst v63  }
0x2df: {  	s25 =	simm.s32 $0x1A2C0  }
0x2e0: {  	[tilespmem:s10], [sflag:$0x2] =	stream.indirect.gather [hbm4b:s14+s8], $0x40, s25, s8, $0xb8;
	[tilespmem:$0x1A800] =	vst v63  }
0x2e1: {  	_ =	swait.ge [sflag:s11], $0x1000  }
0x2e2: {  	[sflag:s11] =	ssyncset.done $0x0  }
0x2e3: {  	[sflag:s11] =	ssyncadd.s32 $0xFFFFF000  }
0x2e4: {  	_ =	swait.ge [sflag:s19], $0x2000  }
0x2e5: {  	[sflag:s19] =	ssyncset.done $0x0  }
0x2e6: {  	s26 =	simm.s32 $0x0;
	[sflag:s19] =	ssyncadd.s32 $0xFFFFE000  }
0x2e7: {  	v1 =	vld [tilespmem:s26+$0x14000];
	_ =	sdelay $0x4  }
0x2e8: {  	s24 =	simm.s32 $0x16040;
	v2 =	vshll.u32 v1, $0x10  }
0x2e9: {  	v1 =	vand.u32 $0xFFFF0000, v1;
	[tilespmem:s24+$0xFFFFFFC0] =	vst v2  }
0x2ea: {  	[tilespmem:s24+$0xFFFFFFD0] =	vst v1  }
0x2eb: {  	v1 =	vld [tilespmem:s26+$0x14010];
	_ =	sdelay $0x4  }
0x2ec: {  	v2 =	vshll.u32 v1, $0x10  }
0x2ed: {  	v1 =	vand.u32 $0xFFFF0000, v1;
	[tilespmem:s24+$0xFFFFFFE0] =	vst v2  }
0x2ee: {  	[tilespmem:s24+$0xFFFFFFF0] =	vst v1  }
0x2ef: {  	v1 =	vld [tilespmem:s26+$0x14020];
	_ =	sdelay $0x4  }
0x2f0: {  	v2 =	vand.u32 $0xFFFF0000, v1  }
0x2f1: {  	v1 =	vshll.u32 v1, $0x10;
	[tilespmem:s24+$0x10] =	vst v2  }
0x2f2: {  	[tilespmem:s24+$0x0] =	vst v1  }
0x2f3: {  	v1 =	vld [tilespmem:s26+$0x14030];
	_ =	sdelay $0x4  }
0x2f4: {  	v2 =	vshll.u32 v1, $0x10  }
0x2f5: {  	v1 =	vand.u32 $0xFFFF0000, v1;
	[tilespmem:s24+$0x20] =	vst v2  }
0x2f6: {  	s25 =	simm.s32 $0x40;
	[tilespmem:s24+$0x30] =	vst v1  }
0x2f7: {  	v1 =	vld [tilespmem:s25+$0x14000]  }
0x2f8: {  	s7 =	simm.s32 $0x200  }
.LBB2_25:
0x2f9: {  	p1 =	sne.s32 s7, $0x3F00;
	_ =	sdelay $0x2  }
0x2fa: {  	s24 =	sadd.s32 $0x80, s24;
	v2 =	vshll.u32 v1, $0x10  }
0x2fb: {  	v1 =	vand.u32 $0xFFFF0000, v1;
	[tilespmem:s24+$0xFFFFFFC0] =	vst v2  }
0x2fc: {  	[tilespmem:s24+$0xFFFFFFD0] =	vst v1  }
0x2fd: {  	v1 =	vld [tilespmem:s25+$0x14010];
	_ =	sdelay $0x4  }
0x2fe: {  	v2 =	vshll.u32 v1, $0x10  }
0x2ff: {  	v1 =	vand.u32 $0xFFFF0000, v1;
	[tilespmem:s24+$0xFFFFFFE0] =	vst v2  }
0x300: {  	[tilespmem:s24+$0xFFFFFFF0] =	vst v1  }
0x301: {  	v1 =	vld [tilespmem:s25+$0x14020];
	_ =	sdelay $0x4  }
0x302: {  	v2 =	vshll.u32 v1, $0x10;
	v1 =	vand.u32 $0xFFFF0000, v1  }
0x303: {  	[tilespmem:s24+$0x10] =	vst v1  }
0x304: {  	[tilespmem:s24+$0x0] =	vst v2  }
0x305: {  	v1 =	vld [tilespmem:s25+$0x14030];
	_ =	sdelay $0x4  }
.Ltmp11:
0x306: {  	v2 =	vshll.u32 v1, $0x10;
	v1 =	vand.u32 $0xFFFF0000, v1;
	(pc) =	sbr.rel @p1 .LBB2_25-.Ltmp11, $4  }
0x307: {  	[tilespmem:s24+$0x20] =	vst v2  }
0x308: {  	s25 =	sshra.s32 s7, $0x2;
	[tilespmem:s24+$0x30] =	vst v1  }
0x309: {  	v1 =	vld [tilespmem:s25+$0x14000]  }
0x30a: {  	s7 =	sadd.s32 $0x100, s7  }
0x30b: {  	_ =	sdelay $0x2  }
0x30c: {  	s7 =	sadd.s32 $0x80, s24;
	v2 =	vshll.u32 v1, $0x10  }
0x30d: {  	v1 =	vand.u32 $0xFFFF0000, v1;
	[tilespmem:s7+$0xFFFFFFC0] =	vst v2  }
0x30e: {  	[tilespmem:s7+$0xFFFFFFD0] =	vst v1  }
0x30f: {  	v1 =	vld [tilespmem:s25+$0x14010];
	_ =	sdelay $0x4  }
0x310: {  	v2 =	vshll.u32 v1, $0x10  }
0x311: {  	v1 =	vand.u32 $0xFFFF0000, v1;
	[tilespmem:s7+$0xFFFFFFE0] =	vst v2  }
0x312: {  	[tilespmem:s7+$0xFFFFFFF0] =	vst v1  }
0x313: {  	v1 =	vld [tilespmem:s25+$0x14020];
	_ =	sdelay $0x4  }
0x314: {  	v2 =	vand.u32 $0xFFFF0000, v1  }
0x315: {  	v1 =	vshll.u32 v1, $0x10;
	[tilespmem:s7+$0x10] =	vst v2  }
0x316: {  	[tilespmem:s7+$0x0] =	vst v1  }
0x317: {  	v1 =	vld [tilespmem:s25+$0x14030];
	_ =	sdelay $0x4  }
0x318: {  	v2 =	vshll.u32 v1, $0x10  }
0x319: {  	v1 =	vand.u32 $0xFFFF0000, v1;
	[tilespmem:s7+$0x20] =	vst v2  }
0x31a: {  	s24 =	simm.s32 $0x1A680;
	[tilespmem:s7+$0x30] =	vst v1  }
0x31b: {  	[spmem:s1] =	stream.indirect.scatter.add.f32 [tilespmem:s2], [sflag:$0x3], $0x80, s24, s8, $0xb8;
	[tilespmem:$0x1A800] =	vst v63  }
0x31c: {  	s25 =	simm.s32 $0x1A300  }
0x31d: {  	[tilespmem:s9], [sflag:$0x1] =	stream.indirect.gather [hbm4b:s14+s8], $0x40, s25, s8, $0xb8;
	[tilespmem:$0x1A800] =	vst v63  }
0x31e: {  	_ =	swait.ge [sflag:s13], $0x1000  }
0x31f: {  	[sflag:s13] =	ssyncset.done $0x0  }
0x320: {  	[sflag:s13] =	ssyncadd.s32 $0xFFFFF000  }
0x321: {  	_ =	swait.ge [sflag:s22], $0x2000  }
0x322: {  	[sflag:s22] =	ssyncset.done $0x0  }
0x323: {  	s26 =	simm.s32 $0x0;
	[sflag:s22] =	ssyncadd.s32 $0xFFFFE000  }
0x324: {  	v1 =	vld [tilespmem:s26+$0x15000];
	_ =	sdelay $0x4  }
0x325: {  	s24 =	simm.s32 $0x18040;
	v2 =	vshll.u32 v1, $0x10  }
0x326: {  	v1 =	vand.u32 $0xFFFF0000, v1;
	[tilespmem:s24+$0xFFFFFFC0] =	vst v2  }
0x327: {  	[tilespmem:s24+$0xFFFFFFD0] =	vst v1  }
0x328: {  	v1 =	vld [tilespmem:s26+$0x15010];
	_ =	sdelay $0x4  }
0x329: {  	v2 =	vshll.u32 v1, $0x10  }
0x32a: {  	v1 =	vand.u32 $0xFFFF0000, v1;
	[tilespmem:s24+$0xFFFFFFE0] =	vst v2  }
0x32b: {  	[tilespmem:s24+$0xFFFFFFF0] =	vst v1  }
0x32c: {  	v1 =	vld [tilespmem:s26+$0x15020];
	_ =	sdelay $0x4  }
0x32d: {  	v2 =	vand.u32 $0xFFFF0000, v1  }
0x32e: {  	v1 =	vshll.u32 v1, $0x10;
	[tilespmem:s24+$0x10] =	vst v2  }
0x32f: {  	[tilespmem:s24+$0x0] =	vst v1  }
0x330: {  	v1 =	vld [tilespmem:s26+$0x15030];
	_ =	sdelay $0x4  }
0x331: {  	v2 =	vshll.u32 v1, $0x10  }
0x332: {  	v1 =	vand.u32 $0xFFFF0000, v1;
	[tilespmem:s24+$0x20] =	vst v2  }
0x333: {  	s25 =	simm.s32 $0x40;
	[tilespmem:s24+$0x30] =	vst v1  }
0x334: {  	v1 =	vld [tilespmem:s25+$0x15000]  }
0x335: {  	s7 =	simm.s32 $0x200  }
.LBB2_27:
0x336: {  	p1 =	sne.s32 s7, $0x3F00;
	_ =	sdelay $0x2  }
0x337: {  	s24 =	sadd.s32 $0x80, s24;
	v2 =	vshll.u32 v1, $0x10  }
0x338: {  	v1 =	vand.u32 $0xFFFF0000, v1;
	[tilespmem:s24+$0xFFFFFFC0] =	vst v2  }
0x339: {  	[tilespmem:s24+$0xFFFFFFD0] =	vst v1  }
0x33a: {  	v1 =	vld [tilespmem:s25+$0x15010];
	_ =	sdelay $0x4  }
0x33b: {  	v2 =	vshll.u32 v1, $0x10  }
0x33c: {  	v1 =	vand.u32 $0xFFFF0000, v1;
	[tilespmem:s24+$0xFFFFFFE0] =	vst v2  }
0x33d: {  	[tilespmem:s24+$0xFFFFFFF0] =	vst v1  }
0x33e: {  	v1 =	vld [tilespmem:s25+$0x15020];
	_ =	sdelay $0x4  }
0x33f: {  	v2 =	vshll.u32 v1, $0x10;
	v1 =	vand.u32 $0xFFFF0000, v1  }
0x340: {  	[tilespmem:s24+$0x10] =	vst v1  }
0x341: {  	[tilespmem:s24+$0x0] =	vst v2  }
0x342: {  	v1 =	vld [tilespmem:s25+$0x15030];
	_ =	sdelay $0x4  }
.Ltmp12:
0x343: {  	v2 =	vshll.u32 v1, $0x10;
	v1 =	vand.u32 $0xFFFF0000, v1;
	(pc) =	sbr.rel @p1 .LBB2_27-.Ltmp12, $4  }
0x344: {  	[tilespmem:s24+$0x20] =	vst v2  }
0x345: {  	s25 =	sshra.s32 s7, $0x2;
	[tilespmem:s24+$0x30] =	vst v1  }
0x346: {  	v1 =	vld [tilespmem:s25+$0x15000]  }
0x347: {  	s7 =	sadd.s32 $0x100, s7  }
0x348: {  	_ =	sdelay $0x2  }
0x349: {  	s7 =	sadd.s32 $0x80, s24;
	v2 =	vshll.u32 v1, $0x10  }
0x34a: {  	v1 =	vand.u32 $0xFFFF0000, v1;
	[tilespmem:s7+$0xFFFFFFC0] =	vst v2  }
0x34b: {  	[tilespmem:s7+$0xFFFFFFD0] =	vst v1  }
0x34c: {  	v1 =	vld [tilespmem:s25+$0x15010];
	_ =	sdelay $0x4  }
0x34d: {  	v2 =	vshll.u32 v1, $0x10  }
0x34e: {  	v1 =	vand.u32 $0xFFFF0000, v1;
	[tilespmem:s7+$0xFFFFFFE0] =	vst v2  }
0x34f: {  	[tilespmem:s7+$0xFFFFFFF0] =	vst v1  }
0x350: {  	v1 =	vld [tilespmem:s25+$0x15020];
	_ =	sdelay $0x4  }
0x351: {  	v2 =	vand.u32 $0xFFFF0000, v1  }
0x352: {  	v1 =	vshll.u32 v1, $0x10;
	[tilespmem:s7+$0x10] =	vst v2  }
0x353: {  	[tilespmem:s7+$0x0] =	vst v1  }
0x354: {  	v1 =	vld [tilespmem:s25+$0x15030];
	_ =	sdelay $0x4  }
0x355: {  	v2 =	vshll.u32 v1, $0x10  }
0x356: {  	v1 =	vand.u32 $0xFFFF0000, v1;
	[tilespmem:s7+$0x20] =	vst v2  }
0x357: {  	s24 =	simm.s32 $0x1A6C0;
	[tilespmem:s7+$0x30] =	vst v1  }
0x358: {  	[spmem:s1] =	stream.indirect.scatter.add.f32 [tilespmem:s29], [sflag:$0x4], $0x80, s24, s8, $0xb8;
	[tilespmem:$0x1A800] =	vst v63  }
0x359: {  	s25 =	simm.s32 $0x1A340  }
0x35a: {  	[tilespmem:s10], [sflag:$0x2] =	stream.indirect.gather [hbm4b:s14+s8], $0x40, s25, s8, $0xb8;
	[tilespmem:$0x1A800] =	vst v63  }
0x35b: {  	_ =	swait.ge [sflag:s11], $0x1000  }
0x35c: {  	[sflag:s11] =	ssyncset.done $0x0  }
0x35d: {  	[sflag:s11] =	ssyncadd.s32 $0xFFFFF000  }
0x35e: {  	_ =	swait.ge [sflag:s19], $0x2000  }
0x35f: {  	[sflag:s19] =	ssyncset.done $0x0  }
0x360: {  	s26 =	simm.s32 $0x0;
	[sflag:s19] =	ssyncadd.s32 $0xFFFFE000  }
0x361: {  	v1 =	vld [tilespmem:s26+$0x14000];
	_ =	sdelay $0x4  }
0x362: {  	s24 =	simm.s32 $0x16040;
	v2 =	vshll.u32 v1, $0x10  }
0x363: {  	v1 =	vand.u32 $0xFFFF0000, v1;
	[tilespmem:s24+$0xFFFFFFC0] =	vst v2  }
0x364: {  	[tilespmem:s24+$0xFFFFFFD0] =	vst v1  }
0x365: {  	v1 =	vld [tilespmem:s26+$0x14010];
	_ =	sdelay $0x4  }
0x366: {  	v2 =	vshll.u32 v1, $0x10  }
0x367: {  	v1 =	vand.u32 $0xFFFF0000, v1;
	[tilespmem:s24+$0xFFFFFFE0] =	vst v2  }
0x368: {  	[tilespmem:s24+$0xFFFFFFF0] =	vst v1  }
0x369: {  	v1 =	vld [tilespmem:s26+$0x14020];
	_ =	sdelay $0x4  }
0x36a: {  	v2 =	vand.u32 $0xFFFF0000, v1  }
0x36b: {  	v1 =	vshll.u32 v1, $0x10;
	[tilespmem:s24+$0x10] =	vst v2  }
0x36c: {  	[tilespmem:s24+$0x0] =	vst v1  }
0x36d: {  	v1 =	vld [tilespmem:s26+$0x14030];
	_ =	sdelay $0x4  }
0x36e: {  	v2 =	vshll.u32 v1, $0x10  }
0x36f: {  	v1 =	vand.u32 $0xFFFF0000, v1;
	[tilespmem:s24+$0x20] =	vst v2  }
0x370: {  	s25 =	simm.s32 $0x40;
	[tilespmem:s24+$0x30] =	vst v1  }
0x371: {  	v1 =	vld [tilespmem:s25+$0x14000]  }
0x372: {  	s7 =	simm.s32 $0x200  }
.LBB2_29:
0x373: {  	p1 =	sne.s32 s7, $0x3F00;
	_ =	sdelay $0x2  }
0x374: {  	s24 =	sadd.s32 $0x80, s24;
	v2 =	vshll.u32 v1, $0x10  }
0x375: {  	v1 =	vand.u32 $0xFFFF0000, v1;
	[tilespmem:s24+$0xFFFFFFC0] =	vst v2  }
0x376: {  	[tilespmem:s24+$0xFFFFFFD0] =	vst v1  }
0x377: {  	v1 =	vld [tilespmem:s25+$0x14010];
	_ =	sdelay $0x4  }
0x378: {  	v2 =	vshll.u32 v1, $0x10  }
0x379: {  	v1 =	vand.u32 $0xFFFF0000, v1;
	[tilespmem:s24+$0xFFFFFFE0] =	vst v2  }
0x37a: {  	[tilespmem:s24+$0xFFFFFFF0] =	vst v1  }
0x37b: {  	v1 =	vld [tilespmem:s25+$0x14020];
	_ =	sdelay $0x4  }
0x37c: {  	v2 =	vshll.u32 v1, $0x10;
	v1 =	vand.u32 $0xFFFF0000, v1  }
0x37d: {  	[tilespmem:s24+$0x10] =	vst v1  }
0x37e: {  	[tilespmem:s24+$0x0] =	vst v2  }
0x37f: {  	v1 =	vld [tilespmem:s25+$0x14030];
	_ =	sdelay $0x4  }
.Ltmp13:
0x380: {  	v2 =	vshll.u32 v1, $0x10;
	v1 =	vand.u32 $0xFFFF0000, v1;
	(pc) =	sbr.rel @p1 .LBB2_29-.Ltmp13, $4  }
0x381: {  	[tilespmem:s24+$0x20] =	vst v2  }
0x382: {  	s25 =	sshra.s32 s7, $0x2;
	[tilespmem:s24+$0x30] =	vst v1  }
0x383: {  	v1 =	vld [tilespmem:s25+$0x14000]  }
0x384: {  	s7 =	sadd.s32 $0x100, s7  }
0x385: {  	_ =	sdelay $0x2  }
0x386: {  	s7 =	sadd.s32 $0x80, s24;
	v2 =	vshll.u32 v1, $0x10  }
0x387: {  	v1 =	vand.u32 $0xFFFF0000, v1;
	[tilespmem:s7+$0xFFFFFFC0] =	vst v2  }
0x388: {  	[tilespmem:s7+$0xFFFFFFD0] =	vst v1  }
0x389: {  	v1 =	vld [tilespmem:s25+$0x14010];
	_ =	sdelay $0x4  }
0x38a: {  	v2 =	vshll.u32 v1, $0x10  }
0x38b: {  	v1 =	vand.u32 $0xFFFF0000, v1;
	[tilespmem:s7+$0xFFFFFFE0] =	vst v2  }
0x38c: {  	[tilespmem:s7+$0xFFFFFFF0] =	vst v1  }
0x38d: {  	v1 =	vld [tilespmem:s25+$0x14020];
	_ =	sdelay $0x4  }
0x38e: {  	v2 =	vand.u32 $0xFFFF0000, v1  }
0x38f: {  	v1 =	vshll.u32 v1, $0x10;
	[tilespmem:s7+$0x10] =	vst v2  }
0x390: {  	[tilespmem:s7+$0x0] =	vst v1  }
0x391: {  	v1 =	vld [tilespmem:s25+$0x14030];
	_ =	sdelay $0x4  }
0x392: {  	v2 =	vshll.u32 v1, $0x10  }
0x393: {  	v1 =	vand.u32 $0xFFFF0000, v1;
	[tilespmem:s7+$0x20] =	vst v2  }
0x394: {  	[tilespmem:s7+$0x30] =	vst v1  }
0x395: {  	[spmem:s1] =	stream.indirect.scatter.add.f32 [tilespmem:s2], [sflag:$0x3], $0x80, s3, s8, $0xb8;
	[tilespmem:$0x1A800] =	vst v63  }
0x396: {  	_ = 	snop  }
0x397: {  	[tilespmem:s9], [sflag:$0x1] =	stream.indirect.gather [hbm4b:s14+s8], $0x40, s5, s8, $0xb8;
	[tilespmem:$0x1A800] =	vst v63  }
0x398: {  	_ =	swait.ge [sflag:s13], $0x1000  }
0x399: {  	[sflag:s13] =	ssyncset.done $0x0  }
0x39a: {  	[sflag:s13] =	ssyncadd.s32 $0xFFFFF000  }
0x39b: {  	_ =	swait.ge [sflag:s22], $0x2000  }
0x39c: {  	[sflag:s22] =	ssyncset.done $0x0  }
0x39d: {  	s26 =	simm.s32 $0x0;
	[sflag:s22] =	ssyncadd.s32 $0xFFFFE000  }
0x39e: {  	v1 =	vld [tilespmem:s26+$0x15000];
	_ =	sdelay $0x4  }
0x39f: {  	s24 =	simm.s32 $0x18040;
	v2 =	vshll.u32 v1, $0x10  }
0x3a0: {  	v1 =	vand.u32 $0xFFFF0000, v1;
	[tilespmem:s24+$0xFFFFFFC0] =	vst v2  }
0x3a1: {  	[tilespmem:s24+$0xFFFFFFD0] =	vst v1  }
0x3a2: {  	v1 =	vld [tilespmem:s26+$0x15010];
	_ =	sdelay $0x4  }
0x3a3: {  	v2 =	vshll.u32 v1, $0x10  }
0x3a4: {  	v1 =	vand.u32 $0xFFFF0000, v1;
	[tilespmem:s24+$0xFFFFFFE0] =	vst v2  }
0x3a5: {  	[tilespmem:s24+$0xFFFFFFF0] =	vst v1  }
0x3a6: {  	v1 =	vld [tilespmem:s26+$0x15020];
	_ =	sdelay $0x4  }
0x3a7: {  	v2 =	vand.u32 $0xFFFF0000, v1  }
0x3a8: {  	v1 =	vshll.u32 v1, $0x10;
	[tilespmem:s24+$0x10] =	vst v2  }
0x3a9: {  	[tilespmem:s24+$0x0] =	vst v1  }
0x3aa: {  	v1 =	vld [tilespmem:s26+$0x15030];
	_ =	sdelay $0x4  }
0x3ab: {  	v2 =	vshll.u32 v1, $0x10  }
0x3ac: {  	v1 =	vand.u32 $0xFFFF0000, v1;
	[tilespmem:s24+$0x20] =	vst v2  }
0x3ad: {  	s25 =	simm.s32 $0x40;
	[tilespmem:s24+$0x30] =	vst v1  }
0x3ae: {  	v1 =	vld [tilespmem:s25+$0x15000]  }
0x3af: {  	s7 =	simm.s32 $0x200  }
.LBB2_31:
0x3b0: {  	p1 =	sne.s32 s7, $0x3F00;
	_ =	sdelay $0x2  }
0x3b1: {  	s24 =	sadd.s32 $0x80, s24;
	v2 =	vshll.u32 v1, $0x10  }
0x3b2: {  	v1 =	vand.u32 $0xFFFF0000, v1;
	[tilespmem:s24+$0xFFFFFFC0] =	vst v2  }
0x3b3: {  	[tilespmem:s24+$0xFFFFFFD0] =	vst v1  }
0x3b4: {  	v1 =	vld [tilespmem:s25+$0x15010];
	_ =	sdelay $0x4  }
0x3b5: {  	v2 =	vshll.u32 v1, $0x10  }
0x3b6: {  	v1 =	vand.u32 $0xFFFF0000, v1;
	[tilespmem:s24+$0xFFFFFFE0] =	vst v2  }
0x3b7: {  	[tilespmem:s24+$0xFFFFFFF0] =	vst v1  }
0x3b8: {  	v1 =	vld [tilespmem:s25+$0x15020];
	_ =	sdelay $0x4  }
0x3b9: {  	v2 =	vshll.u32 v1, $0x10;
	v1 =	vand.u32 $0xFFFF0000, v1  }
0x3ba: {  	[tilespmem:s24+$0x10] =	vst v1  }
0x3bb: {  	[tilespmem:s24+$0x0] =	vst v2  }
0x3bc: {  	v1 =	vld [tilespmem:s25+$0x15030];
	_ =	sdelay $0x4  }
.Ltmp14:
0x3bd: {  	v2 =	vshll.u32 v1, $0x10;
	v1 =	vand.u32 $0xFFFF0000, v1;
	(pc) =	sbr.rel @p1 .LBB2_31-.Ltmp14, $4  }
0x3be: {  	[tilespmem:s24+$0x20] =	vst v2  }
0x3bf: {  	s25 =	sshra.s32 s7, $0x2;
	[tilespmem:s24+$0x30] =	vst v1  }
0x3c0: {  	v1 =	vld [tilespmem:s25+$0x15000]  }
0x3c1: {  	s7 =	sadd.s32 $0x100, s7  }
0x3c2: {  	_ =	sdelay $0x2  }
0x3c3: {  	s7 =	sadd.s32 $0x80, s24;
	v2 =	vshll.u32 v1, $0x10  }
0x3c4: {  	v1 =	vand.u32 $0xFFFF0000, v1;
	[tilespmem:s7+$0xFFFFFFC0] =	vst v2  }
0x3c5: {  	[tilespmem:s7+$0xFFFFFFD0] =	vst v1  }
0x3c6: {  	v1 =	vld [tilespmem:s25+$0x15010];
	_ =	sdelay $0x4  }
0x3c7: {  	v2 =	vshll.u32 v1, $0x10  }
0x3c8: {  	v1 =	vand.u32 $0xFFFF0000, v1;
	[tilespmem:s7+$0xFFFFFFE0] =	vst v2  }
0x3c9: {  	[tilespmem:s7+$0xFFFFFFF0] =	vst v1  }
0x3ca: {  	v1 =	vld [tilespmem:s25+$0x15020];
	_ =	sdelay $0x4  }
0x3cb: {  	v2 =	vand.u32 $0xFFFF0000, v1  }
0x3cc: {  	v1 =	vshll.u32 v1, $0x10;
	[tilespmem:s7+$0x10] =	vst v2  }
0x3cd: {  	[tilespmem:s7+$0x0] =	vst v1  }
0x3ce: {  	v1 =	vld [tilespmem:s25+$0x15030];
	_ =	sdelay $0x4  }
0x3cf: {  	v2 =	vshll.u32 v1, $0x10  }
0x3d0: {  	v1 =	vand.u32 $0xFFFF0000, v1;
	[tilespmem:s7+$0x20] =	vst v2  }
0x3d1: {  	[tilespmem:s7+$0x30] =	vst v1  }
0x3d2: {  	[spmem:s1] =	stream.indirect.scatter.add.f32 [tilespmem:s29], [sflag:$0x4], $0x80, s28, s8, $0xb8;
	[tilespmem:$0x1A800] =	vst v63  }
0x3d3: {  	_ = 	snop  }
0x3d4: {  	[tilespmem:s10], [sflag:$0x2] =	stream.indirect.gather [hbm4b:s14+s8], $0x40, s18, s8, $0xb8;
	[tilespmem:$0x1A800] =	vst v63  }
0x3d5: {  	_ =	swait.ge [sflag:s11], $0x1000  }
0x3d6: {  	[sflag:s11] =	ssyncset.done $0x0  }
0x3d7: {  	[sflag:s11] =	ssyncadd.s32 $0xFFFFF000  }
0x3d8: {  	_ =	swait.ge [sflag:s19], $0x2000  }
0x3d9: {  	[sflag:s19] =	ssyncset.done $0x0  }
0x3da: {  	s26 =	simm.s32 $0x0;
	[sflag:s19] =	ssyncadd.s32 $0xFFFFE000  }
0x3db: {  	v1 =	vld [tilespmem:s26+$0x14000];
	_ =	sdelay $0x4  }
0x3dc: {  	s24 =	simm.s32 $0x16040;
	v2 =	vshll.u32 v1, $0x10  }
0x3dd: {  	v1 =	vand.u32 $0xFFFF0000, v1;
	[tilespmem:s24+$0xFFFFFFC0] =	vst v2  }
0x3de: {  	[tilespmem:s24+$0xFFFFFFD0] =	vst v1  }
0x3df: {  	v1 =	vld [tilespmem:s26+$0x14010];
	_ =	sdelay $0x4  }
0x3e0: {  	v2 =	vshll.u32 v1, $0x10  }
0x3e1: {  	v1 =	vand.u32 $0xFFFF0000, v1;
	[tilespmem:s24+$0xFFFFFFE0] =	vst v2  }
0x3e2: {  	[tilespmem:s24+$0xFFFFFFF0] =	vst v1  }
0x3e3: {  	v1 =	vld [tilespmem:s26+$0x14020];
	_ =	sdelay $0x4  }
0x3e4: {  	v2 =	vand.u32 $0xFFFF0000, v1  }
0x3e5: {  	v1 =	vshll.u32 v1, $0x10;
	[tilespmem:s24+$0x10] =	vst v2  }
0x3e6: {  	[tilespmem:s24+$0x0] =	vst v1  }
0x3e7: {  	v1 =	vld [tilespmem:s26+$0x14030];
	_ =	sdelay $0x4  }
0x3e8: {  	v2 =	vshll.u32 v1, $0x10  }
0x3e9: {  	v1 =	vand.u32 $0xFFFF0000, v1;
	[tilespmem:s24+$0x20] =	vst v2  }
0x3ea: {  	s25 =	simm.s32 $0x40;
	[tilespmem:s24+$0x30] =	vst v1  }
0x3eb: {  	v1 =	vld [tilespmem:s25+$0x14000]  }
0x3ec: {  	s7 =	simm.s32 $0x200  }
.LBB2_33:
0x3ed: {  	p1 =	sne.s32 s7, $0x3F00;
	_ =	sdelay $0x2  }
0x3ee: {  	s24 =	sadd.s32 $0x80, s24;
	v2 =	vshll.u32 v1, $0x10  }
0x3ef: {  	v1 =	vand.u32 $0xFFFF0000, v1;
	[tilespmem:s24+$0xFFFFFFC0] =	vst v2  }
0x3f0: {  	[tilespmem:s24+$0xFFFFFFD0] =	vst v1  }
0x3f1: {  	v1 =	vld [tilespmem:s25+$0x14010];
	_ =	sdelay $0x4  }
0x3f2: {  	v2 =	vshll.u32 v1, $0x10  }
0x3f3: {  	v1 =	vand.u32 $0xFFFF0000, v1;
	[tilespmem:s24+$0xFFFFFFE0] =	vst v2  }
0x3f4: {  	[tilespmem:s24+$0xFFFFFFF0] =	vst v1  }
0x3f5: {  	v1 =	vld [tilespmem:s25+$0x14020];
	_ =	sdelay $0x4  }
0x3f6: {  	v2 =	vshll.u32 v1, $0x10;
	v1 =	vand.u32 $0xFFFF0000, v1  }
0x3f7: {  	[tilespmem:s24+$0x10] =	vst v1  }
0x3f8: {  	[tilespmem:s24+$0x0] =	vst v2  }
0x3f9: {  	v1 =	vld [tilespmem:s25+$0x14030];
	_ =	sdelay $0x4  }
.Ltmp15:
0x3fa: {  	v2 =	vshll.u32 v1, $0x10;
	v1 =	vand.u32 $0xFFFF0000, v1;
	(pc) =	sbr.rel @p1 .LBB2_33-.Ltmp15, $4  }
0x3fb: {  	[tilespmem:s24+$0x20] =	vst v2  }
0x3fc: {  	s25 =	sshra.s32 s7, $0x2;
	[tilespmem:s24+$0x30] =	vst v1  }
0x3fd: {  	v1 =	vld [tilespmem:s25+$0x14000]  }
0x3fe: {  	s7 =	sadd.s32 $0x100, s7  }
0x3ff: {  	_ =	sdelay $0x2  }
0x400: {  	s7 =	sadd.s32 $0x80, s24;
	v2 =	vshll.u32 v1, $0x10  }
0x401: {  	v1 =	vand.u32 $0xFFFF0000, v1;
	[tilespmem:s7+$0xFFFFFFC0] =	vst v2  }
0x402: {  	[tilespmem:s7+$0xFFFFFFD0] =	vst v1  }
0x403: {  	v1 =	vld [tilespmem:s25+$0x14010];
	_ =	sdelay $0x4  }
0x404: {  	v2 =	vshll.u32 v1, $0x10  }
0x405: {  	v1 =	vand.u32 $0xFFFF0000, v1;
	[tilespmem:s7+$0xFFFFFFE0] =	vst v2  }
0x406: {  	[tilespmem:s7+$0xFFFFFFF0] =	vst v1  }
0x407: {  	v1 =	vld [tilespmem:s25+$0x14020];
	_ =	sdelay $0x4  }
0x408: {  	v2 =	vand.u32 $0xFFFF0000, v1  }
0x409: {  	v1 =	vshll.u32 v1, $0x10;
	[tilespmem:s7+$0x10] =	vst v2  }
0x40a: {  	[tilespmem:s7+$0x0] =	vst v1  }
0x40b: {  	v1 =	vld [tilespmem:s25+$0x14030];
	_ =	sdelay $0x4  }
0x40c: {  	v2 =	vshll.u32 v1, $0x10  }
0x40d: {  	v1 =	vand.u32 $0xFFFF0000, v1;
	[tilespmem:s7+$0x20] =	vst v2  }
0x40e: {  	[tilespmem:s7+$0x30] =	vst v1;
	s7 =	simm.s32 @!p0 $0x5  }
0x40f: {  	[spmem:s1] =	stream.indirect.scatter.add.f32 [tilespmem:s2], [sflag:$0x3], $0x80, s20, s8, $0xb8;
	[tilespmem:$0x1A800] =	vst v63  }
0x410: {  	_ =	swait.ge @!p0 [sflag:s7], $0x200  }
0x411: {  	[sflag:s7] =	ssyncset.done @!p0 $0x0  }
0x412: {  	[sflag:s7] =	ssyncadd.s32 @!p0 $0xFFFFFE00  }
0x413: {  	_ =	swait.ge @!p0 [sflag:s7], $0x200  }
0x414: {  	s24 =	simm.s32 @!p0 $0x1A000;
	[sflag:s7] =	ssyncset.done @!p0 $0x0  }
0x415: {  	s25 =	simm.s32 @!p0 $0x14000;
	[sflag:s7] =	ssyncadd.s32 @!p0 $0xFFFFFE00;
	s7 =	simm.s32 @!p0 $0x40  }
0x416: {  	[tilespmem:s25], [sflag:$0x1] =	stream.indirect.gather @!p0 [hbm4b:s14+s7], $0x40, s24, s7, $0xb8;
	[tilespmem:$0x1A800] =	vst v63  }
0x417: {  	_ =	swait.ge [sflag:s13], $0x1000  }
0x418: {  	[sflag:s13] =	ssyncset.done $0x0  }
0x419: {  	[sflag:s13] =	ssyncadd.s32 $0xFFFFF000  }
0x41a: {  	_ =	swait.ge [sflag:s22], $0x2000  }
0x41b: {  	[sflag:s22] =	ssyncset.done $0x0  }
0x41c: {  	s26 =	simm.s32 $0x0;
	[sflag:s22] =	ssyncadd.s32 $0xFFFFE000  }
0x41d: {  	v1 =	vld [tilespmem:s26+$0x15000];
	_ =	sdelay $0x4  }
0x41e: {  	s24 =	simm.s32 $0x18040;
	v2 =	vshll.u32 v1, $0x10  }
0x41f: {  	v1 =	vand.u32 $0xFFFF0000, v1;
	[tilespmem:s24+$0xFFFFFFC0] =	vst v2  }
0x420: {  	[tilespmem:s24+$0xFFFFFFD0] =	vst v1  }
0x421: {  	v1 =	vld [tilespmem:s26+$0x15010];
	_ =	sdelay $0x4  }
0x422: {  	v2 =	vshll.u32 v1, $0x10  }
0x423: {  	v1 =	vand.u32 $0xFFFF0000, v1;
	[tilespmem:s24+$0xFFFFFFE0] =	vst v2  }
0x424: {  	[tilespmem:s24+$0xFFFFFFF0] =	vst v1  }
0x425: {  	v1 =	vld [tilespmem:s26+$0x15020];
	_ =	sdelay $0x4  }
0x426: {  	v2 =	vand.u32 $0xFFFF0000, v1  }
0x427: {  	v1 =	vshll.u32 v1, $0x10;
	[tilespmem:s24+$0x10] =	vst v2  }
0x428: {  	[tilespmem:s24+$0x0] =	vst v1  }
0x429: {  	v1 =	vld [tilespmem:s26+$0x15030];
	_ =	sdelay $0x4  }
0x42a: {  	v2 =	vshll.u32 v1, $0x10  }
0x42b: {  	v1 =	vand.u32 $0xFFFF0000, v1;
	[tilespmem:s24+$0x20] =	vst v2  }
0x42c: {  	s25 =	simm.s32 $0x40;
	[tilespmem:s24+$0x30] =	vst v1  }
0x42d: {  	v1 =	vld [tilespmem:s25+$0x15000]  }
0x42e: {  	s7 =	simm.s32 $0x200  }
.LBB2_35:
0x42f: {  	p0 =	sne.s32 s7, $0x3F00;
	_ =	sdelay $0x2  }
0x430: {  	s24 =	sadd.s32 $0x80, s24;
	v2 =	vshll.u32 v1, $0x10  }
0x431: {  	v1 =	vand.u32 $0xFFFF0000, v1;
	[tilespmem:s24+$0xFFFFFFC0] =	vst v2  }
0x432: {  	[tilespmem:s24+$0xFFFFFFD0] =	vst v1  }
0x433: {  	v1 =	vld [tilespmem:s25+$0x15010];
	_ =	sdelay $0x4  }
0x434: {  	v2 =	vshll.u32 v1, $0x10  }
0x435: {  	v1 =	vand.u32 $0xFFFF0000, v1;
	[tilespmem:s24+$0xFFFFFFE0] =	vst v2  }
0x436: {  	[tilespmem:s24+$0xFFFFFFF0] =	vst v1  }
0x437: {  	v1 =	vld [tilespmem:s25+$0x15020];
	_ =	sdelay $0x4  }
0x438: {  	v2 =	vshll.u32 v1, $0x10;
	v1 =	vand.u32 $0xFFFF0000, v1  }
0x439: {  	[tilespmem:s24+$0x10] =	vst v1  }
0x43a: {  	[tilespmem:s24+$0x0] =	vst v2  }
0x43b: {  	v1 =	vld [tilespmem:s25+$0x15030];
	_ =	sdelay $0x4  }
.Ltmp16:
0x43c: {  	v2 =	vshll.u32 v1, $0x10;
	v1 =	vand.u32 $0xFFFF0000, v1;
	(pc) =	sbr.rel @p0 .LBB2_35-.Ltmp16, $4  }
0x43d: {  	[tilespmem:s24+$0x20] =	vst v2  }
0x43e: {  	s25 =	sshra.s32 s7, $0x2;
	[tilespmem:s24+$0x30] =	vst v1  }
0x43f: {  	v1 =	vld [tilespmem:s25+$0x15000]  }
0x440: {  	s7 =	sadd.s32 $0x100, s7  }
0x441: {  	_ =	sdelay $0x2  }
0x442: {  	s7 =	sadd.s32 $0x80, s24;
	v2 =	vshll.u32 v1, $0x10  }
0x443: {  	v1 =	vand.u32 $0xFFFF0000, v1;
	[tilespmem:s7+$0xFFFFFFC0] =	vst v2  }
0x444: {  	[tilespmem:s7+$0xFFFFFFD0] =	vst v1  }
0x445: {  	v1 =	vld [tilespmem:s25+$0x15010];
	_ =	sdelay $0x4  }
0x446: {  	v2 =	vshll.u32 v1, $0x10  }
0x447: {  	v1 =	vand.u32 $0xFFFF0000, v1;
	[tilespmem:s7+$0xFFFFFFE0] =	vst v2  }
0x448: {  	[tilespmem:s7+$0xFFFFFFF0] =	vst v1  }
0x449: {  	v1 =	vld [tilespmem:s25+$0x15020];
	_ =	sdelay $0x4  }
0x44a: {  	v2 =	vand.u32 $0xFFFF0000, v1  }
0x44b: {  	v1 =	vshll.u32 v1, $0x10;
	[tilespmem:s7+$0x10] =	vst v2  }
0x44c: {  	[tilespmem:s7+$0x0] =	vst v1  }
0x44d: {  	v1 =	vld [tilespmem:s25+$0x15030];
	_ =	sdelay $0x1  }
0x44e: {  	s23 =	sadd.s32 $0x1, s23  }
0x44f: {  	p0 =	sne.s32 s23, $0xA  }
.Ltmp17:
0x450: {  	_ = 	snop;
	(pc) =	sbr.rel @p0 .LBB2_4-.Ltmp17, $4  }
0x451: {  	v2 =	vshll.u32 v1, $0x10  }
0x452: {  	v1 =	vand.u32 $0xFFFF0000, v1;
	[tilespmem:s7+$0x20] =	vst v2  }
0x453: {  	[tilespmem:s7+$0x30] =	vst v1  }
0x454: {  	[spmem:s1] =	stream.indirect.scatter.add.f32 [tilespmem:s29], [sflag:$0x4], $0x80, s21, s8, $0xb8;
	[tilespmem:$0x1A800] =	vst v63  }
0x455: {  	_ =	swait.ge [sflag:s19], $0x2000  }
0x456: {  	[sflag:s19] =	ssyncset.done $0x0  }
0x457: {  	[sflag:s19] =	ssyncadd.s32 $0xFFFFE000  }
0x458: {  	_ =	swait.ge [sflag:s22], $0x2000  }
0x459: {  	[sflag:s22] =	ssyncset.done $0x0  }
0x45a: {  	[sflag:s22] =	ssyncadd.s32 $0xFFFFE000  }
0x45b: {  	[bflag:$0x0] =	sbarrier.arrive $0xFFFF  }
0x45c: {  	s24 =	rddreg [dreg:$0xe]  }
0x45d: {  	[tilespmem:s2], [sflag:$0x7] =	stream.linear.gather [spmem:s24], $0x2000, $0x38;
	[tilespmem:$0x1A800] =	vst v63  }
0x45e: {  	_ =	swait.ge [sflag:s4], $0x2000  }
0x45f: {  	[sflag:s4] =	ssyncset.done $0x0  }
0x460: {  	s7 =	simm.s32 $0x0;
	s23 =	rddreg [dreg:$0x4];
	[sflag:s4] =	ssyncadd.s32 $0xFFFFE000  }
0x461: {  	[hbm4b:s23+s7] =	stream.linear.scatter [tilespmem:s2], [sflag:$0x7], $0x2000, $0x38;
	[tilespmem:$0x1A800] =	vst v63  }
0x462: {  	_ =	swait.ge [sflag:s4], $0x2000  }
0x463: {  	[sflag:s4] =	ssyncset.done $0x0  }
0x464: {  	s25 =	rddreg [dreg:$0xf];
	[sflag:s4] =	ssyncadd.s32 $0xFFFFE000  }
0x465: {  	[tilespmem:s2], [sflag:$0x7] =	stream.linear.gather [spmem:s25], $0x2000, $0x38;
	[tilespmem:$0x1A800] =	vst v63  }
0x466: {  	_ =	swait.ge [sflag:s4], $0x2000  }
0x467: {  	[sflag:s4] =	ssyncset.done $0x0  }
0x468: {  	s26 =	rddreg [dreg:$0x5];
	[sflag:s4] =	ssyncadd.s32 $0xFFFFE000  }
0x469: {  	[hbm4b:s26+s7] =	stream.linear.scatter [tilespmem:s2], [sflag:$0x7], $0x2000, $0x38;
	[tilespmem:$0x1A800] =	vst v63  }
0x46a: {  	_ =	swait.ge [sflag:s4], $0x2000  }
0x46b: {  	[sflag:s4] =	ssyncset.done $0x0  }
0x46c: {  	s26 =	rddreg [dreg:$0x10];
	[sflag:s4] =	ssyncadd.s32 $0xFFFFE000  }
0x46d: {  	[tilespmem:s2], [sflag:$0x7] =	stream.linear.gather [spmem:s26], $0x2000, $0x38;
	[tilespmem:$0x1A800] =	vst v63  }
0x46e: {  	_ =	swait.ge [sflag:s4], $0x2000  }
0x46f: {  	[sflag:s4] =	ssyncset.done $0x0  }
0x470: {  	s26 =	rddreg [dreg:$0x6];
	[sflag:s4] =	ssyncadd.s32 $0xFFFFE000  }
0x471: {  	[hbm4b:s26+s7] =	stream.linear.scatter [tilespmem:s2], [sflag:$0x7], $0x2000, $0x38;
	[tilespmem:$0x1A800] =	vst v63  }
0x472: {  	_ =	swait.ge [sflag:s4], $0x2000  }
0x473: {  	[sflag:s4] =	ssyncset.done $0x0  }
0x474: {  	s26 =	rddreg [dreg:$0x11];
	[sflag:s4] =	ssyncadd.s32 $0xFFFFE000  }
0x475: {  	[tilespmem:s2], [sflag:$0x7] =	stream.linear.gather [spmem:s26], $0x2000, $0x38;
	[tilespmem:$0x1A800] =	vst v63  }
0x476: {  	_ =	swait.ge [sflag:s4], $0x2000  }
0x477: {  	[sflag:s4] =	ssyncset.done $0x0  }
0x478: {  	s26 =	rddreg [dreg:$0x7];
	[sflag:s4] =	ssyncadd.s32 $0xFFFFE000  }
0x479: {  	[hbm4b:s26+s7] =	stream.linear.scatter [tilespmem:s2], [sflag:$0x7], $0x2000, $0x38;
	[tilespmem:$0x1A800] =	vst v63  }
0x47a: {  	_ =	swait.ge [sflag:s4], $0x2000  }
0x47b: {  	[sflag:s4] =	ssyncset.done $0x0  }
0x47c: {  	s26 =	rddreg [dreg:$0x12];
	[sflag:s4] =	ssyncadd.s32 $0xFFFFE000  }
0x47d: {  	[tilespmem:s2], [sflag:$0x7] =	stream.linear.gather [spmem:s26], $0x2000, $0x38;
	[tilespmem:$0x1A800] =	vst v63  }
0x47e: {  	_ =	swait.ge [sflag:s4], $0x2000  }
0x47f: {  	[sflag:s4] =	ssyncset.done $0x0  }
0x480: {  	s26 =	rddreg [dreg:$0x8];
	[sflag:s4] =	ssyncadd.s32 $0xFFFFE000  }
0x481: {  	[hbm4b:s26+s7] =	stream.linear.scatter [tilespmem:s2], [sflag:$0x7], $0x2000, $0x38;
	[tilespmem:$0x1A800] =	vst v63  }
0x482: {  	_ =	swait.ge [sflag:s4], $0x2000  }
0x483: {  	[sflag:s4] =	ssyncset.done $0x0  }
0x484: {  	s26 =	rddreg [dreg:$0x13];
	[sflag:s4] =	ssyncadd.s32 $0xFFFFE000  }
0x485: {  	[tilespmem:s2], [sflag:$0x7] =	stream.linear.gather [spmem:s26], $0x2000, $0x38;
	[tilespmem:$0x1A800] =	vst v63  }
0x486: {  	_ =	swait.ge [sflag:s4], $0x2000  }
0x487: {  	[sflag:s4] =	ssyncset.done $0x0  }
0x488: {  	s26 =	rddreg [dreg:$0x9];
	[sflag:s4] =	ssyncadd.s32 $0xFFFFE000  }
0x489: {  	[hbm4b:s26+s7] =	stream.linear.scatter [tilespmem:s2], [sflag:$0x7], $0x2000, $0x38;
	[tilespmem:$0x1A800] =	vst v63  }
0x48a: {  	_ =	swait.ge [sflag:s4], $0x2000  }
0x48b: {  	[sflag:s4] =	ssyncset.done $0x0  }
0x48c: {  	s26 =	rddreg [dreg:$0x14];
	[sflag:s4] =	ssyncadd.s32 $0xFFFFE000  }
0x48d: {  	[tilespmem:s2], [sflag:$0x7] =	stream.linear.gather [spmem:s26], $0x2000, $0x38;
	[tilespmem:$0x1A800] =	vst v63  }
0x48e: {  	_ =	swait.ge [sflag:s4], $0x2000  }
0x48f: {  	[sflag:s4] =	ssyncset.done $0x0  }
0x490: {  	s26 =	rddreg [dreg:$0xa];
	[sflag:s4] =	ssyncadd.s32 $0xFFFFE000  }
0x491: {  	[hbm4b:s26+s7] =	stream.linear.scatter [tilespmem:s2], [sflag:$0x7], $0x2000, $0x38;
	[tilespmem:$0x1A800] =	vst v63  }
0x492: {  	_ =	swait.ge [sflag:s4], $0x2000  }
0x493: {  	[sflag:s4] =	ssyncset.done $0x0  }
0x494: {  	s26 =	rddreg [dreg:$0x15];
	[sflag:s4] =	ssyncadd.s32 $0xFFFFE000  }
0x495: {  	[tilespmem:s2], [sflag:$0x7] =	stream.linear.gather [spmem:s26], $0x2000, $0x38;
	[tilespmem:$0x1A800] =	vst v63  }
0x496: {  	_ =	swait.ge [sflag:s4], $0x2000  }
0x497: {  	[sflag:s4] =	ssyncset.done $0x0  }
0x498: {  	s26 =	rddreg [dreg:$0xb];
	[sflag:s4] =	ssyncadd.s32 $0xFFFFE000  }
0x499: {  	[hbm4b:s26+s7] =	stream.linear.scatter [tilespmem:s2], [sflag:$0x7], $0x2000, $0x38;
	[tilespmem:$0x1A800] =	vst v63  }
0x49a: {  	_ =	swait.ge [sflag:s4], $0x2000  }
0x49b: {  	[sflag:s4] =	ssyncset.done $0x0  }
0x49c: {  	s26 =	rddreg [dreg:$0x16];
	[sflag:s4] =	ssyncadd.s32 $0xFFFFE000  }
0x49d: {  	[tilespmem:s2], [sflag:$0x7] =	stream.linear.gather [spmem:s26], $0x2000, $0x38;
	[tilespmem:$0x1A800] =	vst v63  }
0x49e: {  	_ =	swait.ge [sflag:s4], $0x2000  }
0x49f: {  	[sflag:s4] =	ssyncset.done $0x0  }
0x4a0: {  	s26 =	rddreg [dreg:$0xc];
	[sflag:s4] =	ssyncadd.s32 $0xFFFFE000  }
0x4a1: {  	[hbm4b:s26+s7] =	stream.linear.scatter [tilespmem:s2], [sflag:$0x7], $0x2000, $0x38;
	[tilespmem:$0x1A800] =	vst v63  }
0x4a2: {  	_ =	swait.ge [sflag:s4], $0x2000  }
0x4a3: {  	[sflag:s4] =	ssyncset.done $0x0  }
0x4a4: {  	s26 =	rddreg [dreg:$0x17];
	[sflag:s4] =	ssyncadd.s32 $0xFFFFE000  }
0x4a5: {  	[tilespmem:s2], [sflag:$0x7] =	stream.linear.gather [spmem:s26], $0x2000, $0x38;
	[tilespmem:$0x1A800] =	vst v63  }
0x4a6: {  	_ =	swait.ge [sflag:s4], $0x2000  }
0x4a7: {  	[sflag:s4] =	ssyncset.done $0x0  }
0x4a8: {  	s26 =	rddreg [dreg:$0xd];
	[sflag:s4] =	ssyncadd.s32 $0xFFFFE000  }
0x4a9: {  	[hbm4b:s26+s7] =	stream.linear.scatter [tilespmem:s2], [sflag:$0x7], $0x2000, $0x38;
	[tilespmem:$0x1A800] =	vst v63  }
0x4aa: {  	_ =	swait.ge [sflag:s4], $0x2000  }
0x4ab: {  	s7 =	rddreg [dreg:$0x1b]  }
0x4ac: {  	s26 =	rddreg [dreg:$0x1a];
	s23 =	sadd.s32 $0x1, s7  }
0x4ad: {  	p0 =	sne.s32 s23, s26  }
.Ltmp18:
0x4ae: {  	_ = 	snop;
	(pc) =	sbr.rel @p0 .LBB2_1-.Ltmp18, $3  }
0x4af: {  	_ =	sdelay $0x1  }
0x4b0: {  	[sflag:s4] =	ssyncset.done $0x0  }
0x4b1: {  	[sflag:s4] =	ssyncadd.s32 $0xFFFFE000  }
0x4b2: {  	_ =	sfence.sel $0x180000  }
0x4b3: {  	[bflag:$0x0] =	sbarrier.arrive $0xFFFF  }
0x4b4: {  	_ =	strace $0x90000047  }
0x4b5: {  	s0 =	stileid.u32;
	[bflag:$0x2] =	sbarrier.arrive $0xFFFF  }
0x4b6: {  	p0 =	sne.s32 s0, $0x0;
	s0 =	rddreg [dreg:$0x3]  }
0x4b7: {  	s0 =	sadd.s32 @!p0 $0x100000, s0  }
0x4b8: {  	[sflag:s0] =	ssyncadd.tile.s32 @!p0 $0x1;
	_ =	shalt  }
.Lfunc_end2:
_tile_overlayer_lowered:
.L_overlay_start_2:
0x4b9: {  	(tag) =	ssettag $0x2  }
0x4ba: {  	s0 =	rddreg [dreg:$0x0];
	s2 =	stileid.u32  }
0x4bb: {  	s1 =	rddreg [dreg:$0x1];
	p0 =	sne.s32 s2, $0x0  }
0x4bc: {  	s3 =	rddreg [dreg:$0x2];
	[bflag:$0x3] =	sbarrier.arrive $0xFFFF;
	s2 =	simm.s32 @!p0 $0x1C07  }
0x4bd: {  	[timem:s3], [sflag:s2] =	dma.local @!p0 [hbm:s0], s1  }
0x4be: {  	s0 =	simm.s32 @!p0 $0x7  }
0x4bf: {  	_ =	swait.ge @!p0 [sflag:s0], s1  }
0x4c0: {  	s1 =	ssub.s32 @!p0 $0x0, s1;
	[sflag:s0] =	ssyncset.done @!p0 $0x0  }
0x4c1: {  	[sflag:s0] =	ssyncadd.s32 @!p0 s1  }
0x4c2: {  	[bflag:$0x3] =	sbarrier.arrive $0xFFFF  }
0x4c3: {  	_ =	shalt  }

</sc_bundles>
